<compile_context>
chip_gen: v7x
topology: tpu7x:2x2x1
jax: 0.10.2.dev20260603
libtpu: 0.0.44.dev20260713+nightly
codegen_flags: <defaults>
</compile_context>

<pallas_src>
import functools

import jax
import jax.numpy as jnp
from jax import lax
from jax.experimental import pallas as pl
from jax.experimental.pallas import tpu as pltpu
from jax.experimental.pallas import tpu_sc as plsc

BATCH = 4
SEQ = 4096
D_MODEL = 1024

NUM_CORES = 2
NUM_SUBCORES = 16
NUM_WORKERS = NUM_CORES * NUM_SUBCORES
ROWS_PER_WORKER = BATCH * SEQ // NUM_WORKERS
WORKERS_PER_BATCH = SEQ // ROWS_PER_WORKER

CHUNK = 16
NBUF = 7
N_CHUNKS = ROWS_PER_WORKER // CHUNK

_mesh = plsc.VectorSubcoreMesh(core_axis_name="c", subcore_axis_name="s")


@functools.partial(
    pl.kernel,
    mesh=_mesh,
    out_type=jax.ShapeDtypeStruct((BATCH, SEQ, D_MODEL), jnp.float32),
    scratch_types=[
        pltpu.VMEM((ROWS_PER_WORKER,), jnp.int32),
        pltpu.VMEM((NBUF, CHUNK, D_MODEL), jnp.float32),
        [pltpu.SemaphoreType.DMA] * NBUF,
        [pltpu.SemaphoreType.DMA] * NBUF,
    ],
)
def _embed_sc(tokens_hbm, table_hbm, out_hbm, idx_v, rows_v, gsems, osems):
    wid = lax.axis_index("s") * NUM_CORES + lax.axis_index("c")
    bb = wid // WORKERS_PER_BATCH
    s0 = (wid % WORKERS_PER_BATCH) * ROWS_PER_WORKER
    pltpu.sync_copy(tokens_hbm.at[bb, pl.ds(s0, ROWS_PER_WORKER)], idx_v)

    gathers = [None] * N_CHUNKS
    outs = [None] * N_CHUNKS

    def start_gather(ci):
        b = ci % NBUF
        gathers[ci] = pltpu.async_copy(
            table_hbm.at[idx_v.at[pl.ds(ci * CHUNK, CHUNK)]],
            rows_v.at[b],
            gsems[b],
        )

    def start_out(ci):
        b = ci % NBUF
        outs[ci] = pltpu.async_copy(
            rows_v.at[b],
            out_hbm.at[bb, pl.ds(s0 + ci * CHUNK, CHUNK)],
            osems[b],
        )

    LAG = NBUF - 1
    for ci in range(N_CHUNKS):
        if ci >= NBUF:
            outs[ci - NBUF].wait()
        start_gather(ci)
        j = ci - LAG
        if j >= 0:
            gathers[j].wait()
            start_out(j)
    for j in range(max(N_CHUNKS - LAG, 0), N_CHUNKS):
        gathers[j].wait()
        start_out(j)
    for j in range(max(N_CHUNKS - NBUF, 0), N_CHUNKS):
        outs[j].wait()


def kernel(tokens, W_E):
    if tokens.dtype != jnp.int32:
        tokens = tokens.astype(jnp.int32)
    return _embed_sc(tokens, W_E)

# --- scband reference (transcript-rebuilt; emitter-appended) ---
"""Pipeline reference for scband-embed-34059090657465 (READ-ONLY COPY).

The authoritative reference and input builder live on the scoring server;
editing this copy changes nothing except your own understanding.
"""

import jax, jax.numpy as jnp
import numpy as np
import math

D_VOCAB = 100000
D_MODEL = 1024
BATCH = 4
SEQ = 4096

def setup_inputs(seed: int = 0) -> dict:
    key = jax.random.key(seed)
    k_tok, k_w = jax.random.split(key)
    tokens = jax.random.randint(k_tok, (BATCH, SEQ), 0, D_VOCAB, dtype=jnp.int64 if jax.config.jax_enable_x64 else jnp.int32)
    a = math.sqrt(1.0 / D_VOCAB)
    W_E = jax.random.uniform(k_w, (D_VOCAB, D_MODEL), dtype=jnp.float32, minval=-a, maxval=a)
    return {"tokens": tokens, "W_E": W_E}

def reference(tokens, W_E):
    # Embed.forward: self.W_E[tokens]
    return jnp.take(W_E, tokens, axis=0)

if __name__ == "__main__":
    import jax
    _d = setup_inputs()
    print(jax.jit(kernel)(*tuple(_d.values())))

</pallas_src>

<mosaic_0001>
#map = affine_map<(d0, d1) -> (0, 0)>
#map1 = affine_map<(d0, d1) -> (0, 0, 0)>
module attributes {stable_mosaic.version = 14 : i64} {
  func.func @_embed_sc(%arg0: i32, %arg1: i32, %arg2: memref<4x4096xi32, #tpu.memory_space<hbm>>, %arg3: memref<100000x1024xf32, #tpu.memory_space<hbm>>, %arg4: memref<4x4096x1024xf32, #tpu.memory_space<hbm>>, %arg5: memref<512xi32, #tpu.memory_space<vmem>>, %arg6: memref<7x16x1024xf32, #tpu.memory_space<vmem>>, %arg7: memref<!tpu.dma_semaphore, #tpu.memory_space<semaphore_mem>>, %arg8: memref<!tpu.dma_semaphore, #tpu.memory_space<semaphore_mem>>, %arg9: memref<!tpu.dma_semaphore, #tpu.memory_space<semaphore_mem>>, %arg10: memref<!tpu.dma_semaphore, #tpu.memory_space<semaphore_mem>>, %arg11: memref<!tpu.dma_semaphore, #tpu.memory_space<semaphore_mem>>, %arg12: memref<!tpu.dma_semaphore, #tpu.memory_space<semaphore_mem>>, %arg13: memref<!tpu.dma_semaphore, #tpu.memory_space<semaphore_mem>>, %arg14: memref<!tpu.dma_semaphore, #tpu.memory_space<semaphore_mem>>, %arg15: memref<!tpu.dma_semaphore, #tpu.memory_space<semaphore_mem>>, %arg16: memref<!tpu.dma_semaphore, #tpu.memory_space<semaphore_mem>>, %arg17: memref<!tpu.dma_semaphore, #tpu.memory_space<semaphore_mem>>, %arg18: memref<!tpu.dma_semaphore, #tpu.memory_space<semaphore_mem>>, %arg19: memref<!tpu.dma_semaphore, #tpu.memory_space<semaphore_mem>>, %arg20: memref<!tpu.dma_semaphore, #tpu.memory_space<semaphore_mem>>) attributes {dimension_semantics = [#tpu.dimension_semantics<core_parallel>, #tpu.dimension_semantics<subcore_parallel>], iteration_bounds = array<i64: 2, 16>, scalar_prefetch = 0 : i64, scratch_operands = 16 : i64, tpu.core_type = #tpu.core_type<sc_vector_subcore>, window_params = [{transform_indices = #map}, {transform_indices = #map}, {transform_indices = #map1}]} {
    %mul3A = arith.constant 2 : i32
    %mul3A_0 = arith.muli %arg1, %mul3A : i32
    %add3A = arith.addi %mul3A_0, %arg0 : i32
    %jit3A = arith.constant 8 : i32
    %div3A = arith.divsi %add3A, %jit3A : i32
    %sign3A = arith.constant 0 : i32
    %sign3A_1 = arith.cmpi sgt, %add3A, %sign3A : i32
    %sign3A_2 = arith.extui %sign3A_1 : i1 to i32
    %sign3A_3 = arith.constant 0 : i32
    %sign3A_4 = arith.cmpi slt, %add3A, %sign3A_3 : i32
    %sign3A_5 = arith.extui %sign3A_4 : i1 to i32
    %sign3A_6 = arith.subi %sign3A_2, %sign3A_5 : i32
    %sign3A_7 = arith.constant 0 : i32
    %sign3A_8 = arith.cmpi sgt, %jit3A, %sign3A_7 : i32
    %sign3A_9 = arith.extui %sign3A_8 : i1 to i32
    %sign3A_10 = arith.constant 0 : i32
    %sign3A_11 = arith.cmpi slt, %jit3A, %sign3A_10 : i32
    %sign3A_12 = arith.extui %sign3A_11 : i1 to i32
    %sign3A_13 = arith.subi %sign3A_9, %sign3A_12 : i32
    %ne3A = arith.cmpi ne, %sign3A_6, %sign3A_13 : i32
    %rem3A = arith.remsi %add3A, %jit3A : i32
    %ne3A_14 = arith.constant 0 : i32
    %ne3A_15 = arith.cmpi ne, %rem3A, %ne3A_14 : i32
    %and3A = arith.andi %ne3A, %ne3A_15 : i1
    %sub3A = arith.constant 1 : i32
    %sub3A_16 = arith.subi %div3A, %sub3A : i32
    %select_n3A = arith.select %and3A, %sub3A_16, %div3A : i32
    %jit3A_17 = arith.constant 8 : i32
    %eq3A = arith.constant 0 : i32
    %eq3A_18 = arith.cmpi eq, %jit3A_17, %eq3A : i32
    %jit3A_19 = arith.constant 1 : i32
    %select_n3A_20 = arith.select %eq3A_18, %jit3A_19, %jit3A_17 : i32
    %rem3A_21 = arith.remsi %add3A, %select_n3A_20 : i32
    %ne3A_22 = arith.constant 0 : i32
    %ne3A_23 = arith.cmpi ne, %rem3A_21, %ne3A_22 : i32
    %lt3A = arith.constant 0 : i32
    %lt3A_24 = arith.cmpi slt, %rem3A_21, %lt3A : i32
    %lt3A_25 = arith.constant 0 : i32
    %lt3A_26 = arith.cmpi slt, %select_n3A_20, %lt3A_25 : i32
    %ne3A_27 = arith.xori %lt3A_24, %lt3A_26 : i1
    %and3A_28 = arith.andi %ne3A_27, %ne3A_23 : i1
    %add3A_29 = arith.addi %rem3A_21, %select_n3A_20 : i32
    %select_n3A_30 = arith.select %and3A_28, %add3A_29, %rem3A_21 : i32
    %mul3A_31 = arith.constant 512 : i32
    %mul3A_32 = arith.muli %select_n3A_30, %mul3A_31 : i32
    "tpu.region"() ({
      %run_scoped3A = tpu.sem_alloc : memref<!tpu.dma_semaphore, #tpu.memory_space<semaphore_mem>>
      %dma_start3A_1695 = tpu.memref_slice %arg2[%select_n3A, %mul3A_32] : memref<4x4096xi32, #tpu.memory_space<hbm>> -> memref<1x512xi32, #tpu.memory_space<hbm>>
      %dma_start3A_1696 = tpu.memref_squeeze %dma_start3A_1695 : memref<1x512xi32, #tpu.memory_space<hbm>> -> memref<512xi32, #tpu.memory_space<hbm>>
      %dma_start3A_1697 = tpu.memref_slice %arg2[%select_n3A, %mul3A_32] : memref<4x4096xi32, #tpu.memory_space<hbm>> -> memref<1x512xi32, #tpu.memory_space<hbm>>
      %dma_start3A_1698 = tpu.memref_squeeze %dma_start3A_1697 : memref<1x512xi32, #tpu.memory_space<hbm>> -> memref<512xi32, #tpu.memory_space<hbm>>
      tpu.enqueue_dma source(%dma_start3A_1698 : memref<512xi32, #tpu.memory_space<hbm>>) target(%arg5 : memref<512xi32, #tpu.memory_space<vmem>>) target_semaphore(%run_scoped3A : memref<!tpu.dma_semaphore, #tpu.memory_space<semaphore_mem>>)
      %dma_wait3A_1699 = tpu.memref_slice %arg2[%select_n3A, %mul3A_32] : memref<4x4096xi32, #tpu.memory_space<hbm>> -> memref<1x512xi32, #tpu.memory_space<hbm>>
      %dma_wait3A_1700 = tpu.memref_squeeze %dma_wait3A_1699 : memref<1x512xi32, #tpu.memory_space<hbm>> -> memref<512xi32, #tpu.memory_space<hbm>>
      %dma_wait3A_1701 = tpu.memref_slice %arg2[%select_n3A, %mul3A_32] : memref<4x4096xi32, #tpu.memory_space<hbm>> -> memref<1x512xi32, #tpu.memory_space<hbm>>
      %dma_wait3A_1702 = tpu.memref_squeeze %dma_wait3A_1701 : memref<1x512xi32, #tpu.memory_space<hbm>> -> memref<512xi32, #tpu.memory_space<hbm>>
      tpu.wait_dma2 semaphore(%run_scoped3A : memref<!tpu.dma_semaphore, #tpu.memory_space<semaphore_mem>>) src(%dma_wait3A_1702 : memref<512xi32, #tpu.memory_space<hbm>>) dst(%arg5 : memref<512xi32, #tpu.memory_space<vmem>>)
      tpu.yield
    }) : () -> ()
    %dma_start3A = arith.constant 0 : i32
    %dma_start3A_33 = arith.constant 0 : i32
    %dma_start3A_34 = arith.constant 0 : i32
    %dma_start3A_35 = tpu.memref_slice %arg6[%dma_start3A, %dma_start3A_33, %dma_start3A_34] : memref<7x16x1024xf32, #tpu.memory_space<vmem>> -> memref<1x16x1024xf32, #tpu.memory_space<vmem>>
    %dma_start3A_36 = tpu.memref_squeeze %dma_start3A_35 : memref<1x16x1024xf32, #tpu.memory_space<vmem>> -> memref<16x1024xf32, #tpu.memory_space<vmem>>
    %dma_start3A_37 = arith.constant 0 : i32
    %dma_start3A_38 = tpu.memref_slice %arg5[%dma_start3A_37] : memref<512xi32, #tpu.memory_space<vmem>> -> memref<16xi32, #tpu.memory_space<vmem>>
    %dma_start3A_39 = arith.constant 0 : i32
    %dma_start3A_40 = arith.constant 0 : i32
    %dma_start3A_41 = tpu.memref_slice %arg3[%dma_start3A_39, %dma_start3A_40] : memref<100000x1024xf32, #tpu.memory_space<hbm>> -> memref<100000x1024xf32, #tpu.memory_space<hbm>>
    tpu.enqueue_indirect_dma source(%dma_start3A_41 : memref<100000x1024xf32, #tpu.memory_space<hbm>>) target(%dma_start3A_36 : memref<16x1024xf32, #tpu.memory_space<vmem>>) offsets(%dma_start3A_38 : memref<16xi32, #tpu.memory_space<vmem>>) semaphore(%arg7 : memref<!tpu.dma_semaphore, #tpu.memory_space<semaphore_mem>>)
    %dma_start3A_42 = arith.constant 1 : i32
    %dma_start3A_43 = arith.constant 0 : i32
    %dma_start3A_44 = arith.constant 0 : i32
    %dma_start3A_45 = tpu.memref_slice %arg6[%dma_start3A_42, %dma_start3A_43, %dma_start3A_44] : memref<7x16x1024xf32, #tpu.memory_space<vmem>> -> memref<1x16x1024xf32, #tpu.memory_space<vmem>>
    %dma_start3A_46 = tpu.memref_squeeze %dma_start3A_45 : memref<1x16x1024xf32, #tpu.memory_space<vmem>> -> memref<16x1024xf32, #tpu.memory_space<vmem>>
    %dma_start3A_47 = arith.constant 16 : i32
    %dma_start3A_48 = tpu.memref_slice %arg5[%dma_start3A_47] : memref<512xi32, #tpu.memory_space<vmem>> -> memref<16xi32, #tpu.memory_space<vmem>>
    %dma_start3A_49 = arith.constant 0 : i32
    %dma_start3A_50 = arith.constant 0 : i32
    %dma_start3A_51 = tpu.memref_slice %arg3[%dma_start3A_49, %dma_start3A_50] : memref<100000x1024xf32, #tpu.memory_space<hbm>> -> memref<100000x1024xf32, #tpu.memory_space<hbm>>
    tpu.enqueue_indirect_dma source(%dma_start3A_51 : memref<100000x1024xf32, #tpu.memory_space<hbm>>) target(%dma_start3A_46 : memref<16x1024xf32, #tpu.memory_space<vmem>>) offsets(%dma_start3A_48 : memref<16xi32, #tpu.memory_space<vmem>>) semaphore(%arg8 : memref<!tpu.dma_semaphore, #tpu.memory_space<semaphore_mem>>)
    %dma_start3A_52 = arith.constant 2 : i32
    %dma_start3A_53 = arith.constant 0 : i32
    %dma_start3A_54 = arith.constant 0 : i32
    %dma_start3A_55 = tpu.memref_slice %arg6[%dma_start3A_52, %dma_start3A_53, %dma_start3A_54] : memref<7x16x1024xf32, #tpu.memory_space<vmem>> -> memref<1x16x1024xf32, #tpu.memory_space<vmem>>
    %dma_start3A_56 = tpu.memref_squeeze %dma_start3A_55 : memref<1x16x1024xf32, #tpu.memory_space<vmem>> -> memref<16x1024xf32, #tpu.memory_space<vmem>>
    %dma_start3A_57 = arith.constant 32 : i32
    %dma_start3A_58 = tpu.memref_slice %arg5[%dma_start3A_57] : memref<512xi32, #tpu.memory_space<vmem>> -> memref<16xi32, #tpu.memory_space<vmem>>
    %dma_start3A_59 = arith.constant 0 : i32
    %dma_start3A_60 = arith.constant 0 : i32
    %dma_start3A_61 = tpu.memref_slice %arg3[%dma_start3A_59, %dma_start3A_60] : memref<100000x1024xf32, #tpu.memory_space<hbm>> -> memref<100000x1024xf32, #tpu.memory_space<hbm>>
    tpu.enqueue_indirect_dma source(%dma_start3A_61 : memref<100000x1024xf32, #tpu.memory_space<hbm>>) target(%dma_start3A_56 : memref<16x1024xf32, #tpu.memory_space<vmem>>) offsets(%dma_start3A_58 : memref<16xi32, #tpu.memory_space<vmem>>) semaphore(%arg9 : memref<!tpu.dma_semaphore, #tpu.memory_space<semaphore_mem>>)
    %dma_start3A_62 = arith.constant 3 : i32
    %dma_start3A_63 = arith.constant 0 : i32
    %dma_start3A_64 = arith.constant 0 : i32
    %dma_start3A_65 = tpu.memref_slice %arg6[%dma_start3A_62, %dma_start3A_63, %dma_start3A_64] : memref<7x16x1024xf32, #tpu.memory_space<vmem>> -> memref<1x16x1024xf32, #tpu.memory_space<vmem>>
    %dma_start3A_66 = tpu.memref_squeeze %dma_start3A_65 : memref<1x16x1024xf32, #tpu.memory_space<vmem>> -> memref<16x1024xf32, #tpu.memory_space<vmem>>
    %dma_start3A_67 = arith.constant 48 : i32
    %dma_start3A_68 = tpu.memref_slice %arg5[%dma_start3A_67] : memref<512xi32, #tpu.memory_space<vmem>> -> memref<16xi32, #tpu.memory_space<vmem>>
    %dma_start3A_69 = arith.constant 0 : i32
    %dma_start3A_70 = arith.constant 0 : i32
    %dma_start3A_71 = tpu.memref_slice %arg3[%dma_start3A_69, %dma_start3A_70] : memref<100000x1024xf32, #tpu.memory_space<hbm>> -> memref<100000x1024xf32, #tpu.memory_space<hbm>>
    tpu.enqueue_indirect_dma source(%dma_start3A_71 : memref<100000x1024xf32, #tpu.memory_space<hbm>>) target(%dma_start3A_66 : memref<16x1024xf32, #tpu.memory_space<vmem>>) offsets(%dma_start3A_68 : memref<16xi32, #tpu.memory_space<vmem>>) semaphore(%arg10 : memref<!tpu.dma_semaphore, #tpu.memory_space<semaphore_mem>>)
    %dma_start3A_72 = arith.constant 4 : i32
    %dma_start3A_73 = arith.constant 0 : i32
    %dma_start3A_74 = arith.constant 0 : i32
    %dma_start3A_75 = tpu.memref_slice %arg6[%dma_start3A_72, %dma_start3A_73, %dma_start3A_74] : memref<7x16x1024xf32, #tpu.memory_space<vmem>> -> memref<1x16x1024xf32, #tpu.memory_space<vmem>>
    %dma_start3A_76 = tpu.memref_squeeze %dma_start3A_75 : memref<1x16x1024xf32, #tpu.memory_space<vmem>> -> memref<16x1024xf32, #tpu.memory_space<vmem>>
    %dma_start3A_77 = arith.constant 64 : i32
    %dma_start3A_78 = tpu.memref_slice %arg5[%dma_start3A_77] : memref<512xi32, #tpu.memory_space<vmem>> -> memref<16xi32, #tpu.memory_space<vmem>>
    %dma_start3A_79 = arith.constant 0 : i32
    %dma_start3A_80 = arith.constant 0 : i32
    %dma_start3A_81 = tpu.memref_slice %arg3[%dma_start3A_79, %dma_start3A_80] : memref<100000x1024xf32, #tpu.memory_space<hbm>> -> memref<100000x1024xf32, #tpu.memory_space<hbm>>
    tpu.enqueue_indirect_dma source(%dma_start3A_81 : memref<100000x1024xf32, #tpu.memory_space<hbm>>) target(%dma_start3A_76 : memref<16x1024xf32, #tpu.memory_space<vmem>>) offsets(%dma_start3A_78 : memref<16xi32, #tpu.memory_space<vmem>>) semaphore(%arg11 : memref<!tpu.dma_semaphore, #tpu.memory_space<semaphore_mem>>)
    %dma_start3A_82 = arith.constant 5 : i32
    %dma_start3A_83 = arith.constant 0 : i32
    %dma_start3A_84 = arith.constant 0 : i32
    %dma_start3A_85 = tpu.memref_slice %arg6[%dma_start3A_82, %dma_start3A_83, %dma_start3A_84] : memref<7x16x1024xf32, #tpu.memory_space<vmem>> -> memref<1x16x1024xf32, #tpu.memory_space<vmem>>
    %dma_start3A_86 = tpu.memref_squeeze %dma_start3A_85 : memref<1x16x1024xf32, #tpu.memory_space<vmem>> -> memref<16x1024xf32, #tpu.memory_space<vmem>>
    %dma_start3A_87 = arith.constant 80 : i32
    %dma_start3A_88 = tpu.memref_slice %arg5[%dma_start3A_87] : memref<512xi32, #tpu.memory_space<vmem>> -> memref<16xi32, #tpu.memory_space<vmem>>
    %dma_start3A_89 = arith.constant 0 : i32
    %dma_start3A_90 = arith.constant 0 : i32
    %dma_start3A_91 = tpu.memref_slice %arg3[%dma_start3A_89, %dma_start3A_90] : memref<100000x1024xf32, #tpu.memory_space<hbm>> -> memref<100000x1024xf32, #tpu.memory_space<hbm>>
    tpu.enqueue_indirect_dma source(%dma_start3A_91 : memref<100000x1024xf32, #tpu.memory_space<hbm>>) target(%dma_start3A_86 : memref<16x1024xf32, #tpu.memory_space<vmem>>) offsets(%dma_start3A_88 : memref<16xi32, #tpu.memory_space<vmem>>) semaphore(%arg12 : memref<!tpu.dma_semaphore, #tpu.memory_space<semaphore_mem>>)
    %dma_start3A_92 = arith.constant 6 : i32
    %dma_start3A_93 = arith.constant 0 : i32
    %dma_start3A_94 = arith.constant 0 : i32
    %dma_start3A_95 = tpu.memref_slice %arg6[%dma_start3A_92, %dma_start3A_93, %dma_start3A_94] : memref<7x16x1024xf32, #tpu.memory_space<vmem>> -> memref<1x16x1024xf32, #tpu.memory_space<vmem>>
    %dma_start3A_96 = tpu.memref_squeeze %dma_start3A_95 : memref<1x16x1024xf32, #tpu.memory_space<vmem>> -> memref<16x1024xf32, #tpu.memory_space<vmem>>
    %dma_start3A_97 = arith.constant 96 : i32
    %dma_start3A_98 = tpu.memref_slice %arg5[%dma_start3A_97] : memref<512xi32, #tpu.memory_space<vmem>> -> memref<16xi32, #tpu.memory_space<vmem>>
    %dma_start3A_99 = arith.constant 0 : i32
    %dma_start3A_100 = arith.constant 0 : i32
    %dma_start3A_101 = tpu.memref_slice %arg3[%dma_start3A_99, %dma_start3A_100] : memref<100000x1024xf32, #tpu.memory_space<hbm>> -> memref<100000x1024xf32, #tpu.memory_space<hbm>>
    tpu.enqueue_indirect_dma source(%dma_start3A_101 : memref<100000x1024xf32, #tpu.memory_space<hbm>>) target(%dma_start3A_96 : memref<16x1024xf32, #tpu.memory_space<vmem>>) offsets(%dma_start3A_98 : memref<16xi32, #tpu.memory_space<vmem>>) semaphore(%arg13 : memref<!tpu.dma_semaphore, #tpu.memory_space<semaphore_mem>>)
    %dma_wait3A = arith.constant 0 : i32
    %dma_wait3A_102 = arith.constant 0 : i32
    %dma_wait3A_103 = arith.constant 0 : i32
    %dma_wait3A_104 = tpu.memref_slice %arg6[%dma_wait3A, %dma_wait3A_102, %dma_wait3A_103] : memref<7x16x1024xf32, #tpu.memory_space<vmem>> -> memref<1x16x1024xf32, #tpu.memory_space<vmem>>
    %dma_wait3A_105 = tpu.memref_squeeze %dma_wait3A_104 : memref<1x16x1024xf32, #tpu.memory_space<vmem>> -> memref<16x1024xf32, #tpu.memory_space<vmem>>
    %dma_wait3A_106 = arith.constant 0 : i32
    %dma_wait3A_107 = tpu.memref_slice %arg5[%dma_wait3A_106] : memref<512xi32, #tpu.memory_space<vmem>> -> memref<16xi32, #tpu.memory_space<vmem>>
    %dma_wait3A_108 = arith.constant 0 : i32
    %dma_wait3A_109 = arith.constant 0 : i32
    %dma_wait3A_110 = tpu.memref_slice %arg3[%dma_wait3A_108, %dma_wait3A_109] : memref<100000x1024xf32, #tpu.memory_space<hbm>> -> memref<100000x1024xf32, #tpu.memory_space<hbm>>
    tpu.wait_indirect_dma semaphore(%arg7 : memref<!tpu.dma_semaphore, #tpu.memory_space<semaphore_mem>>) src(%dma_wait3A_110 : memref<100000x1024xf32, #tpu.memory_space<hbm>>) dst(%dma_wait3A_105 : memref<16x1024xf32, #tpu.memory_space<vmem>>)
    %add3A_111 = arith.constant 0 : i32
    %add3A_112 = arith.addi %mul3A_32, %add3A_111 : i32
    %dma_start3A_113 = arith.constant 0 : i32
    %dma_start3A_114 = arith.constant 0 : i32
    %dma_start3A_115 = arith.constant 0 : i32
    %dma_start3A_116 = tpu.memref_slice %arg6[%dma_start3A_113, %dma_start3A_114, %dma_start3A_115] : memref<7x16x1024xf32, #tpu.memory_space<vmem>> -> memref<1x16x1024xf32, #tpu.memory_space<vmem>>
    %dma_start3A_117 = tpu.memref_squeeze %dma_start3A_116 : memref<1x16x1024xf32, #tpu.memory_space<vmem>> -> memref<16x1024xf32, #tpu.memory_space<vmem>>
    %dma_start3A_118 = arith.constant 0 : i32
    %dma_start3A_119 = tpu.memref_slice %arg4[%select_n3A, %add3A_112, %dma_start3A_118] : memref<4x4096x1024xf32, #tpu.memory_space<hbm>> -> memref<1x16x1024xf32, #tpu.memory_space<hbm>>
    %dma_start3A_120 = tpu.memref_squeeze %dma_start3A_119 : memref<1x16x1024xf32, #tpu.memory_space<hbm>> -> memref<16x1024xf32, #tpu.memory_space<hbm>>
    %dma_start3A_121 = arith.constant 0 : i32
    %dma_start3A_122 = tpu.memref_slice %arg4[%select_n3A, %add3A_112, %dma_start3A_121] : memref<4x4096x1024xf32, #tpu.memory_space<hbm>> -> memref<1x16x1024xf32, #tpu.memory_space<hbm>>
    %dma_start3A_123 = tpu.memref_squeeze %dma_start3A_122 : memref<1x16x1024xf32, #tpu.memory_space<hbm>> -> memref<16x1024xf32, #tpu.memory_space<hbm>>
    %dma_start3A_124 = arith.constant 0 : i32
    %dma_start3A_125 = arith.constant 0 : i32
    %dma_start3A_126 = tpu.memref_slice %arg6[%dma_start3A_113, %dma_start3A_124, %dma_start3A_125] : memref<7x16x1024xf32, #tpu.memory_space<vmem>> -> memref<1x16x1024xf32, #tpu.memory_space<vmem>>
    %dma_start3A_127 = tpu.memref_squeeze %dma_start3A_126 : memref<1x16x1024xf32, #tpu.memory_space<vmem>> -> memref<16x1024xf32, #tpu.memory_space<vmem>>
    tpu.enqueue_dma source(%dma_start3A_127 : memref<16x1024xf32, #tpu.memory_space<vmem>>) target(%dma_start3A_123 : memref<16x1024xf32, #tpu.memory_space<hbm>>) target_semaphore(%arg14 : memref<!tpu.dma_semaphore, #tpu.memory_space<semaphore_mem>>)
    %dma_wait3A_128 = arith.constant 0 : i32
    %dma_wait3A_129 = arith.constant 0 : i32
    %dma_wait3A_130 = arith.constant 0 : i32
    %dma_wait3A_131 = tpu.memref_slice %arg6[%dma_wait3A_128, %dma_wait3A_129, %dma_wait3A_130] : memref<7x16x1024xf32, #tpu.memory_space<vmem>> -> memref<1x16x1024xf32, #tpu.memory_space<vmem>>
    %dma_wait3A_132 = tpu.memref_squeeze %dma_wait3A_131 : memref<1x16x1024xf32, #tpu.memory_space<vmem>> -> memref<16x1024xf32, #tpu.memory_space<vmem>>
    %dma_wait3A_133 = arith.constant 0 : i32
    %dma_wait3A_134 = tpu.memref_slice %arg4[%select_n3A, %add3A_112, %dma_wait3A_133] : memref<4x4096x1024xf32, #tpu.memory_space<hbm>> -> memref<1x16x1024xf32, #tpu.memory_space<hbm>>
    %dma_wait3A_135 = tpu.memref_squeeze %dma_wait3A_134 : memref<1x16x1024xf32, #tpu.memory_space<hbm>> -> memref<16x1024xf32, #tpu.memory_space<hbm>>
    %dma_wait3A_136 = arith.constant 0 : i32
    %dma_wait3A_137 = tpu.memref_slice %arg4[%select_n3A, %add3A_112, %dma_wait3A_136] : memref<4x4096x1024xf32, #tpu.memory_space<hbm>> -> memref<1x16x1024xf32, #tpu.memory_space<hbm>>
    %dma_wait3A_138 = tpu.memref_squeeze %dma_wait3A_137 : memref<1x16x1024xf32, #tpu.memory_space<hbm>> -> memref<16x1024xf32, #tpu.memory_space<hbm>>
    %dma_wait3A_139 = arith.constant 0 : i32
    %dma_wait3A_140 = arith.constant 0 : i32
    %dma_wait3A_141 = tpu.memref_slice %arg6[%dma_wait3A_128, %dma_wait3A_139, %dma_wait3A_140] : memref<7x16x1024xf32, #tpu.memory_space<vmem>> -> memref<1x16x1024xf32, #tpu.memory_space<vmem>>
    %dma_wait3A_142 = tpu.memref_squeeze %dma_wait3A_141 : memref<1x16x1024xf32, #tpu.memory_space<vmem>> -> memref<16x1024xf32, #tpu.memory_space<vmem>>
    tpu.wait_dma2 semaphore(%arg14 : memref<!tpu.dma_semaphore, #tpu.memory_space<semaphore_mem>>) src(%dma_wait3A_142 : memref<16x1024xf32, #tpu.memory_space<vmem>>) dst(%dma_wait3A_138 : memref<16x1024xf32, #tpu.memory_space<hbm>>)
    %dma_start3A_143 = arith.constant 0 : i32
    %dma_start3A_144 = arith.constant 0 : i32
    %dma_start3A_145 = arith.constant 0 : i32
    %dma_start3A_146 = tpu.memref_slice %arg6[%dma_start3A_143, %dma_start3A_144, %dma_start3A_145] : memref<7x16x1024xf32, #tpu.memory_space<vmem>> -> memref<1x16x1024xf32, #tpu.memory_space<vmem>>
    %dma_start3A_147 = tpu.memref_squeeze %dma_start3A_146 : memref<1x16x1024xf32, #tpu.memory_space<vmem>> -> memref<16x1024xf32, #tpu.memory_space<vmem>>
    %dma_start3A_148 = arith.constant 112 : i32
    %dma_start3A_149 = tpu.memref_slice %arg5[%dma_start3A_148] : memref<512xi32, #tpu.memory_space<vmem>> -> memref<16xi32, #tpu.memory_space<vmem>>
    %dma_start3A_150 = arith.constant 0 : i32
    %dma_start3A_151 = arith.constant 0 : i32
    %dma_start3A_152 = tpu.memref_slice %arg3[%dma_start3A_150, %dma_start3A_151] : memref<100000x1024xf32, #tpu.memory_space<hbm>> -> memref<100000x1024xf32, #tpu.memory_space<hbm>>
    tpu.enqueue_indirect_dma source(%dma_start3A_152 : memref<100000x1024xf32, #tpu.memory_space<hbm>>) target(%dma_start3A_147 : memref<16x1024xf32, #tpu.memory_space<vmem>>) offsets(%dma_start3A_149 : memref<16xi32, #tpu.memory_space<vmem>>) semaphore(%arg7 : memref<!tpu.dma_semaphore, #tpu.memory_space<semaphore_mem>>)
    %dma_wait3A_153 = arith.constant 1 : i32
    %dma_wait3A_154 = arith.constant 0 : i32
    %dma_wait3A_155 = arith.constant 0 : i32
    %dma_wait3A_156 = tpu.memref_slice %arg6[%dma_wait3A_153, %dma_wait3A_154, %dma_wait3A_155] : memref<7x16x1024xf32, #tpu.memory_space<vmem>> -> memref<1x16x1024xf32, #tpu.memory_space<vmem>>
    %dma_wait3A_157 = tpu.memref_squeeze %dma_wait3A_156 : memref<1x16x1024xf32, #tpu.memory_space<vmem>> -> memref<16x1024xf32, #tpu.memory_space<vmem>>
    %dma_wait3A_158 = arith.constant 16 : i32
    %dma_wait3A_159 = tpu.memref_slice %arg5[%dma_wait3A_158] : memref<512xi32, #tpu.memory_space<vmem>> -> memref<16xi32, #tpu.memory_space<vmem>>
    %dma_wait3A_160 = arith.constant 0 : i32
    %dma_wait3A_161 = arith.constant 0 : i32
    %dma_wait3A_162 = tpu.memref_slice %arg3[%dma_wait3A_160, %dma_wait3A_161] : memref<100000x1024xf32, #tpu.memory_space<hbm>> -> memref<100000x1024xf32, #tpu.memory_space<hbm>>
    tpu.wait_indirect_dma semaphore(%arg8 : memref<!tpu.dma_semaphore, #tpu.memory_space<semaphore_mem>>) src(%dma_wait3A_162 : memref<100000x1024xf32, #tpu.memory_space<hbm>>) dst(%dma_wait3A_157 : memref<16x1024xf32, #tpu.memory_space<vmem>>)
    %add3A_163 = arith.constant 16 : i32
    %add3A_164 = arith.addi %mul3A_32, %add3A_163 : i32
    %dma_start3A_165 = arith.constant 1 : i32
    %dma_start3A_166 = arith.constant 0 : i32
    %dma_start3A_167 = arith.constant 0 : i32
    %dma_start3A_168 = tpu.memref_slice %arg6[%dma_start3A_165, %dma_start3A_166, %dma_start3A_167] : memref<7x16x1024xf32, #tpu.memory_space<vmem>> -> memref<1x16x1024xf32, #tpu.memory_space<vmem>>
    %dma_start3A_169 = tpu.memref_squeeze %dma_start3A_168 : memref<1x16x1024xf32, #tpu.memory_space<vmem>> -> memref<16x1024xf32, #tpu.memory_space<vmem>>
    %dma_start3A_170 = arith.constant 0 : i32
    %dma_start3A_171 = tpu.memref_slice %arg4[%select_n3A, %add3A_164, %dma_start3A_170] : memref<4x4096x1024xf32, #tpu.memory_space<hbm>> -> memref<1x16x1024xf32, #tpu.memory_space<hbm>>
    %dma_start3A_172 = tpu.memref_squeeze %dma_start3A_171 : memref<1x16x1024xf32, #tpu.memory_space<hbm>> -> memref<16x1024xf32, #tpu.memory_space<hbm>>
    %dma_start3A_173 = arith.constant 0 : i32
    %dma_start3A_174 = tpu.memref_slice %arg4[%select_n3A, %add3A_164, %dma_start3A_173] : memref<4x4096x1024xf32, #tpu.memory_space<hbm>> -> memref<1x16x1024xf32, #tpu.memory_space<hbm>>
    %dma_start3A_175 = tpu.memref_squeeze %dma_start3A_174 : memref<1x16x1024xf32, #tpu.memory_space<hbm>> -> memref<16x1024xf32, #tpu.memory_space<hbm>>
    %dma_start3A_176 = arith.constant 0 : i32
    %dma_start3A_177 = arith.constant 0 : i32
    %dma_start3A_178 = tpu.memref_slice %arg6[%dma_start3A_165, %dma_start3A_176, %dma_start3A_177] : memref<7x16x1024xf32, #tpu.memory_space<vmem>> -> memref<1x16x1024xf32, #tpu.memory_space<vmem>>
    %dma_start3A_179 = tpu.memref_squeeze %dma_start3A_178 : memref<1x16x1024xf32, #tpu.memory_space<vmem>> -> memref<16x1024xf32, #tpu.memory_space<vmem>>
    tpu.enqueue_dma source(%dma_start3A_179 : memref<16x1024xf32, #tpu.memory_space<vmem>>) target(%dma_start3A_175 : memref<16x1024xf32, #tpu.memory_space<hbm>>) target_semaphore(%arg15 : memref<!tpu.dma_semaphore, #tpu.memory_space<semaphore_mem>>)
    %dma_wait3A_180 = arith.constant 1 : i32
    %dma_wait3A_181 = arith.constant 0 : i32
    %dma_wait3A_182 = arith.constant 0 : i32
    %dma_wait3A_183 = tpu.memref_slice %arg6[%dma_wait3A_180, %dma_wait3A_181, %dma_wait3A_182] : memref<7x16x1024xf32, #tpu.memory_space<vmem>> -> memref<1x16x1024xf32, #tpu.memory_space<vmem>>
    %dma_wait3A_184 = tpu.memref_squeeze %dma_wait3A_183 : memref<1x16x1024xf32, #tpu.memory_space<vmem>> -> memref<16x1024xf32, #tpu.memory_space<vmem>>
    %dma_wait3A_185 = arith.constant 0 : i32
    %dma_wait3A_186 = tpu.memref_slice %arg4[%select_n3A, %add3A_164, %dma_wait3A_185] : memref<4x4096x1024xf32, #tpu.memory_space<hbm>> -> memref<1x16x1024xf32, #tpu.memory_space<hbm>>
    %dma_wait3A_187 = tpu.memref_squeeze %dma_wait3A_186 : memref<1x16x1024xf32, #tpu.memory_space<hbm>> -> memref<16x1024xf32, #tpu.memory_space<hbm>>
    %dma_wait3A_188 = arith.constant 0 : i32
    %dma_wait3A_189 = tpu.memref_slice %arg4[%select_n3A, %add3A_164, %dma_wait3A_188] : memref<4x4096x1024xf32, #tpu.memory_space<hbm>> -> memref<1x16x1024xf32, #tpu.memory_space<hbm>>
    %dma_wait3A_190 = tpu.memref_squeeze %dma_wait3A_189 : memref<1x16x1024xf32, #tpu.memory_space<hbm>> -> memref<16x1024xf32, #tpu.memory_space<hbm>>
    %dma_wait3A_191 = arith.constant 0 : i32
    %dma_wait3A_192 = arith.constant 0 : i32
    %dma_wait3A_193 = tpu.memref_slice %arg6[%dma_wait3A_180, %dma_wait3A_191, %dma_wait3A_192] : memref<7x16x1024xf32, #tpu.memory_space<vmem>> -> memref<1x16x1024xf32, #tpu.memory_space<vmem>>
    %dma_wait3A_194 = tpu.memref_squeeze %dma_wait3A_193 : memref<1x16x1024xf32, #tpu.memory_space<vmem>> -> memref<16x1024xf32, #tpu.memory_space<vmem>>
    tpu.wait_dma2 semaphore(%arg15 : memref<!tpu.dma_semaphore, #tpu.memory_space<semaphore_mem>>) src(%dma_wait3A_194 : memref<16x1024xf32, #tpu.memory_space<vmem>>) dst(%dma_wait3A_190 : memref<16x1024xf32, #tpu.memory_space<hbm>>)
    %dma_start3A_195 = arith.constant 1 : i32
    %dma_start3A_196 = arith.constant 0 : i32
    %dma_start3A_197 = arith.constant 0 : i32
    %dma_start3A_198 = tpu.memref_slice %arg6[%dma_start3A_195, %dma_start3A_196, %dma_start3A_197] : memref<7x16x1024xf32, #tpu.memory_space<vmem>> -> memref<1x16x1024xf32, #tpu.memory_space<vmem>>
    %dma_start3A_199 = tpu.memref_squeeze %dma_start3A_198 : memref<1x16x1024xf32, #tpu.memory_space<vmem>> -> memref<16x1024xf32, #tpu.memory_space<vmem>>
    %dma_start3A_200 = arith.constant 128 : i32
    %dma_start3A_201 = tpu.memref_slice %arg5[%dma_start3A_200] : memref<512xi32, #tpu.memory_space<vmem>> -> memref<16xi32, #tpu.memory_space<vmem>>
    %dma_start3A_202 = arith.constant 0 : i32
    %dma_start3A_203 = arith.constant 0 : i32
    %dma_start3A_204 = tpu.memref_slice %arg3[%dma_start3A_202, %dma_start3A_203] : memref<100000x1024xf32, #tpu.memory_space<hbm>> -> memref<100000x1024xf32, #tpu.memory_space<hbm>>
    tpu.enqueue_indirect_dma source(%dma_start3A_204 : memref<100000x1024xf32, #tpu.memory_space<hbm>>) target(%dma_start3A_199 : memref<16x1024xf32, #tpu.memory_space<vmem>>) offsets(%dma_start3A_201 : memref<16xi32, #tpu.memory_space<vmem>>) semaphore(%arg8 : memref<!tpu.dma_semaphore, #tpu.memory_space<semaphore_mem>>)
    %dma_wait3A_205 = arith.constant 2 : i32
    %dma_wait3A_206 = arith.constant 0 : i32
    %dma_wait3A_207 = arith.constant 0 : i32
    %dma_wait3A_208 = tpu.memref_slice %arg6[%dma_wait3A_205, %dma_wait3A_206, %dma_wait3A_207] : memref<7x16x1024xf32, #tpu.memory_space<vmem>> -> memref<1x16x1024xf32, #tpu.memory_space<vmem>>
    %dma_wait3A_209 = tpu.memref_squeeze %dma_wait3A_208 : memref<1x16x1024xf32, #tpu.memory_space<vmem>> -> memref<16x1024xf32, #tpu.memory_space<vmem>>
    %dma_wait3A_210 = arith.constant 32 : i32
    %dma_wait3A_211 = tpu.memref_slice %arg5[%dma_wait3A_210] : memref<512xi32, #tpu.memory_space<vmem>> -> memref<16xi32, #tpu.memory_space<vmem>>
    %dma_wait3A_212 = arith.constant 0 : i32
    %dma_wait3A_213 = arith.constant 0 : i32
    %dma_wait3A_214 = tpu.memref_slice %arg3[%dma_wait3A_212, %dma_wait3A_213] : memref<100000x1024xf32, #tpu.memory_space<hbm>> -> memref<100000x1024xf32, #tpu.memory_space<hbm>>
    tpu.wait_indirect_dma semaphore(%arg9 : memref<!tpu.dma_semaphore, #tpu.memory_space<semaphore_mem>>) src(%dma_wait3A_214 : memref<100000x1024xf32, #tpu.memory_space<hbm>>) dst(%dma_wait3A_209 : memref<16x1024xf32, #tpu.memory_space<vmem>>)
    %add3A_215 = arith.constant 32 : i32
    %add3A_216 = arith.addi %mul3A_32, %add3A_215 : i32
    %dma_start3A_217 = arith.constant 2 : i32
    %dma_start3A_218 = arith.constant 0 : i32
    %dma_start3A_219 = arith.constant 0 : i32
    %dma_start3A_220 = tpu.memref_slice %arg6[%dma_start3A_217, %dma_start3A_218, %dma_start3A_219] : memref<7x16x1024xf32, #tpu.memory_space<vmem>> -> memref<1x16x1024xf32, #tpu.memory_space<vmem>>
    %dma_start3A_221 = tpu.memref_squeeze %dma_start3A_220 : memref<1x16x1024xf32, #tpu.memory_space<vmem>> -> memref<16x1024xf32, #tpu.memory_space<vmem>>
    %dma_start3A_222 = arith.constant 0 : i32
    %dma_start3A_223 = tpu.memref_slice %arg4[%select_n3A, %add3A_216, %dma_start3A_222] : memref<4x4096x1024xf32, #tpu.memory_space<hbm>> -> memref<1x16x1024xf32, #tpu.memory_space<hbm>>
    %dma_start3A_224 = tpu.memref_squeeze %dma_start3A_223 : memref<1x16x1024xf32, #tpu.memory_space<hbm>> -> memref<16x1024xf32, #tpu.memory_space<hbm>>
    %dma_start3A_225 = arith.constant 0 : i32
    %dma_start3A_226 = tpu.memref_slice %arg4[%select_n3A, %add3A_216, %dma_start3A_225] : memref<4x4096x1024xf32, #tpu.memory_space<hbm>> -> memref<1x16x1024xf32, #tpu.memory_space<hbm>>
    %dma_start3A_227 = tpu.memref_squeeze %dma_start3A_226 : memref<1x16x1024xf32, #tpu.memory_space<hbm>> -> memref<16x1024xf32, #tpu.memory_space<hbm>>
    %dma_start3A_228 = arith.constant 0 : i32
    %dma_start3A_229 = arith.constant 0 : i32
    %dma_start3A_230 = tpu.memref_slice %arg6[%dma_start3A_217, %dma_start3A_228, %dma_start3A_229] : memref<7x16x1024xf32, #tpu.memory_space<vmem>> -> memref<1x16x1024xf32, #tpu.memory_space<vmem>>
    %dma_start3A_231 = tpu.memref_squeeze %dma_start3A_230 : memref<1x16x1024xf32, #tpu.memory_space<vmem>> -> memref<16x1024xf32, #tpu.memory_space<vmem>>
    tpu.enqueue_dma source(%dma_start3A_231 : memref<16x1024xf32, #tpu.memory_space<vmem>>) target(%dma_start3A_227 : memref<16x1024xf32, #tpu.memory_space<hbm>>) target_semaphore(%arg16 : memref<!tpu.dma_semaphore, #tpu.memory_space<semaphore_mem>>)
    %dma_wait3A_232 = arith.constant 2 : i32
    %dma_wait3A_233 = arith.constant 0 : i32
    %dma_wait3A_234 = arith.constant 0 : i32
    %dma_wait3A_235 = tpu.memref_slice %arg6[%dma_wait3A_232, %dma_wait3A_233, %dma_wait3A_234] : memref<7x16x1024xf32, #tpu.memory_space<vmem>> -> memref<1x16x1024xf32, #tpu.memory_space<vmem>>
    %dma_wait3A_236 = tpu.memref_squeeze %dma_wait3A_235 : memref<1x16x1024xf32, #tpu.memory_space<vmem>> -> memref<16x1024xf32, #tpu.memory_space<vmem>>
    %dma_wait3A_237 = arith.constant 0 : i32
    %dma_wait3A_238 = tpu.memref_slice %arg4[%select_n3A, %add3A_216, %dma_wait3A_237] : memref<4x4096x1024xf32, #tpu.memory_space<hbm>> -> memref<1x16x1024xf32, #tpu.memory_space<hbm>>
    %dma_wait3A_239 = tpu.memref_squeeze %dma_wait3A_238 : memref<1x16x1024xf32, #tpu.memory_space<hbm>> -> memref<16x1024xf32, #tpu.memory_space<hbm>>
    %dma_wait3A_240 = arith.constant 0 : i32
    %dma_wait3A_241 = tpu.memref_slice %arg4[%select_n3A, %add3A_216, %dma_wait3A_240] : memref<4x4096x1024xf32, #tpu.memory_space<hbm>> -> memref<1x16x1024xf32, #tpu.memory_space<hbm>>
    %dma_wait3A_242 = tpu.memref_squeeze %dma_wait3A_241 : memref<1x16x1024xf32, #tpu.memory_space<hbm>> -> memref<16x1024xf32, #tpu.memory_space<hbm>>
    %dma_wait3A_243 = arith.constant 0 : i32
    %dma_wait3A_244 = arith.constant 0 : i32
    %dma_wait3A_245 = tpu.memref_slice %arg6[%dma_wait3A_232, %dma_wait3A_243, %dma_wait3A_244] : memref<7x16x1024xf32, #tpu.memory_space<vmem>> -> memref<1x16x1024xf32, #tpu.memory_space<vmem>>
    %dma_wait3A_246 = tpu.memref_squeeze %dma_wait3A_245 : memref<1x16x1024xf32, #tpu.memory_space<vmem>> -> memref<16x1024xf32, #tpu.memory_space<vmem>>
    tpu.wait_dma2 semaphore(%arg16 : memref<!tpu.dma_semaphore, #tpu.memory_space<semaphore_mem>>) src(%dma_wait3A_246 : memref<16x1024xf32, #tpu.memory_space<vmem>>) dst(%dma_wait3A_242 : memref<16x1024xf32, #tpu.memory_space<hbm>>)
    %dma_start3A_247 = arith.constant 2 : i32
    %dma_start3A_248 = arith.constant 0 : i32
    %dma_start3A_249 = arith.constant 0 : i32
    %dma_start3A_250 = tpu.memref_slice %arg6[%dma_start3A_247, %dma_start3A_248, %dma_start3A_249] : memref<7x16x1024xf32, #tpu.memory_space<vmem>> -> memref<1x16x1024xf32, #tpu.memory_space<vmem>>
    %dma_start3A_251 = tpu.memref_squeeze %dma_start3A_250 : memref<1x16x1024xf32, #tpu.memory_space<vmem>> -> memref<16x1024xf32, #tpu.memory_space<vmem>>
    %dma_start3A_252 = arith.constant 144 : i32
    %dma_start3A_253 = tpu.memref_slice %arg5[%dma_start3A_252] : memref<512xi32, #tpu.memory_space<vmem>> -> memref<16xi32, #tpu.memory_space<vmem>>
    %dma_start3A_254 = arith.constant 0 : i32
    %dma_start3A_255 = arith.constant 0 : i32
    %dma_start3A_256 = tpu.memref_slice %arg3[%dma_start3A_254, %dma_start3A_255] : memref<100000x1024xf32, #tpu.memory_space<hbm>> -> memref<100000x1024xf32, #tpu.memory_space<hbm>>
    tpu.enqueue_indirect_dma source(%dma_start3A_256 : memref<100000x1024xf32, #tpu.memory_space<hbm>>) target(%dma_start3A_251 : memref<16x1024xf32, #tpu.memory_space<vmem>>) offsets(%dma_start3A_253 : memref<16xi32, #tpu.memory_space<vmem>>) semaphore(%arg9 : memref<!tpu.dma_semaphore, #tpu.memory_space<semaphore_mem>>)
    %dma_wait3A_257 = arith.constant 3 : i32
    %dma_wait3A_258 = arith.constant 0 : i32
    %dma_wait3A_259 = arith.constant 0 : i32
    %dma_wait3A_260 = tpu.memref_slice %arg6[%dma_wait3A_257, %dma_wait3A_258, %dma_wait3A_259] : memref<7x16x1024xf32, #tpu.memory_space<vmem>> -> memref<1x16x1024xf32, #tpu.memory_space<vmem>>
    %dma_wait3A_261 = tpu.memref_squeeze %dma_wait3A_260 : memref<1x16x1024xf32, #tpu.memory_space<vmem>> -> memref<16x1024xf32, #tpu.memory_space<vmem>>
    %dma_wait3A_262 = arith.constant 48 : i32
    %dma_wait3A_263 = tpu.memref_slice %arg5[%dma_wait3A_262] : memref<512xi32, #tpu.memory_space<vmem>> -> memref<16xi32, #tpu.memory_space<vmem>>
    %dma_wait3A_264 = arith.constant 0 : i32
    %dma_wait3A_265 = arith.constant 0 : i32
    %dma_wait3A_266 = tpu.memref_slice %arg3[%dma_wait3A_264, %dma_wait3A_265] : memref<100000x1024xf32, #tpu.memory_space<hbm>> -> memref<100000x1024xf32, #tpu.memory_space<hbm>>
    tpu.wait_indirect_dma semaphore(%arg10 : memref<!tpu.dma_semaphore, #tpu.memory_space<semaphore_mem>>) src(%dma_wait3A_266 : memref<100000x1024xf32, #tpu.memory_space<hbm>>) dst(%dma_wait3A_261 : memref<16x1024xf32, #tpu.memory_space<vmem>>)
    %add3A_267 = arith.constant 48 : i32
    %add3A_268 = arith.addi %mul3A_32, %add3A_267 : i32
    %dma_start3A_269 = arith.constant 3 : i32
    %dma_start3A_270 = arith.constant 0 : i32
    %dma_start3A_271 = arith.constant 0 : i32
    %dma_start3A_272 = tpu.memref_slice %arg6[%dma_start3A_269, %dma_start3A_270, %dma_start3A_271] : memref<7x16x1024xf32, #tpu.memory_space<vmem>> -> memref<1x16x1024xf32, #tpu.memory_space<vmem>>
    %dma_start3A_273 = tpu.memref_squeeze %dma_start3A_272 : memref<1x16x1024xf32, #tpu.memory_space<vmem>> -> memref<16x1024xf32, #tpu.memory_space<vmem>>
    %dma_start3A_274 = arith.constant 0 : i32
    %dma_start3A_275 = tpu.memref_slice %arg4[%select_n3A, %add3A_268, %dma_start3A_274] : memref<4x4096x1024xf32, #tpu.memory_space<hbm>> -> memref<1x16x1024xf32, #tpu.memory_space<hbm>>
    %dma_start3A_276 = tpu.memref_squeeze %dma_start3A_275 : memref<1x16x1024xf32, #tpu.memory_space<hbm>> -> memref<16x1024xf32, #tpu.memory_space<hbm>>
    %dma_start3A_277 = arith.constant 0 : i32
    %dma_start3A_278 = tpu.memref_slice %arg4[%select_n3A, %add3A_268, %dma_start3A_277] : memref<4x4096x1024xf32, #tpu.memory_space<hbm>> -> memref<1x16x1024xf32, #tpu.memory_space<hbm>>
    %dma_start3A_279 = tpu.memref_squeeze %dma_start3A_278 : memref<1x16x1024xf32, #tpu.memory_space<hbm>> -> memref<16x1024xf32, #tpu.memory_space<hbm>>
    %dma_start3A_280 = arith.constant 0 : i32
    %dma_start3A_281 = arith.constant 0 : i32
    %dma_start3A_282 = tpu.memref_slice %arg6[%dma_start3A_269, %dma_start3A_280, %dma_start3A_281] : memref<7x16x1024xf32, #tpu.memory_space<vmem>> -> memref<1x16x1024xf32, #tpu.memory_space<vmem>>
    %dma_start3A_283 = tpu.memref_squeeze %dma_start3A_282 : memref<1x16x1024xf32, #tpu.memory_space<vmem>> -> memref<16x1024xf32, #tpu.memory_space<vmem>>
    tpu.enqueue_dma source(%dma_start3A_283 : memref<16x1024xf32, #tpu.memory_space<vmem>>) target(%dma_start3A_279 : memref<16x1024xf32, #tpu.memory_space<hbm>>) target_semaphore(%arg17 : memref<!tpu.dma_semaphore, #tpu.memory_space<semaphore_mem>>)
    %dma_wait3A_284 = arith.constant 3 : i32
    %dma_wait3A_285 = arith.constant 0 : i32
    %dma_wait3A_286 = arith.constant 0 : i32
    %dma_wait3A_287 = tpu.memref_slice %arg6[%dma_wait3A_284, %dma_wait3A_285, %dma_wait3A_286] : memref<7x16x1024xf32, #tpu.memory_space<vmem>> -> memref<1x16x1024xf32, #tpu.memory_space<vmem>>
    %dma_wait3A_288 = tpu.memref_squeeze %dma_wait3A_287 : memref<1x16x1024xf32, #tpu.memory_space<vmem>> -> memref<16x1024xf32, #tpu.memory_space<vmem>>
    %dma_wait3A_289 = arith.constant 0 : i32
    %dma_wait3A_290 = tpu.memref_slice %arg4[%select_n3A, %add3A_268, %dma_wait3A_289] : memref<4x4096x1024xf32, #tpu.memory_space<hbm>> -> memref<1x16x1024xf32, #tpu.memory_space<hbm>>
    %dma_wait3A_291 = tpu.memref_squeeze %dma_wait3A_290 : memref<1x16x1024xf32, #tpu.memory_space<hbm>> -> memref<16x1024xf32, #tpu.memory_space<hbm>>
    %dma_wait3A_292 = arith.constant 0 : i32
    %dma_wait3A_293 = tpu.memref_slice %arg4[%select_n3A, %add3A_268, %dma_wait3A_292] : memref<4x4096x1024xf32, #tpu.memory_space<hbm>> -> memref<1x16x1024xf32, #tpu.memory_space<hbm>>
    %dma_wait3A_294 = tpu.memref_squeeze %dma_wait3A_293 : memref<1x16x1024xf32, #tpu.memory_space<hbm>> -> memref<16x1024xf32, #tpu.memory_space<hbm>>
    %dma_wait3A_295 = arith.constant 0 : i32
    %dma_wait3A_296 = arith.constant 0 : i32
    %dma_wait3A_297 = tpu.memref_slice %arg6[%dma_wait3A_284, %dma_wait3A_295, %dma_wait3A_296] : memref<7x16x1024xf32, #tpu.memory_space<vmem>> -> memref<1x16x1024xf32, #tpu.memory_space<vmem>>
    %dma_wait3A_298 = tpu.memref_squeeze %dma_wait3A_297 : memref<1x16x1024xf32, #tpu.memory_space<vmem>> -> memref<16x1024xf32, #tpu.memory_space<vmem>>
    tpu.wait_dma2 semaphore(%arg17 : memref<!tpu.dma_semaphore, #tpu.memory_space<semaphore_mem>>) src(%dma_wait3A_298 : memref<16x1024xf32, #tpu.memory_space<vmem>>) dst(%dma_wait3A_294 : memref<16x1024xf32, #tpu.memory_space<hbm>>)
    %dma_start3A_299 = arith.constant 3 : i32
    %dma_start3A_300 = arith.constant 0 : i32
    %dma_start3A_301 = arith.constant 0 : i32
    %dma_start3A_302 = tpu.memref_slice %arg6[%dma_start3A_299, %dma_start3A_300, %dma_start3A_301] : memref<7x16x1024xf32, #tpu.memory_space<vmem>> -> memref<1x16x1024xf32, #tpu.memory_space<vmem>>
    %dma_start3A_303 = tpu.memref_squeeze %dma_start3A_302 : memref<1x16x1024xf32, #tpu.memory_space<vmem>> -> memref<16x1024xf32, #tpu.memory_space<vmem>>
    %dma_start3A_304 = arith.constant 160 : i32
    %dma_start3A_305 = tpu.memref_slice %arg5[%dma_start3A_304] : memref<512xi32, #tpu.memory_space<vmem>> -> memref<16xi32, #tpu.memory_space<vmem>>
    %dma_start3A_306 = arith.constant 0 : i32
    %dma_start3A_307 = arith.constant 0 : i32
    %dma_start3A_308 = tpu.memref_slice %arg3[%dma_start3A_306, %dma_start3A_307] : memref<100000x1024xf32, #tpu.memory_space<hbm>> -> memref<100000x1024xf32, #tpu.memory_space<hbm>>
    tpu.enqueue_indirect_dma source(%dma_start3A_308 : memref<100000x1024xf32, #tpu.memory_space<hbm>>) target(%dma_start3A_303 : memref<16x1024xf32, #tpu.memory_space<vmem>>) offsets(%dma_start3A_305 : memref<16xi32, #tpu.memory_space<vmem>>) semaphore(%arg10 : memref<!tpu.dma_semaphore, #tpu.memory_space<semaphore_mem>>)
    %dma_wait3A_309 = arith.constant 4 : i32
    %dma_wait3A_310 = arith.constant 0 : i32
    %dma_wait3A_311 = arith.constant 0 : i32
    %dma_wait3A_312 = tpu.memref_slice %arg6[%dma_wait3A_309, %dma_wait3A_310, %dma_wait3A_311] : memref<7x16x1024xf32, #tpu.memory_space<vmem>> -> memref<1x16x1024xf32, #tpu.memory_space<vmem>>
    %dma_wait3A_313 = tpu.memref_squeeze %dma_wait3A_312 : memref<1x16x1024xf32, #tpu.memory_space<vmem>> -> memref<16x1024xf32, #tpu.memory_space<vmem>>
    %dma_wait3A_314 = arith.constant 64 : i32
    %dma_wait3A_315 = tpu.memref_slice %arg5[%dma_wait3A_314] : memref<512xi32, #tpu.memory_space<vmem>> -> memref<16xi32, #tpu.memory_space<vmem>>
    %dma_wait3A_316 = arith.constant 0 : i32
    %dma_wait3A_317 = arith.constant 0 : i32
    %dma_wait3A_318 = tpu.memref_slice %arg3[%dma_wait3A_316, %dma_wait3A_317] : memref<100000x1024xf32, #tpu.memory_space<hbm>> -> memref<100000x1024xf32, #tpu.memory_space<hbm>>
    tpu.wait_indirect_dma semaphore(%arg11 : memref<!tpu.dma_semaphore, #tpu.memory_space<semaphore_mem>>) src(%dma_wait3A_318 : memref<100000x1024xf32, #tpu.memory_space<hbm>>) dst(%dma_wait3A_313 : memref<16x1024xf32, #tpu.memory_space<vmem>>)
    %add3A_319 = arith.constant 64 : i32
    %add3A_320 = arith.addi %mul3A_32, %add3A_319 : i32
    %dma_start3A_321 = arith.constant 4 : i32
    %dma_start3A_322 = arith.constant 0 : i32
    %dma_start3A_323 = arith.constant 0 : i32
    %dma_start3A_324 = tpu.memref_slice %arg6[%dma_start3A_321, %dma_start3A_322, %dma_start3A_323] : memref<7x16x1024xf32, #tpu.memory_space<vmem>> -> memref<1x16x1024xf32, #tpu.memory_space<vmem>>
    %dma_start3A_325 = tpu.memref_squeeze %dma_start3A_324 : memref<1x16x1024xf32, #tpu.memory_space<vmem>> -> memref<16x1024xf32, #tpu.memory_space<vmem>>
    %dma_start3A_326 = arith.constant 0 : i32
    %dma_start3A_327 = tpu.memref_slice %arg4[%select_n3A, %add3A_320, %dma_start3A_326] : memref<4x4096x1024xf32, #tpu.memory_space<hbm>> -> memref<1x16x1024xf32, #tpu.memory_space<hbm>>
    %dma_start3A_328 = tpu.memref_squeeze %dma_start3A_327 : memref<1x16x1024xf32, #tpu.memory_space<hbm>> -> memref<16x1024xf32, #tpu.memory_space<hbm>>
    %dma_start3A_329 = arith.constant 0 : i32
    %dma_start3A_330 = tpu.memref_slice %arg4[%select_n3A, %add3A_320, %dma_start3A_329] : memref<4x4096x1024xf32, #tpu.memory_space<hbm>> -> memref<1x16x1024xf32, #tpu.memory_space<hbm>>
    %dma_start3A_331 = tpu.memref_squeeze %dma_start3A_330 : memref<1x16x1024xf32, #tpu.memory_space<hbm>> -> memref<16x1024xf32, #tpu.memory_space<hbm>>
    %dma_start3A_332 = arith.constant 0 : i32
    %dma_start3A_333 = arith.constant 0 : i32
    %dma_start3A_334 = tpu.memref_slice %arg6[%dma_start3A_321, %dma_start3A_332, %dma_start3A_333] : memref<7x16x1024xf32, #tpu.memory_space<vmem>> -> memref<1x16x1024xf32, #tpu.memory_space<vmem>>
    %dma_start3A_335 = tpu.memref_squeeze %dma_start3A_334 : memref<1x16x1024xf32, #tpu.memory_space<vmem>> -> memref<16x1024xf32, #tpu.memory_space<vmem>>
    tpu.enqueue_dma source(%dma_start3A_335 : memref<16x1024xf32, #tpu.memory_space<vmem>>) target(%dma_start3A_331 : memref<16x1024xf32, #tpu.memory_space<hbm>>) target_semaphore(%arg18 : memref<!tpu.dma_semaphore, #tpu.memory_space<semaphore_mem>>)
    %dma_wait3A_336 = arith.constant 4 : i32
    %dma_wait3A_337 = arith.constant 0 : i32
    %dma_wait3A_338 = arith.constant 0 : i32
    %dma_wait3A_339 = tpu.memref_slice %arg6[%dma_wait3A_336, %dma_wait3A_337, %dma_wait3A_338] : memref<7x16x1024xf32, #tpu.memory_space<vmem>> -> memref<1x16x1024xf32, #tpu.memory_space<vmem>>
    %dma_wait3A_340 = tpu.memref_squeeze %dma_wait3A_339 : memref<1x16x1024xf32, #tpu.memory_space<vmem>> -> memref<16x1024xf32, #tpu.memory_space<vmem>>
    %dma_wait3A_341 = arith.constant 0 : i32
    %dma_wait3A_342 = tpu.memref_slice %arg4[%select_n3A, %add3A_320, %dma_wait3A_341] : memref<4x4096x1024xf32, #tpu.memory_space<hbm>> -> memref<1x16x1024xf32, #tpu.memory_space<hbm>>
    %dma_wait3A_343 = tpu.memref_squeeze %dma_wait3A_342 : memref<1x16x1024xf32, #tpu.memory_space<hbm>> -> memref<16x1024xf32, #tpu.memory_space<hbm>>
    %dma_wait3A_344 = arith.constant 0 : i32
    %dma_wait3A_345 = tpu.memref_slice %arg4[%select_n3A, %add3A_320, %dma_wait3A_344] : memref<4x4096x1024xf32, #tpu.memory_space<hbm>> -> memref<1x16x1024xf32, #tpu.memory_space<hbm>>
    %dma_wait3A_346 = tpu.memref_squeeze %dma_wait3A_345 : memref<1x16x1024xf32, #tpu.memory_space<hbm>> -> memref<16x1024xf32, #tpu.memory_space<hbm>>
    %dma_wait3A_347 = arith.constant 0 : i32
    %dma_wait3A_348 = arith.constant 0 : i32
    %dma_wait3A_349 = tpu.memref_slice %arg6[%dma_wait3A_336, %dma_wait3A_347, %dma_wait3A_348] : memref<7x16x1024xf32, #tpu.memory_space<vmem>> -> memref<1x16x1024xf32, #tpu.memory_space<vmem>>
    %dma_wait3A_350 = tpu.memref_squeeze %dma_wait3A_349 : memref<1x16x1024xf32, #tpu.memory_space<vmem>> -> memref<16x1024xf32, #tpu.memory_space<vmem>>
    tpu.wait_dma2 semaphore(%arg18 : memref<!tpu.dma_semaphore, #tpu.memory_space<semaphore_mem>>) src(%dma_wait3A_350 : memref<16x1024xf32, #tpu.memory_space<vmem>>) dst(%dma_wait3A_346 : memref<16x1024xf32, #tpu.memory_space<hbm>>)
    %dma_start3A_351 = arith.constant 4 : i32
    %dma_start3A_352 = arith.constant 0 : i32
    %dma_start3A_353 = arith.constant 0 : i32
    %dma_start3A_354 = tpu.memref_slice %arg6[%dma_start3A_351, %dma_start3A_352, %dma_start3A_353] : memref<7x16x1024xf32, #tpu.memory_space<vmem>> -> memref<1x16x1024xf32, #tpu.memory_space<vmem>>
    %dma_start3A_355 = tpu.memref_squeeze %dma_start3A_354 : memref<1x16x1024xf32, #tpu.memory_space<vmem>> -> memref<16x1024xf32, #tpu.memory_space<vmem>>
    %dma_start3A_356 = arith.constant 176 : i32
    %dma_start3A_357 = tpu.memref_slice %arg5[%dma_start3A_356] : memref<512xi32, #tpu.memory_space<vmem>> -> memref<16xi32, #tpu.memory_space<vmem>>
    %dma_start3A_358 = arith.constant 0 : i32
    %dma_start3A_359 = arith.constant 0 : i32
    %dma_start3A_360 = tpu.memref_slice %arg3[%dma_start3A_358, %dma_start3A_359] : memref<100000x1024xf32, #tpu.memory_space<hbm>> -> memref<100000x1024xf32, #tpu.memory_space<hbm>>
    tpu.enqueue_indirect_dma source(%dma_start3A_360 : memref<100000x1024xf32, #tpu.memory_space<hbm>>) target(%dma_start3A_355 : memref<16x1024xf32, #tpu.memory_space<vmem>>) offsets(%dma_start3A_357 : memref<16xi32, #tpu.memory_space<vmem>>) semaphore(%arg11 : memref<!tpu.dma_semaphore, #tpu.memory_space<semaphore_mem>>)
    %dma_wait3A_361 = arith.constant 5 : i32
    %dma_wait3A_362 = arith.constant 0 : i32
    %dma_wait3A_363 = arith.constant 0 : i32
    %dma_wait3A_364 = tpu.memref_slice %arg6[%dma_wait3A_361, %dma_wait3A_362, %dma_wait3A_363] : memref<7x16x1024xf32, #tpu.memory_space<vmem>> -> memref<1x16x1024xf32, #tpu.memory_space<vmem>>
    %dma_wait3A_365 = tpu.memref_squeeze %dma_wait3A_364 : memref<1x16x1024xf32, #tpu.memory_space<vmem>> -> memref<16x1024xf32, #tpu.memory_space<vmem>>
    %dma_wait3A_366 = arith.constant 80 : i32
    %dma_wait3A_367 = tpu.memref_slice %arg5[%dma_wait3A_366] : memref<512xi32, #tpu.memory_space<vmem>> -> memref<16xi32, #tpu.memory_space<vmem>>
    %dma_wait3A_368 = arith.constant 0 : i32
    %dma_wait3A_369 = arith.constant 0 : i32
    %dma_wait3A_370 = tpu.memref_slice %arg3[%dma_wait3A_368, %dma_wait3A_369] : memref<100000x1024xf32, #tpu.memory_space<hbm>> -> memref<100000x1024xf32, #tpu.memory_space<hbm>>
    tpu.wait_indirect_dma semaphore(%arg12 : memref<!tpu.dma_semaphore, #tpu.memory_space<semaphore_mem>>) src(%dma_wait3A_370 : memref<100000x1024xf32, #tpu.memory_space<hbm>>) dst(%dma_wait3A_365 : memref<16x1024xf32, #tpu.memory_space<vmem>>)
    %add3A_371 = arith.constant 80 : i32
    %add3A_372 = arith.addi %mul3A_32, %add3A_371 : i32
    %dma_start3A_373 = arith.constant 5 : i32
    %dma_start3A_374 = arith.constant 0 : i32
    %dma_start3A_375 = arith.constant 0 : i32
    %dma_start3A_376 = tpu.memref_slice %arg6[%dma_start3A_373, %dma_start3A_374, %dma_start3A_375] : memref<7x16x1024xf32, #tpu.memory_space<vmem>> -> memref<1x16x1024xf32, #tpu.memory_space<vmem>>
    %dma_start3A_377 = tpu.memref_squeeze %dma_start3A_376 : memref<1x16x1024xf32, #tpu.memory_space<vmem>> -> memref<16x1024xf32, #tpu.memory_space<vmem>>
    %dma_start3A_378 = arith.constant 0 : i32
    %dma_start3A_379 = tpu.memref_slice %arg4[%select_n3A, %add3A_372, %dma_start3A_378] : memref<4x4096x1024xf32, #tpu.memory_space<hbm>> -> memref<1x16x1024xf32, #tpu.memory_space<hbm>>
    %dma_start3A_380 = tpu.memref_squeeze %dma_start3A_379 : memref<1x16x1024xf32, #tpu.memory_space<hbm>> -> memref<16x1024xf32, #tpu.memory_space<hbm>>
    %dma_start3A_381 = arith.constant 0 : i32
    %dma_start3A_382 = tpu.memref_slice %arg4[%select_n3A, %add3A_372, %dma_start3A_381] : memref<4x4096x1024xf32, #tpu.memory_space<hbm>> -> memref<1x16x1024xf32, #tpu.memory_space<hbm>>
    %dma_start3A_383 = tpu.memref_squeeze %dma_start3A_382 : memref<1x16x1024xf32, #tpu.memory_space<hbm>> -> memref<16x1024xf32, #tpu.memory_space<hbm>>
    %dma_start3A_384 = arith.constant 0 : i32
    %dma_start3A_385 = arith.constant 0 : i32
    %dma_start3A_386 = tpu.memref_slice %arg6[%dma_start3A_373, %dma_start3A_384, %dma_start3A_385] : memref<7x16x1024xf32, #tpu.memory_space<vmem>> -> memref<1x16x1024xf32, #tpu.memory_space<vmem>>
    %dma_start3A_387 = tpu.memref_squeeze %dma_start3A_386 : memref<1x16x1024xf32, #tpu.memory_space<vmem>> -> memref<16x1024xf32, #tpu.memory_space<vmem>>
    tpu.enqueue_dma source(%dma_start3A_387 : memref<16x1024xf32, #tpu.memory_space<vmem>>) target(%dma_start3A_383 : memref<16x1024xf32, #tpu.memory_space<hbm>>) target_semaphore(%arg19 : memref<!tpu.dma_semaphore, #tpu.memory_space<semaphore_mem>>)
    %dma_wait3A_388 = arith.constant 5 : i32
    %dma_wait3A_389 = arith.constant 0 : i32
    %dma_wait3A_390 = arith.constant 0 : i32
    %dma_wait3A_391 = tpu.memref_slice %arg6[%dma_wait3A_388, %dma_wait3A_389, %dma_wait3A_390] : memref<7x16x1024xf32, #tpu.memory_space<vmem>> -> memref<1x16x1024xf32, #tpu.memory_space<vmem>>
    %dma_wait3A_392 = tpu.memref_squeeze %dma_wait3A_391 : memref<1x16x1024xf32, #tpu.memory_space<vmem>> -> memref<16x1024xf32, #tpu.memory_space<vmem>>
    %dma_wait3A_393 = arith.constant 0 : i32
    %dma_wait3A_394 = tpu.memref_slice %arg4[%select_n3A, %add3A_372, %dma_wait3A_393] : memref<4x4096x1024xf32, #tpu.memory_space<hbm>> -> memref<1x16x1024xf32, #tpu.memory_space<hbm>>
    %dma_wait3A_395 = tpu.memref_squeeze %dma_wait3A_394 : memref<1x16x1024xf32, #tpu.memory_space<hbm>> -> memref<16x1024xf32, #tpu.memory_space<hbm>>
    %dma_wait3A_396 = arith.constant 0 : i32
    %dma_wait3A_397 = tpu.memref_slice %arg4[%select_n3A, %add3A_372, %dma_wait3A_396] : memref<4x4096x1024xf32, #tpu.memory_space<hbm>> -> memref<1x16x1024xf32, #tpu.memory_space<hbm>>
    %dma_wait3A_398 = tpu.memref_squeeze %dma_wait3A_397 : memref<1x16x1024xf32, #tpu.memory_space<hbm>> -> memref<16x1024xf32, #tpu.memory_space<hbm>>
    %dma_wait3A_399 = arith.constant 0 : i32
    %dma_wait3A_400 = arith.constant 0 : i32
    %dma_wait3A_401 = tpu.memref_slice %arg6[%dma_wait3A_388, %dma_wait3A_399, %dma_wait3A_400] : memref<7x16x1024xf32, #tpu.memory_space<vmem>> -> memref<1x16x1024xf32, #tpu.memory_space<vmem>>
    %dma_wait3A_402 = tpu.memref_squeeze %dma_wait3A_401 : memref<1x16x1024xf32, #tpu.memory_space<vmem>> -> memref<16x1024xf32, #tpu.memory_space<vmem>>
    tpu.wait_dma2 semaphore(%arg19 : memref<!tpu.dma_semaphore, #tpu.memory_space<semaphore_mem>>) src(%dma_wait3A_402 : memref<16x1024xf32, #tpu.memory_space<vmem>>) dst(%dma_wait3A_398 : memref<16x1024xf32, #tpu.memory_space<hbm>>)
    %dma_start3A_403 = arith.constant 5 : i32
    %dma_start3A_404 = arith.constant 0 : i32
    %dma_start3A_405 = arith.constant 0 : i32
    %dma_start3A_406 = tpu.memref_slice %arg6[%dma_start3A_403, %dma_start3A_404, %dma_start3A_405] : memref<7x16x1024xf32, #tpu.memory_space<vmem>> -> memref<1x16x1024xf32, #tpu.memory_space<vmem>>
    %dma_start3A_407 = tpu.memref_squeeze %dma_start3A_406 : memref<1x16x1024xf32, #tpu.memory_space<vmem>> -> memref<16x1024xf32, #tpu.memory_space<vmem>>
    %dma_start3A_408 = arith.constant 192 : i32
    %dma_start3A_409 = tpu.memref_slice %arg5[%dma_start3A_408] : memref<512xi32, #tpu.memory_space<vmem>> -> memref<16xi32, #tpu.memory_space<vmem>>
    %dma_start3A_410 = arith.constant 0 : i32
    %dma_start3A_411 = arith.constant 0 : i32
    %dma_start3A_412 = tpu.memref_slice %arg3[%dma_start3A_410, %dma_start3A_411] : memref<100000x1024xf32, #tpu.memory_space<hbm>> -> memref<100000x1024xf32, #tpu.memory_space<hbm>>
    tpu.enqueue_indirect_dma source(%dma_start3A_412 : memref<100000x1024xf32, #tpu.memory_space<hbm>>) target(%dma_start3A_407 : memref<16x1024xf32, #tpu.memory_space<vmem>>) offsets(%dma_start3A_409 : memref<16xi32, #tpu.memory_space<vmem>>) semaphore(%arg12 : memref<!tpu.dma_semaphore, #tpu.memory_space<semaphore_mem>>)
    %dma_wait3A_413 = arith.constant 6 : i32
    %dma_wait3A_414 = arith.constant 0 : i32
    %dma_wait3A_415 = arith.constant 0 : i32
    %dma_wait3A_416 = tpu.memref_slice %arg6[%dma_wait3A_413, %dma_wait3A_414, %dma_wait3A_415] : memref<7x16x1024xf32, #tpu.memory_space<vmem>> -> memref<1x16x1024xf32, #tpu.memory_space<vmem>>
    %dma_wait3A_417 = tpu.memref_squeeze %dma_wait3A_416 : memref<1x16x1024xf32, #tpu.memory_space<vmem>> -> memref<16x1024xf32, #tpu.memory_space<vmem>>
    %dma_wait3A_418 = arith.constant 96 : i32
    %dma_wait3A_419 = tpu.memref_slice %arg5[%dma_wait3A_418] : memref<512xi32, #tpu.memory_space<vmem>> -> memref<16xi32, #tpu.memory_space<vmem>>
    %dma_wait3A_420 = arith.constant 0 : i32
    %dma_wait3A_421 = arith.constant 0 : i32
    %dma_wait3A_422 = tpu.memref_slice %arg3[%dma_wait3A_420, %dma_wait3A_421] : memref<100000x1024xf32, #tpu.memory_space<hbm>> -> memref<100000x1024xf32, #tpu.memory_space<hbm>>
    tpu.wait_indirect_dma semaphore(%arg13 : memref<!tpu.dma_semaphore, #tpu.memory_space<semaphore_mem>>) src(%dma_wait3A_422 : memref<100000x1024xf32, #tpu.memory_space<hbm>>) dst(%dma_wait3A_417 : memref<16x1024xf32, #tpu.memory_space<vmem>>)
    %add3A_423 = arith.constant 96 : i32
    %add3A_424 = arith.addi %mul3A_32, %add3A_423 : i32
    %dma_start3A_425 = arith.constant 6 : i32
    %dma_start3A_426 = arith.constant 0 : i32
    %dma_start3A_427 = arith.constant 0 : i32
    %dma_start3A_428 = tpu.memref_slice %arg6[%dma_start3A_425, %dma_start3A_426, %dma_start3A_427] : memref<7x16x1024xf32, #tpu.memory_space<vmem>> -> memref<1x16x1024xf32, #tpu.memory_space<vmem>>
    %dma_start3A_429 = tpu.memref_squeeze %dma_start3A_428 : memref<1x16x1024xf32, #tpu.memory_space<vmem>> -> memref<16x1024xf32, #tpu.memory_space<vmem>>
    %dma_start3A_430 = arith.constant 0 : i32
    %dma_start3A_431 = tpu.memref_slice %arg4[%select_n3A, %add3A_424, %dma_start3A_430] : memref<4x4096x1024xf32, #tpu.memory_space<hbm>> -> memref<1x16x1024xf32, #tpu.memory_space<hbm>>
    %dma_start3A_432 = tpu.memref_squeeze %dma_start3A_431 : memref<1x16x1024xf32, #tpu.memory_space<hbm>> -> memref<16x1024xf32, #tpu.memory_space<hbm>>
    %dma_start3A_433 = arith.constant 0 : i32
    %dma_start3A_434 = tpu.memref_slice %arg4[%select_n3A, %add3A_424, %dma_start3A_433] : memref<4x4096x1024xf32, #tpu.memory_space<hbm>> -> memref<1x16x1024xf32, #tpu.memory_space<hbm>>
    %dma_start3A_435 = tpu.memref_squeeze %dma_start3A_434 : memref<1x16x1024xf32, #tpu.memory_space<hbm>> -> memref<16x1024xf32, #tpu.memory_space<hbm>>
    %dma_start3A_436 = arith.constant 0 : i32
    %dma_start3A_437 = arith.constant 0 : i32
    %dma_start3A_438 = tpu.memref_slice %arg6[%dma_start3A_425, %dma_start3A_436, %dma_start3A_437] : memref<7x16x1024xf32, #tpu.memory_space<vmem>> -> memref<1x16x1024xf32, #tpu.memory_space<vmem>>
    %dma_start3A_439 = tpu.memref_squeeze %dma_start3A_438 : memref<1x16x1024xf32, #tpu.memory_space<vmem>> -> memref<16x1024xf32, #tpu.memory_space<vmem>>
    tpu.enqueue_dma source(%dma_start3A_439 : memref<16x1024xf32, #tpu.memory_space<vmem>>) target(%dma_start3A_435 : memref<16x1024xf32, #tpu.memory_space<hbm>>) target_semaphore(%arg20 : memref<!tpu.dma_semaphore, #tpu.memory_space<semaphore_mem>>)
    %dma_wait3A_440 = arith.constant 6 : i32
    %dma_wait3A_441 = arith.constant 0 : i32
    %dma_wait3A_442 = arith.constant 0 : i32
    %dma_wait3A_443 = tpu.memref_slice %arg6[%dma_wait3A_440, %dma_wait3A_441, %dma_wait3A_442] : memref<7x16x1024xf32, #tpu.memory_space<vmem>> -> memref<1x16x1024xf32, #tpu.memory_space<vmem>>
    %dma_wait3A_444 = tpu.memref_squeeze %dma_wait3A_443 : memref<1x16x1024xf32, #tpu.memory_space<vmem>> -> memref<16x1024xf32, #tpu.memory_space<vmem>>
    %dma_wait3A_445 = arith.constant 0 : i32
    %dma_wait3A_446 = tpu.memref_slice %arg4[%select_n3A, %add3A_424, %dma_wait3A_445] : memref<4x4096x1024xf32, #tpu.memory_space<hbm>> -> memref<1x16x1024xf32, #tpu.memory_space<hbm>>
    %dma_wait3A_447 = tpu.memref_squeeze %dma_wait3A_446 : memref<1x16x1024xf32, #tpu.memory_space<hbm>> -> memref<16x1024xf32, #tpu.memory_space<hbm>>
    %dma_wait3A_448 = arith.constant 0 : i32
    %dma_wait3A_449 = tpu.memref_slice %arg4[%select_n3A, %add3A_424, %dma_wait3A_448] : memref<4x4096x1024xf32, #tpu.memory_space<hbm>> -> memref<1x16x1024xf32, #tpu.memory_space<hbm>>
    %dma_wait3A_450 = tpu.memref_squeeze %dma_wait3A_449 : memref<1x16x1024xf32, #tpu.memory_space<hbm>> -> memref<16x1024xf32, #tpu.memory_space<hbm>>
    %dma_wait3A_451 = arith.constant 0 : i32
    %dma_wait3A_452 = arith.constant 0 : i32
    %dma_wait3A_453 = tpu.memref_slice %arg6[%dma_wait3A_440, %dma_wait3A_451, %dma_wait3A_452] : memref<7x16x1024xf32, #tpu.memory_space<vmem>> -> memref<1x16x1024xf32, #tpu.memory_space<vmem>>
    %dma_wait3A_454 = tpu.memref_squeeze %dma_wait3A_453 : memref<1x16x1024xf32, #tpu.memory_space<vmem>> -> memref<16x1024xf32, #tpu.memory_space<vmem>>
    tpu.wait_dma2 semaphore(%arg20 : memref<!tpu.dma_semaphore, #tpu.memory_space<semaphore_mem>>) src(%dma_wait3A_454 : memref<16x1024xf32, #tpu.memory_space<vmem>>) dst(%dma_wait3A_450 : memref<16x1024xf32, #tpu.memory_space<hbm>>)
    %dma_start3A_455 = arith.constant 6 : i32
    %dma_start3A_456 = arith.constant 0 : i32
    %dma_start3A_457 = arith.constant 0 : i32
    %dma_start3A_458 = tpu.memref_slice %arg6[%dma_start3A_455, %dma_start3A_456, %dma_start3A_457] : memref<7x16x1024xf32, #tpu.memory_space<vmem>> -> memref<1x16x1024xf32, #tpu.memory_space<vmem>>
    %dma_start3A_459 = tpu.memref_squeeze %dma_start3A_458 : memref<1x16x1024xf32, #tpu.memory_space<vmem>> -> memref<16x1024xf32, #tpu.memory_space<vmem>>
    %dma_start3A_460 = arith.constant 208 : i32
    %dma_start3A_461 = tpu.memref_slice %arg5[%dma_start3A_460] : memref<512xi32, #tpu.memory_space<vmem>> -> memref<16xi32, #tpu.memory_space<vmem>>
    %dma_start3A_462 = arith.constant 0 : i32
    %dma_start3A_463 = arith.constant 0 : i32
    %dma_start3A_464 = tpu.memref_slice %arg3[%dma_start3A_462, %dma_start3A_463] : memref<100000x1024xf32, #tpu.memory_space<hbm>> -> memref<100000x1024xf32, #tpu.memory_space<hbm>>
    tpu.enqueue_indirect_dma source(%dma_start3A_464 : memref<100000x1024xf32, #tpu.memory_space<hbm>>) target(%dma_start3A_459 : memref<16x1024xf32, #tpu.memory_space<vmem>>) offsets(%dma_start3A_461 : memref<16xi32, #tpu.memory_space<vmem>>) semaphore(%arg13 : memref<!tpu.dma_semaphore, #tpu.memory_space<semaphore_mem>>)
    %dma_wait3A_465 = arith.constant 0 : i32
    %dma_wait3A_466 = arith.constant 0 : i32
    %dma_wait3A_467 = arith.constant 0 : i32
    %dma_wait3A_468 = tpu.memref_slice %arg6[%dma_wait3A_465, %dma_wait3A_466, %dma_wait3A_467] : memref<7x16x1024xf32, #tpu.memory_space<vmem>> -> memref<1x16x1024xf32, #tpu.memory_space<vmem>>
    %dma_wait3A_469 = tpu.memref_squeeze %dma_wait3A_468 : memref<1x16x1024xf32, #tpu.memory_space<vmem>> -> memref<16x1024xf32, #tpu.memory_space<vmem>>
    %dma_wait3A_470 = arith.constant 112 : i32
    %dma_wait3A_471 = tpu.memref_slice %arg5[%dma_wait3A_470] : memref<512xi32, #tpu.memory_space<vmem>> -> memref<16xi32, #tpu.memory_space<vmem>>
    %dma_wait3A_472 = arith.constant 0 : i32
    %dma_wait3A_473 = arith.constant 0 : i32
    %dma_wait3A_474 = tpu.memref_slice %arg3[%dma_wait3A_472, %dma_wait3A_473] : memref<100000x1024xf32, #tpu.memory_space<hbm>> -> memref<100000x1024xf32, #tpu.memory_space<hbm>>
    tpu.wait_indirect_dma semaphore(%arg7 : memref<!tpu.dma_semaphore, #tpu.memory_space<semaphore_mem>>) src(%dma_wait3A_474 : memref<100000x1024xf32, #tpu.memory_space<hbm>>) dst(%dma_wait3A_469 : memref<16x1024xf32, #tpu.memory_space<vmem>>)
    %add3A_475 = arith.constant 112 : i32
    %add3A_476 = arith.addi %mul3A_32, %add3A_475 : i32
    %dma_start3A_477 = arith.constant 0 : i32
    %dma_start3A_478 = arith.constant 0 : i32
    %dma_start3A_479 = arith.constant 0 : i32
    %dma_start3A_480 = tpu.memref_slice %arg6[%dma_start3A_477, %dma_start3A_478, %dma_start3A_479] : memref<7x16x1024xf32, #tpu.memory_space<vmem>> -> memref<1x16x1024xf32, #tpu.memory_space<vmem>>
    %dma_start3A_481 = tpu.memref_squeeze %dma_start3A_480 : memref<1x16x1024xf32, #tpu.memory_space<vmem>> -> memref<16x1024xf32, #tpu.memory_space<vmem>>
    %dma_start3A_482 = arith.constant 0 : i32
    %dma_start3A_483 = tpu.memref_slice %arg4[%select_n3A, %add3A_476, %dma_start3A_482] : memref<4x4096x1024xf32, #tpu.memory_space<hbm>> -> memref<1x16x1024xf32, #tpu.memory_space<hbm>>
    %dma_start3A_484 = tpu.memref_squeeze %dma_start3A_483 : memref<1x16x1024xf32, #tpu.memory_space<hbm>> -> memref<16x1024xf32, #tpu.memory_space<hbm>>
    %dma_start3A_485 = arith.constant 0 : i32
    %dma_start3A_486 = tpu.memref_slice %arg4[%select_n3A, %add3A_476, %dma_start3A_485] : memref<4x4096x1024xf32, #tpu.memory_space<hbm>> -> memref<1x16x1024xf32, #tpu.memory_space<hbm>>
    %dma_start3A_487 = tpu.memref_squeeze %dma_start3A_486 : memref<1x16x1024xf32, #tpu.memory_space<hbm>> -> memref<16x1024xf32, #tpu.memory_space<hbm>>
    %dma_start3A_488 = arith.constant 0 : i32
    %dma_start3A_489 = arith.constant 0 : i32
    %dma_start3A_490 = tpu.memref_slice %arg6[%dma_start3A_477, %dma_start3A_488, %dma_start3A_489] : memref<7x16x1024xf32, #tpu.memory_space<vmem>> -> memref<1x16x1024xf32, #tpu.memory_space<vmem>>
    %dma_start3A_491 = tpu.memref_squeeze %dma_start3A_490 : memref<1x16x1024xf32, #tpu.memory_space<vmem>> -> memref<16x1024xf32, #tpu.memory_space<vmem>>
    tpu.enqueue_dma source(%dma_start3A_491 : memref<16x1024xf32, #tpu.memory_space<vmem>>) target(%dma_start3A_487 : memref<16x1024xf32, #tpu.memory_space<hbm>>) target_semaphore(%arg14 : memref<!tpu.dma_semaphore, #tpu.memory_space<semaphore_mem>>)
    %dma_wait3A_492 = arith.constant 0 : i32
    %dma_wait3A_493 = arith.constant 0 : i32
    %dma_wait3A_494 = arith.constant 0 : i32
    %dma_wait3A_495 = tpu.memref_slice %arg6[%dma_wait3A_492, %dma_wait3A_493, %dma_wait3A_494] : memref<7x16x1024xf32, #tpu.memory_space<vmem>> -> memref<1x16x1024xf32, #tpu.memory_space<vmem>>
    %dma_wait3A_496 = tpu.memref_squeeze %dma_wait3A_495 : memref<1x16x1024xf32, #tpu.memory_space<vmem>> -> memref<16x1024xf32, #tpu.memory_space<vmem>>
    %dma_wait3A_497 = arith.constant 0 : i32
    %dma_wait3A_498 = tpu.memref_slice %arg4[%select_n3A, %add3A_476, %dma_wait3A_497] : memref<4x4096x1024xf32, #tpu.memory_space<hbm>> -> memref<1x16x1024xf32, #tpu.memory_space<hbm>>
    %dma_wait3A_499 = tpu.memref_squeeze %dma_wait3A_498 : memref<1x16x1024xf32, #tpu.memory_space<hbm>> -> memref<16x1024xf32, #tpu.memory_space<hbm>>
    %dma_wait3A_500 = arith.constant 0 : i32
    %dma_wait3A_501 = tpu.memref_slice %arg4[%select_n3A, %add3A_476, %dma_wait3A_500] : memref<4x4096x1024xf32, #tpu.memory_space<hbm>> -> memref<1x16x1024xf32, #tpu.memory_space<hbm>>
    %dma_wait3A_502 = tpu.memref_squeeze %dma_wait3A_501 : memref<1x16x1024xf32, #tpu.memory_space<hbm>> -> memref<16x1024xf32, #tpu.memory_space<hbm>>
    %dma_wait3A_503 = arith.constant 0 : i32
    %dma_wait3A_504 = arith.constant 0 : i32
    %dma_wait3A_505 = tpu.memref_slice %arg6[%dma_wait3A_492, %dma_wait3A_503, %dma_wait3A_504] : memref<7x16x1024xf32, #tpu.memory_space<vmem>> -> memref<1x16x1024xf32, #tpu.memory_space<vmem>>
    %dma_wait3A_506 = tpu.memref_squeeze %dma_wait3A_505 : memref<1x16x1024xf32, #tpu.memory_space<vmem>> -> memref<16x1024xf32, #tpu.memory_space<vmem>>
    tpu.wait_dma2 semaphore(%arg14 : memref<!tpu.dma_semaphore, #tpu.memory_space<semaphore_mem>>) src(%dma_wait3A_506 : memref<16x1024xf32, #tpu.memory_space<vmem>>) dst(%dma_wait3A_502 : memref<16x1024xf32, #tpu.memory_space<hbm>>)
    %dma_start3A_507 = arith.constant 0 : i32
    %dma_start3A_508 = arith.constant 0 : i32
    %dma_start3A_509 = arith.constant 0 : i32
    %dma_start3A_510 = tpu.memref_slice %arg6[%dma_start3A_507, %dma_start3A_508, %dma_start3A_509] : memref<7x16x1024xf32, #tpu.memory_space<vmem>> -> memref<1x16x1024xf32, #tpu.memory_space<vmem>>
    %dma_start3A_511 = tpu.memref_squeeze %dma_start3A_510 : memref<1x16x1024xf32, #tpu.memory_space<vmem>> -> memref<16x1024xf32, #tpu.memory_space<vmem>>
    %dma_start3A_512 = arith.constant 224 : i32
    %dma_start3A_513 = tpu.memref_slice %arg5[%dma_start3A_512] : memref<512xi32, #tpu.memory_space<vmem>> -> memref<16xi32, #tpu.memory_space<vmem>>
    %dma_start3A_514 = arith.constant 0 : i32
    %dma_start3A_515 = arith.constant 0 : i32
    %dma_start3A_516 = tpu.memref_slice %arg3[%dma_start3A_514, %dma_start3A_515] : memref<100000x1024xf32, #tpu.memory_space<hbm>> -> memref<100000x1024xf32, #tpu.memory_space<hbm>>
    tpu.enqueue_indirect_dma source(%dma_start3A_516 : memref<100000x1024xf32, #tpu.memory_space<hbm>>) target(%dma_start3A_511 : memref<16x1024xf32, #tpu.memory_space<vmem>>) offsets(%dma_start3A_513 : memref<16xi32, #tpu.memory_space<vmem>>) semaphore(%arg7 : memref<!tpu.dma_semaphore, #tpu.memory_space<semaphore_mem>>)
    %dma_wait3A_517 = arith.constant 1 : i32
    %dma_wait3A_518 = arith.constant 0 : i32
    %dma_wait3A_519 = arith.constant 0 : i32
    %dma_wait3A_520 = tpu.memref_slice %arg6[%dma_wait3A_517, %dma_wait3A_518, %dma_wait3A_519] : memref<7x16x1024xf32, #tpu.memory_space<vmem>> -> memref<1x16x1024xf32, #tpu.memory_space<vmem>>
    %dma_wait3A_521 = tpu.memref_squeeze %dma_wait3A_520 : memref<1x16x1024xf32, #tpu.memory_space<vmem>> -> memref<16x1024xf32, #tpu.memory_space<vmem>>
    %dma_wait3A_522 = arith.constant 128 : i32
    %dma_wait3A_523 = tpu.memref_slice %arg5[%dma_wait3A_522] : memref<512xi32, #tpu.memory_space<vmem>> -> memref<16xi32, #tpu.memory_space<vmem>>
    %dma_wait3A_524 = arith.constant 0 : i32
    %dma_wait3A_525 = arith.constant 0 : i32
    %dma_wait3A_526 = tpu.memref_slice %arg3[%dma_wait3A_524, %dma_wait3A_525] : memref<100000x1024xf32, #tpu.memory_space<hbm>> -> memref<100000x1024xf32, #tpu.memory_space<hbm>>
    tpu.wait_indirect_dma semaphore(%arg8 : memref<!tpu.dma_semaphore, #tpu.memory_space<semaphore_mem>>) src(%dma_wait3A_526 : memref<100000x1024xf32, #tpu.memory_space<hbm>>) dst(%dma_wait3A_521 : memref<16x1024xf32, #tpu.memory_space<vmem>>)
    %add3A_527 = arith.constant 128 : i32
    %add3A_528 = arith.addi %mul3A_32, %add3A_527 : i32
    %dma_start3A_529 = arith.constant 1 : i32
    %dma_start3A_530 = arith.constant 0 : i32
    %dma_start3A_531 = arith.constant 0 : i32
    %dma_start3A_532 = tpu.memref_slice %arg6[%dma_start3A_529, %dma_start3A_530, %dma_start3A_531] : memref<7x16x1024xf32, #tpu.memory_space<vmem>> -> memref<1x16x1024xf32, #tpu.memory_space<vmem>>
    %dma_start3A_533 = tpu.memref_squeeze %dma_start3A_532 : memref<1x16x1024xf32, #tpu.memory_space<vmem>> -> memref<16x1024xf32, #tpu.memory_space<vmem>>
    %dma_start3A_534 = arith.constant 0 : i32
    %dma_start3A_535 = tpu.memref_slice %arg4[%select_n3A, %add3A_528, %dma_start3A_534] : memref<4x4096x1024xf32, #tpu.memory_space<hbm>> -> memref<1x16x1024xf32, #tpu.memory_space<hbm>>
    %dma_start3A_536 = tpu.memref_squeeze %dma_start3A_535 : memref<1x16x1024xf32, #tpu.memory_space<hbm>> -> memref<16x1024xf32, #tpu.memory_space<hbm>>
    %dma_start3A_537 = arith.constant 0 : i32
    %dma_start3A_538 = tpu.memref_slice %arg4[%select_n3A, %add3A_528, %dma_start3A_537] : memref<4x4096x1024xf32, #tpu.memory_space<hbm>> -> memref<1x16x1024xf32, #tpu.memory_space<hbm>>
    %dma_start3A_539 = tpu.memref_squeeze %dma_start3A_538 : memref<1x16x1024xf32, #tpu.memory_space<hbm>> -> memref<16x1024xf32, #tpu.memory_space<hbm>>
    %dma_start3A_540 = arith.constant 0 : i32
    %dma_start3A_541 = arith.constant 0 : i32
    %dma_start3A_542 = tpu.memref_slice %arg6[%dma_start3A_529, %dma_start3A_540, %dma_start3A_541] : memref<7x16x1024xf32, #tpu.memory_space<vmem>> -> memref<1x16x1024xf32, #tpu.memory_space<vmem>>
    %dma_start3A_543 = tpu.memref_squeeze %dma_start3A_542 : memref<1x16x1024xf32, #tpu.memory_space<vmem>> -> memref<16x1024xf32, #tpu.memory_space<vmem>>
    tpu.enqueue_dma source(%dma_start3A_543 : memref<16x1024xf32, #tpu.memory_space<vmem>>) target(%dma_start3A_539 : memref<16x1024xf32, #tpu.memory_space<hbm>>) target_semaphore(%arg15 : memref<!tpu.dma_semaphore, #tpu.memory_space<semaphore_mem>>)
    %dma_wait3A_544 = arith.constant 1 : i32
    %dma_wait3A_545 = arith.constant 0 : i32
    %dma_wait3A_546 = arith.constant 0 : i32
    %dma_wait3A_547 = tpu.memref_slice %arg6[%dma_wait3A_544, %dma_wait3A_545, %dma_wait3A_546] : memref<7x16x1024xf32, #tpu.memory_space<vmem>> -> memref<1x16x1024xf32, #tpu.memory_space<vmem>>
    %dma_wait3A_548 = tpu.memref_squeeze %dma_wait3A_547 : memref<1x16x1024xf32, #tpu.memory_space<vmem>> -> memref<16x1024xf32, #tpu.memory_space<vmem>>
    %dma_wait3A_549 = arith.constant 0 : i32
    %dma_wait3A_550 = tpu.memref_slice %arg4[%select_n3A, %add3A_528, %dma_wait3A_549] : memref<4x4096x1024xf32, #tpu.memory_space<hbm>> -> memref<1x16x1024xf32, #tpu.memory_space<hbm>>
    %dma_wait3A_551 = tpu.memref_squeeze %dma_wait3A_550 : memref<1x16x1024xf32, #tpu.memory_space<hbm>> -> memref<16x1024xf32, #tpu.memory_space<hbm>>
    %dma_wait3A_552 = arith.constant 0 : i32
    %dma_wait3A_553 = tpu.memref_slice %arg4[%select_n3A, %add3A_528, %dma_wait3A_552] : memref<4x4096x1024xf32, #tpu.memory_space<hbm>> -> memref<1x16x1024xf32, #tpu.memory_space<hbm>>
    %dma_wait3A_554 = tpu.memref_squeeze %dma_wait3A_553 : memref<1x16x1024xf32, #tpu.memory_space<hbm>> -> memref<16x1024xf32, #tpu.memory_space<hbm>>
    %dma_wait3A_555 = arith.constant 0 : i32
    %dma_wait3A_556 = arith.constant 0 : i32
    %dma_wait3A_557 = tpu.memref_slice %arg6[%dma_wait3A_544, %dma_wait3A_555, %dma_wait3A_556] : memref<7x16x1024xf32, #tpu.memory_space<vmem>> -> memref<1x16x1024xf32, #tpu.memory_space<vmem>>
    %dma_wait3A_558 = tpu.memref_squeeze %dma_wait3A_557 : memref<1x16x1024xf32, #tpu.memory_space<vmem>> -> memref<16x1024xf32, #tpu.memory_space<vmem>>
    tpu.wait_dma2 semaphore(%arg15 : memref<!tpu.dma_semaphore, #tpu.memory_space<semaphore_mem>>) src(%dma_wait3A_558 : memref<16x1024xf32, #tpu.memory_space<vmem>>) dst(%dma_wait3A_554 : memref<16x1024xf32, #tpu.memory_space<hbm>>)
    %dma_start3A_559 = arith.constant 1 : i32
    %dma_start3A_560 = arith.constant 0 : i32
    %dma_start3A_561 = arith.constant 0 : i32
    %dma_start3A_562 = tpu.memref_slice %arg6[%dma_start3A_559, %dma_start3A_560, %dma_start3A_561] : memref<7x16x1024xf32, #tpu.memory_space<vmem>> -> memref<1x16x1024xf32, #tpu.memory_space<vmem>>
    %dma_start3A_563 = tpu.memref_squeeze %dma_start3A_562 : memref<1x16x1024xf32, #tpu.memory_space<vmem>> -> memref<16x1024xf32, #tpu.memory_space<vmem>>
    %dma_start3A_564 = arith.constant 240 : i32
    %dma_start3A_565 = tpu.memref_slice %arg5[%dma_start3A_564] : memref<512xi32, #tpu.memory_space<vmem>> -> memref<16xi32, #tpu.memory_space<vmem>>
    %dma_start3A_566 = arith.constant 0 : i32
    %dma_start3A_567 = arith.constant 0 : i32
    %dma_start3A_568 = tpu.memref_slice %arg3[%dma_start3A_566, %dma_start3A_567] : memref<100000x1024xf32, #tpu.memory_space<hbm>> -> memref<100000x1024xf32, #tpu.memory_space<hbm>>
    tpu.enqueue_indirect_dma source(%dma_start3A_568 : memref<100000x1024xf32, #tpu.memory_space<hbm>>) target(%dma_start3A_563 : memref<16x1024xf32, #tpu.memory_space<vmem>>) offsets(%dma_start3A_565 : memref<16xi32, #tpu.memory_space<vmem>>) semaphore(%arg8 : memref<!tpu.dma_semaphore, #tpu.memory_space<semaphore_mem>>)
    %dma_wait3A_569 = arith.constant 2 : i32
    %dma_wait3A_570 = arith.constant 0 : i32
    %dma_wait3A_571 = arith.constant 0 : i32
    %dma_wait3A_572 = tpu.memref_slice %arg6[%dma_wait3A_569, %dma_wait3A_570, %dma_wait3A_571] : memref<7x16x1024xf32, #tpu.memory_space<vmem>> -> memref<1x16x1024xf32, #tpu.memory_space<vmem>>
    %dma_wait3A_573 = tpu.memref_squeeze %dma_wait3A_572 : memref<1x16x1024xf32, #tpu.memory_space<vmem>> -> memref<16x1024xf32, #tpu.memory_space<vmem>>
    %dma_wait3A_574 = arith.constant 144 : i32
    %dma_wait3A_575 = tpu.memref_slice %arg5[%dma_wait3A_574] : memref<512xi32, #tpu.memory_space<vmem>> -> memref<16xi32, #tpu.memory_space<vmem>>
    %dma_wait3A_576 = arith.constant 0 : i32
    %dma_wait3A_577 = arith.constant 0 : i32
    %dma_wait3A_578 = tpu.memref_slice %arg3[%dma_wait3A_576, %dma_wait3A_577] : memref<100000x1024xf32, #tpu.memory_space<hbm>> -> memref<100000x1024xf32, #tpu.memory_space<hbm>>
    tpu.wait_indirect_dma semaphore(%arg9 : memref<!tpu.dma_semaphore, #tpu.memory_space<semaphore_mem>>) src(%dma_wait3A_578 : memref<100000x1024xf32, #tpu.memory_space<hbm>>) dst(%dma_wait3A_573 : memref<16x1024xf32, #tpu.memory_space<vmem>>)
    %add3A_579 = arith.constant 144 : i32
    %add3A_580 = arith.addi %mul3A_32, %add3A_579 : i32
    %dma_start3A_581 = arith.constant 2 : i32
    %dma_start3A_582 = arith.constant 0 : i32
    %dma_start3A_583 = arith.constant 0 : i32
    %dma_start3A_584 = tpu.memref_slice %arg6[%dma_start3A_581, %dma_start3A_582, %dma_start3A_583] : memref<7x16x1024xf32, #tpu.memory_space<vmem>> -> memref<1x16x1024xf32, #tpu.memory_space<vmem>>
    %dma_start3A_585 = tpu.memref_squeeze %dma_start3A_584 : memref<1x16x1024xf32, #tpu.memory_space<vmem>> -> memref<16x1024xf32, #tpu.memory_space<vmem>>
    %dma_start3A_586 = arith.constant 0 : i32
    %dma_start3A_587 = tpu.memref_slice %arg4[%select_n3A, %add3A_580, %dma_start3A_586] : memref<4x4096x1024xf32, #tpu.memory_space<hbm>> -> memref<1x16x1024xf32, #tpu.memory_space<hbm>>
    %dma_start3A_588 = tpu.memref_squeeze %dma_start3A_587 : memref<1x16x1024xf32, #tpu.memory_space<hbm>> -> memref<16x1024xf32, #tpu.memory_space<hbm>>
    %dma_start3A_589 = arith.constant 0 : i32
    %dma_start3A_590 = tpu.memref_slice %arg4[%select_n3A, %add3A_580, %dma_start3A_589] : memref<4x4096x1024xf32, #tpu.memory_space<hbm>> -> memref<1x16x1024xf32, #tpu.memory_space<hbm>>
    %dma_start3A_591 = tpu.memref_squeeze %dma_start3A_590 : memref<1x16x1024xf32, #tpu.memory_space<hbm>> -> memref<16x1024xf32, #tpu.memory_space<hbm>>
    %dma_start3A_592 = arith.constant 0 : i32
    %dma_start3A_593 = arith.constant 0 : i32
    %dma_start3A_594 = tpu.memref_slice %arg6[%dma_start3A_581, %dma_start3A_592, %dma_start3A_593] : memref<7x16x1024xf32, #tpu.memory_space<vmem>> -> memref<1x16x1024xf32, #tpu.memory_space<vmem>>
    %dma_start3A_595 = tpu.memref_squeeze %dma_start3A_594 : memref<1x16x1024xf32, #tpu.memory_space<vmem>> -> memref<16x1024xf32, #tpu.memory_space<vmem>>
    tpu.enqueue_dma source(%dma_start3A_595 : memref<16x1024xf32, #tpu.memory_space<vmem>>) target(%dma_start3A_591 : memref<16x1024xf32, #tpu.memory_space<hbm>>) target_semaphore(%arg16 : memref<!tpu.dma_semaphore, #tpu.memory_space<semaphore_mem>>)
    %dma_wait3A_596 = arith.constant 2 : i32
    %dma_wait3A_597 = arith.constant 0 : i32
    %dma_wait3A_598 = arith.constant 0 : i32
    %dma_wait3A_599 = tpu.memref_slice %arg6[%dma_wait3A_596, %dma_wait3A_597, %dma_wait3A_598] : memref<7x16x1024xf32, #tpu.memory_space<vmem>> -> memref<1x16x1024xf32, #tpu.memory_space<vmem>>
    %dma_wait3A_600 = tpu.memref_squeeze %dma_wait3A_599 : memref<1x16x1024xf32, #tpu.memory_space<vmem>> -> memref<16x1024xf32, #tpu.memory_space<vmem>>
    %dma_wait3A_601 = arith.constant 0 : i32
    %dma_wait3A_602 = tpu.memref_slice %arg4[%select_n3A, %add3A_580, %dma_wait3A_601] : memref<4x4096x1024xf32, #tpu.memory_space<hbm>> -> memref<1x16x1024xf32, #tpu.memory_space<hbm>>
    %dma_wait3A_603 = tpu.memref_squeeze %dma_wait3A_602 : memref<1x16x1024xf32, #tpu.memory_space<hbm>> -> memref<16x1024xf32, #tpu.memory_space<hbm>>
    %dma_wait3A_604 = arith.constant 0 : i32
    %dma_wait3A_605 = tpu.memref_slice %arg4[%select_n3A, %add3A_580, %dma_wait3A_604] : memref<4x4096x1024xf32, #tpu.memory_space<hbm>> -> memref<1x16x1024xf32, #tpu.memory_space<hbm>>
    %dma_wait3A_606 = tpu.memref_squeeze %dma_wait3A_605 : memref<1x16x1024xf32, #tpu.memory_space<hbm>> -> memref<16x1024xf32, #tpu.memory_space<hbm>>
    %dma_wait3A_607 = arith.constant 0 : i32
    %dma_wait3A_608 = arith.constant 0 : i32
    %dma_wait3A_609 = tpu.memref_slice %arg6[%dma_wait3A_596, %dma_wait3A_607, %dma_wait3A_608] : memref<7x16x1024xf32, #tpu.memory_space<vmem>> -> memref<1x16x1024xf32, #tpu.memory_space<vmem>>
    %dma_wait3A_610 = tpu.memref_squeeze %dma_wait3A_609 : memref<1x16x1024xf32, #tpu.memory_space<vmem>> -> memref<16x1024xf32, #tpu.memory_space<vmem>>
    tpu.wait_dma2 semaphore(%arg16 : memref<!tpu.dma_semaphore, #tpu.memory_space<semaphore_mem>>) src(%dma_wait3A_610 : memref<16x1024xf32, #tpu.memory_space<vmem>>) dst(%dma_wait3A_606 : memref<16x1024xf32, #tpu.memory_space<hbm>>)
    %dma_start3A_611 = arith.constant 2 : i32
    %dma_start3A_612 = arith.constant 0 : i32
    %dma_start3A_613 = arith.constant 0 : i32
    %dma_start3A_614 = tpu.memref_slice %arg6[%dma_start3A_611, %dma_start3A_612, %dma_start3A_613] : memref<7x16x1024xf32, #tpu.memory_space<vmem>> -> memref<1x16x1024xf32, #tpu.memory_space<vmem>>
    %dma_start3A_615 = tpu.memref_squeeze %dma_start3A_614 : memref<1x16x1024xf32, #tpu.memory_space<vmem>> -> memref<16x1024xf32, #tpu.memory_space<vmem>>
    %dma_start3A_616 = arith.constant 256 : i32
    %dma_start3A_617 = tpu.memref_slice %arg5[%dma_start3A_616] : memref<512xi32, #tpu.memory_space<vmem>> -> memref<16xi32, #tpu.memory_space<vmem>>
    %dma_start3A_618 = arith.constant 0 : i32
    %dma_start3A_619 = arith.constant 0 : i32
    %dma_start3A_620 = tpu.memref_slice %arg3[%dma_start3A_618, %dma_start3A_619] : memref<100000x1024xf32, #tpu.memory_space<hbm>> -> memref<100000x1024xf32, #tpu.memory_space<hbm>>
    tpu.enqueue_indirect_dma source(%dma_start3A_620 : memref<100000x1024xf32, #tpu.memory_space<hbm>>) target(%dma_start3A_615 : memref<16x1024xf32, #tpu.memory_space<vmem>>) offsets(%dma_start3A_617 : memref<16xi32, #tpu.memory_space<vmem>>) semaphore(%arg9 : memref<!tpu.dma_semaphore, #tpu.memory_space<semaphore_mem>>)
    %dma_wait3A_621 = arith.constant 3 : i32
    %dma_wait3A_622 = arith.constant 0 : i32
    %dma_wait3A_623 = arith.constant 0 : i32
    %dma_wait3A_624 = tpu.memref_slice %arg6[%dma_wait3A_621, %dma_wait3A_622, %dma_wait3A_623] : memref<7x16x1024xf32, #tpu.memory_space<vmem>> -> memref<1x16x1024xf32, #tpu.memory_space<vmem>>
    %dma_wait3A_625 = tpu.memref_squeeze %dma_wait3A_624 : memref<1x16x1024xf32, #tpu.memory_space<vmem>> -> memref<16x1024xf32, #tpu.memory_space<vmem>>
    %dma_wait3A_626 = arith.constant 160 : i32
    %dma_wait3A_627 = tpu.memref_slice %arg5[%dma_wait3A_626] : memref<512xi32, #tpu.memory_space<vmem>> -> memref<16xi32, #tpu.memory_space<vmem>>
    %dma_wait3A_628 = arith.constant 0 : i32
    %dma_wait3A_629 = arith.constant 0 : i32
    %dma_wait3A_630 = tpu.memref_slice %arg3[%dma_wait3A_628, %dma_wait3A_629] : memref<100000x1024xf32, #tpu.memory_space<hbm>> -> memref<100000x1024xf32, #tpu.memory_space<hbm>>
    tpu.wait_indirect_dma semaphore(%arg10 : memref<!tpu.dma_semaphore, #tpu.memory_space<semaphore_mem>>) src(%dma_wait3A_630 : memref<100000x1024xf32, #tpu.memory_space<hbm>>) dst(%dma_wait3A_625 : memref<16x1024xf32, #tpu.memory_space<vmem>>)
    %add3A_631 = arith.constant 160 : i32
    %add3A_632 = arith.addi %mul3A_32, %add3A_631 : i32
    %dma_start3A_633 = arith.constant 3 : i32
    %dma_start3A_634 = arith.constant 0 : i32
    %dma_start3A_635 = arith.constant 0 : i32
    %dma_start3A_636 = tpu.memref_slice %arg6[%dma_start3A_633, %dma_start3A_634, %dma_start3A_635] : memref<7x16x1024xf32, #tpu.memory_space<vmem>> -> memref<1x16x1024xf32, #tpu.memory_space<vmem>>
    %dma_start3A_637 = tpu.memref_squeeze %dma_start3A_636 : memref<1x16x1024xf32, #tpu.memory_space<vmem>> -> memref<16x1024xf32, #tpu.memory_space<vmem>>
    %dma_start3A_638 = arith.constant 0 : i32
    %dma_start3A_639 = tpu.memref_slice %arg4[%select_n3A, %add3A_632, %dma_start3A_638] : memref<4x4096x1024xf32, #tpu.memory_space<hbm>> -> memref<1x16x1024xf32, #tpu.memory_space<hbm>>
    %dma_start3A_640 = tpu.memref_squeeze %dma_start3A_639 : memref<1x16x1024xf32, #tpu.memory_space<hbm>> -> memref<16x1024xf32, #tpu.memory_space<hbm>>
    %dma_start3A_641 = arith.constant 0 : i32
    %dma_start3A_642 = tpu.memref_slice %arg4[%select_n3A, %add3A_632, %dma_start3A_641] : memref<4x4096x1024xf32, #tpu.memory_space<hbm>> -> memref<1x16x1024xf32, #tpu.memory_space<hbm>>
    %dma_start3A_643 = tpu.memref_squeeze %dma_start3A_642 : memref<1x16x1024xf32, #tpu.memory_space<hbm>> -> memref<16x1024xf32, #tpu.memory_space<hbm>>
    %dma_start3A_644 = arith.constant 0 : i32
    %dma_start3A_645 = arith.constant 0 : i32
    %dma_start3A_646 = tpu.memref_slice %arg6[%dma_start3A_633, %dma_start3A_644, %dma_start3A_645] : memref<7x16x1024xf32, #tpu.memory_space<vmem>> -> memref<1x16x1024xf32, #tpu.memory_space<vmem>>
    %dma_start3A_647 = tpu.memref_squeeze %dma_start3A_646 : memref<1x16x1024xf32, #tpu.memory_space<vmem>> -> memref<16x1024xf32, #tpu.memory_space<vmem>>
    tpu.enqueue_dma source(%dma_start3A_647 : memref<16x1024xf32, #tpu.memory_space<vmem>>) target(%dma_start3A_643 : memref<16x1024xf32, #tpu.memory_space<hbm>>) target_semaphore(%arg17 : memref<!tpu.dma_semaphore, #tpu.memory_space<semaphore_mem>>)
    %dma_wait3A_648 = arith.constant 3 : i32
    %dma_wait3A_649 = arith.constant 0 : i32
    %dma_wait3A_650 = arith.constant 0 : i32
    %dma_wait3A_651 = tpu.memref_slice %arg6[%dma_wait3A_648, %dma_wait3A_649, %dma_wait3A_650] : memref<7x16x1024xf32, #tpu.memory_space<vmem>> -> memref<1x16x1024xf32, #tpu.memory_space<vmem>>
    %dma_wait3A_652 = tpu.memref_squeeze %dma_wait3A_651 : memref<1x16x1024xf32, #tpu.memory_space<vmem>> -> memref<16x1024xf32, #tpu.memory_space<vmem>>
    %dma_wait3A_653 = arith.constant 0 : i32
    %dma_wait3A_654 = tpu.memref_slice %arg4[%select_n3A, %add3A_632, %dma_wait3A_653] : memref<4x4096x1024xf32, #tpu.memory_space<hbm>> -> memref<1x16x1024xf32, #tpu.memory_space<hbm>>
    %dma_wait3A_655 = tpu.memref_squeeze %dma_wait3A_654 : memref<1x16x1024xf32, #tpu.memory_space<hbm>> -> memref<16x1024xf32, #tpu.memory_space<hbm>>
    %dma_wait3A_656 = arith.constant 0 : i32
    %dma_wait3A_657 = tpu.memref_slice %arg4[%select_n3A, %add3A_632, %dma_wait3A_656] : memref<4x4096x1024xf32, #tpu.memory_space<hbm>> -> memref<1x16x1024xf32, #tpu.memory_space<hbm>>
    %dma_wait3A_658 = tpu.memref_squeeze %dma_wait3A_657 : memref<1x16x1024xf32, #tpu.memory_space<hbm>> -> memref<16x1024xf32, #tpu.memory_space<hbm>>
    %dma_wait3A_659 = arith.constant 0 : i32
    %dma_wait3A_660 = arith.constant 0 : i32
    %dma_wait3A_661 = tpu.memref_slice %arg6[%dma_wait3A_648, %dma_wait3A_659, %dma_wait3A_660] : memref<7x16x1024xf32, #tpu.memory_space<vmem>> -> memref<1x16x1024xf32, #tpu.memory_space<vmem>>
    %dma_wait3A_662 = tpu.memref_squeeze %dma_wait3A_661 : memref<1x16x1024xf32, #tpu.memory_space<vmem>> -> memref<16x1024xf32, #tpu.memory_space<vmem>>
    tpu.wait_dma2 semaphore(%arg17 : memref<!tpu.dma_semaphore, #tpu.memory_space<semaphore_mem>>) src(%dma_wait3A_662 : memref<16x1024xf32, #tpu.memory_space<vmem>>) dst(%dma_wait3A_658 : memref<16x1024xf32, #tpu.memory_space<hbm>>)
    %dma_start3A_663 = arith.constant 3 : i32
    %dma_start3A_664 = arith.constant 0 : i32
    %dma_start3A_665 = arith.constant 0 : i32
    %dma_start3A_666 = tpu.memref_slice %arg6[%dma_start3A_663, %dma_start3A_664, %dma_start3A_665] : memref<7x16x1024xf32, #tpu.memory_space<vmem>> -> memref<1x16x1024xf32, #tpu.memory_space<vmem>>
    %dma_start3A_667 = tpu.memref_squeeze %dma_start3A_666 : memref<1x16x1024xf32, #tpu.memory_space<vmem>> -> memref<16x1024xf32, #tpu.memory_space<vmem>>
    %dma_start3A_668 = arith.constant 272 : i32
    %dma_start3A_669 = tpu.memref_slice %arg5[%dma_start3A_668] : memref<512xi32, #tpu.memory_space<vmem>> -> memref<16xi32, #tpu.memory_space<vmem>>
    %dma_start3A_670 = arith.constant 0 : i32
    %dma_start3A_671 = arith.constant 0 : i32
    %dma_start3A_672 = tpu.memref_slice %arg3[%dma_start3A_670, %dma_start3A_671] : memref<100000x1024xf32, #tpu.memory_space<hbm>> -> memref<100000x1024xf32, #tpu.memory_space<hbm>>
    tpu.enqueue_indirect_dma source(%dma_start3A_672 : memref<100000x1024xf32, #tpu.memory_space<hbm>>) target(%dma_start3A_667 : memref<16x1024xf32, #tpu.memory_space<vmem>>) offsets(%dma_start3A_669 : memref<16xi32, #tpu.memory_space<vmem>>) semaphore(%arg10 : memref<!tpu.dma_semaphore, #tpu.memory_space<semaphore_mem>>)
    %dma_wait3A_673 = arith.constant 4 : i32
    %dma_wait3A_674 = arith.constant 0 : i32
    %dma_wait3A_675 = arith.constant 0 : i32
    %dma_wait3A_676 = tpu.memref_slice %arg6[%dma_wait3A_673, %dma_wait3A_674, %dma_wait3A_675] : memref<7x16x1024xf32, #tpu.memory_space<vmem>> -> memref<1x16x1024xf32, #tpu.memory_space<vmem>>
    %dma_wait3A_677 = tpu.memref_squeeze %dma_wait3A_676 : memref<1x16x1024xf32, #tpu.memory_space<vmem>> -> memref<16x1024xf32, #tpu.memory_space<vmem>>
    %dma_wait3A_678 = arith.constant 176 : i32
    %dma_wait3A_679 = tpu.memref_slice %arg5[%dma_wait3A_678] : memref<512xi32, #tpu.memory_space<vmem>> -> memref<16xi32, #tpu.memory_space<vmem>>
    %dma_wait3A_680 = arith.constant 0 : i32
    %dma_wait3A_681 = arith.constant 0 : i32
    %dma_wait3A_682 = tpu.memref_slice %arg3[%dma_wait3A_680, %dma_wait3A_681] : memref<100000x1024xf32, #tpu.memory_space<hbm>> -> memref<100000x1024xf32, #tpu.memory_space<hbm>>
    tpu.wait_indirect_dma semaphore(%arg11 : memref<!tpu.dma_semaphore, #tpu.memory_space<semaphore_mem>>) src(%dma_wait3A_682 : memref<100000x1024xf32, #tpu.memory_space<hbm>>) dst(%dma_wait3A_677 : memref<16x1024xf32, #tpu.memory_space<vmem>>)
    %add3A_683 = arith.constant 176 : i32
    %add3A_684 = arith.addi %mul3A_32, %add3A_683 : i32
    %dma_start3A_685 = arith.constant 4 : i32
    %dma_start3A_686 = arith.constant 0 : i32
    %dma_start3A_687 = arith.constant 0 : i32
    %dma_start3A_688 = tpu.memref_slice %arg6[%dma_start3A_685, %dma_start3A_686, %dma_start3A_687] : memref<7x16x1024xf32, #tpu.memory_space<vmem>> -> memref<1x16x1024xf32, #tpu.memory_space<vmem>>
    %dma_start3A_689 = tpu.memref_squeeze %dma_start3A_688 : memref<1x16x1024xf32, #tpu.memory_space<vmem>> -> memref<16x1024xf32, #tpu.memory_space<vmem>>
    %dma_start3A_690 = arith.constant 0 : i32
    %dma_start3A_691 = tpu.memref_slice %arg4[%select_n3A, %add3A_684, %dma_start3A_690] : memref<4x4096x1024xf32, #tpu.memory_space<hbm>> -> memref<1x16x1024xf32, #tpu.memory_space<hbm>>
    %dma_start3A_692 = tpu.memref_squeeze %dma_start3A_691 : memref<1x16x1024xf32, #tpu.memory_space<hbm>> -> memref<16x1024xf32, #tpu.memory_space<hbm>>
    %dma_start3A_693 = arith.constant 0 : i32
    %dma_start3A_694 = tpu.memref_slice %arg4[%select_n3A, %add3A_684, %dma_start3A_693] : memref<4x4096x1024xf32, #tpu.memory_space<hbm>> -> memref<1x16x1024xf32, #tpu.memory_space<hbm>>
    %dma_start3A_695 = tpu.memref_squeeze %dma_start3A_694 : memref<1x16x1024xf32, #tpu.memory_space<hbm>> -> memref<16x1024xf32, #tpu.memory_space<hbm>>
    %dma_start3A_696 = arith.constant 0 : i32
    %dma_start3A_697 = arith.constant 0 : i32
    %dma_start3A_698 = tpu.memref_slice %arg6[%dma_start3A_685, %dma_start3A_696, %dma_start3A_697] : memref<7x16x1024xf32, #tpu.memory_space<vmem>> -> memref<1x16x1024xf32, #tpu.memory_space<vmem>>
    %dma_start3A_699 = tpu.memref_squeeze %dma_start3A_698 : memref<1x16x1024xf32, #tpu.memory_space<vmem>> -> memref<16x1024xf32, #tpu.memory_space<vmem>>
    tpu.enqueue_dma source(%dma_start3A_699 : memref<16x1024xf32, #tpu.memory_space<vmem>>) target(%dma_start3A_695 : memref<16x1024xf32, #tpu.memory_space<hbm>>) target_semaphore(%arg18 : memref<!tpu.dma_semaphore, #tpu.memory_space<semaphore_mem>>)
    %dma_wait3A_700 = arith.constant 4 : i32
    %dma_wait3A_701 = arith.constant 0 : i32
    %dma_wait3A_702 = arith.constant 0 : i32
    %dma_wait3A_703 = tpu.memref_slice %arg6[%dma_wait3A_700, %dma_wait3A_701, %dma_wait3A_702] : memref<7x16x1024xf32, #tpu.memory_space<vmem>> -> memref<1x16x1024xf32, #tpu.memory_space<vmem>>
    %dma_wait3A_704 = tpu.memref_squeeze %dma_wait3A_703 : memref<1x16x1024xf32, #tpu.memory_space<vmem>> -> memref<16x1024xf32, #tpu.memory_space<vmem>>
    %dma_wait3A_705 = arith.constant 0 : i32
    %dma_wait3A_706 = tpu.memref_slice %arg4[%select_n3A, %add3A_684, %dma_wait3A_705] : memref<4x4096x1024xf32, #tpu.memory_space<hbm>> -> memref<1x16x1024xf32, #tpu.memory_space<hbm>>
    %dma_wait3A_707 = tpu.memref_squeeze %dma_wait3A_706 : memref<1x16x1024xf32, #tpu.memory_space<hbm>> -> memref<16x1024xf32, #tpu.memory_space<hbm>>
    %dma_wait3A_708 = arith.constant 0 : i32
    %dma_wait3A_709 = tpu.memref_slice %arg4[%select_n3A, %add3A_684, %dma_wait3A_708] : memref<4x4096x1024xf32, #tpu.memory_space<hbm>> -> memref<1x16x1024xf32, #tpu.memory_space<hbm>>
    %dma_wait3A_710 = tpu.memref_squeeze %dma_wait3A_709 : memref<1x16x1024xf32, #tpu.memory_space<hbm>> -> memref<16x1024xf32, #tpu.memory_space<hbm>>
    %dma_wait3A_711 = arith.constant 0 : i32
    %dma_wait3A_712 = arith.constant 0 : i32
    %dma_wait3A_713 = tpu.memref_slice %arg6[%dma_wait3A_700, %dma_wait3A_711, %dma_wait3A_712] : memref<7x16x1024xf32, #tpu.memory_space<vmem>> -> memref<1x16x1024xf32, #tpu.memory_space<vmem>>
    %dma_wait3A_714 = tpu.memref_squeeze %dma_wait3A_713 : memref<1x16x1024xf32, #tpu.memory_space<vmem>> -> memref<16x1024xf32, #tpu.memory_space<vmem>>
    tpu.wait_dma2 semaphore(%arg18 : memref<!tpu.dma_semaphore, #tpu.memory_space<semaphore_mem>>) src(%dma_wait3A_714 : memref<16x1024xf32, #tpu.memory_space<vmem>>) dst(%dma_wait3A_710 : memref<16x1024xf32, #tpu.memory_space<hbm>>)
    %dma_start3A_715 = arith.constant 4 : i32
    %dma_start3A_716 = arith.constant 0 : i32
    %dma_start3A_717 = arith.constant 0 : i32
    %dma_start3A_718 = tpu.memref_slice %arg6[%dma_start3A_715, %dma_start3A_716, %dma_start3A_717] : memref<7x16x1024xf32, #tpu.memory_space<vmem>> -> memref<1x16x1024xf32, #tpu.memory_space<vmem>>
    %dma_start3A_719 = tpu.memref_squeeze %dma_start3A_718 : memref<1x16x1024xf32, #tpu.memory_space<vmem>> -> memref<16x1024xf32, #tpu.memory_space<vmem>>
    %dma_start3A_720 = arith.constant 288 : i32
    %dma_start3A_721 = tpu.memref_slice %arg5[%dma_start3A_720] : memref<512xi32, #tpu.memory_space<vmem>> -> memref<16xi32, #tpu.memory_space<vmem>>
    %dma_start3A_722 = arith.constant 0 : i32
    %dma_start3A_723 = arith.constant 0 : i32
    %dma_start3A_724 = tpu.memref_slice %arg3[%dma_start3A_722, %dma_start3A_723] : memref<100000x1024xf32, #tpu.memory_space<hbm>> -> memref<100000x1024xf32, #tpu.memory_space<hbm>>
    tpu.enqueue_indirect_dma source(%dma_start3A_724 : memref<100000x1024xf32, #tpu.memory_space<hbm>>) target(%dma_start3A_719 : memref<16x1024xf32, #tpu.memory_space<vmem>>) offsets(%dma_start3A_721 : memref<16xi32, #tpu.memory_space<vmem>>) semaphore(%arg11 : memref<!tpu.dma_semaphore, #tpu.memory_space<semaphore_mem>>)
    %dma_wait3A_725 = arith.constant 5 : i32
    %dma_wait3A_726 = arith.constant 0 : i32
    %dma_wait3A_727 = arith.constant 0 : i32
    %dma_wait3A_728 = tpu.memref_slice %arg6[%dma_wait3A_725, %dma_wait3A_726, %dma_wait3A_727] : memref<7x16x1024xf32, #tpu.memory_space<vmem>> -> memref<1x16x1024xf32, #tpu.memory_space<vmem>>
    %dma_wait3A_729 = tpu.memref_squeeze %dma_wait3A_728 : memref<1x16x1024xf32, #tpu.memory_space<vmem>> -> memref<16x1024xf32, #tpu.memory_space<vmem>>
    %dma_wait3A_730 = arith.constant 192 : i32
    %dma_wait3A_731 = tpu.memref_slice %arg5[%dma_wait3A_730] : memref<512xi32, #tpu.memory_space<vmem>> -> memref<16xi32, #tpu.memory_space<vmem>>
    %dma_wait3A_732 = arith.constant 0 : i32
    %dma_wait3A_733 = arith.constant 0 : i32
    %dma_wait3A_734 = tpu.memref_slice %arg3[%dma_wait3A_732, %dma_wait3A_733] : memref<100000x1024xf32, #tpu.memory_space<hbm>> -> memref<100000x1024xf32, #tpu.memory_space<hbm>>
    tpu.wait_indirect_dma semaphore(%arg12 : memref<!tpu.dma_semaphore, #tpu.memory_space<semaphore_mem>>) src(%dma_wait3A_734 : memref<100000x1024xf32, #tpu.memory_space<hbm>>) dst(%dma_wait3A_729 : memref<16x1024xf32, #tpu.memory_space<vmem>>)
    %add3A_735 = arith.constant 192 : i32
    %add3A_736 = arith.addi %mul3A_32, %add3A_735 : i32
    %dma_start3A_737 = arith.constant 5 : i32
    %dma_start3A_738 = arith.constant 0 : i32
    %dma_start3A_739 = arith.constant 0 : i32
    %dma_start3A_740 = tpu.memref_slice %arg6[%dma_start3A_737, %dma_start3A_738, %dma_start3A_739] : memref<7x16x1024xf32, #tpu.memory_space<vmem>> -> memref<1x16x1024xf32, #tpu.memory_space<vmem>>
    %dma_start3A_741 = tpu.memref_squeeze %dma_start3A_740 : memref<1x16x1024xf32, #tpu.memory_space<vmem>> -> memref<16x1024xf32, #tpu.memory_space<vmem>>
    %dma_start3A_742 = arith.constant 0 : i32
    %dma_start3A_743 = tpu.memref_slice %arg4[%select_n3A, %add3A_736, %dma_start3A_742] : memref<4x4096x1024xf32, #tpu.memory_space<hbm>> -> memref<1x16x1024xf32, #tpu.memory_space<hbm>>
    %dma_start3A_744 = tpu.memref_squeeze %dma_start3A_743 : memref<1x16x1024xf32, #tpu.memory_space<hbm>> -> memref<16x1024xf32, #tpu.memory_space<hbm>>
    %dma_start3A_745 = arith.constant 0 : i32
    %dma_start3A_746 = tpu.memref_slice %arg4[%select_n3A, %add3A_736, %dma_start3A_745] : memref<4x4096x1024xf32, #tpu.memory_space<hbm>> -> memref<1x16x1024xf32, #tpu.memory_space<hbm>>
    %dma_start3A_747 = tpu.memref_squeeze %dma_start3A_746 : memref<1x16x1024xf32, #tpu.memory_space<hbm>> -> memref<16x1024xf32, #tpu.memory_space<hbm>>
    %dma_start3A_748 = arith.constant 0 : i32
    %dma_start3A_749 = arith.constant 0 : i32
    %dma_start3A_750 = tpu.memref_slice %arg6[%dma_start3A_737, %dma_start3A_748, %dma_start3A_749] : memref<7x16x1024xf32, #tpu.memory_space<vmem>> -> memref<1x16x1024xf32, #tpu.memory_space<vmem>>
    %dma_start3A_751 = tpu.memref_squeeze %dma_start3A_750 : memref<1x16x1024xf32, #tpu.memory_space<vmem>> -> memref<16x1024xf32, #tpu.memory_space<vmem>>
    tpu.enqueue_dma source(%dma_start3A_751 : memref<16x1024xf32, #tpu.memory_space<vmem>>) target(%dma_start3A_747 : memref<16x1024xf32, #tpu.memory_space<hbm>>) target_semaphore(%arg19 : memref<!tpu.dma_semaphore, #tpu.memory_space<semaphore_mem>>)
    %dma_wait3A_752 = arith.constant 5 : i32
    %dma_wait3A_753 = arith.constant 0 : i32
    %dma_wait3A_754 = arith.constant 0 : i32
    %dma_wait3A_755 = tpu.memref_slice %arg6[%dma_wait3A_752, %dma_wait3A_753, %dma_wait3A_754] : memref<7x16x1024xf32, #tpu.memory_space<vmem>> -> memref<1x16x1024xf32, #tpu.memory_space<vmem>>
    %dma_wait3A_756 = tpu.memref_squeeze %dma_wait3A_755 : memref<1x16x1024xf32, #tpu.memory_space<vmem>> -> memref<16x1024xf32, #tpu.memory_space<vmem>>
    %dma_wait3A_757 = arith.constant 0 : i32
    %dma_wait3A_758 = tpu.memref_slice %arg4[%select_n3A, %add3A_736, %dma_wait3A_757] : memref<4x4096x1024xf32, #tpu.memory_space<hbm>> -> memref<1x16x1024xf32, #tpu.memory_space<hbm>>
    %dma_wait3A_759 = tpu.memref_squeeze %dma_wait3A_758 : memref<1x16x1024xf32, #tpu.memory_space<hbm>> -> memref<16x1024xf32, #tpu.memory_space<hbm>>
    %dma_wait3A_760 = arith.constant 0 : i32
    %dma_wait3A_761 = tpu.memref_slice %arg4[%select_n3A, %add3A_736, %dma_wait3A_760] : memref<4x4096x1024xf32, #tpu.memory_space<hbm>> -> memref<1x16x1024xf32, #tpu.memory_space<hbm>>
    %dma_wait3A_762 = tpu.memref_squeeze %dma_wait3A_761 : memref<1x16x1024xf32, #tpu.memory_space<hbm>> -> memref<16x1024xf32, #tpu.memory_space<hbm>>
    %dma_wait3A_763 = arith.constant 0 : i32
    %dma_wait3A_764 = arith.constant 0 : i32
    %dma_wait3A_765 = tpu.memref_slice %arg6[%dma_wait3A_752, %dma_wait3A_763, %dma_wait3A_764] : memref<7x16x1024xf32, #tpu.memory_space<vmem>> -> memref<1x16x1024xf32, #tpu.memory_space<vmem>>
    %dma_wait3A_766 = tpu.memref_squeeze %dma_wait3A_765 : memref<1x16x1024xf32, #tpu.memory_space<vmem>> -> memref<16x1024xf32, #tpu.memory_space<vmem>>
    tpu.wait_dma2 semaphore(%arg19 : memref<!tpu.dma_semaphore, #tpu.memory_space<semaphore_mem>>) src(%dma_wait3A_766 : memref<16x1024xf32, #tpu.memory_space<vmem>>) dst(%dma_wait3A_762 : memref<16x1024xf32, #tpu.memory_space<hbm>>)
    %dma_start3A_767 = arith.constant 5 : i32
    %dma_start3A_768 = arith.constant 0 : i32
    %dma_start3A_769 = arith.constant 0 : i32
    %dma_start3A_770 = tpu.memref_slice %arg6[%dma_start3A_767, %dma_start3A_768, %dma_start3A_769] : memref<7x16x1024xf32, #tpu.memory_space<vmem>> -> memref<1x16x1024xf32, #tpu.memory_space<vmem>>
    %dma_start3A_771 = tpu.memref_squeeze %dma_start3A_770 : memref<1x16x1024xf32, #tpu.memory_space<vmem>> -> memref<16x1024xf32, #tpu.memory_space<vmem>>
    %dma_start3A_772 = arith.constant 304 : i32
    %dma_start3A_773 = tpu.memref_slice %arg5[%dma_start3A_772] : memref<512xi32, #tpu.memory_space<vmem>> -> memref<16xi32, #tpu.memory_space<vmem>>
    %dma_start3A_774 = arith.constant 0 : i32
    %dma_start3A_775 = arith.constant 0 : i32
    %dma_start3A_776 = tpu.memref_slice %arg3[%dma_start3A_774, %dma_start3A_775] : memref<100000x1024xf32, #tpu.memory_space<hbm>> -> memref<100000x1024xf32, #tpu.memory_space<hbm>>
    tpu.enqueue_indirect_dma source(%dma_start3A_776 : memref<100000x1024xf32, #tpu.memory_space<hbm>>) target(%dma_start3A_771 : memref<16x1024xf32, #tpu.memory_space<vmem>>) offsets(%dma_start3A_773 : memref<16xi32, #tpu.memory_space<vmem>>) semaphore(%arg12 : memref<!tpu.dma_semaphore, #tpu.memory_space<semaphore_mem>>)
    %dma_wait3A_777 = arith.constant 6 : i32
    %dma_wait3A_778 = arith.constant 0 : i32
    %dma_wait3A_779 = arith.constant 0 : i32
    %dma_wait3A_780 = tpu.memref_slice %arg6[%dma_wait3A_777, %dma_wait3A_778, %dma_wait3A_779] : memref<7x16x1024xf32, #tpu.memory_space<vmem>> -> memref<1x16x1024xf32, #tpu.memory_space<vmem>>
    %dma_wait3A_781 = tpu.memref_squeeze %dma_wait3A_780 : memref<1x16x1024xf32, #tpu.memory_space<vmem>> -> memref<16x1024xf32, #tpu.memory_space<vmem>>
    %dma_wait3A_782 = arith.constant 208 : i32
    %dma_wait3A_783 = tpu.memref_slice %arg5[%dma_wait3A_782] : memref<512xi32, #tpu.memory_space<vmem>> -> memref<16xi32, #tpu.memory_space<vmem>>
    %dma_wait3A_784 = arith.constant 0 : i32
    %dma_wait3A_785 = arith.constant 0 : i32
    %dma_wait3A_786 = tpu.memref_slice %arg3[%dma_wait3A_784, %dma_wait3A_785] : memref<100000x1024xf32, #tpu.memory_space<hbm>> -> memref<100000x1024xf32, #tpu.memory_space<hbm>>
    tpu.wait_indirect_dma semaphore(%arg13 : memref<!tpu.dma_semaphore, #tpu.memory_space<semaphore_mem>>) src(%dma_wait3A_786 : memref<100000x1024xf32, #tpu.memory_space<hbm>>) dst(%dma_wait3A_781 : memref<16x1024xf32, #tpu.memory_space<vmem>>)
    %add3A_787 = arith.constant 208 : i32
    %add3A_788 = arith.addi %mul3A_32, %add3A_787 : i32
    %dma_start3A_789 = arith.constant 6 : i32
    %dma_start3A_790 = arith.constant 0 : i32
    %dma_start3A_791 = arith.constant 0 : i32
    %dma_start3A_792 = tpu.memref_slice %arg6[%dma_start3A_789, %dma_start3A_790, %dma_start3A_791] : memref<7x16x1024xf32, #tpu.memory_space<vmem>> -> memref<1x16x1024xf32, #tpu.memory_space<vmem>>
    %dma_start3A_793 = tpu.memref_squeeze %dma_start3A_792 : memref<1x16x1024xf32, #tpu.memory_space<vmem>> -> memref<16x1024xf32, #tpu.memory_space<vmem>>
    %dma_start3A_794 = arith.constant 0 : i32
    %dma_start3A_795 = tpu.memref_slice %arg4[%select_n3A, %add3A_788, %dma_start3A_794] : memref<4x4096x1024xf32, #tpu.memory_space<hbm>> -> memref<1x16x1024xf32, #tpu.memory_space<hbm>>
    %dma_start3A_796 = tpu.memref_squeeze %dma_start3A_795 : memref<1x16x1024xf32, #tpu.memory_space<hbm>> -> memref<16x1024xf32, #tpu.memory_space<hbm>>
    %dma_start3A_797 = arith.constant 0 : i32
    %dma_start3A_798 = tpu.memref_slice %arg4[%select_n3A, %add3A_788, %dma_start3A_797] : memref<4x4096x1024xf32, #tpu.memory_space<hbm>> -> memref<1x16x1024xf32, #tpu.memory_space<hbm>>
    %dma_start3A_799 = tpu.memref_squeeze %dma_start3A_798 : memref<1x16x1024xf32, #tpu.memory_space<hbm>> -> memref<16x1024xf32, #tpu.memory_space<hbm>>
    %dma_start3A_800 = arith.constant 0 : i32
    %dma_start3A_801 = arith.constant 0 : i32
    %dma_start3A_802 = tpu.memref_slice %arg6[%dma_start3A_789, %dma_start3A_800, %dma_start3A_801] : memref<7x16x1024xf32, #tpu.memory_space<vmem>> -> memref<1x16x1024xf32, #tpu.memory_space<vmem>>
    %dma_start3A_803 = tpu.memref_squeeze %dma_start3A_802 : memref<1x16x1024xf32, #tpu.memory_space<vmem>> -> memref<16x1024xf32, #tpu.memory_space<vmem>>
    tpu.enqueue_dma source(%dma_start3A_803 : memref<16x1024xf32, #tpu.memory_space<vmem>>) target(%dma_start3A_799 : memref<16x1024xf32, #tpu.memory_space<hbm>>) target_semaphore(%arg20 : memref<!tpu.dma_semaphore, #tpu.memory_space<semaphore_mem>>)
    %dma_wait3A_804 = arith.constant 6 : i32
    %dma_wait3A_805 = arith.constant 0 : i32
    %dma_wait3A_806 = arith.constant 0 : i32
    %dma_wait3A_807 = tpu.memref_slice %arg6[%dma_wait3A_804, %dma_wait3A_805, %dma_wait3A_806] : memref<7x16x1024xf32, #tpu.memory_space<vmem>> -> memref<1x16x1024xf32, #tpu.memory_space<vmem>>
    %dma_wait3A_808 = tpu.memref_squeeze %dma_wait3A_807 : memref<1x16x1024xf32, #tpu.memory_space<vmem>> -> memref<16x1024xf32, #tpu.memory_space<vmem>>
    %dma_wait3A_809 = arith.constant 0 : i32
    %dma_wait3A_810 = tpu.memref_slice %arg4[%select_n3A, %add3A_788, %dma_wait3A_809] : memref<4x4096x1024xf32, #tpu.memory_space<hbm>> -> memref<1x16x1024xf32, #tpu.memory_space<hbm>>
    %dma_wait3A_811 = tpu.memref_squeeze %dma_wait3A_810 : memref<1x16x1024xf32, #tpu.memory_space<hbm>> -> memref<16x1024xf32, #tpu.memory_space<hbm>>
    %dma_wait3A_812 = arith.constant 0 : i32
    %dma_wait3A_813 = tpu.memref_slice %arg4[%select_n3A, %add3A_788, %dma_wait3A_812] : memref<4x4096x1024xf32, #tpu.memory_space<hbm>> -> memref<1x16x1024xf32, #tpu.memory_space<hbm>>
    %dma_wait3A_814 = tpu.memref_squeeze %dma_wait3A_813 : memref<1x16x1024xf32, #tpu.memory_space<hbm>> -> memref<16x1024xf32, #tpu.memory_space<hbm>>
    %dma_wait3A_815 = arith.constant 0 : i32
    %dma_wait3A_816 = arith.constant 0 : i32
    %dma_wait3A_817 = tpu.memref_slice %arg6[%dma_wait3A_804, %dma_wait3A_815, %dma_wait3A_816] : memref<7x16x1024xf32, #tpu.memory_space<vmem>> -> memref<1x16x1024xf32, #tpu.memory_space<vmem>>
    %dma_wait3A_818 = tpu.memref_squeeze %dma_wait3A_817 : memref<1x16x1024xf32, #tpu.memory_space<vmem>> -> memref<16x1024xf32, #tpu.memory_space<vmem>>
    tpu.wait_dma2 semaphore(%arg20 : memref<!tpu.dma_semaphore, #tpu.memory_space<semaphore_mem>>) src(%dma_wait3A_818 : memref<16x1024xf32, #tpu.memory_space<vmem>>) dst(%dma_wait3A_814 : memref<16x1024xf32, #tpu.memory_space<hbm>>)
    %dma_start3A_819 = arith.constant 6 : i32
    %dma_start3A_820 = arith.constant 0 : i32
    %dma_start3A_821 = arith.constant 0 : i32
    %dma_start3A_822 = tpu.memref_slice %arg6[%dma_start3A_819, %dma_start3A_820, %dma_start3A_821] : memref<7x16x1024xf32, #tpu.memory_space<vmem>> -> memref<1x16x1024xf32, #tpu.memory_space<vmem>>
    %dma_start3A_823 = tpu.memref_squeeze %dma_start3A_822 : memref<1x16x1024xf32, #tpu.memory_space<vmem>> -> memref<16x1024xf32, #tpu.memory_space<vmem>>
    %dma_start3A_824 = arith.constant 320 : i32
    %dma_start3A_825 = tpu.memref_slice %arg5[%dma_start3A_824] : memref<512xi32, #tpu.memory_space<vmem>> -> memref<16xi32, #tpu.memory_space<vmem>>
    %dma_start3A_826 = arith.constant 0 : i32
    %dma_start3A_827 = arith.constant 0 : i32
    %dma_start3A_828 = tpu.memref_slice %arg3[%dma_start3A_826, %dma_start3A_827] : memref<100000x1024xf32, #tpu.memory_space<hbm>> -> memref<100000x1024xf32, #tpu.memory_space<hbm>>
    tpu.enqueue_indirect_dma source(%dma_start3A_828 : memref<100000x1024xf32, #tpu.memory_space<hbm>>) target(%dma_start3A_823 : memref<16x1024xf32, #tpu.memory_space<vmem>>) offsets(%dma_start3A_825 : memref<16xi32, #tpu.memory_space<vmem>>) semaphore(%arg13 : memref<!tpu.dma_semaphore, #tpu.memory_space<semaphore_mem>>)
    %dma_wait3A_829 = arith.constant 0 : i32
    %dma_wait3A_830 = arith.constant 0 : i32
    %dma_wait3A_831 = arith.constant 0 : i32
    %dma_wait3A_832 = tpu.memref_slice %arg6[%dma_wait3A_829, %dma_wait3A_830, %dma_wait3A_831] : memref<7x16x1024xf32, #tpu.memory_space<vmem>> -> memref<1x16x1024xf32, #tpu.memory_space<vmem>>
    %dma_wait3A_833 = tpu.memref_squeeze %dma_wait3A_832 : memref<1x16x1024xf32, #tpu.memory_space<vmem>> -> memref<16x1024xf32, #tpu.memory_space<vmem>>
    %dma_wait3A_834 = arith.constant 224 : i32
    %dma_wait3A_835 = tpu.memref_slice %arg5[%dma_wait3A_834] : memref<512xi32, #tpu.memory_space<vmem>> -> memref<16xi32, #tpu.memory_space<vmem>>
    %dma_wait3A_836 = arith.constant 0 : i32
    %dma_wait3A_837 = arith.constant 0 : i32
    %dma_wait3A_838 = tpu.memref_slice %arg3[%dma_wait3A_836, %dma_wait3A_837] : memref<100000x1024xf32, #tpu.memory_space<hbm>> -> memref<100000x1024xf32, #tpu.memory_space<hbm>>
    tpu.wait_indirect_dma semaphore(%arg7 : memref<!tpu.dma_semaphore, #tpu.memory_space<semaphore_mem>>) src(%dma_wait3A_838 : memref<100000x1024xf32, #tpu.memory_space<hbm>>) dst(%dma_wait3A_833 : memref<16x1024xf32, #tpu.memory_space<vmem>>)
    %add3A_839 = arith.constant 224 : i32
    %add3A_840 = arith.addi %mul3A_32, %add3A_839 : i32
    %dma_start3A_841 = arith.constant 0 : i32
    %dma_start3A_842 = arith.constant 0 : i32
    %dma_start3A_843 = arith.constant 0 : i32
    %dma_start3A_844 = tpu.memref_slice %arg6[%dma_start3A_841, %dma_start3A_842, %dma_start3A_843] : memref<7x16x1024xf32, #tpu.memory_space<vmem>> -> memref<1x16x1024xf32, #tpu.memory_space<vmem>>
    %dma_start3A_845 = tpu.memref_squeeze %dma_start3A_844 : memref<1x16x1024xf32, #tpu.memory_space<vmem>> -> memref<16x1024xf32, #tpu.memory_space<vmem>>
    %dma_start3A_846 = arith.constant 0 : i32
    %dma_start3A_847 = tpu.memref_slice %arg4[%select_n3A, %add3A_840, %dma_start3A_846] : memref<4x4096x1024xf32, #tpu.memory_space<hbm>> -> memref<1x16x1024xf32, #tpu.memory_space<hbm>>
    %dma_start3A_848 = tpu.memref_squeeze %dma_start3A_847 : memref<1x16x1024xf32, #tpu.memory_space<hbm>> -> memref<16x1024xf32, #tpu.memory_space<hbm>>
    %dma_start3A_849 = arith.constant 0 : i32
    %dma_start3A_850 = tpu.memref_slice %arg4[%select_n3A, %add3A_840, %dma_start3A_849] : memref<4x4096x1024xf32, #tpu.memory_space<hbm>> -> memref<1x16x1024xf32, #tpu.memory_space<hbm>>
    %dma_start3A_851 = tpu.memref_squeeze %dma_start3A_850 : memref<1x16x1024xf32, #tpu.memory_space<hbm>> -> memref<16x1024xf32, #tpu.memory_space<hbm>>
    %dma_start3A_852 = arith.constant 0 : i32
    %dma_start3A_853 = arith.constant 0 : i32
    %dma_start3A_854 = tpu.memref_slice %arg6[%dma_start3A_841, %dma_start3A_852, %dma_start3A_853] : memref<7x16x1024xf32, #tpu.memory_space<vmem>> -> memref<1x16x1024xf32, #tpu.memory_space<vmem>>
    %dma_start3A_855 = tpu.memref_squeeze %dma_start3A_854 : memref<1x16x1024xf32, #tpu.memory_space<vmem>> -> memref<16x1024xf32, #tpu.memory_space<vmem>>
    tpu.enqueue_dma source(%dma_start3A_855 : memref<16x1024xf32, #tpu.memory_space<vmem>>) target(%dma_start3A_851 : memref<16x1024xf32, #tpu.memory_space<hbm>>) target_semaphore(%arg14 : memref<!tpu.dma_semaphore, #tpu.memory_space<semaphore_mem>>)
    %dma_wait3A_856 = arith.constant 0 : i32
    %dma_wait3A_857 = arith.constant 0 : i32
    %dma_wait3A_858 = arith.constant 0 : i32
    %dma_wait3A_859 = tpu.memref_slice %arg6[%dma_wait3A_856, %dma_wait3A_857, %dma_wait3A_858] : memref<7x16x1024xf32, #tpu.memory_space<vmem>> -> memref<1x16x1024xf32, #tpu.memory_space<vmem>>
    %dma_wait3A_860 = tpu.memref_squeeze %dma_wait3A_859 : memref<1x16x1024xf32, #tpu.memory_space<vmem>> -> memref<16x1024xf32, #tpu.memory_space<vmem>>
    %dma_wait3A_861 = arith.constant 0 : i32
    %dma_wait3A_862 = tpu.memref_slice %arg4[%select_n3A, %add3A_840, %dma_wait3A_861] : memref<4x4096x1024xf32, #tpu.memory_space<hbm>> -> memref<1x16x1024xf32, #tpu.memory_space<hbm>>
    %dma_wait3A_863 = tpu.memref_squeeze %dma_wait3A_862 : memref<1x16x1024xf32, #tpu.memory_space<hbm>> -> memref<16x1024xf32, #tpu.memory_space<hbm>>
    %dma_wait3A_864 = arith.constant 0 : i32
    %dma_wait3A_865 = tpu.memref_slice %arg4[%select_n3A, %add3A_840, %dma_wait3A_864] : memref<4x4096x1024xf32, #tpu.memory_space<hbm>> -> memref<1x16x1024xf32, #tpu.memory_space<hbm>>
    %dma_wait3A_866 = tpu.memref_squeeze %dma_wait3A_865 : memref<1x16x1024xf32, #tpu.memory_space<hbm>> -> memref<16x1024xf32, #tpu.memory_space<hbm>>
    %dma_wait3A_867 = arith.constant 0 : i32
    %dma_wait3A_868 = arith.constant 0 : i32
    %dma_wait3A_869 = tpu.memref_slice %arg6[%dma_wait3A_856, %dma_wait3A_867, %dma_wait3A_868] : memref<7x16x1024xf32, #tpu.memory_space<vmem>> -> memref<1x16x1024xf32, #tpu.memory_space<vmem>>
    %dma_wait3A_870 = tpu.memref_squeeze %dma_wait3A_869 : memref<1x16x1024xf32, #tpu.memory_space<vmem>> -> memref<16x1024xf32, #tpu.memory_space<vmem>>
    tpu.wait_dma2 semaphore(%arg14 : memref<!tpu.dma_semaphore, #tpu.memory_space<semaphore_mem>>) src(%dma_wait3A_870 : memref<16x1024xf32, #tpu.memory_space<vmem>>) dst(%dma_wait3A_866 : memref<16x1024xf32, #tpu.memory_space<hbm>>)
    %dma_start3A_871 = arith.constant 0 : i32
    %dma_start3A_872 = arith.constant 0 : i32
    %dma_start3A_873 = arith.constant 0 : i32
    %dma_start3A_874 = tpu.memref_slice %arg6[%dma_start3A_871, %dma_start3A_872, %dma_start3A_873] : memref<7x16x1024xf32, #tpu.memory_space<vmem>> -> memref<1x16x1024xf32, #tpu.memory_space<vmem>>
    %dma_start3A_875 = tpu.memref_squeeze %dma_start3A_874 : memref<1x16x1024xf32, #tpu.memory_space<vmem>> -> memref<16x1024xf32, #tpu.memory_space<vmem>>
    %dma_start3A_876 = arith.constant 336 : i32
    %dma_start3A_877 = tpu.memref_slice %arg5[%dma_start3A_876] : memref<512xi32, #tpu.memory_space<vmem>> -> memref<16xi32, #tpu.memory_space<vmem>>
    %dma_start3A_878 = arith.constant 0 : i32
    %dma_start3A_879 = arith.constant 0 : i32
    %dma_start3A_880 = tpu.memref_slice %arg3[%dma_start3A_878, %dma_start3A_879] : memref<100000x1024xf32, #tpu.memory_space<hbm>> -> memref<100000x1024xf32, #tpu.memory_space<hbm>>
    tpu.enqueue_indirect_dma source(%dma_start3A_880 : memref<100000x1024xf32, #tpu.memory_space<hbm>>) target(%dma_start3A_875 : memref<16x1024xf32, #tpu.memory_space<vmem>>) offsets(%dma_start3A_877 : memref<16xi32, #tpu.memory_space<vmem>>) semaphore(%arg7 : memref<!tpu.dma_semaphore, #tpu.memory_space<semaphore_mem>>)
    %dma_wait3A_881 = arith.constant 1 : i32
    %dma_wait3A_882 = arith.constant 0 : i32
    %dma_wait3A_883 = arith.constant 0 : i32
    %dma_wait3A_884 = tpu.memref_slice %arg6[%dma_wait3A_881, %dma_wait3A_882, %dma_wait3A_883] : memref<7x16x1024xf32, #tpu.memory_space<vmem>> -> memref<1x16x1024xf32, #tpu.memory_space<vmem>>
    %dma_wait3A_885 = tpu.memref_squeeze %dma_wait3A_884 : memref<1x16x1024xf32, #tpu.memory_space<vmem>> -> memref<16x1024xf32, #tpu.memory_space<vmem>>
    %dma_wait3A_886 = arith.constant 240 : i32
    %dma_wait3A_887 = tpu.memref_slice %arg5[%dma_wait3A_886] : memref<512xi32, #tpu.memory_space<vmem>> -> memref<16xi32, #tpu.memory_space<vmem>>
    %dma_wait3A_888 = arith.constant 0 : i32
    %dma_wait3A_889 = arith.constant 0 : i32
    %dma_wait3A_890 = tpu.memref_slice %arg3[%dma_wait3A_888, %dma_wait3A_889] : memref<100000x1024xf32, #tpu.memory_space<hbm>> -> memref<100000x1024xf32, #tpu.memory_space<hbm>>
    tpu.wait_indirect_dma semaphore(%arg8 : memref<!tpu.dma_semaphore, #tpu.memory_space<semaphore_mem>>) src(%dma_wait3A_890 : memref<100000x1024xf32, #tpu.memory_space<hbm>>) dst(%dma_wait3A_885 : memref<16x1024xf32, #tpu.memory_space<vmem>>)
    %add3A_891 = arith.constant 240 : i32
    %add3A_892 = arith.addi %mul3A_32, %add3A_891 : i32
    %dma_start3A_893 = arith.constant 1 : i32
    %dma_start3A_894 = arith.constant 0 : i32
    %dma_start3A_895 = arith.constant 0 : i32
    %dma_start3A_896 = tpu.memref_slice %arg6[%dma_start3A_893, %dma_start3A_894, %dma_start3A_895] : memref<7x16x1024xf32, #tpu.memory_space<vmem>> -> memref<1x16x1024xf32, #tpu.memory_space<vmem>>
    %dma_start3A_897 = tpu.memref_squeeze %dma_start3A_896 : memref<1x16x1024xf32, #tpu.memory_space<vmem>> -> memref<16x1024xf32, #tpu.memory_space<vmem>>
    %dma_start3A_898 = arith.constant 0 : i32
    %dma_start3A_899 = tpu.memref_slice %arg4[%select_n3A, %add3A_892, %dma_start3A_898] : memref<4x4096x1024xf32, #tpu.memory_space<hbm>> -> memref<1x16x1024xf32, #tpu.memory_space<hbm>>
    %dma_start3A_900 = tpu.memref_squeeze %dma_start3A_899 : memref<1x16x1024xf32, #tpu.memory_space<hbm>> -> memref<16x1024xf32, #tpu.memory_space<hbm>>
    %dma_start3A_901 = arith.constant 0 : i32
    %dma_start3A_902 = tpu.memref_slice %arg4[%select_n3A, %add3A_892, %dma_start3A_901] : memref<4x4096x1024xf32, #tpu.memory_space<hbm>> -> memref<1x16x1024xf32, #tpu.memory_space<hbm>>
    %dma_start3A_903 = tpu.memref_squeeze %dma_start3A_902 : memref<1x16x1024xf32, #tpu.memory_space<hbm>> -> memref<16x1024xf32, #tpu.memory_space<hbm>>
    %dma_start3A_904 = arith.constant 0 : i32
    %dma_start3A_905 = arith.constant 0 : i32
    %dma_start3A_906 = tpu.memref_slice %arg6[%dma_start3A_893, %dma_start3A_904, %dma_start3A_905] : memref<7x16x1024xf32, #tpu.memory_space<vmem>> -> memref<1x16x1024xf32, #tpu.memory_space<vmem>>
    %dma_start3A_907 = tpu.memref_squeeze %dma_start3A_906 : memref<1x16x1024xf32, #tpu.memory_space<vmem>> -> memref<16x1024xf32, #tpu.memory_space<vmem>>
    tpu.enqueue_dma source(%dma_start3A_907 : memref<16x1024xf32, #tpu.memory_space<vmem>>) target(%dma_start3A_903 : memref<16x1024xf32, #tpu.memory_space<hbm>>) target_semaphore(%arg15 : memref<!tpu.dma_semaphore, #tpu.memory_space<semaphore_mem>>)
    %dma_wait3A_908 = arith.constant 1 : i32
    %dma_wait3A_909 = arith.constant 0 : i32
    %dma_wait3A_910 = arith.constant 0 : i32
    %dma_wait3A_911 = tpu.memref_slice %arg6[%dma_wait3A_908, %dma_wait3A_909, %dma_wait3A_910] : memref<7x16x1024xf32, #tpu.memory_space<vmem>> -> memref<1x16x1024xf32, #tpu.memory_space<vmem>>
    %dma_wait3A_912 = tpu.memref_squeeze %dma_wait3A_911 : memref<1x16x1024xf32, #tpu.memory_space<vmem>> -> memref<16x1024xf32, #tpu.memory_space<vmem>>
    %dma_wait3A_913 = arith.constant 0 : i32
    %dma_wait3A_914 = tpu.memref_slice %arg4[%select_n3A, %add3A_892, %dma_wait3A_913] : memref<4x4096x1024xf32, #tpu.memory_space<hbm>> -> memref<1x16x1024xf32, #tpu.memory_space<hbm>>
    %dma_wait3A_915 = tpu.memref_squeeze %dma_wait3A_914 : memref<1x16x1024xf32, #tpu.memory_space<hbm>> -> memref<16x1024xf32, #tpu.memory_space<hbm>>
    %dma_wait3A_916 = arith.constant 0 : i32
    %dma_wait3A_917 = tpu.memref_slice %arg4[%select_n3A, %add3A_892, %dma_wait3A_916] : memref<4x4096x1024xf32, #tpu.memory_space<hbm>> -> memref<1x16x1024xf32, #tpu.memory_space<hbm>>
    %dma_wait3A_918 = tpu.memref_squeeze %dma_wait3A_917 : memref<1x16x1024xf32, #tpu.memory_space<hbm>> -> memref<16x1024xf32, #tpu.memory_space<hbm>>
    %dma_wait3A_919 = arith.constant 0 : i32
    %dma_wait3A_920 = arith.constant 0 : i32
    %dma_wait3A_921 = tpu.memref_slice %arg6[%dma_wait3A_908, %dma_wait3A_919, %dma_wait3A_920] : memref<7x16x1024xf32, #tpu.memory_space<vmem>> -> memref<1x16x1024xf32, #tpu.memory_space<vmem>>
    %dma_wait3A_922 = tpu.memref_squeeze %dma_wait3A_921 : memref<1x16x1024xf32, #tpu.memory_space<vmem>> -> memref<16x1024xf32, #tpu.memory_space<vmem>>
    tpu.wait_dma2 semaphore(%arg15 : memref<!tpu.dma_semaphore, #tpu.memory_space<semaphore_mem>>) src(%dma_wait3A_922 : memref<16x1024xf32, #tpu.memory_space<vmem>>) dst(%dma_wait3A_918 : memref<16x1024xf32, #tpu.memory_space<hbm>>)
    %dma_start3A_923 = arith.constant 1 : i32
    %dma_start3A_924 = arith.constant 0 : i32
    %dma_start3A_925 = arith.constant 0 : i32
    %dma_start3A_926 = tpu.memref_slice %arg6[%dma_start3A_923, %dma_start3A_924, %dma_start3A_925] : memref<7x16x1024xf32, #tpu.memory_space<vmem>> -> memref<1x16x1024xf32, #tpu.memory_space<vmem>>
    %dma_start3A_927 = tpu.memref_squeeze %dma_start3A_926 : memref<1x16x1024xf32, #tpu.memory_space<vmem>> -> memref<16x1024xf32, #tpu.memory_space<vmem>>
    %dma_start3A_928 = arith.constant 352 : i32
    %dma_start3A_929 = tpu.memref_slice %arg5[%dma_start3A_928] : memref<512xi32, #tpu.memory_space<vmem>> -> memref<16xi32, #tpu.memory_space<vmem>>
    %dma_start3A_930 = arith.constant 0 : i32
    %dma_start3A_931 = arith.constant 0 : i32
    %dma_start3A_932 = tpu.memref_slice %arg3[%dma_start3A_930, %dma_start3A_931] : memref<100000x1024xf32, #tpu.memory_space<hbm>> -> memref<100000x1024xf32, #tpu.memory_space<hbm>>
    tpu.enqueue_indirect_dma source(%dma_start3A_932 : memref<100000x1024xf32, #tpu.memory_space<hbm>>) target(%dma_start3A_927 : memref<16x1024xf32, #tpu.memory_space<vmem>>) offsets(%dma_start3A_929 : memref<16xi32, #tpu.memory_space<vmem>>) semaphore(%arg8 : memref<!tpu.dma_semaphore, #tpu.memory_space<semaphore_mem>>)
    %dma_wait3A_933 = arith.constant 2 : i32
    %dma_wait3A_934 = arith.constant 0 : i32
    %dma_wait3A_935 = arith.constant 0 : i32
    %dma_wait3A_936 = tpu.memref_slice %arg6[%dma_wait3A_933, %dma_wait3A_934, %dma_wait3A_935] : memref<7x16x1024xf32, #tpu.memory_space<vmem>> -> memref<1x16x1024xf32, #tpu.memory_space<vmem>>
    %dma_wait3A_937 = tpu.memref_squeeze %dma_wait3A_936 : memref<1x16x1024xf32, #tpu.memory_space<vmem>> -> memref<16x1024xf32, #tpu.memory_space<vmem>>
    %dma_wait3A_938 = arith.constant 256 : i32
    %dma_wait3A_939 = tpu.memref_slice %arg5[%dma_wait3A_938] : memref<512xi32, #tpu.memory_space<vmem>> -> memref<16xi32, #tpu.memory_space<vmem>>
    %dma_wait3A_940 = arith.constant 0 : i32
    %dma_wait3A_941 = arith.constant 0 : i32
    %dma_wait3A_942 = tpu.memref_slice %arg3[%dma_wait3A_940, %dma_wait3A_941] : memref<100000x1024xf32, #tpu.memory_space<hbm>> -> memref<100000x1024xf32, #tpu.memory_space<hbm>>
    tpu.wait_indirect_dma semaphore(%arg9 : memref<!tpu.dma_semaphore, #tpu.memory_space<semaphore_mem>>) src(%dma_wait3A_942 : memref<100000x1024xf32, #tpu.memory_space<hbm>>) dst(%dma_wait3A_937 : memref<16x1024xf32, #tpu.memory_space<vmem>>)
    %add3A_943 = arith.constant 256 : i32
    %add3A_944 = arith.addi %mul3A_32, %add3A_943 : i32
    %dma_start3A_945 = arith.constant 2 : i32
    %dma_start3A_946 = arith.constant 0 : i32
    %dma_start3A_947 = arith.constant 0 : i32
    %dma_start3A_948 = tpu.memref_slice %arg6[%dma_start3A_945, %dma_start3A_946, %dma_start3A_947] : memref<7x16x1024xf32, #tpu.memory_space<vmem>> -> memref<1x16x1024xf32, #tpu.memory_space<vmem>>
    %dma_start3A_949 = tpu.memref_squeeze %dma_start3A_948 : memref<1x16x1024xf32, #tpu.memory_space<vmem>> -> memref<16x1024xf32, #tpu.memory_space<vmem>>
    %dma_start3A_950 = arith.constant 0 : i32
    %dma_start3A_951 = tpu.memref_slice %arg4[%select_n3A, %add3A_944, %dma_start3A_950] : memref<4x4096x1024xf32, #tpu.memory_space<hbm>> -> memref<1x16x1024xf32, #tpu.memory_space<hbm>>
    %dma_start3A_952 = tpu.memref_squeeze %dma_start3A_951 : memref<1x16x1024xf32, #tpu.memory_space<hbm>> -> memref<16x1024xf32, #tpu.memory_space<hbm>>
    %dma_start3A_953 = arith.constant 0 : i32
    %dma_start3A_954 = tpu.memref_slice %arg4[%select_n3A, %add3A_944, %dma_start3A_953] : memref<4x4096x1024xf32, #tpu.memory_space<hbm>> -> memref<1x16x1024xf32, #tpu.memory_space<hbm>>
    %dma_start3A_955 = tpu.memref_squeeze %dma_start3A_954 : memref<1x16x1024xf32, #tpu.memory_space<hbm>> -> memref<16x1024xf32, #tpu.memory_space<hbm>>
    %dma_start3A_956 = arith.constant 0 : i32
    %dma_start3A_957 = arith.constant 0 : i32
    %dma_start3A_958 = tpu.memref_slice %arg6[%dma_start3A_945, %dma_start3A_956, %dma_start3A_957] : memref<7x16x1024xf32, #tpu.memory_space<vmem>> -> memref<1x16x1024xf32, #tpu.memory_space<vmem>>
    %dma_start3A_959 = tpu.memref_squeeze %dma_start3A_958 : memref<1x16x1024xf32, #tpu.memory_space<vmem>> -> memref<16x1024xf32, #tpu.memory_space<vmem>>
    tpu.enqueue_dma source(%dma_start3A_959 : memref<16x1024xf32, #tpu.memory_space<vmem>>) target(%dma_start3A_955 : memref<16x1024xf32, #tpu.memory_space<hbm>>) target_semaphore(%arg16 : memref<!tpu.dma_semaphore, #tpu.memory_space<semaphore_mem>>)
    %dma_wait3A_960 = arith.constant 2 : i32
    %dma_wait3A_961 = arith.constant 0 : i32
    %dma_wait3A_962 = arith.constant 0 : i32
    %dma_wait3A_963 = tpu.memref_slice %arg6[%dma_wait3A_960, %dma_wait3A_961, %dma_wait3A_962] : memref<7x16x1024xf32, #tpu.memory_space<vmem>> -> memref<1x16x1024xf32, #tpu.memory_space<vmem>>
    %dma_wait3A_964 = tpu.memref_squeeze %dma_wait3A_963 : memref<1x16x1024xf32, #tpu.memory_space<vmem>> -> memref<16x1024xf32, #tpu.memory_space<vmem>>
    %dma_wait3A_965 = arith.constant 0 : i32
    %dma_wait3A_966 = tpu.memref_slice %arg4[%select_n3A, %add3A_944, %dma_wait3A_965] : memref<4x4096x1024xf32, #tpu.memory_space<hbm>> -> memref<1x16x1024xf32, #tpu.memory_space<hbm>>
    %dma_wait3A_967 = tpu.memref_squeeze %dma_wait3A_966 : memref<1x16x1024xf32, #tpu.memory_space<hbm>> -> memref<16x1024xf32, #tpu.memory_space<hbm>>
    %dma_wait3A_968 = arith.constant 0 : i32
    %dma_wait3A_969 = tpu.memref_slice %arg4[%select_n3A, %add3A_944, %dma_wait3A_968] : memref<4x4096x1024xf32, #tpu.memory_space<hbm>> -> memref<1x16x1024xf32, #tpu.memory_space<hbm>>
    %dma_wait3A_970 = tpu.memref_squeeze %dma_wait3A_969 : memref<1x16x1024xf32, #tpu.memory_space<hbm>> -> memref<16x1024xf32, #tpu.memory_space<hbm>>
    %dma_wait3A_971 = arith.constant 0 : i32
    %dma_wait3A_972 = arith.constant 0 : i32
    %dma_wait3A_973 = tpu.memref_slice %arg6[%dma_wait3A_960, %dma_wait3A_971, %dma_wait3A_972] : memref<7x16x1024xf32, #tpu.memory_space<vmem>> -> memref<1x16x1024xf32, #tpu.memory_space<vmem>>
    %dma_wait3A_974 = tpu.memref_squeeze %dma_wait3A_973 : memref<1x16x1024xf32, #tpu.memory_space<vmem>> -> memref<16x1024xf32, #tpu.memory_space<vmem>>
    tpu.wait_dma2 semaphore(%arg16 : memref<!tpu.dma_semaphore, #tpu.memory_space<semaphore_mem>>) src(%dma_wait3A_974 : memref<16x1024xf32, #tpu.memory_space<vmem>>) dst(%dma_wait3A_970 : memref<16x1024xf32, #tpu.memory_space<hbm>>)
    %dma_start3A_975 = arith.constant 2 : i32
    %dma_start3A_976 = arith.constant 0 : i32
    %dma_start3A_977 = arith.constant 0 : i32
    %dma_start3A_978 = tpu.memref_slice %arg6[%dma_start3A_975, %dma_start3A_976, %dma_start3A_977] : memref<7x16x1024xf32, #tpu.memory_space<vmem>> -> memref<1x16x1024xf32, #tpu.memory_space<vmem>>
    %dma_start3A_979 = tpu.memref_squeeze %dma_start3A_978 : memref<1x16x1024xf32, #tpu.memory_space<vmem>> -> memref<16x1024xf32, #tpu.memory_space<vmem>>
    %dma_start3A_980 = arith.constant 368 : i32
    %dma_start3A_981 = tpu.memref_slice %arg5[%dma_start3A_980] : memref<512xi32, #tpu.memory_space<vmem>> -> memref<16xi32, #tpu.memory_space<vmem>>
    %dma_start3A_982 = arith.constant 0 : i32
    %dma_start3A_983 = arith.constant 0 : i32
    %dma_start3A_984 = tpu.memref_slice %arg3[%dma_start3A_982, %dma_start3A_983] : memref<100000x1024xf32, #tpu.memory_space<hbm>> -> memref<100000x1024xf32, #tpu.memory_space<hbm>>
    tpu.enqueue_indirect_dma source(%dma_start3A_984 : memref<100000x1024xf32, #tpu.memory_space<hbm>>) target(%dma_start3A_979 : memref<16x1024xf32, #tpu.memory_space<vmem>>) offsets(%dma_start3A_981 : memref<16xi32, #tpu.memory_space<vmem>>) semaphore(%arg9 : memref<!tpu.dma_semaphore, #tpu.memory_space<semaphore_mem>>)
    %dma_wait3A_985 = arith.constant 3 : i32
    %dma_wait3A_986 = arith.constant 0 : i32
    %dma_wait3A_987 = arith.constant 0 : i32
    %dma_wait3A_988 = tpu.memref_slice %arg6[%dma_wait3A_985, %dma_wait3A_986, %dma_wait3A_987] : memref<7x16x1024xf32, #tpu.memory_space<vmem>> -> memref<1x16x1024xf32, #tpu.memory_space<vmem>>
    %dma_wait3A_989 = tpu.memref_squeeze %dma_wait3A_988 : memref<1x16x1024xf32, #tpu.memory_space<vmem>> -> memref<16x1024xf32, #tpu.memory_space<vmem>>
    %dma_wait3A_990 = arith.constant 272 : i32
    %dma_wait3A_991 = tpu.memref_slice %arg5[%dma_wait3A_990] : memref<512xi32, #tpu.memory_space<vmem>> -> memref<16xi32, #tpu.memory_space<vmem>>
    %dma_wait3A_992 = arith.constant 0 : i32
    %dma_wait3A_993 = arith.constant 0 : i32
    %dma_wait3A_994 = tpu.memref_slice %arg3[%dma_wait3A_992, %dma_wait3A_993] : memref<100000x1024xf32, #tpu.memory_space<hbm>> -> memref<100000x1024xf32, #tpu.memory_space<hbm>>
    tpu.wait_indirect_dma semaphore(%arg10 : memref<!tpu.dma_semaphore, #tpu.memory_space<semaphore_mem>>) src(%dma_wait3A_994 : memref<100000x1024xf32, #tpu.memory_space<hbm>>) dst(%dma_wait3A_989 : memref<16x1024xf32, #tpu.memory_space<vmem>>)
    %add3A_995 = arith.constant 272 : i32
    %add3A_996 = arith.addi %mul3A_32, %add3A_995 : i32
    %dma_start3A_997 = arith.constant 3 : i32
    %dma_start3A_998 = arith.constant 0 : i32
    %dma_start3A_999 = arith.constant 0 : i32
    %dma_start3A_1000 = tpu.memref_slice %arg6[%dma_start3A_997, %dma_start3A_998, %dma_start3A_999] : memref<7x16x1024xf32, #tpu.memory_space<vmem>> -> memref<1x16x1024xf32, #tpu.memory_space<vmem>>
    %dma_start3A_1001 = tpu.memref_squeeze %dma_start3A_1000 : memref<1x16x1024xf32, #tpu.memory_space<vmem>> -> memref<16x1024xf32, #tpu.memory_space<vmem>>
    %dma_start3A_1002 = arith.constant 0 : i32
    %dma_start3A_1003 = tpu.memref_slice %arg4[%select_n3A, %add3A_996, %dma_start3A_1002] : memref<4x4096x1024xf32, #tpu.memory_space<hbm>> -> memref<1x16x1024xf32, #tpu.memory_space<hbm>>
    %dma_start3A_1004 = tpu.memref_squeeze %dma_start3A_1003 : memref<1x16x1024xf32, #tpu.memory_space<hbm>> -> memref<16x1024xf32, #tpu.memory_space<hbm>>
    %dma_start3A_1005 = arith.constant 0 : i32
    %dma_start3A_1006 = tpu.memref_slice %arg4[%select_n3A, %add3A_996, %dma_start3A_1005] : memref<4x4096x1024xf32, #tpu.memory_space<hbm>> -> memref<1x16x1024xf32, #tpu.memory_space<hbm>>
    %dma_start3A_1007 = tpu.memref_squeeze %dma_start3A_1006 : memref<1x16x1024xf32, #tpu.memory_space<hbm>> -> memref<16x1024xf32, #tpu.memory_space<hbm>>
    %dma_start3A_1008 = arith.constant 0 : i32
    %dma_start3A_1009 = arith.constant 0 : i32
    %dma_start3A_1010 = tpu.memref_slice %arg6[%dma_start3A_997, %dma_start3A_1008, %dma_start3A_1009] : memref<7x16x1024xf32, #tpu.memory_space<vmem>> -> memref<1x16x1024xf32, #tpu.memory_space<vmem>>
    %dma_start3A_1011 = tpu.memref_squeeze %dma_start3A_1010 : memref<1x16x1024xf32, #tpu.memory_space<vmem>> -> memref<16x1024xf32, #tpu.memory_space<vmem>>
    tpu.enqueue_dma source(%dma_start3A_1011 : memref<16x1024xf32, #tpu.memory_space<vmem>>) target(%dma_start3A_1007 : memref<16x1024xf32, #tpu.memory_space<hbm>>) target_semaphore(%arg17 : memref<!tpu.dma_semaphore, #tpu.memory_space<semaphore_mem>>)
    %dma_wait3A_1012 = arith.constant 3 : i32
    %dma_wait3A_1013 = arith.constant 0 : i32
    %dma_wait3A_1014 = arith.constant 0 : i32
    %dma_wait3A_1015 = tpu.memref_slice %arg6[%dma_wait3A_1012, %dma_wait3A_1013, %dma_wait3A_1014] : memref<7x16x1024xf32, #tpu.memory_space<vmem>> -> memref<1x16x1024xf32, #tpu.memory_space<vmem>>
    %dma_wait3A_1016 = tpu.memref_squeeze %dma_wait3A_1015 : memref<1x16x1024xf32, #tpu.memory_space<vmem>> -> memref<16x1024xf32, #tpu.memory_space<vmem>>
    %dma_wait3A_1017 = arith.constant 0 : i32
    %dma_wait3A_1018 = tpu.memref_slice %arg4[%select_n3A, %add3A_996, %dma_wait3A_1017] : memref<4x4096x1024xf32, #tpu.memory_space<hbm>> -> memref<1x16x1024xf32, #tpu.memory_space<hbm>>
    %dma_wait3A_1019 = tpu.memref_squeeze %dma_wait3A_1018 : memref<1x16x1024xf32, #tpu.memory_space<hbm>> -> memref<16x1024xf32, #tpu.memory_space<hbm>>
    %dma_wait3A_1020 = arith.constant 0 : i32
    %dma_wait3A_1021 = tpu.memref_slice %arg4[%select_n3A, %add3A_996, %dma_wait3A_1020] : memref<4x4096x1024xf32, #tpu.memory_space<hbm>> -> memref<1x16x1024xf32, #tpu.memory_space<hbm>>
    %dma_wait3A_1022 = tpu.memref_squeeze %dma_wait3A_1021 : memref<1x16x1024xf32, #tpu.memory_space<hbm>> -> memref<16x1024xf32, #tpu.memory_space<hbm>>
    %dma_wait3A_1023 = arith.constant 0 : i32
    %dma_wait3A_1024 = arith.constant 0 : i32
    %dma_wait3A_1025 = tpu.memref_slice %arg6[%dma_wait3A_1012, %dma_wait3A_1023, %dma_wait3A_1024] : memref<7x16x1024xf32, #tpu.memory_space<vmem>> -> memref<1x16x1024xf32, #tpu.memory_space<vmem>>
    %dma_wait3A_1026 = tpu.memref_squeeze %dma_wait3A_1025 : memref<1x16x1024xf32, #tpu.memory_space<vmem>> -> memref<16x1024xf32, #tpu.memory_space<vmem>>
    tpu.wait_dma2 semaphore(%arg17 : memref<!tpu.dma_semaphore, #tpu.memory_space<semaphore_mem>>) src(%dma_wait3A_1026 : memref<16x1024xf32, #tpu.memory_space<vmem>>) dst(%dma_wait3A_1022 : memref<16x1024xf32, #tpu.memory_space<hbm>>)
    %dma_start3A_1027 = arith.constant 3 : i32
    %dma_start3A_1028 = arith.constant 0 : i32
    %dma_start3A_1029 = arith.constant 0 : i32
    %dma_start3A_1030 = tpu.memref_slice %arg6[%dma_start3A_1027, %dma_start3A_1028, %dma_start3A_1029] : memref<7x16x1024xf32, #tpu.memory_space<vmem>> -> memref<1x16x1024xf32, #tpu.memory_space<vmem>>
    %dma_start3A_1031 = tpu.memref_squeeze %dma_start3A_1030 : memref<1x16x1024xf32, #tpu.memory_space<vmem>> -> memref<16x1024xf32, #tpu.memory_space<vmem>>
    %dma_start3A_1032 = arith.constant 384 : i32
    %dma_start3A_1033 = tpu.memref_slice %arg5[%dma_start3A_1032] : memref<512xi32, #tpu.memory_space<vmem>> -> memref<16xi32, #tpu.memory_space<vmem>>
    %dma_start3A_1034 = arith.constant 0 : i32
    %dma_start3A_1035 = arith.constant 0 : i32
    %dma_start3A_1036 = tpu.memref_slice %arg3[%dma_start3A_1034, %dma_start3A_1035] : memref<100000x1024xf32, #tpu.memory_space<hbm>> -> memref<100000x1024xf32, #tpu.memory_space<hbm>>
    tpu.enqueue_indirect_dma source(%dma_start3A_1036 : memref<100000x1024xf32, #tpu.memory_space<hbm>>) target(%dma_start3A_1031 : memref<16x1024xf32, #tpu.memory_space<vmem>>) offsets(%dma_start3A_1033 : memref<16xi32, #tpu.memory_space<vmem>>) semaphore(%arg10 : memref<!tpu.dma_semaphore, #tpu.memory_space<semaphore_mem>>)
    %dma_wait3A_1037 = arith.constant 4 : i32
    %dma_wait3A_1038 = arith.constant 0 : i32
    %dma_wait3A_1039 = arith.constant 0 : i32
    %dma_wait3A_1040 = tpu.memref_slice %arg6[%dma_wait3A_1037, %dma_wait3A_1038, %dma_wait3A_1039] : memref<7x16x1024xf32, #tpu.memory_space<vmem>> -> memref<1x16x1024xf32, #tpu.memory_space<vmem>>
    %dma_wait3A_1041 = tpu.memref_squeeze %dma_wait3A_1040 : memref<1x16x1024xf32, #tpu.memory_space<vmem>> -> memref<16x1024xf32, #tpu.memory_space<vmem>>
    %dma_wait3A_1042 = arith.constant 288 : i32
    %dma_wait3A_1043 = tpu.memref_slice %arg5[%dma_wait3A_1042] : memref<512xi32, #tpu.memory_space<vmem>> -> memref<16xi32, #tpu.memory_space<vmem>>
    %dma_wait3A_1044 = arith.constant 0 : i32
    %dma_wait3A_1045 = arith.constant 0 : i32
    %dma_wait3A_1046 = tpu.memref_slice %arg3[%dma_wait3A_1044, %dma_wait3A_1045] : memref<100000x1024xf32, #tpu.memory_space<hbm>> -> memref<100000x1024xf32, #tpu.memory_space<hbm>>
    tpu.wait_indirect_dma semaphore(%arg11 : memref<!tpu.dma_semaphore, #tpu.memory_space<semaphore_mem>>) src(%dma_wait3A_1046 : memref<100000x1024xf32, #tpu.memory_space<hbm>>) dst(%dma_wait3A_1041 : memref<16x1024xf32, #tpu.memory_space<vmem>>)
    %add3A_1047 = arith.constant 288 : i32
    %add3A_1048 = arith.addi %mul3A_32, %add3A_1047 : i32
    %dma_start3A_1049 = arith.constant 4 : i32
    %dma_start3A_1050 = arith.constant 0 : i32
    %dma_start3A_1051 = arith.constant 0 : i32
    %dma_start3A_1052 = tpu.memref_slice %arg6[%dma_start3A_1049, %dma_start3A_1050, %dma_start3A_1051] : memref<7x16x1024xf32, #tpu.memory_space<vmem>> -> memref<1x16x1024xf32, #tpu.memory_space<vmem>>
    %dma_start3A_1053 = tpu.memref_squeeze %dma_start3A_1052 : memref<1x16x1024xf32, #tpu.memory_space<vmem>> -> memref<16x1024xf32, #tpu.memory_space<vmem>>
    %dma_start3A_1054 = arith.constant 0 : i32
    %dma_start3A_1055 = tpu.memref_slice %arg4[%select_n3A, %add3A_1048, %dma_start3A_1054] : memref<4x4096x1024xf32, #tpu.memory_space<hbm>> -> memref<1x16x1024xf32, #tpu.memory_space<hbm>>
    %dma_start3A_1056 = tpu.memref_squeeze %dma_start3A_1055 : memref<1x16x1024xf32, #tpu.memory_space<hbm>> -> memref<16x1024xf32, #tpu.memory_space<hbm>>
    %dma_start3A_1057 = arith.constant 0 : i32
    %dma_start3A_1058 = tpu.memref_slice %arg4[%select_n3A, %add3A_1048, %dma_start3A_1057] : memref<4x4096x1024xf32, #tpu.memory_space<hbm>> -> memref<1x16x1024xf32, #tpu.memory_space<hbm>>
    %dma_start3A_1059 = tpu.memref_squeeze %dma_start3A_1058 : memref<1x16x1024xf32, #tpu.memory_space<hbm>> -> memref<16x1024xf32, #tpu.memory_space<hbm>>
    %dma_start3A_1060 = arith.constant 0 : i32
    %dma_start3A_1061 = arith.constant 0 : i32
    %dma_start3A_1062 = tpu.memref_slice %arg6[%dma_start3A_1049, %dma_start3A_1060, %dma_start3A_1061] : memref<7x16x1024xf32, #tpu.memory_space<vmem>> -> memref<1x16x1024xf32, #tpu.memory_space<vmem>>
    %dma_start3A_1063 = tpu.memref_squeeze %dma_start3A_1062 : memref<1x16x1024xf32, #tpu.memory_space<vmem>> -> memref<16x1024xf32, #tpu.memory_space<vmem>>
    tpu.enqueue_dma source(%dma_start3A_1063 : memref<16x1024xf32, #tpu.memory_space<vmem>>) target(%dma_start3A_1059 : memref<16x1024xf32, #tpu.memory_space<hbm>>) target_semaphore(%arg18 : memref<!tpu.dma_semaphore, #tpu.memory_space<semaphore_mem>>)
    %dma_wait3A_1064 = arith.constant 4 : i32
    %dma_wait3A_1065 = arith.constant 0 : i32
    %dma_wait3A_1066 = arith.constant 0 : i32
    %dma_wait3A_1067 = tpu.memref_slice %arg6[%dma_wait3A_1064, %dma_wait3A_1065, %dma_wait3A_1066] : memref<7x16x1024xf32, #tpu.memory_space<vmem>> -> memref<1x16x1024xf32, #tpu.memory_space<vmem>>
    %dma_wait3A_1068 = tpu.memref_squeeze %dma_wait3A_1067 : memref<1x16x1024xf32, #tpu.memory_space<vmem>> -> memref<16x1024xf32, #tpu.memory_space<vmem>>
    %dma_wait3A_1069 = arith.constant 0 : i32
    %dma_wait3A_1070 = tpu.memref_slice %arg4[%select_n3A, %add3A_1048, %dma_wait3A_1069] : memref<4x4096x1024xf32, #tpu.memory_space<hbm>> -> memref<1x16x1024xf32, #tpu.memory_space<hbm>>
    %dma_wait3A_1071 = tpu.memref_squeeze %dma_wait3A_1070 : memref<1x16x1024xf32, #tpu.memory_space<hbm>> -> memref<16x1024xf32, #tpu.memory_space<hbm>>
    %dma_wait3A_1072 = arith.constant 0 : i32
    %dma_wait3A_1073 = tpu.memref_slice %arg4[%select_n3A, %add3A_1048, %dma_wait3A_1072] : memref<4x4096x1024xf32, #tpu.memory_space<hbm>> -> memref<1x16x1024xf32, #tpu.memory_space<hbm>>
    %dma_wait3A_1074 = tpu.memref_squeeze %dma_wait3A_1073 : memref<1x16x1024xf32, #tpu.memory_space<hbm>> -> memref<16x1024xf32, #tpu.memory_space<hbm>>
    %dma_wait3A_1075 = arith.constant 0 : i32
    %dma_wait3A_1076 = arith.constant 0 : i32
    %dma_wait3A_1077 = tpu.memref_slice %arg6[%dma_wait3A_1064, %dma_wait3A_1075, %dma_wait3A_1076] : memref<7x16x1024xf32, #tpu.memory_space<vmem>> -> memref<1x16x1024xf32, #tpu.memory_space<vmem>>
    %dma_wait3A_1078 = tpu.memref_squeeze %dma_wait3A_1077 : memref<1x16x1024xf32, #tpu.memory_space<vmem>> -> memref<16x1024xf32, #tpu.memory_space<vmem>>
    tpu.wait_dma2 semaphore(%arg18 : memref<!tpu.dma_semaphore, #tpu.memory_space<semaphore_mem>>) src(%dma_wait3A_1078 : memref<16x1024xf32, #tpu.memory_space<vmem>>) dst(%dma_wait3A_1074 : memref<16x1024xf32, #tpu.memory_space<hbm>>)
    %dma_start3A_1079 = arith.constant 4 : i32
    %dma_start3A_1080 = arith.constant 0 : i32
    %dma_start3A_1081 = arith.constant 0 : i32
    %dma_start3A_1082 = tpu.memref_slice %arg6[%dma_start3A_1079, %dma_start3A_1080, %dma_start3A_1081] : memref<7x16x1024xf32, #tpu.memory_space<vmem>> -> memref<1x16x1024xf32, #tpu.memory_space<vmem>>
    %dma_start3A_1083 = tpu.memref_squeeze %dma_start3A_1082 : memref<1x16x1024xf32, #tpu.memory_space<vmem>> -> memref<16x1024xf32, #tpu.memory_space<vmem>>
    %dma_start3A_1084 = arith.constant 400 : i32
    %dma_start3A_1085 = tpu.memref_slice %arg5[%dma_start3A_1084] : memref<512xi32, #tpu.memory_space<vmem>> -> memref<16xi32, #tpu.memory_space<vmem>>
    %dma_start3A_1086 = arith.constant 0 : i32
    %dma_start3A_1087 = arith.constant 0 : i32
    %dma_start3A_1088 = tpu.memref_slice %arg3[%dma_start3A_1086, %dma_start3A_1087] : memref<100000x1024xf32, #tpu.memory_space<hbm>> -> memref<100000x1024xf32, #tpu.memory_space<hbm>>
    tpu.enqueue_indirect_dma source(%dma_start3A_1088 : memref<100000x1024xf32, #tpu.memory_space<hbm>>) target(%dma_start3A_1083 : memref<16x1024xf32, #tpu.memory_space<vmem>>) offsets(%dma_start3A_1085 : memref<16xi32, #tpu.memory_space<vmem>>) semaphore(%arg11 : memref<!tpu.dma_semaphore, #tpu.memory_space<semaphore_mem>>)
    %dma_wait3A_1089 = arith.constant 5 : i32
    %dma_wait3A_1090 = arith.constant 0 : i32
    %dma_wait3A_1091 = arith.constant 0 : i32
    %dma_wait3A_1092 = tpu.memref_slice %arg6[%dma_wait3A_1089, %dma_wait3A_1090, %dma_wait3A_1091] : memref<7x16x1024xf32, #tpu.memory_space<vmem>> -> memref<1x16x1024xf32, #tpu.memory_space<vmem>>
    %dma_wait3A_1093 = tpu.memref_squeeze %dma_wait3A_1092 : memref<1x16x1024xf32, #tpu.memory_space<vmem>> -> memref<16x1024xf32, #tpu.memory_space<vmem>>
    %dma_wait3A_1094 = arith.constant 304 : i32
    %dma_wait3A_1095 = tpu.memref_slice %arg5[%dma_wait3A_1094] : memref<512xi32, #tpu.memory_space<vmem>> -> memref<16xi32, #tpu.memory_space<vmem>>
    %dma_wait3A_1096 = arith.constant 0 : i32
    %dma_wait3A_1097 = arith.constant 0 : i32
    %dma_wait3A_1098 = tpu.memref_slice %arg3[%dma_wait3A_1096, %dma_wait3A_1097] : memref<100000x1024xf32, #tpu.memory_space<hbm>> -> memref<100000x1024xf32, #tpu.memory_space<hbm>>
    tpu.wait_indirect_dma semaphore(%arg12 : memref<!tpu.dma_semaphore, #tpu.memory_space<semaphore_mem>>) src(%dma_wait3A_1098 : memref<100000x1024xf32, #tpu.memory_space<hbm>>) dst(%dma_wait3A_1093 : memref<16x1024xf32, #tpu.memory_space<vmem>>)
    %add3A_1099 = arith.constant 304 : i32
    %add3A_1100 = arith.addi %mul3A_32, %add3A_1099 : i32
    %dma_start3A_1101 = arith.constant 5 : i32
    %dma_start3A_1102 = arith.constant 0 : i32
    %dma_start3A_1103 = arith.constant 0 : i32
    %dma_start3A_1104 = tpu.memref_slice %arg6[%dma_start3A_1101, %dma_start3A_1102, %dma_start3A_1103] : memref<7x16x1024xf32, #tpu.memory_space<vmem>> -> memref<1x16x1024xf32, #tpu.memory_space<vmem>>
    %dma_start3A_1105 = tpu.memref_squeeze %dma_start3A_1104 : memref<1x16x1024xf32, #tpu.memory_space<vmem>> -> memref<16x1024xf32, #tpu.memory_space<vmem>>
    %dma_start3A_1106 = arith.constant 0 : i32
    %dma_start3A_1107 = tpu.memref_slice %arg4[%select_n3A, %add3A_1100, %dma_start3A_1106] : memref<4x4096x1024xf32, #tpu.memory_space<hbm>> -> memref<1x16x1024xf32, #tpu.memory_space<hbm>>
    %dma_start3A_1108 = tpu.memref_squeeze %dma_start3A_1107 : memref<1x16x1024xf32, #tpu.memory_space<hbm>> -> memref<16x1024xf32, #tpu.memory_space<hbm>>
    %dma_start3A_1109 = arith.constant 0 : i32
    %dma_start3A_1110 = tpu.memref_slice %arg4[%select_n3A, %add3A_1100, %dma_start3A_1109] : memref<4x4096x1024xf32, #tpu.memory_space<hbm>> -> memref<1x16x1024xf32, #tpu.memory_space<hbm>>
    %dma_start3A_1111 = tpu.memref_squeeze %dma_start3A_1110 : memref<1x16x1024xf32, #tpu.memory_space<hbm>> -> memref<16x1024xf32, #tpu.memory_space<hbm>>
    %dma_start3A_1112 = arith.constant 0 : i32
    %dma_start3A_1113 = arith.constant 0 : i32
    %dma_start3A_1114 = tpu.memref_slice %arg6[%dma_start3A_1101, %dma_start3A_1112, %dma_start3A_1113] : memref<7x16x1024xf32, #tpu.memory_space<vmem>> -> memref<1x16x1024xf32, #tpu.memory_space<vmem>>
    %dma_start3A_1115 = tpu.memref_squeeze %dma_start3A_1114 : memref<1x16x1024xf32, #tpu.memory_space<vmem>> -> memref<16x1024xf32, #tpu.memory_space<vmem>>
    tpu.enqueue_dma source(%dma_start3A_1115 : memref<16x1024xf32, #tpu.memory_space<vmem>>) target(%dma_start3A_1111 : memref<16x1024xf32, #tpu.memory_space<hbm>>) target_semaphore(%arg19 : memref<!tpu.dma_semaphore, #tpu.memory_space<semaphore_mem>>)
    %dma_wait3A_1116 = arith.constant 5 : i32
    %dma_wait3A_1117 = arith.constant 0 : i32
    %dma_wait3A_1118 = arith.constant 0 : i32
    %dma_wait3A_1119 = tpu.memref_slice %arg6[%dma_wait3A_1116, %dma_wait3A_1117, %dma_wait3A_1118] : memref<7x16x1024xf32, #tpu.memory_space<vmem>> -> memref<1x16x1024xf32, #tpu.memory_space<vmem>>
    %dma_wait3A_1120 = tpu.memref_squeeze %dma_wait3A_1119 : memref<1x16x1024xf32, #tpu.memory_space<vmem>> -> memref<16x1024xf32, #tpu.memory_space<vmem>>
    %dma_wait3A_1121 = arith.constant 0 : i32
    %dma_wait3A_1122 = tpu.memref_slice %arg4[%select_n3A, %add3A_1100, %dma_wait3A_1121] : memref<4x4096x1024xf32, #tpu.memory_space<hbm>> -> memref<1x16x1024xf32, #tpu.memory_space<hbm>>
    %dma_wait3A_1123 = tpu.memref_squeeze %dma_wait3A_1122 : memref<1x16x1024xf32, #tpu.memory_space<hbm>> -> memref<16x1024xf32, #tpu.memory_space<hbm>>
    %dma_wait3A_1124 = arith.constant 0 : i32
    %dma_wait3A_1125 = tpu.memref_slice %arg4[%select_n3A, %add3A_1100, %dma_wait3A_1124] : memref<4x4096x1024xf32, #tpu.memory_space<hbm>> -> memref<1x16x1024xf32, #tpu.memory_space<hbm>>
    %dma_wait3A_1126 = tpu.memref_squeeze %dma_wait3A_1125 : memref<1x16x1024xf32, #tpu.memory_space<hbm>> -> memref<16x1024xf32, #tpu.memory_space<hbm>>
    %dma_wait3A_1127 = arith.constant 0 : i32
    %dma_wait3A_1128 = arith.constant 0 : i32
    %dma_wait3A_1129 = tpu.memref_slice %arg6[%dma_wait3A_1116, %dma_wait3A_1127, %dma_wait3A_1128] : memref<7x16x1024xf32, #tpu.memory_space<vmem>> -> memref<1x16x1024xf32, #tpu.memory_space<vmem>>
    %dma_wait3A_1130 = tpu.memref_squeeze %dma_wait3A_1129 : memref<1x16x1024xf32, #tpu.memory_space<vmem>> -> memref<16x1024xf32, #tpu.memory_space<vmem>>
    tpu.wait_dma2 semaphore(%arg19 : memref<!tpu.dma_semaphore, #tpu.memory_space<semaphore_mem>>) src(%dma_wait3A_1130 : memref<16x1024xf32, #tpu.memory_space<vmem>>) dst(%dma_wait3A_1126 : memref<16x1024xf32, #tpu.memory_space<hbm>>)
    %dma_start3A_1131 = arith.constant 5 : i32
    %dma_start3A_1132 = arith.constant 0 : i32
    %dma_start3A_1133 = arith.constant 0 : i32
    %dma_start3A_1134 = tpu.memref_slice %arg6[%dma_start3A_1131, %dma_start3A_1132, %dma_start3A_1133] : memref<7x16x1024xf32, #tpu.memory_space<vmem>> -> memref<1x16x1024xf32, #tpu.memory_space<vmem>>
    %dma_start3A_1135 = tpu.memref_squeeze %dma_start3A_1134 : memref<1x16x1024xf32, #tpu.memory_space<vmem>> -> memref<16x1024xf32, #tpu.memory_space<vmem>>
    %dma_start3A_1136 = arith.constant 416 : i32
    %dma_start3A_1137 = tpu.memref_slice %arg5[%dma_start3A_1136] : memref<512xi32, #tpu.memory_space<vmem>> -> memref<16xi32, #tpu.memory_space<vmem>>
    %dma_start3A_1138 = arith.constant 0 : i32
    %dma_start3A_1139 = arith.constant 0 : i32
    %dma_start3A_1140 = tpu.memref_slice %arg3[%dma_start3A_1138, %dma_start3A_1139] : memref<100000x1024xf32, #tpu.memory_space<hbm>> -> memref<100000x1024xf32, #tpu.memory_space<hbm>>
    tpu.enqueue_indirect_dma source(%dma_start3A_1140 : memref<100000x1024xf32, #tpu.memory_space<hbm>>) target(%dma_start3A_1135 : memref<16x1024xf32, #tpu.memory_space<vmem>>) offsets(%dma_start3A_1137 : memref<16xi32, #tpu.memory_space<vmem>>) semaphore(%arg12 : memref<!tpu.dma_semaphore, #tpu.memory_space<semaphore_mem>>)
    %dma_wait3A_1141 = arith.constant 6 : i32
    %dma_wait3A_1142 = arith.constant 0 : i32
    %dma_wait3A_1143 = arith.constant 0 : i32
    %dma_wait3A_1144 = tpu.memref_slice %arg6[%dma_wait3A_1141, %dma_wait3A_1142, %dma_wait3A_1143] : memref<7x16x1024xf32, #tpu.memory_space<vmem>> -> memref<1x16x1024xf32, #tpu.memory_space<vmem>>
    %dma_wait3A_1145 = tpu.memref_squeeze %dma_wait3A_1144 : memref<1x16x1024xf32, #tpu.memory_space<vmem>> -> memref<16x1024xf32, #tpu.memory_space<vmem>>
    %dma_wait3A_1146 = arith.constant 320 : i32
    %dma_wait3A_1147 = tpu.memref_slice %arg5[%dma_wait3A_1146] : memref<512xi32, #tpu.memory_space<vmem>> -> memref<16xi32, #tpu.memory_space<vmem>>
    %dma_wait3A_1148 = arith.constant 0 : i32
    %dma_wait3A_1149 = arith.constant 0 : i32
    %dma_wait3A_1150 = tpu.memref_slice %arg3[%dma_wait3A_1148, %dma_wait3A_1149] : memref<100000x1024xf32, #tpu.memory_space<hbm>> -> memref<100000x1024xf32, #tpu.memory_space<hbm>>
    tpu.wait_indirect_dma semaphore(%arg13 : memref<!tpu.dma_semaphore, #tpu.memory_space<semaphore_mem>>) src(%dma_wait3A_1150 : memref<100000x1024xf32, #tpu.memory_space<hbm>>) dst(%dma_wait3A_1145 : memref<16x1024xf32, #tpu.memory_space<vmem>>)
    %add3A_1151 = arith.constant 320 : i32
    %add3A_1152 = arith.addi %mul3A_32, %add3A_1151 : i32
    %dma_start3A_1153 = arith.constant 6 : i32
    %dma_start3A_1154 = arith.constant 0 : i32
    %dma_start3A_1155 = arith.constant 0 : i32
    %dma_start3A_1156 = tpu.memref_slice %arg6[%dma_start3A_1153, %dma_start3A_1154, %dma_start3A_1155] : memref<7x16x1024xf32, #tpu.memory_space<vmem>> -> memref<1x16x1024xf32, #tpu.memory_space<vmem>>
    %dma_start3A_1157 = tpu.memref_squeeze %dma_start3A_1156 : memref<1x16x1024xf32, #tpu.memory_space<vmem>> -> memref<16x1024xf32, #tpu.memory_space<vmem>>
    %dma_start3A_1158 = arith.constant 0 : i32
    %dma_start3A_1159 = tpu.memref_slice %arg4[%select_n3A, %add3A_1152, %dma_start3A_1158] : memref<4x4096x1024xf32, #tpu.memory_space<hbm>> -> memref<1x16x1024xf32, #tpu.memory_space<hbm>>
    %dma_start3A_1160 = tpu.memref_squeeze %dma_start3A_1159 : memref<1x16x1024xf32, #tpu.memory_space<hbm>> -> memref<16x1024xf32, #tpu.memory_space<hbm>>
    %dma_start3A_1161 = arith.constant 0 : i32
    %dma_start3A_1162 = tpu.memref_slice %arg4[%select_n3A, %add3A_1152, %dma_start3A_1161] : memref<4x4096x1024xf32, #tpu.memory_space<hbm>> -> memref<1x16x1024xf32, #tpu.memory_space<hbm>>
    %dma_start3A_1163 = tpu.memref_squeeze %dma_start3A_1162 : memref<1x16x1024xf32, #tpu.memory_space<hbm>> -> memref<16x1024xf32, #tpu.memory_space<hbm>>
    %dma_start3A_1164 = arith.constant 0 : i32
    %dma_start3A_1165 = arith.constant 0 : i32
    %dma_start3A_1166 = tpu.memref_slice %arg6[%dma_start3A_1153, %dma_start3A_1164, %dma_start3A_1165] : memref<7x16x1024xf32, #tpu.memory_space<vmem>> -> memref<1x16x1024xf32, #tpu.memory_space<vmem>>
    %dma_start3A_1167 = tpu.memref_squeeze %dma_start3A_1166 : memref<1x16x1024xf32, #tpu.memory_space<vmem>> -> memref<16x1024xf32, #tpu.memory_space<vmem>>
    tpu.enqueue_dma source(%dma_start3A_1167 : memref<16x1024xf32, #tpu.memory_space<vmem>>) target(%dma_start3A_1163 : memref<16x1024xf32, #tpu.memory_space<hbm>>) target_semaphore(%arg20 : memref<!tpu.dma_semaphore, #tpu.memory_space<semaphore_mem>>)
    %dma_wait3A_1168 = arith.constant 6 : i32
    %dma_wait3A_1169 = arith.constant 0 : i32
    %dma_wait3A_1170 = arith.constant 0 : i32
    %dma_wait3A_1171 = tpu.memref_slice %arg6[%dma_wait3A_1168, %dma_wait3A_1169, %dma_wait3A_1170] : memref<7x16x1024xf32, #tpu.memory_space<vmem>> -> memref<1x16x1024xf32, #tpu.memory_space<vmem>>
    %dma_wait3A_1172 = tpu.memref_squeeze %dma_wait3A_1171 : memref<1x16x1024xf32, #tpu.memory_space<vmem>> -> memref<16x1024xf32, #tpu.memory_space<vmem>>
    %dma_wait3A_1173 = arith.constant 0 : i32
    %dma_wait3A_1174 = tpu.memref_slice %arg4[%select_n3A, %add3A_1152, %dma_wait3A_1173] : memref<4x4096x1024xf32, #tpu.memory_space<hbm>> -> memref<1x16x1024xf32, #tpu.memory_space<hbm>>
    %dma_wait3A_1175 = tpu.memref_squeeze %dma_wait3A_1174 : memref<1x16x1024xf32, #tpu.memory_space<hbm>> -> memref<16x1024xf32, #tpu.memory_space<hbm>>
    %dma_wait3A_1176 = arith.constant 0 : i32
    %dma_wait3A_1177 = tpu.memref_slice %arg4[%select_n3A, %add3A_1152, %dma_wait3A_1176] : memref<4x4096x1024xf32, #tpu.memory_space<hbm>> -> memref<1x16x1024xf32, #tpu.memory_space<hbm>>
    %dma_wait3A_1178 = tpu.memref_squeeze %dma_wait3A_1177 : memref<1x16x1024xf32, #tpu.memory_space<hbm>> -> memref<16x1024xf32, #tpu.memory_space<hbm>>
    %dma_wait3A_1179 = arith.constant 0 : i32
    %dma_wait3A_1180 = arith.constant 0 : i32
    %dma_wait3A_1181 = tpu.memref_slice %arg6[%dma_wait3A_1168, %dma_wait3A_1179, %dma_wait3A_1180] : memref<7x16x1024xf32, #tpu.memory_space<vmem>> -> memref<1x16x1024xf32, #tpu.memory_space<vmem>>
    %dma_wait3A_1182 = tpu.memref_squeeze %dma_wait3A_1181 : memref<1x16x1024xf32, #tpu.memory_space<vmem>> -> memref<16x1024xf32, #tpu.memory_space<vmem>>
    tpu.wait_dma2 semaphore(%arg20 : memref<!tpu.dma_semaphore, #tpu.memory_space<semaphore_mem>>) src(%dma_wait3A_1182 : memref<16x1024xf32, #tpu.memory_space<vmem>>) dst(%dma_wait3A_1178 : memref<16x1024xf32, #tpu.memory_space<hbm>>)
    %dma_start3A_1183 = arith.constant 6 : i32
    %dma_start3A_1184 = arith.constant 0 : i32
    %dma_start3A_1185 = arith.constant 0 : i32
    %dma_start3A_1186 = tpu.memref_slice %arg6[%dma_start3A_1183, %dma_start3A_1184, %dma_start3A_1185] : memref<7x16x1024xf32, #tpu.memory_space<vmem>> -> memref<1x16x1024xf32, #tpu.memory_space<vmem>>
    %dma_start3A_1187 = tpu.memref_squeeze %dma_start3A_1186 : memref<1x16x1024xf32, #tpu.memory_space<vmem>> -> memref<16x1024xf32, #tpu.memory_space<vmem>>
    %dma_start3A_1188 = arith.constant 432 : i32
    %dma_start3A_1189 = tpu.memref_slice %arg5[%dma_start3A_1188] : memref<512xi32, #tpu.memory_space<vmem>> -> memref<16xi32, #tpu.memory_space<vmem>>
    %dma_start3A_1190 = arith.constant 0 : i32
    %dma_start3A_1191 = arith.constant 0 : i32
    %dma_start3A_1192 = tpu.memref_slice %arg3[%dma_start3A_1190, %dma_start3A_1191] : memref<100000x1024xf32, #tpu.memory_space<hbm>> -> memref<100000x1024xf32, #tpu.memory_space<hbm>>
    tpu.enqueue_indirect_dma source(%dma_start3A_1192 : memref<100000x1024xf32, #tpu.memory_space<hbm>>) target(%dma_start3A_1187 : memref<16x1024xf32, #tpu.memory_space<vmem>>) offsets(%dma_start3A_1189 : memref<16xi32, #tpu.memory_space<vmem>>) semaphore(%arg13 : memref<!tpu.dma_semaphore, #tpu.memory_space<semaphore_mem>>)
    %dma_wait3A_1193 = arith.constant 0 : i32
    %dma_wait3A_1194 = arith.constant 0 : i32
    %dma_wait3A_1195 = arith.constant 0 : i32
    %dma_wait3A_1196 = tpu.memref_slice %arg6[%dma_wait3A_1193, %dma_wait3A_1194, %dma_wait3A_1195] : memref<7x16x1024xf32, #tpu.memory_space<vmem>> -> memref<1x16x1024xf32, #tpu.memory_space<vmem>>
    %dma_wait3A_1197 = tpu.memref_squeeze %dma_wait3A_1196 : memref<1x16x1024xf32, #tpu.memory_space<vmem>> -> memref<16x1024xf32, #tpu.memory_space<vmem>>
    %dma_wait3A_1198 = arith.constant 336 : i32
    %dma_wait3A_1199 = tpu.memref_slice %arg5[%dma_wait3A_1198] : memref<512xi32, #tpu.memory_space<vmem>> -> memref<16xi32, #tpu.memory_space<vmem>>
    %dma_wait3A_1200 = arith.constant 0 : i32
    %dma_wait3A_1201 = arith.constant 0 : i32
    %dma_wait3A_1202 = tpu.memref_slice %arg3[%dma_wait3A_1200, %dma_wait3A_1201] : memref<100000x1024xf32, #tpu.memory_space<hbm>> -> memref<100000x1024xf32, #tpu.memory_space<hbm>>
    tpu.wait_indirect_dma semaphore(%arg7 : memref<!tpu.dma_semaphore, #tpu.memory_space<semaphore_mem>>) src(%dma_wait3A_1202 : memref<100000x1024xf32, #tpu.memory_space<hbm>>) dst(%dma_wait3A_1197 : memref<16x1024xf32, #tpu.memory_space<vmem>>)
    %add3A_1203 = arith.constant 336 : i32
    %add3A_1204 = arith.addi %mul3A_32, %add3A_1203 : i32
    %dma_start3A_1205 = arith.constant 0 : i32
    %dma_start3A_1206 = arith.constant 0 : i32
    %dma_start3A_1207 = arith.constant 0 : i32
    %dma_start3A_1208 = tpu.memref_slice %arg6[%dma_start3A_1205, %dma_start3A_1206, %dma_start3A_1207] : memref<7x16x1024xf32, #tpu.memory_space<vmem>> -> memref<1x16x1024xf32, #tpu.memory_space<vmem>>
    %dma_start3A_1209 = tpu.memref_squeeze %dma_start3A_1208 : memref<1x16x1024xf32, #tpu.memory_space<vmem>> -> memref<16x1024xf32, #tpu.memory_space<vmem>>
    %dma_start3A_1210 = arith.constant 0 : i32
    %dma_start3A_1211 = tpu.memref_slice %arg4[%select_n3A, %add3A_1204, %dma_start3A_1210] : memref<4x4096x1024xf32, #tpu.memory_space<hbm>> -> memref<1x16x1024xf32, #tpu.memory_space<hbm>>
    %dma_start3A_1212 = tpu.memref_squeeze %dma_start3A_1211 : memref<1x16x1024xf32, #tpu.memory_space<hbm>> -> memref<16x1024xf32, #tpu.memory_space<hbm>>
    %dma_start3A_1213 = arith.constant 0 : i32
    %dma_start3A_1214 = tpu.memref_slice %arg4[%select_n3A, %add3A_1204, %dma_start3A_1213] : memref<4x4096x1024xf32, #tpu.memory_space<hbm>> -> memref<1x16x1024xf32, #tpu.memory_space<hbm>>
    %dma_start3A_1215 = tpu.memref_squeeze %dma_start3A_1214 : memref<1x16x1024xf32, #tpu.memory_space<hbm>> -> memref<16x1024xf32, #tpu.memory_space<hbm>>
    %dma_start3A_1216 = arith.constant 0 : i32
    %dma_start3A_1217 = arith.constant 0 : i32
    %dma_start3A_1218 = tpu.memref_slice %arg6[%dma_start3A_1205, %dma_start3A_1216, %dma_start3A_1217] : memref<7x16x1024xf32, #tpu.memory_space<vmem>> -> memref<1x16x1024xf32, #tpu.memory_space<vmem>>
    %dma_start3A_1219 = tpu.memref_squeeze %dma_start3A_1218 : memref<1x16x1024xf32, #tpu.memory_space<vmem>> -> memref<16x1024xf32, #tpu.memory_space<vmem>>
    tpu.enqueue_dma source(%dma_start3A_1219 : memref<16x1024xf32, #tpu.memory_space<vmem>>) target(%dma_start3A_1215 : memref<16x1024xf32, #tpu.memory_space<hbm>>) target_semaphore(%arg14 : memref<!tpu.dma_semaphore, #tpu.memory_space<semaphore_mem>>)
    %dma_wait3A_1220 = arith.constant 0 : i32
    %dma_wait3A_1221 = arith.constant 0 : i32
    %dma_wait3A_1222 = arith.constant 0 : i32
    %dma_wait3A_1223 = tpu.memref_slice %arg6[%dma_wait3A_1220, %dma_wait3A_1221, %dma_wait3A_1222] : memref<7x16x1024xf32, #tpu.memory_space<vmem>> -> memref<1x16x1024xf32, #tpu.memory_space<vmem>>
    %dma_wait3A_1224 = tpu.memref_squeeze %dma_wait3A_1223 : memref<1x16x1024xf32, #tpu.memory_space<vmem>> -> memref<16x1024xf32, #tpu.memory_space<vmem>>
    %dma_wait3A_1225 = arith.constant 0 : i32
    %dma_wait3A_1226 = tpu.memref_slice %arg4[%select_n3A, %add3A_1204, %dma_wait3A_1225] : memref<4x4096x1024xf32, #tpu.memory_space<hbm>> -> memref<1x16x1024xf32, #tpu.memory_space<hbm>>
    %dma_wait3A_1227 = tpu.memref_squeeze %dma_wait3A_1226 : memref<1x16x1024xf32, #tpu.memory_space<hbm>> -> memref<16x1024xf32, #tpu.memory_space<hbm>>
    %dma_wait3A_1228 = arith.constant 0 : i32
    %dma_wait3A_1229 = tpu.memref_slice %arg4[%select_n3A, %add3A_1204, %dma_wait3A_1228] : memref<4x4096x1024xf32, #tpu.memory_space<hbm>> -> memref<1x16x1024xf32, #tpu.memory_space<hbm>>
    %dma_wait3A_1230 = tpu.memref_squeeze %dma_wait3A_1229 : memref<1x16x1024xf32, #tpu.memory_space<hbm>> -> memref<16x1024xf32, #tpu.memory_space<hbm>>
    %dma_wait3A_1231 = arith.constant 0 : i32
    %dma_wait3A_1232 = arith.constant 0 : i32
    %dma_wait3A_1233 = tpu.memref_slice %arg6[%dma_wait3A_1220, %dma_wait3A_1231, %dma_wait3A_1232] : memref<7x16x1024xf32, #tpu.memory_space<vmem>> -> memref<1x16x1024xf32, #tpu.memory_space<vmem>>
    %dma_wait3A_1234 = tpu.memref_squeeze %dma_wait3A_1233 : memref<1x16x1024xf32, #tpu.memory_space<vmem>> -> memref<16x1024xf32, #tpu.memory_space<vmem>>
    tpu.wait_dma2 semaphore(%arg14 : memref<!tpu.dma_semaphore, #tpu.memory_space<semaphore_mem>>) src(%dma_wait3A_1234 : memref<16x1024xf32, #tpu.memory_space<vmem>>) dst(%dma_wait3A_1230 : memref<16x1024xf32, #tpu.memory_space<hbm>>)
    %dma_start3A_1235 = arith.constant 0 : i32
    %dma_start3A_1236 = arith.constant 0 : i32
    %dma_start3A_1237 = arith.constant 0 : i32
    %dma_start3A_1238 = tpu.memref_slice %arg6[%dma_start3A_1235, %dma_start3A_1236, %dma_start3A_1237] : memref<7x16x1024xf32, #tpu.memory_space<vmem>> -> memref<1x16x1024xf32, #tpu.memory_space<vmem>>
    %dma_start3A_1239 = tpu.memref_squeeze %dma_start3A_1238 : memref<1x16x1024xf32, #tpu.memory_space<vmem>> -> memref<16x1024xf32, #tpu.memory_space<vmem>>
    %dma_start3A_1240 = arith.constant 448 : i32
    %dma_start3A_1241 = tpu.memref_slice %arg5[%dma_start3A_1240] : memref<512xi32, #tpu.memory_space<vmem>> -> memref<16xi32, #tpu.memory_space<vmem>>
    %dma_start3A_1242 = arith.constant 0 : i32
    %dma_start3A_1243 = arith.constant 0 : i32
    %dma_start3A_1244 = tpu.memref_slice %arg3[%dma_start3A_1242, %dma_start3A_1243] : memref<100000x1024xf32, #tpu.memory_space<hbm>> -> memref<100000x1024xf32, #tpu.memory_space<hbm>>
    tpu.enqueue_indirect_dma source(%dma_start3A_1244 : memref<100000x1024xf32, #tpu.memory_space<hbm>>) target(%dma_start3A_1239 : memref<16x1024xf32, #tpu.memory_space<vmem>>) offsets(%dma_start3A_1241 : memref<16xi32, #tpu.memory_space<vmem>>) semaphore(%arg7 : memref<!tpu.dma_semaphore, #tpu.memory_space<semaphore_mem>>)
    %dma_wait3A_1245 = arith.constant 1 : i32
    %dma_wait3A_1246 = arith.constant 0 : i32
    %dma_wait3A_1247 = arith.constant 0 : i32
    %dma_wait3A_1248 = tpu.memref_slice %arg6[%dma_wait3A_1245, %dma_wait3A_1246, %dma_wait3A_1247] : memref<7x16x1024xf32, #tpu.memory_space<vmem>> -> memref<1x16x1024xf32, #tpu.memory_space<vmem>>
    %dma_wait3A_1249 = tpu.memref_squeeze %dma_wait3A_1248 : memref<1x16x1024xf32, #tpu.memory_space<vmem>> -> memref<16x1024xf32, #tpu.memory_space<vmem>>
    %dma_wait3A_1250 = arith.constant 352 : i32
    %dma_wait3A_1251 = tpu.memref_slice %arg5[%dma_wait3A_1250] : memref<512xi32, #tpu.memory_space<vmem>> -> memref<16xi32, #tpu.memory_space<vmem>>
    %dma_wait3A_1252 = arith.constant 0 : i32
    %dma_wait3A_1253 = arith.constant 0 : i32
    %dma_wait3A_1254 = tpu.memref_slice %arg3[%dma_wait3A_1252, %dma_wait3A_1253] : memref<100000x1024xf32, #tpu.memory_space<hbm>> -> memref<100000x1024xf32, #tpu.memory_space<hbm>>
    tpu.wait_indirect_dma semaphore(%arg8 : memref<!tpu.dma_semaphore, #tpu.memory_space<semaphore_mem>>) src(%dma_wait3A_1254 : memref<100000x1024xf32, #tpu.memory_space<hbm>>) dst(%dma_wait3A_1249 : memref<16x1024xf32, #tpu.memory_space<vmem>>)
    %add3A_1255 = arith.constant 352 : i32
    %add3A_1256 = arith.addi %mul3A_32, %add3A_1255 : i32
    %dma_start3A_1257 = arith.constant 1 : i32
    %dma_start3A_1258 = arith.constant 0 : i32
    %dma_start3A_1259 = arith.constant 0 : i32
    %dma_start3A_1260 = tpu.memref_slice %arg6[%dma_start3A_1257, %dma_start3A_1258, %dma_start3A_1259] : memref<7x16x1024xf32, #tpu.memory_space<vmem>> -> memref<1x16x1024xf32, #tpu.memory_space<vmem>>
    %dma_start3A_1261 = tpu.memref_squeeze %dma_start3A_1260 : memref<1x16x1024xf32, #tpu.memory_space<vmem>> -> memref<16x1024xf32, #tpu.memory_space<vmem>>
    %dma_start3A_1262 = arith.constant 0 : i32
    %dma_start3A_1263 = tpu.memref_slice %arg4[%select_n3A, %add3A_1256, %dma_start3A_1262] : memref<4x4096x1024xf32, #tpu.memory_space<hbm>> -> memref<1x16x1024xf32, #tpu.memory_space<hbm>>
    %dma_start3A_1264 = tpu.memref_squeeze %dma_start3A_1263 : memref<1x16x1024xf32, #tpu.memory_space<hbm>> -> memref<16x1024xf32, #tpu.memory_space<hbm>>
    %dma_start3A_1265 = arith.constant 0 : i32
    %dma_start3A_1266 = tpu.memref_slice %arg4[%select_n3A, %add3A_1256, %dma_start3A_1265] : memref<4x4096x1024xf32, #tpu.memory_space<hbm>> -> memref<1x16x1024xf32, #tpu.memory_space<hbm>>
    %dma_start3A_1267 = tpu.memref_squeeze %dma_start3A_1266 : memref<1x16x1024xf32, #tpu.memory_space<hbm>> -> memref<16x1024xf32, #tpu.memory_space<hbm>>
    %dma_start3A_1268 = arith.constant 0 : i32
    %dma_start3A_1269 = arith.constant 0 : i32
    %dma_start3A_1270 = tpu.memref_slice %arg6[%dma_start3A_1257, %dma_start3A_1268, %dma_start3A_1269] : memref<7x16x1024xf32, #tpu.memory_space<vmem>> -> memref<1x16x1024xf32, #tpu.memory_space<vmem>>
    %dma_start3A_1271 = tpu.memref_squeeze %dma_start3A_1270 : memref<1x16x1024xf32, #tpu.memory_space<vmem>> -> memref<16x1024xf32, #tpu.memory_space<vmem>>
    tpu.enqueue_dma source(%dma_start3A_1271 : memref<16x1024xf32, #tpu.memory_space<vmem>>) target(%dma_start3A_1267 : memref<16x1024xf32, #tpu.memory_space<hbm>>) target_semaphore(%arg15 : memref<!tpu.dma_semaphore, #tpu.memory_space<semaphore_mem>>)
    %dma_wait3A_1272 = arith.constant 1 : i32
    %dma_wait3A_1273 = arith.constant 0 : i32
    %dma_wait3A_1274 = arith.constant 0 : i32
    %dma_wait3A_1275 = tpu.memref_slice %arg6[%dma_wait3A_1272, %dma_wait3A_1273, %dma_wait3A_1274] : memref<7x16x1024xf32, #tpu.memory_space<vmem>> -> memref<1x16x1024xf32, #tpu.memory_space<vmem>>
    %dma_wait3A_1276 = tpu.memref_squeeze %dma_wait3A_1275 : memref<1x16x1024xf32, #tpu.memory_space<vmem>> -> memref<16x1024xf32, #tpu.memory_space<vmem>>
    %dma_wait3A_1277 = arith.constant 0 : i32
    %dma_wait3A_1278 = tpu.memref_slice %arg4[%select_n3A, %add3A_1256, %dma_wait3A_1277] : memref<4x4096x1024xf32, #tpu.memory_space<hbm>> -> memref<1x16x1024xf32, #tpu.memory_space<hbm>>
    %dma_wait3A_1279 = tpu.memref_squeeze %dma_wait3A_1278 : memref<1x16x1024xf32, #tpu.memory_space<hbm>> -> memref<16x1024xf32, #tpu.memory_space<hbm>>
    %dma_wait3A_1280 = arith.constant 0 : i32
    %dma_wait3A_1281 = tpu.memref_slice %arg4[%select_n3A, %add3A_1256, %dma_wait3A_1280] : memref<4x4096x1024xf32, #tpu.memory_space<hbm>> -> memref<1x16x1024xf32, #tpu.memory_space<hbm>>
    %dma_wait3A_1282 = tpu.memref_squeeze %dma_wait3A_1281 : memref<1x16x1024xf32, #tpu.memory_space<hbm>> -> memref<16x1024xf32, #tpu.memory_space<hbm>>
    %dma_wait3A_1283 = arith.constant 0 : i32
    %dma_wait3A_1284 = arith.constant 0 : i32
    %dma_wait3A_1285 = tpu.memref_slice %arg6[%dma_wait3A_1272, %dma_wait3A_1283, %dma_wait3A_1284] : memref<7x16x1024xf32, #tpu.memory_space<vmem>> -> memref<1x16x1024xf32, #tpu.memory_space<vmem>>
    %dma_wait3A_1286 = tpu.memref_squeeze %dma_wait3A_1285 : memref<1x16x1024xf32, #tpu.memory_space<vmem>> -> memref<16x1024xf32, #tpu.memory_space<vmem>>
    tpu.wait_dma2 semaphore(%arg15 : memref<!tpu.dma_semaphore, #tpu.memory_space<semaphore_mem>>) src(%dma_wait3A_1286 : memref<16x1024xf32, #tpu.memory_space<vmem>>) dst(%dma_wait3A_1282 : memref<16x1024xf32, #tpu.memory_space<hbm>>)
    %dma_start3A_1287 = arith.constant 1 : i32
    %dma_start3A_1288 = arith.constant 0 : i32
    %dma_start3A_1289 = arith.constant 0 : i32
    %dma_start3A_1290 = tpu.memref_slice %arg6[%dma_start3A_1287, %dma_start3A_1288, %dma_start3A_1289] : memref<7x16x1024xf32, #tpu.memory_space<vmem>> -> memref<1x16x1024xf32, #tpu.memory_space<vmem>>
    %dma_start3A_1291 = tpu.memref_squeeze %dma_start3A_1290 : memref<1x16x1024xf32, #tpu.memory_space<vmem>> -> memref<16x1024xf32, #tpu.memory_space<vmem>>
    %dma_start3A_1292 = arith.constant 464 : i32
    %dma_start3A_1293 = tpu.memref_slice %arg5[%dma_start3A_1292] : memref<512xi32, #tpu.memory_space<vmem>> -> memref<16xi32, #tpu.memory_space<vmem>>
    %dma_start3A_1294 = arith.constant 0 : i32
    %dma_start3A_1295 = arith.constant 0 : i32
    %dma_start3A_1296 = tpu.memref_slice %arg3[%dma_start3A_1294, %dma_start3A_1295] : memref<100000x1024xf32, #tpu.memory_space<hbm>> -> memref<100000x1024xf32, #tpu.memory_space<hbm>>
    tpu.enqueue_indirect_dma source(%dma_start3A_1296 : memref<100000x1024xf32, #tpu.memory_space<hbm>>) target(%dma_start3A_1291 : memref<16x1024xf32, #tpu.memory_space<vmem>>) offsets(%dma_start3A_1293 : memref<16xi32, #tpu.memory_space<vmem>>) semaphore(%arg8 : memref<!tpu.dma_semaphore, #tpu.memory_space<semaphore_mem>>)
    %dma_wait3A_1297 = arith.constant 2 : i32
    %dma_wait3A_1298 = arith.constant 0 : i32
    %dma_wait3A_1299 = arith.constant 0 : i32
    %dma_wait3A_1300 = tpu.memref_slice %arg6[%dma_wait3A_1297, %dma_wait3A_1298, %dma_wait3A_1299] : memref<7x16x1024xf32, #tpu.memory_space<vmem>> -> memref<1x16x1024xf32, #tpu.memory_space<vmem>>
    %dma_wait3A_1301 = tpu.memref_squeeze %dma_wait3A_1300 : memref<1x16x1024xf32, #tpu.memory_space<vmem>> -> memref<16x1024xf32, #tpu.memory_space<vmem>>
    %dma_wait3A_1302 = arith.constant 368 : i32
    %dma_wait3A_1303 = tpu.memref_slice %arg5[%dma_wait3A_1302] : memref<512xi32, #tpu.memory_space<vmem>> -> memref<16xi32, #tpu.memory_space<vmem>>
    %dma_wait3A_1304 = arith.constant 0 : i32
    %dma_wait3A_1305 = arith.constant 0 : i32
    %dma_wait3A_1306 = tpu.memref_slice %arg3[%dma_wait3A_1304, %dma_wait3A_1305] : memref<100000x1024xf32, #tpu.memory_space<hbm>> -> memref<100000x1024xf32, #tpu.memory_space<hbm>>
    tpu.wait_indirect_dma semaphore(%arg9 : memref<!tpu.dma_semaphore, #tpu.memory_space<semaphore_mem>>) src(%dma_wait3A_1306 : memref<100000x1024xf32, #tpu.memory_space<hbm>>) dst(%dma_wait3A_1301 : memref<16x1024xf32, #tpu.memory_space<vmem>>)
    %add3A_1307 = arith.constant 368 : i32
    %add3A_1308 = arith.addi %mul3A_32, %add3A_1307 : i32
    %dma_start3A_1309 = arith.constant 2 : i32
    %dma_start3A_1310 = arith.constant 0 : i32
    %dma_start3A_1311 = arith.constant 0 : i32
    %dma_start3A_1312 = tpu.memref_slice %arg6[%dma_start3A_1309, %dma_start3A_1310, %dma_start3A_1311] : memref<7x16x1024xf32, #tpu.memory_space<vmem>> -> memref<1x16x1024xf32, #tpu.memory_space<vmem>>
    %dma_start3A_1313 = tpu.memref_squeeze %dma_start3A_1312 : memref<1x16x1024xf32, #tpu.memory_space<vmem>> -> memref<16x1024xf32, #tpu.memory_space<vmem>>
    %dma_start3A_1314 = arith.constant 0 : i32
    %dma_start3A_1315 = tpu.memref_slice %arg4[%select_n3A, %add3A_1308, %dma_start3A_1314] : memref<4x4096x1024xf32, #tpu.memory_space<hbm>> -> memref<1x16x1024xf32, #tpu.memory_space<hbm>>
    %dma_start3A_1316 = tpu.memref_squeeze %dma_start3A_1315 : memref<1x16x1024xf32, #tpu.memory_space<hbm>> -> memref<16x1024xf32, #tpu.memory_space<hbm>>
    %dma_start3A_1317 = arith.constant 0 : i32
    %dma_start3A_1318 = tpu.memref_slice %arg4[%select_n3A, %add3A_1308, %dma_start3A_1317] : memref<4x4096x1024xf32, #tpu.memory_space<hbm>> -> memref<1x16x1024xf32, #tpu.memory_space<hbm>>
    %dma_start3A_1319 = tpu.memref_squeeze %dma_start3A_1318 : memref<1x16x1024xf32, #tpu.memory_space<hbm>> -> memref<16x1024xf32, #tpu.memory_space<hbm>>
    %dma_start3A_1320 = arith.constant 0 : i32
    %dma_start3A_1321 = arith.constant 0 : i32
    %dma_start3A_1322 = tpu.memref_slice %arg6[%dma_start3A_1309, %dma_start3A_1320, %dma_start3A_1321] : memref<7x16x1024xf32, #tpu.memory_space<vmem>> -> memref<1x16x1024xf32, #tpu.memory_space<vmem>>
    %dma_start3A_1323 = tpu.memref_squeeze %dma_start3A_1322 : memref<1x16x1024xf32, #tpu.memory_space<vmem>> -> memref<16x1024xf32, #tpu.memory_space<vmem>>
    tpu.enqueue_dma source(%dma_start3A_1323 : memref<16x1024xf32, #tpu.memory_space<vmem>>) target(%dma_start3A_1319 : memref<16x1024xf32, #tpu.memory_space<hbm>>) target_semaphore(%arg16 : memref<!tpu.dma_semaphore, #tpu.memory_space<semaphore_mem>>)
    %dma_wait3A_1324 = arith.constant 2 : i32
    %dma_wait3A_1325 = arith.constant 0 : i32
    %dma_wait3A_1326 = arith.constant 0 : i32
    %dma_wait3A_1327 = tpu.memref_slice %arg6[%dma_wait3A_1324, %dma_wait3A_1325, %dma_wait3A_1326] : memref<7x16x1024xf32, #tpu.memory_space<vmem>> -> memref<1x16x1024xf32, #tpu.memory_space<vmem>>
    %dma_wait3A_1328 = tpu.memref_squeeze %dma_wait3A_1327 : memref<1x16x1024xf32, #tpu.memory_space<vmem>> -> memref<16x1024xf32, #tpu.memory_space<vmem>>
    %dma_wait3A_1329 = arith.constant 0 : i32
    %dma_wait3A_1330 = tpu.memref_slice %arg4[%select_n3A, %add3A_1308, %dma_wait3A_1329] : memref<4x4096x1024xf32, #tpu.memory_space<hbm>> -> memref<1x16x1024xf32, #tpu.memory_space<hbm>>
    %dma_wait3A_1331 = tpu.memref_squeeze %dma_wait3A_1330 : memref<1x16x1024xf32, #tpu.memory_space<hbm>> -> memref<16x1024xf32, #tpu.memory_space<hbm>>
    %dma_wait3A_1332 = arith.constant 0 : i32
    %dma_wait3A_1333 = tpu.memref_slice %arg4[%select_n3A, %add3A_1308, %dma_wait3A_1332] : memref<4x4096x1024xf32, #tpu.memory_space<hbm>> -> memref<1x16x1024xf32, #tpu.memory_space<hbm>>
    %dma_wait3A_1334 = tpu.memref_squeeze %dma_wait3A_1333 : memref<1x16x1024xf32, #tpu.memory_space<hbm>> -> memref<16x1024xf32, #tpu.memory_space<hbm>>
    %dma_wait3A_1335 = arith.constant 0 : i32
    %dma_wait3A_1336 = arith.constant 0 : i32
    %dma_wait3A_1337 = tpu.memref_slice %arg6[%dma_wait3A_1324, %dma_wait3A_1335, %dma_wait3A_1336] : memref<7x16x1024xf32, #tpu.memory_space<vmem>> -> memref<1x16x1024xf32, #tpu.memory_space<vmem>>
    %dma_wait3A_1338 = tpu.memref_squeeze %dma_wait3A_1337 : memref<1x16x1024xf32, #tpu.memory_space<vmem>> -> memref<16x1024xf32, #tpu.memory_space<vmem>>
    tpu.wait_dma2 semaphore(%arg16 : memref<!tpu.dma_semaphore, #tpu.memory_space<semaphore_mem>>) src(%dma_wait3A_1338 : memref<16x1024xf32, #tpu.memory_space<vmem>>) dst(%dma_wait3A_1334 : memref<16x1024xf32, #tpu.memory_space<hbm>>)
    %dma_start3A_1339 = arith.constant 2 : i32
    %dma_start3A_1340 = arith.constant 0 : i32
    %dma_start3A_1341 = arith.constant 0 : i32
    %dma_start3A_1342 = tpu.memref_slice %arg6[%dma_start3A_1339, %dma_start3A_1340, %dma_start3A_1341] : memref<7x16x1024xf32, #tpu.memory_space<vmem>> -> memref<1x16x1024xf32, #tpu.memory_space<vmem>>
    %dma_start3A_1343 = tpu.memref_squeeze %dma_start3A_1342 : memref<1x16x1024xf32, #tpu.memory_space<vmem>> -> memref<16x1024xf32, #tpu.memory_space<vmem>>
    %dma_start3A_1344 = arith.constant 480 : i32
    %dma_start3A_1345 = tpu.memref_slice %arg5[%dma_start3A_1344] : memref<512xi32, #tpu.memory_space<vmem>> -> memref<16xi32, #tpu.memory_space<vmem>>
    %dma_start3A_1346 = arith.constant 0 : i32
    %dma_start3A_1347 = arith.constant 0 : i32
    %dma_start3A_1348 = tpu.memref_slice %arg3[%dma_start3A_1346, %dma_start3A_1347] : memref<100000x1024xf32, #tpu.memory_space<hbm>> -> memref<100000x1024xf32, #tpu.memory_space<hbm>>
    tpu.enqueue_indirect_dma source(%dma_start3A_1348 : memref<100000x1024xf32, #tpu.memory_space<hbm>>) target(%dma_start3A_1343 : memref<16x1024xf32, #tpu.memory_space<vmem>>) offsets(%dma_start3A_1345 : memref<16xi32, #tpu.memory_space<vmem>>) semaphore(%arg9 : memref<!tpu.dma_semaphore, #tpu.memory_space<semaphore_mem>>)
    %dma_wait3A_1349 = arith.constant 3 : i32
    %dma_wait3A_1350 = arith.constant 0 : i32
    %dma_wait3A_1351 = arith.constant 0 : i32
    %dma_wait3A_1352 = tpu.memref_slice %arg6[%dma_wait3A_1349, %dma_wait3A_1350, %dma_wait3A_1351] : memref<7x16x1024xf32, #tpu.memory_space<vmem>> -> memref<1x16x1024xf32, #tpu.memory_space<vmem>>
    %dma_wait3A_1353 = tpu.memref_squeeze %dma_wait3A_1352 : memref<1x16x1024xf32, #tpu.memory_space<vmem>> -> memref<16x1024xf32, #tpu.memory_space<vmem>>
    %dma_wait3A_1354 = arith.constant 384 : i32
    %dma_wait3A_1355 = tpu.memref_slice %arg5[%dma_wait3A_1354] : memref<512xi32, #tpu.memory_space<vmem>> -> memref<16xi32, #tpu.memory_space<vmem>>
    %dma_wait3A_1356 = arith.constant 0 : i32
    %dma_wait3A_1357 = arith.constant 0 : i32
    %dma_wait3A_1358 = tpu.memref_slice %arg3[%dma_wait3A_1356, %dma_wait3A_1357] : memref<100000x1024xf32, #tpu.memory_space<hbm>> -> memref<100000x1024xf32, #tpu.memory_space<hbm>>
    tpu.wait_indirect_dma semaphore(%arg10 : memref<!tpu.dma_semaphore, #tpu.memory_space<semaphore_mem>>) src(%dma_wait3A_1358 : memref<100000x1024xf32, #tpu.memory_space<hbm>>) dst(%dma_wait3A_1353 : memref<16x1024xf32, #tpu.memory_space<vmem>>)
    %add3A_1359 = arith.constant 384 : i32
    %add3A_1360 = arith.addi %mul3A_32, %add3A_1359 : i32
    %dma_start3A_1361 = arith.constant 3 : i32
    %dma_start3A_1362 = arith.constant 0 : i32
    %dma_start3A_1363 = arith.constant 0 : i32
    %dma_start3A_1364 = tpu.memref_slice %arg6[%dma_start3A_1361, %dma_start3A_1362, %dma_start3A_1363] : memref<7x16x1024xf32, #tpu.memory_space<vmem>> -> memref<1x16x1024xf32, #tpu.memory_space<vmem>>
    %dma_start3A_1365 = tpu.memref_squeeze %dma_start3A_1364 : memref<1x16x1024xf32, #tpu.memory_space<vmem>> -> memref<16x1024xf32, #tpu.memory_space<vmem>>
    %dma_start3A_1366 = arith.constant 0 : i32
    %dma_start3A_1367 = tpu.memref_slice %arg4[%select_n3A, %add3A_1360, %dma_start3A_1366] : memref<4x4096x1024xf32, #tpu.memory_space<hbm>> -> memref<1x16x1024xf32, #tpu.memory_space<hbm>>
    %dma_start3A_1368 = tpu.memref_squeeze %dma_start3A_1367 : memref<1x16x1024xf32, #tpu.memory_space<hbm>> -> memref<16x1024xf32, #tpu.memory_space<hbm>>
    %dma_start3A_1369 = arith.constant 0 : i32
    %dma_start3A_1370 = tpu.memref_slice %arg4[%select_n3A, %add3A_1360, %dma_start3A_1369] : memref<4x4096x1024xf32, #tpu.memory_space<hbm>> -> memref<1x16x1024xf32, #tpu.memory_space<hbm>>
    %dma_start3A_1371 = tpu.memref_squeeze %dma_start3A_1370 : memref<1x16x1024xf32, #tpu.memory_space<hbm>> -> memref<16x1024xf32, #tpu.memory_space<hbm>>
    %dma_start3A_1372 = arith.constant 0 : i32
    %dma_start3A_1373 = arith.constant 0 : i32
    %dma_start3A_1374 = tpu.memref_slice %arg6[%dma_start3A_1361, %dma_start3A_1372, %dma_start3A_1373] : memref<7x16x1024xf32, #tpu.memory_space<vmem>> -> memref<1x16x1024xf32, #tpu.memory_space<vmem>>
    %dma_start3A_1375 = tpu.memref_squeeze %dma_start3A_1374 : memref<1x16x1024xf32, #tpu.memory_space<vmem>> -> memref<16x1024xf32, #tpu.memory_space<vmem>>
    tpu.enqueue_dma source(%dma_start3A_1375 : memref<16x1024xf32, #tpu.memory_space<vmem>>) target(%dma_start3A_1371 : memref<16x1024xf32, #tpu.memory_space<hbm>>) target_semaphore(%arg17 : memref<!tpu.dma_semaphore, #tpu.memory_space<semaphore_mem>>)
    %dma_wait3A_1376 = arith.constant 3 : i32
    %dma_wait3A_1377 = arith.constant 0 : i32
    %dma_wait3A_1378 = arith.constant 0 : i32
    %dma_wait3A_1379 = tpu.memref_slice %arg6[%dma_wait3A_1376, %dma_wait3A_1377, %dma_wait3A_1378] : memref<7x16x1024xf32, #tpu.memory_space<vmem>> -> memref<1x16x1024xf32, #tpu.memory_space<vmem>>
    %dma_wait3A_1380 = tpu.memref_squeeze %dma_wait3A_1379 : memref<1x16x1024xf32, #tpu.memory_space<vmem>> -> memref<16x1024xf32, #tpu.memory_space<vmem>>
    %dma_wait3A_1381 = arith.constant 0 : i32
    %dma_wait3A_1382 = tpu.memref_slice %arg4[%select_n3A, %add3A_1360, %dma_wait3A_1381] : memref<4x4096x1024xf32, #tpu.memory_space<hbm>> -> memref<1x16x1024xf32, #tpu.memory_space<hbm>>
    %dma_wait3A_1383 = tpu.memref_squeeze %dma_wait3A_1382 : memref<1x16x1024xf32, #tpu.memory_space<hbm>> -> memref<16x1024xf32, #tpu.memory_space<hbm>>
    %dma_wait3A_1384 = arith.constant 0 : i32
    %dma_wait3A_1385 = tpu.memref_slice %arg4[%select_n3A, %add3A_1360, %dma_wait3A_1384] : memref<4x4096x1024xf32, #tpu.memory_space<hbm>> -> memref<1x16x1024xf32, #tpu.memory_space<hbm>>
    %dma_wait3A_1386 = tpu.memref_squeeze %dma_wait3A_1385 : memref<1x16x1024xf32, #tpu.memory_space<hbm>> -> memref<16x1024xf32, #tpu.memory_space<hbm>>
    %dma_wait3A_1387 = arith.constant 0 : i32
    %dma_wait3A_1388 = arith.constant 0 : i32
    %dma_wait3A_1389 = tpu.memref_slice %arg6[%dma_wait3A_1376, %dma_wait3A_1387, %dma_wait3A_1388] : memref<7x16x1024xf32, #tpu.memory_space<vmem>> -> memref<1x16x1024xf32, #tpu.memory_space<vmem>>
    %dma_wait3A_1390 = tpu.memref_squeeze %dma_wait3A_1389 : memref<1x16x1024xf32, #tpu.memory_space<vmem>> -> memref<16x1024xf32, #tpu.memory_space<vmem>>
    tpu.wait_dma2 semaphore(%arg17 : memref<!tpu.dma_semaphore, #tpu.memory_space<semaphore_mem>>) src(%dma_wait3A_1390 : memref<16x1024xf32, #tpu.memory_space<vmem>>) dst(%dma_wait3A_1386 : memref<16x1024xf32, #tpu.memory_space<hbm>>)
    %dma_start3A_1391 = arith.constant 3 : i32
    %dma_start3A_1392 = arith.constant 0 : i32
    %dma_start3A_1393 = arith.constant 0 : i32
    %dma_start3A_1394 = tpu.memref_slice %arg6[%dma_start3A_1391, %dma_start3A_1392, %dma_start3A_1393] : memref<7x16x1024xf32, #tpu.memory_space<vmem>> -> memref<1x16x1024xf32, #tpu.memory_space<vmem>>
    %dma_start3A_1395 = tpu.memref_squeeze %dma_start3A_1394 : memref<1x16x1024xf32, #tpu.memory_space<vmem>> -> memref<16x1024xf32, #tpu.memory_space<vmem>>
    %dma_start3A_1396 = arith.constant 496 : i32
    %dma_start3A_1397 = tpu.memref_slice %arg5[%dma_start3A_1396] : memref<512xi32, #tpu.memory_space<vmem>> -> memref<16xi32, #tpu.memory_space<vmem>>
    %dma_start3A_1398 = arith.constant 0 : i32
    %dma_start3A_1399 = arith.constant 0 : i32
    %dma_start3A_1400 = tpu.memref_slice %arg3[%dma_start3A_1398, %dma_start3A_1399] : memref<100000x1024xf32, #tpu.memory_space<hbm>> -> memref<100000x1024xf32, #tpu.memory_space<hbm>>
    tpu.enqueue_indirect_dma source(%dma_start3A_1400 : memref<100000x1024xf32, #tpu.memory_space<hbm>>) target(%dma_start3A_1395 : memref<16x1024xf32, #tpu.memory_space<vmem>>) offsets(%dma_start3A_1397 : memref<16xi32, #tpu.memory_space<vmem>>) semaphore(%arg10 : memref<!tpu.dma_semaphore, #tpu.memory_space<semaphore_mem>>)
    %dma_wait3A_1401 = arith.constant 4 : i32
    %dma_wait3A_1402 = arith.constant 0 : i32
    %dma_wait3A_1403 = arith.constant 0 : i32
    %dma_wait3A_1404 = tpu.memref_slice %arg6[%dma_wait3A_1401, %dma_wait3A_1402, %dma_wait3A_1403] : memref<7x16x1024xf32, #tpu.memory_space<vmem>> -> memref<1x16x1024xf32, #tpu.memory_space<vmem>>
    %dma_wait3A_1405 = tpu.memref_squeeze %dma_wait3A_1404 : memref<1x16x1024xf32, #tpu.memory_space<vmem>> -> memref<16x1024xf32, #tpu.memory_space<vmem>>
    %dma_wait3A_1406 = arith.constant 400 : i32
    %dma_wait3A_1407 = tpu.memref_slice %arg5[%dma_wait3A_1406] : memref<512xi32, #tpu.memory_space<vmem>> -> memref<16xi32, #tpu.memory_space<vmem>>
    %dma_wait3A_1408 = arith.constant 0 : i32
    %dma_wait3A_1409 = arith.constant 0 : i32
    %dma_wait3A_1410 = tpu.memref_slice %arg3[%dma_wait3A_1408, %dma_wait3A_1409] : memref<100000x1024xf32, #tpu.memory_space<hbm>> -> memref<100000x1024xf32, #tpu.memory_space<hbm>>
    tpu.wait_indirect_dma semaphore(%arg11 : memref<!tpu.dma_semaphore, #tpu.memory_space<semaphore_mem>>) src(%dma_wait3A_1410 : memref<100000x1024xf32, #tpu.memory_space<hbm>>) dst(%dma_wait3A_1405 : memref<16x1024xf32, #tpu.memory_space<vmem>>)
    %add3A_1411 = arith.constant 400 : i32
    %add3A_1412 = arith.addi %mul3A_32, %add3A_1411 : i32
    %dma_start3A_1413 = arith.constant 4 : i32
    %dma_start3A_1414 = arith.constant 0 : i32
    %dma_start3A_1415 = arith.constant 0 : i32
    %dma_start3A_1416 = tpu.memref_slice %arg6[%dma_start3A_1413, %dma_start3A_1414, %dma_start3A_1415] : memref<7x16x1024xf32, #tpu.memory_space<vmem>> -> memref<1x16x1024xf32, #tpu.memory_space<vmem>>
    %dma_start3A_1417 = tpu.memref_squeeze %dma_start3A_1416 : memref<1x16x1024xf32, #tpu.memory_space<vmem>> -> memref<16x1024xf32, #tpu.memory_space<vmem>>
    %dma_start3A_1418 = arith.constant 0 : i32
    %dma_start3A_1419 = tpu.memref_slice %arg4[%select_n3A, %add3A_1412, %dma_start3A_1418] : memref<4x4096x1024xf32, #tpu.memory_space<hbm>> -> memref<1x16x1024xf32, #tpu.memory_space<hbm>>
    %dma_start3A_1420 = tpu.memref_squeeze %dma_start3A_1419 : memref<1x16x1024xf32, #tpu.memory_space<hbm>> -> memref<16x1024xf32, #tpu.memory_space<hbm>>
    %dma_start3A_1421 = arith.constant 0 : i32
    %dma_start3A_1422 = tpu.memref_slice %arg4[%select_n3A, %add3A_1412, %dma_start3A_1421] : memref<4x4096x1024xf32, #tpu.memory_space<hbm>> -> memref<1x16x1024xf32, #tpu.memory_space<hbm>>
    %dma_start3A_1423 = tpu.memref_squeeze %dma_start3A_1422 : memref<1x16x1024xf32, #tpu.memory_space<hbm>> -> memref<16x1024xf32, #tpu.memory_space<hbm>>
    %dma_start3A_1424 = arith.constant 0 : i32
    %dma_start3A_1425 = arith.constant 0 : i32
    %dma_start3A_1426 = tpu.memref_slice %arg6[%dma_start3A_1413, %dma_start3A_1424, %dma_start3A_1425] : memref<7x16x1024xf32, #tpu.memory_space<vmem>> -> memref<1x16x1024xf32, #tpu.memory_space<vmem>>
    %dma_start3A_1427 = tpu.memref_squeeze %dma_start3A_1426 : memref<1x16x1024xf32, #tpu.memory_space<vmem>> -> memref<16x1024xf32, #tpu.memory_space<vmem>>
    tpu.enqueue_dma source(%dma_start3A_1427 : memref<16x1024xf32, #tpu.memory_space<vmem>>) target(%dma_start3A_1423 : memref<16x1024xf32, #tpu.memory_space<hbm>>) target_semaphore(%arg18 : memref<!tpu.dma_semaphore, #tpu.memory_space<semaphore_mem>>)
    %dma_wait3A_1428 = arith.constant 5 : i32
    %dma_wait3A_1429 = arith.constant 0 : i32
    %dma_wait3A_1430 = arith.constant 0 : i32
    %dma_wait3A_1431 = tpu.memref_slice %arg6[%dma_wait3A_1428, %dma_wait3A_1429, %dma_wait3A_1430] : memref<7x16x1024xf32, #tpu.memory_space<vmem>> -> memref<1x16x1024xf32, #tpu.memory_space<vmem>>
    %dma_wait3A_1432 = tpu.memref_squeeze %dma_wait3A_1431 : memref<1x16x1024xf32, #tpu.memory_space<vmem>> -> memref<16x1024xf32, #tpu.memory_space<vmem>>
    %dma_wait3A_1433 = arith.constant 416 : i32
    %dma_wait3A_1434 = tpu.memref_slice %arg5[%dma_wait3A_1433] : memref<512xi32, #tpu.memory_space<vmem>> -> memref<16xi32, #tpu.memory_space<vmem>>
    %dma_wait3A_1435 = arith.constant 0 : i32
    %dma_wait3A_1436 = arith.constant 0 : i32
    %dma_wait3A_1437 = tpu.memref_slice %arg3[%dma_wait3A_1435, %dma_wait3A_1436] : memref<100000x1024xf32, #tpu.memory_space<hbm>> -> memref<100000x1024xf32, #tpu.memory_space<hbm>>
    tpu.wait_indirect_dma semaphore(%arg12 : memref<!tpu.dma_semaphore, #tpu.memory_space<semaphore_mem>>) src(%dma_wait3A_1437 : memref<100000x1024xf32, #tpu.memory_space<hbm>>) dst(%dma_wait3A_1432 : memref<16x1024xf32, #tpu.memory_space<vmem>>)
    %add3A_1438 = arith.constant 416 : i32
    %add3A_1439 = arith.addi %mul3A_32, %add3A_1438 : i32
    %dma_start3A_1440 = arith.constant 5 : i32
    %dma_start3A_1441 = arith.constant 0 : i32
    %dma_start3A_1442 = arith.constant 0 : i32
    %dma_start3A_1443 = tpu.memref_slice %arg6[%dma_start3A_1440, %dma_start3A_1441, %dma_start3A_1442] : memref<7x16x1024xf32, #tpu.memory_space<vmem>> -> memref<1x16x1024xf32, #tpu.memory_space<vmem>>
    %dma_start3A_1444 = tpu.memref_squeeze %dma_start3A_1443 : memref<1x16x1024xf32, #tpu.memory_space<vmem>> -> memref<16x1024xf32, #tpu.memory_space<vmem>>
    %dma_start3A_1445 = arith.constant 0 : i32
    %dma_start3A_1446 = tpu.memref_slice %arg4[%select_n3A, %add3A_1439, %dma_start3A_1445] : memref<4x4096x1024xf32, #tpu.memory_space<hbm>> -> memref<1x16x1024xf32, #tpu.memory_space<hbm>>
    %dma_start3A_1447 = tpu.memref_squeeze %dma_start3A_1446 : memref<1x16x1024xf32, #tpu.memory_space<hbm>> -> memref<16x1024xf32, #tpu.memory_space<hbm>>
    %dma_start3A_1448 = arith.constant 0 : i32
    %dma_start3A_1449 = tpu.memref_slice %arg4[%select_n3A, %add3A_1439, %dma_start3A_1448] : memref<4x4096x1024xf32, #tpu.memory_space<hbm>> -> memref<1x16x1024xf32, #tpu.memory_space<hbm>>
    %dma_start3A_1450 = tpu.memref_squeeze %dma_start3A_1449 : memref<1x16x1024xf32, #tpu.memory_space<hbm>> -> memref<16x1024xf32, #tpu.memory_space<hbm>>
    %dma_start3A_1451 = arith.constant 0 : i32
    %dma_start3A_1452 = arith.constant 0 : i32
    %dma_start3A_1453 = tpu.memref_slice %arg6[%dma_start3A_1440, %dma_start3A_1451, %dma_start3A_1452] : memref<7x16x1024xf32, #tpu.memory_space<vmem>> -> memref<1x16x1024xf32, #tpu.memory_space<vmem>>
    %dma_start3A_1454 = tpu.memref_squeeze %dma_start3A_1453 : memref<1x16x1024xf32, #tpu.memory_space<vmem>> -> memref<16x1024xf32, #tpu.memory_space<vmem>>
    tpu.enqueue_dma source(%dma_start3A_1454 : memref<16x1024xf32, #tpu.memory_space<vmem>>) target(%dma_start3A_1450 : memref<16x1024xf32, #tpu.memory_space<hbm>>) target_semaphore(%arg19 : memref<!tpu.dma_semaphore, #tpu.memory_space<semaphore_mem>>)
    %dma_wait3A_1455 = arith.constant 6 : i32
    %dma_wait3A_1456 = arith.constant 0 : i32
    %dma_wait3A_1457 = arith.constant 0 : i32
    %dma_wait3A_1458 = tpu.memref_slice %arg6[%dma_wait3A_1455, %dma_wait3A_1456, %dma_wait3A_1457] : memref<7x16x1024xf32, #tpu.memory_space<vmem>> -> memref<1x16x1024xf32, #tpu.memory_space<vmem>>
    %dma_wait3A_1459 = tpu.memref_squeeze %dma_wait3A_1458 : memref<1x16x1024xf32, #tpu.memory_space<vmem>> -> memref<16x1024xf32, #tpu.memory_space<vmem>>
    %dma_wait3A_1460 = arith.constant 432 : i32
    %dma_wait3A_1461 = tpu.memref_slice %arg5[%dma_wait3A_1460] : memref<512xi32, #tpu.memory_space<vmem>> -> memref<16xi32, #tpu.memory_space<vmem>>
    %dma_wait3A_1462 = arith.constant 0 : i32
    %dma_wait3A_1463 = arith.constant 0 : i32
    %dma_wait3A_1464 = tpu.memref_slice %arg3[%dma_wait3A_1462, %dma_wait3A_1463] : memref<100000x1024xf32, #tpu.memory_space<hbm>> -> memref<100000x1024xf32, #tpu.memory_space<hbm>>
    tpu.wait_indirect_dma semaphore(%arg13 : memref<!tpu.dma_semaphore, #tpu.memory_space<semaphore_mem>>) src(%dma_wait3A_1464 : memref<100000x1024xf32, #tpu.memory_space<hbm>>) dst(%dma_wait3A_1459 : memref<16x1024xf32, #tpu.memory_space<vmem>>)
    %add3A_1465 = arith.constant 432 : i32
    %add3A_1466 = arith.addi %mul3A_32, %add3A_1465 : i32
    %dma_start3A_1467 = arith.constant 6 : i32
    %dma_start3A_1468 = arith.constant 0 : i32
    %dma_start3A_1469 = arith.constant 0 : i32
    %dma_start3A_1470 = tpu.memref_slice %arg6[%dma_start3A_1467, %dma_start3A_1468, %dma_start3A_1469] : memref<7x16x1024xf32, #tpu.memory_space<vmem>> -> memref<1x16x1024xf32, #tpu.memory_space<vmem>>
    %dma_start3A_1471 = tpu.memref_squeeze %dma_start3A_1470 : memref<1x16x1024xf32, #tpu.memory_space<vmem>> -> memref<16x1024xf32, #tpu.memory_space<vmem>>
    %dma_start3A_1472 = arith.constant 0 : i32
    %dma_start3A_1473 = tpu.memref_slice %arg4[%select_n3A, %add3A_1466, %dma_start3A_1472] : memref<4x4096x1024xf32, #tpu.memory_space<hbm>> -> memref<1x16x1024xf32, #tpu.memory_space<hbm>>
    %dma_start3A_1474 = tpu.memref_squeeze %dma_start3A_1473 : memref<1x16x1024xf32, #tpu.memory_space<hbm>> -> memref<16x1024xf32, #tpu.memory_space<hbm>>
    %dma_start3A_1475 = arith.constant 0 : i32
    %dma_start3A_1476 = tpu.memref_slice %arg4[%select_n3A, %add3A_1466, %dma_start3A_1475] : memref<4x4096x1024xf32, #tpu.memory_space<hbm>> -> memref<1x16x1024xf32, #tpu.memory_space<hbm>>
    %dma_start3A_1477 = tpu.memref_squeeze %dma_start3A_1476 : memref<1x16x1024xf32, #tpu.memory_space<hbm>> -> memref<16x1024xf32, #tpu.memory_space<hbm>>
    %dma_start3A_1478 = arith.constant 0 : i32
    %dma_start3A_1479 = arith.constant 0 : i32
    %dma_start3A_1480 = tpu.memref_slice %arg6[%dma_start3A_1467, %dma_start3A_1478, %dma_start3A_1479] : memref<7x16x1024xf32, #tpu.memory_space<vmem>> -> memref<1x16x1024xf32, #tpu.memory_space<vmem>>
    %dma_start3A_1481 = tpu.memref_squeeze %dma_start3A_1480 : memref<1x16x1024xf32, #tpu.memory_space<vmem>> -> memref<16x1024xf32, #tpu.memory_space<vmem>>
    tpu.enqueue_dma source(%dma_start3A_1481 : memref<16x1024xf32, #tpu.memory_space<vmem>>) target(%dma_start3A_1477 : memref<16x1024xf32, #tpu.memory_space<hbm>>) target_semaphore(%arg20 : memref<!tpu.dma_semaphore, #tpu.memory_space<semaphore_mem>>)
    %dma_wait3A_1482 = arith.constant 0 : i32
    %dma_wait3A_1483 = arith.constant 0 : i32
    %dma_wait3A_1484 = arith.constant 0 : i32
    %dma_wait3A_1485 = tpu.memref_slice %arg6[%dma_wait3A_1482, %dma_wait3A_1483, %dma_wait3A_1484] : memref<7x16x1024xf32, #tpu.memory_space<vmem>> -> memref<1x16x1024xf32, #tpu.memory_space<vmem>>
    %dma_wait3A_1486 = tpu.memref_squeeze %dma_wait3A_1485 : memref<1x16x1024xf32, #tpu.memory_space<vmem>> -> memref<16x1024xf32, #tpu.memory_space<vmem>>
    %dma_wait3A_1487 = arith.constant 448 : i32
    %dma_wait3A_1488 = tpu.memref_slice %arg5[%dma_wait3A_1487] : memref<512xi32, #tpu.memory_space<vmem>> -> memref<16xi32, #tpu.memory_space<vmem>>
    %dma_wait3A_1489 = arith.constant 0 : i32
    %dma_wait3A_1490 = arith.constant 0 : i32
    %dma_wait3A_1491 = tpu.memref_slice %arg3[%dma_wait3A_1489, %dma_wait3A_1490] : memref<100000x1024xf32, #tpu.memory_space<hbm>> -> memref<100000x1024xf32, #tpu.memory_space<hbm>>
    tpu.wait_indirect_dma semaphore(%arg7 : memref<!tpu.dma_semaphore, #tpu.memory_space<semaphore_mem>>) src(%dma_wait3A_1491 : memref<100000x1024xf32, #tpu.memory_space<hbm>>) dst(%dma_wait3A_1486 : memref<16x1024xf32, #tpu.memory_space<vmem>>)
    %add3A_1492 = arith.constant 448 : i32
    %add3A_1493 = arith.addi %mul3A_32, %add3A_1492 : i32
    %dma_start3A_1494 = arith.constant 0 : i32
    %dma_start3A_1495 = arith.constant 0 : i32
    %dma_start3A_1496 = arith.constant 0 : i32
    %dma_start3A_1497 = tpu.memref_slice %arg6[%dma_start3A_1494, %dma_start3A_1495, %dma_start3A_1496] : memref<7x16x1024xf32, #tpu.memory_space<vmem>> -> memref<1x16x1024xf32, #tpu.memory_space<vmem>>
    %dma_start3A_1498 = tpu.memref_squeeze %dma_start3A_1497 : memref<1x16x1024xf32, #tpu.memory_space<vmem>> -> memref<16x1024xf32, #tpu.memory_space<vmem>>
    %dma_start3A_1499 = arith.constant 0 : i32
    %dma_start3A_1500 = tpu.memref_slice %arg4[%select_n3A, %add3A_1493, %dma_start3A_1499] : memref<4x4096x1024xf32, #tpu.memory_space<hbm>> -> memref<1x16x1024xf32, #tpu.memory_space<hbm>>
    %dma_start3A_1501 = tpu.memref_squeeze %dma_start3A_1500 : memref<1x16x1024xf32, #tpu.memory_space<hbm>> -> memref<16x1024xf32, #tpu.memory_space<hbm>>
    %dma_start3A_1502 = arith.constant 0 : i32
    %dma_start3A_1503 = tpu.memref_slice %arg4[%select_n3A, %add3A_1493, %dma_start3A_1502] : memref<4x4096x1024xf32, #tpu.memory_space<hbm>> -> memref<1x16x1024xf32, #tpu.memory_space<hbm>>
    %dma_start3A_1504 = tpu.memref_squeeze %dma_start3A_1503 : memref<1x16x1024xf32, #tpu.memory_space<hbm>> -> memref<16x1024xf32, #tpu.memory_space<hbm>>
    %dma_start3A_1505 = arith.constant 0 : i32
    %dma_start3A_1506 = arith.constant 0 : i32
    %dma_start3A_1507 = tpu.memref_slice %arg6[%dma_start3A_1494, %dma_start3A_1505, %dma_start3A_1506] : memref<7x16x1024xf32, #tpu.memory_space<vmem>> -> memref<1x16x1024xf32, #tpu.memory_space<vmem>>
    %dma_start3A_1508 = tpu.memref_squeeze %dma_start3A_1507 : memref<1x16x1024xf32, #tpu.memory_space<vmem>> -> memref<16x1024xf32, #tpu.memory_space<vmem>>
    tpu.enqueue_dma source(%dma_start3A_1508 : memref<16x1024xf32, #tpu.memory_space<vmem>>) target(%dma_start3A_1504 : memref<16x1024xf32, #tpu.memory_space<hbm>>) target_semaphore(%arg14 : memref<!tpu.dma_semaphore, #tpu.memory_space<semaphore_mem>>)
    %dma_wait3A_1509 = arith.constant 1 : i32
    %dma_wait3A_1510 = arith.constant 0 : i32
    %dma_wait3A_1511 = arith.constant 0 : i32
    %dma_wait3A_1512 = tpu.memref_slice %arg6[%dma_wait3A_1509, %dma_wait3A_1510, %dma_wait3A_1511] : memref<7x16x1024xf32, #tpu.memory_space<vmem>> -> memref<1x16x1024xf32, #tpu.memory_space<vmem>>
    %dma_wait3A_1513 = tpu.memref_squeeze %dma_wait3A_1512 : memref<1x16x1024xf32, #tpu.memory_space<vmem>> -> memref<16x1024xf32, #tpu.memory_space<vmem>>
    %dma_wait3A_1514 = arith.constant 464 : i32
    %dma_wait3A_1515 = tpu.memref_slice %arg5[%dma_wait3A_1514] : memref<512xi32, #tpu.memory_space<vmem>> -> memref<16xi32, #tpu.memory_space<vmem>>
    %dma_wait3A_1516 = arith.constant 0 : i32
    %dma_wait3A_1517 = arith.constant 0 : i32
    %dma_wait3A_1518 = tpu.memref_slice %arg3[%dma_wait3A_1516, %dma_wait3A_1517] : memref<100000x1024xf32, #tpu.memory_space<hbm>> -> memref<100000x1024xf32, #tpu.memory_space<hbm>>
    tpu.wait_indirect_dma semaphore(%arg8 : memref<!tpu.dma_semaphore, #tpu.memory_space<semaphore_mem>>) src(%dma_wait3A_1518 : memref<100000x1024xf32, #tpu.memory_space<hbm>>) dst(%dma_wait3A_1513 : memref<16x1024xf32, #tpu.memory_space<vmem>>)
    %add3A_1519 = arith.constant 464 : i32
    %add3A_1520 = arith.addi %mul3A_32, %add3A_1519 : i32
    %dma_start3A_1521 = arith.constant 1 : i32
    %dma_start3A_1522 = arith.constant 0 : i32
    %dma_start3A_1523 = arith.constant 0 : i32
    %dma_start3A_1524 = tpu.memref_slice %arg6[%dma_start3A_1521, %dma_start3A_1522, %dma_start3A_1523] : memref<7x16x1024xf32, #tpu.memory_space<vmem>> -> memref<1x16x1024xf32, #tpu.memory_space<vmem>>
    %dma_start3A_1525 = tpu.memref_squeeze %dma_start3A_1524 : memref<1x16x1024xf32, #tpu.memory_space<vmem>> -> memref<16x1024xf32, #tpu.memory_space<vmem>>
    %dma_start3A_1526 = arith.constant 0 : i32
    %dma_start3A_1527 = tpu.memref_slice %arg4[%select_n3A, %add3A_1520, %dma_start3A_1526] : memref<4x4096x1024xf32, #tpu.memory_space<hbm>> -> memref<1x16x1024xf32, #tpu.memory_space<hbm>>
    %dma_start3A_1528 = tpu.memref_squeeze %dma_start3A_1527 : memref<1x16x1024xf32, #tpu.memory_space<hbm>> -> memref<16x1024xf32, #tpu.memory_space<hbm>>
    %dma_start3A_1529 = arith.constant 0 : i32
    %dma_start3A_1530 = tpu.memref_slice %arg4[%select_n3A, %add3A_1520, %dma_start3A_1529] : memref<4x4096x1024xf32, #tpu.memory_space<hbm>> -> memref<1x16x1024xf32, #tpu.memory_space<hbm>>
    %dma_start3A_1531 = tpu.memref_squeeze %dma_start3A_1530 : memref<1x16x1024xf32, #tpu.memory_space<hbm>> -> memref<16x1024xf32, #tpu.memory_space<hbm>>
    %dma_start3A_1532 = arith.constant 0 : i32
    %dma_start3A_1533 = arith.constant 0 : i32
    %dma_start3A_1534 = tpu.memref_slice %arg6[%dma_start3A_1521, %dma_start3A_1532, %dma_start3A_1533] : memref<7x16x1024xf32, #tpu.memory_space<vmem>> -> memref<1x16x1024xf32, #tpu.memory_space<vmem>>
    %dma_start3A_1535 = tpu.memref_squeeze %dma_start3A_1534 : memref<1x16x1024xf32, #tpu.memory_space<vmem>> -> memref<16x1024xf32, #tpu.memory_space<vmem>>
    tpu.enqueue_dma source(%dma_start3A_1535 : memref<16x1024xf32, #tpu.memory_space<vmem>>) target(%dma_start3A_1531 : memref<16x1024xf32, #tpu.memory_space<hbm>>) target_semaphore(%arg15 : memref<!tpu.dma_semaphore, #tpu.memory_space<semaphore_mem>>)
    %dma_wait3A_1536 = arith.constant 2 : i32
    %dma_wait3A_1537 = arith.constant 0 : i32
    %dma_wait3A_1538 = arith.constant 0 : i32
    %dma_wait3A_1539 = tpu.memref_slice %arg6[%dma_wait3A_1536, %dma_wait3A_1537, %dma_wait3A_1538] : memref<7x16x1024xf32, #tpu.memory_space<vmem>> -> memref<1x16x1024xf32, #tpu.memory_space<vmem>>
    %dma_wait3A_1540 = tpu.memref_squeeze %dma_wait3A_1539 : memref<1x16x1024xf32, #tpu.memory_space<vmem>> -> memref<16x1024xf32, #tpu.memory_space<vmem>>
    %dma_wait3A_1541 = arith.constant 480 : i32
    %dma_wait3A_1542 = tpu.memref_slice %arg5[%dma_wait3A_1541] : memref<512xi32, #tpu.memory_space<vmem>> -> memref<16xi32, #tpu.memory_space<vmem>>
    %dma_wait3A_1543 = arith.constant 0 : i32
    %dma_wait3A_1544 = arith.constant 0 : i32
    %dma_wait3A_1545 = tpu.memref_slice %arg3[%dma_wait3A_1543, %dma_wait3A_1544] : memref<100000x1024xf32, #tpu.memory_space<hbm>> -> memref<100000x1024xf32, #tpu.memory_space<hbm>>
    tpu.wait_indirect_dma semaphore(%arg9 : memref<!tpu.dma_semaphore, #tpu.memory_space<semaphore_mem>>) src(%dma_wait3A_1545 : memref<100000x1024xf32, #tpu.memory_space<hbm>>) dst(%dma_wait3A_1540 : memref<16x1024xf32, #tpu.memory_space<vmem>>)
    %add3A_1546 = arith.constant 480 : i32
    %add3A_1547 = arith.addi %mul3A_32, %add3A_1546 : i32
    %dma_start3A_1548 = arith.constant 2 : i32
    %dma_start3A_1549 = arith.constant 0 : i32
    %dma_start3A_1550 = arith.constant 0 : i32
    %dma_start3A_1551 = tpu.memref_slice %arg6[%dma_start3A_1548, %dma_start3A_1549, %dma_start3A_1550] : memref<7x16x1024xf32, #tpu.memory_space<vmem>> -> memref<1x16x1024xf32, #tpu.memory_space<vmem>>
    %dma_start3A_1552 = tpu.memref_squeeze %dma_start3A_1551 : memref<1x16x1024xf32, #tpu.memory_space<vmem>> -> memref<16x1024xf32, #tpu.memory_space<vmem>>
    %dma_start3A_1553 = arith.constant 0 : i32
    %dma_start3A_1554 = tpu.memref_slice %arg4[%select_n3A, %add3A_1547, %dma_start3A_1553] : memref<4x4096x1024xf32, #tpu.memory_space<hbm>> -> memref<1x16x1024xf32, #tpu.memory_space<hbm>>
    %dma_start3A_1555 = tpu.memref_squeeze %dma_start3A_1554 : memref<1x16x1024xf32, #tpu.memory_space<hbm>> -> memref<16x1024xf32, #tpu.memory_space<hbm>>
    %dma_start3A_1556 = arith.constant 0 : i32
    %dma_start3A_1557 = tpu.memref_slice %arg4[%select_n3A, %add3A_1547, %dma_start3A_1556] : memref<4x4096x1024xf32, #tpu.memory_space<hbm>> -> memref<1x16x1024xf32, #tpu.memory_space<hbm>>
    %dma_start3A_1558 = tpu.memref_squeeze %dma_start3A_1557 : memref<1x16x1024xf32, #tpu.memory_space<hbm>> -> memref<16x1024xf32, #tpu.memory_space<hbm>>
    %dma_start3A_1559 = arith.constant 0 : i32
    %dma_start3A_1560 = arith.constant 0 : i32
    %dma_start3A_1561 = tpu.memref_slice %arg6[%dma_start3A_1548, %dma_start3A_1559, %dma_start3A_1560] : memref<7x16x1024xf32, #tpu.memory_space<vmem>> -> memref<1x16x1024xf32, #tpu.memory_space<vmem>>
    %dma_start3A_1562 = tpu.memref_squeeze %dma_start3A_1561 : memref<1x16x1024xf32, #tpu.memory_space<vmem>> -> memref<16x1024xf32, #tpu.memory_space<vmem>>
    tpu.enqueue_dma source(%dma_start3A_1562 : memref<16x1024xf32, #tpu.memory_space<vmem>>) target(%dma_start3A_1558 : memref<16x1024xf32, #tpu.memory_space<hbm>>) target_semaphore(%arg16 : memref<!tpu.dma_semaphore, #tpu.memory_space<semaphore_mem>>)
    %dma_wait3A_1563 = arith.constant 3 : i32
    %dma_wait3A_1564 = arith.constant 0 : i32
    %dma_wait3A_1565 = arith.constant 0 : i32
    %dma_wait3A_1566 = tpu.memref_slice %arg6[%dma_wait3A_1563, %dma_wait3A_1564, %dma_wait3A_1565] : memref<7x16x1024xf32, #tpu.memory_space<vmem>> -> memref<1x16x1024xf32, #tpu.memory_space<vmem>>
    %dma_wait3A_1567 = tpu.memref_squeeze %dma_wait3A_1566 : memref<1x16x1024xf32, #tpu.memory_space<vmem>> -> memref<16x1024xf32, #tpu.memory_space<vmem>>
    %dma_wait3A_1568 = arith.constant 496 : i32
    %dma_wait3A_1569 = tpu.memref_slice %arg5[%dma_wait3A_1568] : memref<512xi32, #tpu.memory_space<vmem>> -> memref<16xi32, #tpu.memory_space<vmem>>
    %dma_wait3A_1570 = arith.constant 0 : i32
    %dma_wait3A_1571 = arith.constant 0 : i32
    %dma_wait3A_1572 = tpu.memref_slice %arg3[%dma_wait3A_1570, %dma_wait3A_1571] : memref<100000x1024xf32, #tpu.memory_space<hbm>> -> memref<100000x1024xf32, #tpu.memory_space<hbm>>
    tpu.wait_indirect_dma semaphore(%arg10 : memref<!tpu.dma_semaphore, #tpu.memory_space<semaphore_mem>>) src(%dma_wait3A_1572 : memref<100000x1024xf32, #tpu.memory_space<hbm>>) dst(%dma_wait3A_1567 : memref<16x1024xf32, #tpu.memory_space<vmem>>)
    %add3A_1573 = arith.constant 496 : i32
    %add3A_1574 = arith.addi %mul3A_32, %add3A_1573 : i32
    %dma_start3A_1575 = arith.constant 3 : i32
    %dma_start3A_1576 = arith.constant 0 : i32
    %dma_start3A_1577 = arith.constant 0 : i32
    %dma_start3A_1578 = tpu.memref_slice %arg6[%dma_start3A_1575, %dma_start3A_1576, %dma_start3A_1577] : memref<7x16x1024xf32, #tpu.memory_space<vmem>> -> memref<1x16x1024xf32, #tpu.memory_space<vmem>>
    %dma_start3A_1579 = tpu.memref_squeeze %dma_start3A_1578 : memref<1x16x1024xf32, #tpu.memory_space<vmem>> -> memref<16x1024xf32, #tpu.memory_space<vmem>>
    %dma_start3A_1580 = arith.constant 0 : i32
    %dma_start3A_1581 = tpu.memref_slice %arg4[%select_n3A, %add3A_1574, %dma_start3A_1580] : memref<4x4096x1024xf32, #tpu.memory_space<hbm>> -> memref<1x16x1024xf32, #tpu.memory_space<hbm>>
    %dma_start3A_1582 = tpu.memref_squeeze %dma_start3A_1581 : memref<1x16x1024xf32, #tpu.memory_space<hbm>> -> memref<16x1024xf32, #tpu.memory_space<hbm>>
    %dma_start3A_1583 = arith.constant 0 : i32
    %dma_start3A_1584 = tpu.memref_slice %arg4[%select_n3A, %add3A_1574, %dma_start3A_1583] : memref<4x4096x1024xf32, #tpu.memory_space<hbm>> -> memref<1x16x1024xf32, #tpu.memory_space<hbm>>
    %dma_start3A_1585 = tpu.memref_squeeze %dma_start3A_1584 : memref<1x16x1024xf32, #tpu.memory_space<hbm>> -> memref<16x1024xf32, #tpu.memory_space<hbm>>
    %dma_start3A_1586 = arith.constant 0 : i32
    %dma_start3A_1587 = arith.constant 0 : i32
    %dma_start3A_1588 = tpu.memref_slice %arg6[%dma_start3A_1575, %dma_start3A_1586, %dma_start3A_1587] : memref<7x16x1024xf32, #tpu.memory_space<vmem>> -> memref<1x16x1024xf32, #tpu.memory_space<vmem>>
    %dma_start3A_1589 = tpu.memref_squeeze %dma_start3A_1588 : memref<1x16x1024xf32, #tpu.memory_space<vmem>> -> memref<16x1024xf32, #tpu.memory_space<vmem>>
    tpu.enqueue_dma source(%dma_start3A_1589 : memref<16x1024xf32, #tpu.memory_space<vmem>>) target(%dma_start3A_1585 : memref<16x1024xf32, #tpu.memory_space<hbm>>) target_semaphore(%arg17 : memref<!tpu.dma_semaphore, #tpu.memory_space<semaphore_mem>>)
    %dma_wait3A_1590 = arith.constant 4 : i32
    %dma_wait3A_1591 = arith.constant 0 : i32
    %dma_wait3A_1592 = arith.constant 0 : i32
    %dma_wait3A_1593 = tpu.memref_slice %arg6[%dma_wait3A_1590, %dma_wait3A_1591, %dma_wait3A_1592] : memref<7x16x1024xf32, #tpu.memory_space<vmem>> -> memref<1x16x1024xf32, #tpu.memory_space<vmem>>
    %dma_wait3A_1594 = tpu.memref_squeeze %dma_wait3A_1593 : memref<1x16x1024xf32, #tpu.memory_space<vmem>> -> memref<16x1024xf32, #tpu.memory_space<vmem>>
    %dma_wait3A_1595 = arith.constant 0 : i32
    %dma_wait3A_1596 = tpu.memref_slice %arg4[%select_n3A, %add3A_1412, %dma_wait3A_1595] : memref<4x4096x1024xf32, #tpu.memory_space<hbm>> -> memref<1x16x1024xf32, #tpu.memory_space<hbm>>
    %dma_wait3A_1597 = tpu.memref_squeeze %dma_wait3A_1596 : memref<1x16x1024xf32, #tpu.memory_space<hbm>> -> memref<16x1024xf32, #tpu.memory_space<hbm>>
    %dma_wait3A_1598 = arith.constant 0 : i32
    %dma_wait3A_1599 = tpu.memref_slice %arg4[%select_n3A, %add3A_1412, %dma_wait3A_1598] : memref<4x4096x1024xf32, #tpu.memory_space<hbm>> -> memref<1x16x1024xf32, #tpu.memory_space<hbm>>
    %dma_wait3A_1600 = tpu.memref_squeeze %dma_wait3A_1599 : memref<1x16x1024xf32, #tpu.memory_space<hbm>> -> memref<16x1024xf32, #tpu.memory_space<hbm>>
    %dma_wait3A_1601 = arith.constant 0 : i32
    %dma_wait3A_1602 = arith.constant 0 : i32
    %dma_wait3A_1603 = tpu.memref_slice %arg6[%dma_wait3A_1590, %dma_wait3A_1601, %dma_wait3A_1602] : memref<7x16x1024xf32, #tpu.memory_space<vmem>> -> memref<1x16x1024xf32, #tpu.memory_space<vmem>>
    %dma_wait3A_1604 = tpu.memref_squeeze %dma_wait3A_1603 : memref<1x16x1024xf32, #tpu.memory_space<vmem>> -> memref<16x1024xf32, #tpu.memory_space<vmem>>
    tpu.wait_dma2 semaphore(%arg18 : memref<!tpu.dma_semaphore, #tpu.memory_space<semaphore_mem>>) src(%dma_wait3A_1604 : memref<16x1024xf32, #tpu.memory_space<vmem>>) dst(%dma_wait3A_1600 : memref<16x1024xf32, #tpu.memory_space<hbm>>)
    %dma_wait3A_1605 = arith.constant 5 : i32
    %dma_wait3A_1606 = arith.constant 0 : i32
    %dma_wait3A_1607 = arith.constant 0 : i32
    %dma_wait3A_1608 = tpu.memref_slice %arg6[%dma_wait3A_1605, %dma_wait3A_1606, %dma_wait3A_1607] : memref<7x16x1024xf32, #tpu.memory_space<vmem>> -> memref<1x16x1024xf32, #tpu.memory_space<vmem>>
    %dma_wait3A_1609 = tpu.memref_squeeze %dma_wait3A_1608 : memref<1x16x1024xf32, #tpu.memory_space<vmem>> -> memref<16x1024xf32, #tpu.memory_space<vmem>>
    %dma_wait3A_1610 = arith.constant 0 : i32
    %dma_wait3A_1611 = tpu.memref_slice %arg4[%select_n3A, %add3A_1439, %dma_wait3A_1610] : memref<4x4096x1024xf32, #tpu.memory_space<hbm>> -> memref<1x16x1024xf32, #tpu.memory_space<hbm>>
    %dma_wait3A_1612 = tpu.memref_squeeze %dma_wait3A_1611 : memref<1x16x1024xf32, #tpu.memory_space<hbm>> -> memref<16x1024xf32, #tpu.memory_space<hbm>>
    %dma_wait3A_1613 = arith.constant 0 : i32
    %dma_wait3A_1614 = tpu.memref_slice %arg4[%select_n3A, %add3A_1439, %dma_wait3A_1613] : memref<4x4096x1024xf32, #tpu.memory_space<hbm>> -> memref<1x16x1024xf32, #tpu.memory_space<hbm>>
    %dma_wait3A_1615 = tpu.memref_squeeze %dma_wait3A_1614 : memref<1x16x1024xf32, #tpu.memory_space<hbm>> -> memref<16x1024xf32, #tpu.memory_space<hbm>>
    %dma_wait3A_1616 = arith.constant 0 : i32
    %dma_wait3A_1617 = arith.constant 0 : i32
    %dma_wait3A_1618 = tpu.memref_slice %arg6[%dma_wait3A_1605, %dma_wait3A_1616, %dma_wait3A_1617] : memref<7x16x1024xf32, #tpu.memory_space<vmem>> -> memref<1x16x1024xf32, #tpu.memory_space<vmem>>
    %dma_wait3A_1619 = tpu.memref_squeeze %dma_wait3A_1618 : memref<1x16x1024xf32, #tpu.memory_space<vmem>> -> memref<16x1024xf32, #tpu.memory_space<vmem>>
    tpu.wait_dma2 semaphore(%arg19 : memref<!tpu.dma_semaphore, #tpu.memory_space<semaphore_mem>>) src(%dma_wait3A_1619 : memref<16x1024xf32, #tpu.memory_space<vmem>>) dst(%dma_wait3A_1615 : memref<16x1024xf32, #tpu.memory_space<hbm>>)
    %dma_wait3A_1620 = arith.constant 6 : i32
    %dma_wait3A_1621 = arith.constant 0 : i32
    %dma_wait3A_1622 = arith.constant 0 : i32
    %dma_wait3A_1623 = tpu.memref_slice %arg6[%dma_wait3A_1620, %dma_wait3A_1621, %dma_wait3A_1622] : memref<7x16x1024xf32, #tpu.memory_space<vmem>> -> memref<1x16x1024xf32, #tpu.memory_space<vmem>>
    %dma_wait3A_1624 = tpu.memref_squeeze %dma_wait3A_1623 : memref<1x16x1024xf32, #tpu.memory_space<vmem>> -> memref<16x1024xf32, #tpu.memory_space<vmem>>
    %dma_wait3A_1625 = arith.constant 0 : i32
    %dma_wait3A_1626 = tpu.memref_slice %arg4[%select_n3A, %add3A_1466, %dma_wait3A_1625] : memref<4x4096x1024xf32, #tpu.memory_space<hbm>> -> memref<1x16x1024xf32, #tpu.memory_space<hbm>>
    %dma_wait3A_1627 = tpu.memref_squeeze %dma_wait3A_1626 : memref<1x16x1024xf32, #tpu.memory_space<hbm>> -> memref<16x1024xf32, #tpu.memory_space<hbm>>
    %dma_wait3A_1628 = arith.constant 0 : i32
    %dma_wait3A_1629 = tpu.memref_slice %arg4[%select_n3A, %add3A_1466, %dma_wait3A_1628] : memref<4x4096x1024xf32, #tpu.memory_space<hbm>> -> memref<1x16x1024xf32, #tpu.memory_space<hbm>>
    %dma_wait3A_1630 = tpu.memref_squeeze %dma_wait3A_1629 : memref<1x16x1024xf32, #tpu.memory_space<hbm>> -> memref<16x1024xf32, #tpu.memory_space<hbm>>
    %dma_wait3A_1631 = arith.constant 0 : i32
    %dma_wait3A_1632 = arith.constant 0 : i32
    %dma_wait3A_1633 = tpu.memref_slice %arg6[%dma_wait3A_1620, %dma_wait3A_1631, %dma_wait3A_1632] : memref<7x16x1024xf32, #tpu.memory_space<vmem>> -> memref<1x16x1024xf32, #tpu.memory_space<vmem>>
    %dma_wait3A_1634 = tpu.memref_squeeze %dma_wait3A_1633 : memref<1x16x1024xf32, #tpu.memory_space<vmem>> -> memref<16x1024xf32, #tpu.memory_space<vmem>>
    tpu.wait_dma2 semaphore(%arg20 : memref<!tpu.dma_semaphore, #tpu.memory_space<semaphore_mem>>) src(%dma_wait3A_1634 : memref<16x1024xf32, #tpu.memory_space<vmem>>) dst(%dma_wait3A_1630 : memref<16x1024xf32, #tpu.memory_space<hbm>>)
    %dma_wait3A_1635 = arith.constant 0 : i32
    %dma_wait3A_1636 = arith.constant 0 : i32
    %dma_wait3A_1637 = arith.constant 0 : i32
    %dma_wait3A_1638 = tpu.memref_slice %arg6[%dma_wait3A_1635, %dma_wait3A_1636, %dma_wait3A_1637] : memref<7x16x1024xf32, #tpu.memory_space<vmem>> -> memref<1x16x1024xf32, #tpu.memory_space<vmem>>
    %dma_wait3A_1639 = tpu.memref_squeeze %dma_wait3A_1638 : memref<1x16x1024xf32, #tpu.memory_space<vmem>> -> memref<16x1024xf32, #tpu.memory_space<vmem>>
    %dma_wait3A_1640 = arith.constant 0 : i32
    %dma_wait3A_1641 = tpu.memref_slice %arg4[%select_n3A, %add3A_1493, %dma_wait3A_1640] : memref<4x4096x1024xf32, #tpu.memory_space<hbm>> -> memref<1x16x1024xf32, #tpu.memory_space<hbm>>
    %dma_wait3A_1642 = tpu.memref_squeeze %dma_wait3A_1641 : memref<1x16x1024xf32, #tpu.memory_space<hbm>> -> memref<16x1024xf32, #tpu.memory_space<hbm>>
    %dma_wait3A_1643 = arith.constant 0 : i32
    %dma_wait3A_1644 = tpu.memref_slice %arg4[%select_n3A, %add3A_1493, %dma_wait3A_1643] : memref<4x4096x1024xf32, #tpu.memory_space<hbm>> -> memref<1x16x1024xf32, #tpu.memory_space<hbm>>
    %dma_wait3A_1645 = tpu.memref_squeeze %dma_wait3A_1644 : memref<1x16x1024xf32, #tpu.memory_space<hbm>> -> memref<16x1024xf32, #tpu.memory_space<hbm>>
    %dma_wait3A_1646 = arith.constant 0 : i32
    %dma_wait3A_1647 = arith.constant 0 : i32
    %dma_wait3A_1648 = tpu.memref_slice %arg6[%dma_wait3A_1635, %dma_wait3A_1646, %dma_wait3A_1647] : memref<7x16x1024xf32, #tpu.memory_space<vmem>> -> memref<1x16x1024xf32, #tpu.memory_space<vmem>>
    %dma_wait3A_1649 = tpu.memref_squeeze %dma_wait3A_1648 : memref<1x16x1024xf32, #tpu.memory_space<vmem>> -> memref<16x1024xf32, #tpu.memory_space<vmem>>
    tpu.wait_dma2 semaphore(%arg14 : memref<!tpu.dma_semaphore, #tpu.memory_space<semaphore_mem>>) src(%dma_wait3A_1649 : memref<16x1024xf32, #tpu.memory_space<vmem>>) dst(%dma_wait3A_1645 : memref<16x1024xf32, #tpu.memory_space<hbm>>)
    %dma_wait3A_1650 = arith.constant 1 : i32
    %dma_wait3A_1651 = arith.constant 0 : i32
    %dma_wait3A_1652 = arith.constant 0 : i32
    %dma_wait3A_1653 = tpu.memref_slice %arg6[%dma_wait3A_1650, %dma_wait3A_1651, %dma_wait3A_1652] : memref<7x16x1024xf32, #tpu.memory_space<vmem>> -> memref<1x16x1024xf32, #tpu.memory_space<vmem>>
    %dma_wait3A_1654 = tpu.memref_squeeze %dma_wait3A_1653 : memref<1x16x1024xf32, #tpu.memory_space<vmem>> -> memref<16x1024xf32, #tpu.memory_space<vmem>>
    %dma_wait3A_1655 = arith.constant 0 : i32
    %dma_wait3A_1656 = tpu.memref_slice %arg4[%select_n3A, %add3A_1520, %dma_wait3A_1655] : memref<4x4096x1024xf32, #tpu.memory_space<hbm>> -> memref<1x16x1024xf32, #tpu.memory_space<hbm>>
    %dma_wait3A_1657 = tpu.memref_squeeze %dma_wait3A_1656 : memref<1x16x1024xf32, #tpu.memory_space<hbm>> -> memref<16x1024xf32, #tpu.memory_space<hbm>>
    %dma_wait3A_1658 = arith.constant 0 : i32
    %dma_wait3A_1659 = tpu.memref_slice %arg4[%select_n3A, %add3A_1520, %dma_wait3A_1658] : memref<4x4096x1024xf32, #tpu.memory_space<hbm>> -> memref<1x16x1024xf32, #tpu.memory_space<hbm>>
    %dma_wait3A_1660 = tpu.memref_squeeze %dma_wait3A_1659 : memref<1x16x1024xf32, #tpu.memory_space<hbm>> -> memref<16x1024xf32, #tpu.memory_space<hbm>>
    %dma_wait3A_1661 = arith.constant 0 : i32
    %dma_wait3A_1662 = arith.constant 0 : i32
    %dma_wait3A_1663 = tpu.memref_slice %arg6[%dma_wait3A_1650, %dma_wait3A_1661, %dma_wait3A_1662] : memref<7x16x1024xf32, #tpu.memory_space<vmem>> -> memref<1x16x1024xf32, #tpu.memory_space<vmem>>
    %dma_wait3A_1664 = tpu.memref_squeeze %dma_wait3A_1663 : memref<1x16x1024xf32, #tpu.memory_space<vmem>> -> memref<16x1024xf32, #tpu.memory_space<vmem>>
    tpu.wait_dma2 semaphore(%arg15 : memref<!tpu.dma_semaphore, #tpu.memory_space<semaphore_mem>>) src(%dma_wait3A_1664 : memref<16x1024xf32, #tpu.memory_space<vmem>>) dst(%dma_wait3A_1660 : memref<16x1024xf32, #tpu.memory_space<hbm>>)
    %dma_wait3A_1665 = arith.constant 2 : i32
    %dma_wait3A_1666 = arith.constant 0 : i32
    %dma_wait3A_1667 = arith.constant 0 : i32
    %dma_wait3A_1668 = tpu.memref_slice %arg6[%dma_wait3A_1665, %dma_wait3A_1666, %dma_wait3A_1667] : memref<7x16x1024xf32, #tpu.memory_space<vmem>> -> memref<1x16x1024xf32, #tpu.memory_space<vmem>>
    %dma_wait3A_1669 = tpu.memref_squeeze %dma_wait3A_1668 : memref<1x16x1024xf32, #tpu.memory_space<vmem>> -> memref<16x1024xf32, #tpu.memory_space<vmem>>
    %dma_wait3A_1670 = arith.constant 0 : i32
    %dma_wait3A_1671 = tpu.memref_slice %arg4[%select_n3A, %add3A_1547, %dma_wait3A_1670] : memref<4x4096x1024xf32, #tpu.memory_space<hbm>> -> memref<1x16x1024xf32, #tpu.memory_space<hbm>>
    %dma_wait3A_1672 = tpu.memref_squeeze %dma_wait3A_1671 : memref<1x16x1024xf32, #tpu.memory_space<hbm>> -> memref<16x1024xf32, #tpu.memory_space<hbm>>
    %dma_wait3A_1673 = arith.constant 0 : i32
    %dma_wait3A_1674 = tpu.memref_slice %arg4[%select_n3A, %add3A_1547, %dma_wait3A_1673] : memref<4x4096x1024xf32, #tpu.memory_space<hbm>> -> memref<1x16x1024xf32, #tpu.memory_space<hbm>>
    %dma_wait3A_1675 = tpu.memref_squeeze %dma_wait3A_1674 : memref<1x16x1024xf32, #tpu.memory_space<hbm>> -> memref<16x1024xf32, #tpu.memory_space<hbm>>
    %dma_wait3A_1676 = arith.constant 0 : i32
    %dma_wait3A_1677 = arith.constant 0 : i32
    %dma_wait3A_1678 = tpu.memref_slice %arg6[%dma_wait3A_1665, %dma_wait3A_1676, %dma_wait3A_1677] : memref<7x16x1024xf32, #tpu.memory_space<vmem>> -> memref<1x16x1024xf32, #tpu.memory_space<vmem>>
    %dma_wait3A_1679 = tpu.memref_squeeze %dma_wait3A_1678 : memref<1x16x1024xf32, #tpu.memory_space<vmem>> -> memref<16x1024xf32, #tpu.memory_space<vmem>>
    tpu.wait_dma2 semaphore(%arg16 : memref<!tpu.dma_semaphore, #tpu.memory_space<semaphore_mem>>) src(%dma_wait3A_1679 : memref<16x1024xf32, #tpu.memory_space<vmem>>) dst(%dma_wait3A_1675 : memref<16x1024xf32, #tpu.memory_space<hbm>>)
    %dma_wait3A_1680 = arith.constant 3 : i32
    %dma_wait3A_1681 = arith.constant 0 : i32
    %dma_wait3A_1682 = arith.constant 0 : i32
    %dma_wait3A_1683 = tpu.memref_slice %arg6[%dma_wait3A_1680, %dma_wait3A_1681, %dma_wait3A_1682] : memref<7x16x1024xf32, #tpu.memory_space<vmem>> -> memref<1x16x1024xf32, #tpu.memory_space<vmem>>
    %dma_wait3A_1684 = tpu.memref_squeeze %dma_wait3A_1683 : memref<1x16x1024xf32, #tpu.memory_space<vmem>> -> memref<16x1024xf32, #tpu.memory_space<vmem>>
    %dma_wait3A_1685 = arith.constant 0 : i32
    %dma_wait3A_1686 = tpu.memref_slice %arg4[%select_n3A, %add3A_1574, %dma_wait3A_1685] : memref<4x4096x1024xf32, #tpu.memory_space<hbm>> -> memref<1x16x1024xf32, #tpu.memory_space<hbm>>
    %dma_wait3A_1687 = tpu.memref_squeeze %dma_wait3A_1686 : memref<1x16x1024xf32, #tpu.memory_space<hbm>> -> memref<16x1024xf32, #tpu.memory_space<hbm>>
    %dma_wait3A_1688 = arith.constant 0 : i32
    %dma_wait3A_1689 = tpu.memref_slice %arg4[%select_n3A, %add3A_1574, %dma_wait3A_1688] : memref<4x4096x1024xf32, #tpu.memory_space<hbm>> -> memref<1x16x1024xf32, #tpu.memory_space<hbm>>
    %dma_wait3A_1690 = tpu.memref_squeeze %dma_wait3A_1689 : memref<1x16x1024xf32, #tpu.memory_space<hbm>> -> memref<16x1024xf32, #tpu.memory_space<hbm>>
    %dma_wait3A_1691 = arith.constant 0 : i32
    %dma_wait3A_1692 = arith.constant 0 : i32
    %dma_wait3A_1693 = tpu.memref_slice %arg6[%dma_wait3A_1680, %dma_wait3A_1691, %dma_wait3A_1692] : memref<7x16x1024xf32, #tpu.memory_space<vmem>> -> memref<1x16x1024xf32, #tpu.memory_space<vmem>>
    %dma_wait3A_1694 = tpu.memref_squeeze %dma_wait3A_1693 : memref<1x16x1024xf32, #tpu.memory_space<vmem>> -> memref<16x1024xf32, #tpu.memory_space<vmem>>
    tpu.wait_dma2 semaphore(%arg17 : memref<!tpu.dma_semaphore, #tpu.memory_space<semaphore_mem>>) src(%dma_wait3A_1694 : memref<16x1024xf32, #tpu.memory_space<vmem>>) dst(%dma_wait3A_1690 : memref<16x1024xf32, #tpu.memory_space<hbm>>)
    return
  }
}

</mosaic_0001>

<sc_bundles>
// kernel: kernel.3.cloned.1.call-start
scs
__scs_entry_jumppad:
0x0: {  	(pc) =	sbr.rel $0x88, $3  }
0x1: {  	(tag) =	ssettag $0x0;
	lr =	simm.s32 $0x1  }
0x2: {  	[smem:$0x3F9F] =	sst lr;
	_ =	strace $0xD0000000  }
0x3: {  	_ = 	snop  }
0x4: {  	_ = 	snop  }
0x5: {  	_ = 	snop  }
0x6: {  	_ = 	snop  }
0x7: {  	_ = 	snop  }
__scs_overlays_trampoline_lowered:
0x8: {  	[smem:$0x3FAE] =	sst s0  }
0x9: {  	[smem:$0x3FAF] =	sst s1  }
0xa: {  	[smem:$0x3FB0] =	sst s2  }
0xb: {  	[smem:$0x3FB1] =	sst s3  }
0xc: {  	[smem:$0x3FB2] =	sst s4  }
0xd: {  	[smem:$0x3FB3] =	sst s5  }
0xe: {  	[smem:$0x3FB4] =	sst s6  }
0xf: {  	[smem:$0x3FB5] =	sst s7  }
0x10: {  	[smem:$0x3FB6] =	sst s8  }
0x11: {  	[smem:$0x3FB7] =	sst s9;
	s0 =	simm.s32 @!p0 $0x0  }
0x12: {  	s1 =	sld [smem:$0x3F9D];
	s0 =	simm.s32 @p0 $0x1  }
0x13: {  	[smem:$0x3FB8] =	sst s0;
	s0 =	simm.s32 @!p1 $0x0  }
0x14: {  	s2 =	sld [smem:$0x3F9C];
	s0 =	simm.s32 @p1 $0x1  }
0x15: {  	[smem:$0x3FB9] =	sst s0;
	s0 =	simm.s32 @!p2 $0x0  }
0x16: {  	s3 =	sld [smem:$0x3FDB];
	s0 =	simm.s32 @p2 $0x1  }
0x17: {  	s4 =	simm.s32 $0x1BF5;
	[smem:$0x3FBB] =	sst s0  }
0x18: {  	s0 =	sld [smem:$0x3F9E];
	_ =	swait.ge [sflag:s4], $0x0  }
0x19: {  	s7 =	sld [smem:$0x3F9F]  }
0x1a: {  	s8 =	sadd.s32 $0xFFFFE003, lr  }
0x1b: {  	s9 =	sadd.s32 $0xFFFFFEF7, lr;
	s5 =	simm.s32 $0xFFFFFFFF;
	p2 =	slt.u32 s8, $0xFFFFF086  }
0x1c: {  	p1 =	slt.u32 s9, $0xF7A;
	s5 =	simm.s32 @!p2 $0x0  }
0x1d: {  	s5 =	simm.s32 @p1 $0x1;
	p0 =	seq.s32 s7, s2  }
0x1e: {  	s7 =	smul.u32 @!p0 $0xF7A, s2;
	p2 =	seq.s32 @!p0 s5, $0x0  }
0x1f: {  	s9 =	smul.u32 $0xF7A, s1;
	s8 =	simm.s32 @!p0 $0x1BF5;
	p2 =	por !p2, p0  }
0x20: {  	[sflag:s8] =	ssyncset.s32 @!p0 $0xFFFFF086;
	s6 =	sadd.s32 @!p0 s3, s7;
	s7 =	simm.s32 @!p0 $0x108  }
0x21: {  	s3 =	sadd.s32 s3, s9;
	s6 =	sadd.s32 @!p0 $0x88, s6;
	s7 =	simm.s32 @p2 $0x1082  }
0x22: {  	[simem:s7], [sflag:s8] =	dma.local @!p0 [hbm:s6], $0xF7A  }
0x23: {  	s9 =	sor.u32 $0xD0000000, s2;
	s6 =	simm.s32 $0x108;
	_ =	swait.ge @!p0 [sflag:s8], $0x0  }
0x24: {  	s3 =	sadd.s32 $0x88, s3;
	s6 =	simm.s32 @!p1 $0x1082;
	[sflag:s4] =	ssyncset.s32 $0xFFFFF086  }
0x25: {  	[simem:s6], [sflag:s4] =	dma.local [hbm:s3], $0xF7A  }
0x26: {  	[smem:$0x3F9F] =	sst s1;
	(tag) =	ssettag s2;
	_ =	strace s9  }
0x27: {  	s1 =	sld [smem:$0x3FAF]  }
0x28: {  	s2 =	sld [smem:$0x3FB0]  }
0x29: {  	s4 =	sld [smem:$0x3FB2]  }
0x2a: {  	p0 =	seq.s32 s5, $0x0;
	s5 =	sld [smem:$0x3FB3]  }
0x2b: {  	s6 =	sld [smem:$0x3FB4]  }
0x2c: {  	s7 =	sld [smem:$0x3FB5]  }
0x2d: {  	s3 =	simm.s32 $0x108;
	s8 =	sld [smem:$0x3FB6]  }
0x2e: {  	s3 =	simm.s32 @!p0 $0x1082;
	s9 =	sld [smem:$0x3FB7]  }
0x2f: {  	lr =	sadd.s32 s0, s3;
	s0 =	sld [smem:$0x3FAE]  }
0x30: {  	s3 =	sld [smem:$0x3FB1]  }
0x31: {  	[smem:$0x3FBA] =	sst s10  }
0x32: {  	s10 =	sld [smem:$0x3FB8];
	_ =	sdelay $0x3  }
0x33: {  	p0 =	seq.s32 s10, $0x1;
	s10 =	sld [smem:$0x3FBA];
	_ =	sdelay $0x3  }
0x34: {  	[smem:$0x3FBA] =	sst s10  }
0x35: {  	s10 =	sld [smem:$0x3FB9];
	_ =	sdelay $0x3  }
0x36: {  	p1 =	seq.s32 s10, $0x1;
	s10 =	sld [smem:$0x3FBA];
	_ =	sdelay $0x3  }
0x37: {  	[smem:$0x3FBA] =	sst s10  }
0x38: {  	s10 =	sld [smem:$0x3FBB]  }
0x39: {  	_ = 	snop;
	(pc) =	sbr.ind lr, $3  }
0x3a: {  	_ = 	snop  }
0x3b: {  	_ = 	snop  }
0x3c: {  	p2 =	seq.s32 s10, $0x1;
	s10 =	sld [smem:$0x3FBA]  }
0x3d: {  	_ =	shalt  }
0x3e: {  	_ =	shalt  }
0x3f: {  	_ =	shalt  }
0x40: {  	_ =	shalt  }
0x41: {  	_ =	shalt  }
0x42: {  	_ =	shalt  }
0x43: {  	_ =	shalt  }
0x44: {  	_ =	shalt  }
0x45: {  	_ =	shalt  }
0x46: {  	_ =	shalt  }
0x47: {  	_ =	shalt  }
0x48: {  	_ =	shalt  }
0x49: {  	_ =	shalt  }
0x4a: {  	_ =	shalt  }
0x4b: {  	_ =	shalt  }
0x4c: {  	_ =	shalt  }
0x4d: {  	_ =	shalt  }
0x4e: {  	_ =	shalt  }
0x4f: {  	_ =	shalt  }
0x50: {  	_ =	shalt  }
0x51: {  	_ =	shalt  }
0x52: {  	_ =	shalt  }
0x53: {  	_ =	shalt  }
0x54: {  	_ =	shalt  }
0x55: {  	_ =	shalt  }
0x56: {  	_ =	shalt  }
0x57: {  	_ =	shalt  }
0x58: {  	_ =	shalt  }
0x59: {  	_ =	shalt  }
0x5a: {  	_ =	shalt  }
0x5b: {  	_ =	shalt  }
0x5c: {  	_ =	shalt  }
0x5d: {  	_ =	shalt  }
0x5e: {  	_ =	shalt  }
0x5f: {  	_ =	shalt  }
0x60: {  	_ =	shalt  }
0x61: {  	_ =	shalt  }
0x62: {  	_ =	shalt  }
0x63: {  	_ =	shalt  }
0x64: {  	_ =	shalt  }
0x65: {  	_ =	shalt  }
0x66: {  	_ =	shalt  }
0x67: {  	_ =	shalt  }
0x68: {  	_ =	shalt  }
0x69: {  	_ =	shalt  }
0x6a: {  	_ =	shalt  }
0x6b: {  	_ =	shalt  }
0x6c: {  	_ =	shalt  }
0x6d: {  	_ =	shalt  }
0x6e: {  	_ =	shalt  }
0x6f: {  	_ =	shalt  }
0x70: {  	_ =	shalt  }
0x71: {  	_ =	shalt  }
0x72: {  	_ =	shalt  }
0x73: {  	_ =	shalt  }
0x74: {  	_ =	shalt  }
0x75: {  	_ =	shalt  }
0x76: {  	_ =	shalt  }
0x77: {  	_ =	shalt  }
0x78: {  	_ =	shalt  }
0x79: {  	_ =	shalt  }
0x7a: {  	_ =	shalt  }
0x7b: {  	_ =	shalt  }
0x7c: {  	_ =	shalt  }
0x7d: {  	_ =	shalt  }
0x7e: {  	_ =	shalt  }
0x7f: {  	_ =	shalt  }
0x80: {  	_ =	shalt  }
0x81: {  	_ =	shalt  }
0x82: {  	_ =	shalt  }
0x83: {  	_ =	shalt  }
0x84: {  	_ =	shalt  }
0x85: {  	_ =	shalt  }
0x86: {  	_ =	shalt  }
0x87: {  	_ =	shalt  }
.Lfunc_end0:
.L_simem_size_0:
called_computation_lowered:
.L_overlay_start_0:
0x88: {  	s2 =	sld [smem:$0x3FD9]  }
0x89: {  	s3 =	sld [smem:$0x3FFE];
	_ =	sdelay $0x1  }
0x8a: {  	s1 =	srdreg.scid  }
0x8b: {  	s0 =	sand.u32 $0x1, s1  }
0x8c: {  	s18 =	sshll.u32 s0, $0xA;
	s2 =	sadd.s32 s3, s2  }
0x8d: {  	s2 =	sadd.s32 s2, s18  }
0x8e: {  	[smem:$0x3FC6] =	sst s2  }
0x8f: {  	_ = 	snop  }
0x90: {  	s2 =	sld [smem:$0x3FC9]  }
0x91: {  	s19 =	sld [smem:$0x3FC8]  }
0x92: {  	s4 =	sld [smem:$0x3FD0];
	(tm) =	ssettm $0x1  }
0x93: {  	s5 =	sld [smem:$0x3FFB];
	_ =	sdelay $0x3  }
0x94: {  	_ =	strace s5  }
0x95: {  	s5 =	sld [smem:$0x3FFC];
	_ =	sdelay $0x3  }
0x96: {  	_ =	strace s5  }
0x97: {  	s5 =	sld [smem:$0x3FFD];
	_ =	sdelay $0x3  }
0x98: {  	_ =	strace s5  }
0x99: {  	_ =	strace $0x8FFFFFFF  }
0x9a: {  	s20 =	sld [smem:$0x3FDB];
	_ =	sdelay $0x1  }
0x9b: {  	s6 =	simm.s32 $_scs_section_size  }
0x9c: {  	s7 =	simm.s32 $_size__tile_overlayer_lowered;
	s8 =	simm.s32 $_tile_overlayer_lowered  }
0x9d: {  	s23 =	simm.s32 $0x1BFF;
	s22 =	sshll.u32 s8, $0x1;
	s5 =	sadd.s32 s6, s20  }
0x9e: {  	s9 =	simm.s32 $0x0;
	s21 =	sshll.u32 s7, $0x1;
	s7 =	sadd.s32 s22, s5  }
0x9f: {  	[timem:s9], [sflag:s23] =	dma.local [hbm:s7], s21  }
0xa0: {  	_ =	swait.ge [sflag:s23], s21  }
0xa1: {  	s6 =	ssub.s32 $0x0, s21;
	[sflag:s23] =	ssyncset.done $0x0  }
0xa2: {  	[sflag:s23] =	ssyncadd.s32 s6;
	_ =	sdelay $0x1  }
0xa3: {  	s24 =	simm.s32 $0x1B8B  }
0xa4: {  	_ =	swait.ge [sflag:s24], $0x1  }
0xa5: {  	[sflag:s24] =	ssyncset.done $0x0  }
0xa6: {  	s25 =	simm.s32 $0x1B8E;
	[sflag:s24] =	ssyncadd.s32 $0xFFFFFFFF  }
0xa7: {  	s26 =	simm.s32 $execute0_lowered;
	[smem:$0x3FD2] =	sst s25  }
0xa8: {  	s6 =	sshll.u32 s26, $0x1;
	_ =	strace $0x80000046;
	[dreg:$0x1] =	wrdreg $0xFFFFFFFF  }
0xa9: {  	s28 =	simm.s32 $_size_execute0_lowered;
	s5 =	sadd.s32 s5, s6;
	[dreg:$0x0] =	wrdreg $0x0  }
0xaa: {  	s6 =	sshll.u32 s28, $0x1;
	[dreg:$0x2] =	wrdreg s5  }
0xab: {  	[dreg:$0x3] =	wrdreg s6  }
0xac: {  	[dreg:$0x4] =	wrdreg $0xC0  }
0xad: {  	_ =	task [dreg:s9], $0x5FFFF  }
0xae: {  	[dreg:$0x1] =	wrdreg $0xFFFFFFFF  }
0xaf: {  	[dreg:$0x0] =	wrdreg $0x60  }
0xb0: {  	[dreg:$0x2] =	wrdreg s2  }
0xb1: {  	[dreg:$0x3] =	wrdreg s19  }
0xb2: {  	[dreg:$0x4] =	wrdreg s4  }
0xb3: {  	[dreg:$0x5] =	wrdreg $0x9  }
0xb4: {  	_ =	task.clear_ibuf [dreg:s9], $0x6FFFF;
	_ =	strace $0x90000046  }
0xb5: {  	s29 =	simm.s32 $0x9;
	_ =	strace $0x80000048  }
0xb6: {  	_ =	swait.ge [sflag:s29], $0x1  }
0xb7: {  	[sflag:s29] =	ssyncadd.s32 $0xFFFFFFFF  }
0xb8: {  	_ =	strace $0x90000048  }
0xb9: {  	_ =	sfence  }
0xba: {  	s30 =	sld [smem:$0x0];
	_ =	sdelay $0x2  }
0xbb: {  	s31 =	sshll.u32 s1, $0xD;
	s1 =	sshrl.u32 s1, $0x2  }
0xbc: {  	s3 =	sand.u32 $0x4000, s31;
	s1 =	sadd.s32 s1, s30  }
0xbd: {  	s0 =	sor.u32 s3, s0;
	s1 =	sshll.u32 s1, $0x11  }
0xbe: {  	s0 =	sor.u32 s1, s0  }
0xbf: {  	s0 =	sadd.s32 $0x8F2B, s0  }
0xc0: {  	[sflag:s0] =	ssyncadd.remote.s32 $0x1  }
0xc1: {  	_ =	sfence.sel $0xFFFF  }
0xc2: {  	[dreg:$0x0] =	wrdreg $0xFFFFFFFF;
	(pc) =	sbr.abs _section_cstart, $3  }
0xc3: {  	[dreg:$0x1] =	wrdreg $0xFFFFFFFF  }
0xc4: {  	_ =	task.clear_ibuf [dreg:s9], $0x2FFFF;
	_ =	strace $0x9FFFFFFF  }
0xc5: {  	(tm) =	ssettm $0x7FFFFFFF  }
tec
execute0_lowered:
.L_overlay_start_1:
0x0: {  	(tag) =	ssettag $0x1  }
0x1: {  	s1 =	rddreg [dreg:$0x0]  }
0x2: {  	s2 =	rddreg [dreg:$0x1]  }
0x3: {  	s4 =	rddreg [dreg:$0x2];
	s6 =	stileid.u32  }
0x4: {  	s0 =	srdreg.scid;
	s3 =	simm.s32 $0x0;
	s5 =	sshll.u32 s6, $0x1  }
0x5: {  	s0 =	sand.u32 $0x1, s0;
	s6 =	sshrl.u32 s6, $0x2;
	s5 =	sand.u32 $0x6, s5  }
0x6: {  	s8 =	sshll.u32 s6, $0x4;
	s6 =	sshll.u32 s6, $0x13;
	s5 =	sor.u32 s0, s5  }
0x7: {  	s1 =	sadd.s32 s1, s8;
	s7 =	sshll.u32 s5, $0x10;
	s5 =	sshll.u32 s5, $0x8  }
0x8: {  	[smem:$0x7FF] =	sst s3;
	s6 =	sor.u32 s6, s7;
	s1 =	sadd.s32 s5, s1  }
0x9: {  	_ =	strace $0x80000047;
	s8 =	sadd.s32 s4, s6;
	[dreg:$0x4] =	wrdreg s1  }
0xa: {  	s16 =	sadd.s32 $0x800, s8;
	[smem:$0x7FB] =	sst s8  }
0xb: {  	s17 =	sadd.s32 $0x1000, s8;
	[dreg:$0x5] =	wrdreg s16  }
0xc: {  	s18 =	sadd.s32 $0x1800, s8;
	[dreg:$0x6] =	wrdreg s17  }
0xd: {  	s19 =	sadd.s32 $0x2000, s8;
	[dreg:$0x7] =	wrdreg s18  }
0xe: {  	s20 =	sadd.s32 $0x2800, s8;
	[dreg:$0x8] =	wrdreg s19  }
0xf: {  	s21 =	sadd.s32 $0x3000, s8;
	[dreg:$0x9] =	wrdreg s20  }
0x10: {  	s22 =	sadd.s32 $0x3800, s8;
	[dreg:$0xa] =	wrdreg s21  }
0x11: {  	s23 =	sadd.s32 $0x4000, s8;
	[dreg:$0xb] =	wrdreg s22  }
0x12: {  	s24 =	sadd.s32 $0x4800, s8;
	[dreg:$0xc] =	wrdreg s23  }
0x13: {  	s25 =	sadd.s32 $0x5000, s8;
	[dreg:$0xd] =	wrdreg s24  }
0x14: {  	s26 =	sadd.s32 $0x5800, s8;
	[dreg:$0xe] =	wrdreg s25  }
0x15: {  	s4 =	sadd.s32 $0x6000, s8;
	[dreg:$0xf] =	wrdreg s26  }
0x16: {  	s5 =	sadd.s32 $0x6800, s8;
	[dreg:$0x10] =	wrdreg s4  }
0x17: {  	s6 =	sadd.s32 $0x7000, s8;
	[dreg:$0x11] =	wrdreg s5  }
0x18: {  	s7 =	sadd.s32 $0x7800, s8;
	[dreg:$0x12] =	wrdreg s6  }
0x19: {  	s9 =	sadd.s32 $0x8000, s8;
	[dreg:$0x13] =	wrdreg s7  }
0x1a: {  	s10 =	sadd.s32 $0x8800, s8;
	[dreg:$0x14] =	wrdreg s9  }
0x1b: {  	s11 =	sadd.s32 $0x9000, s8;
	[dreg:$0x15] =	wrdreg s10  }
0x1c: {  	s12 =	sadd.s32 $0x9800, s8;
	[dreg:$0x16] =	wrdreg s11  }
0x1d: {  	s13 =	sadd.s32 $0xA000, s8;
	[dreg:$0x17] =	wrdreg s12  }
0x1e: {  	s14 =	sadd.s32 $0xA800, s8;
	[dreg:$0x18] =	wrdreg s13  }
0x1f: {  	s15 =	sadd.s32 $0xB000, s8;
	[dreg:$0x19] =	wrdreg s14  }
0x20: {  	[dreg:$0x1a] =	wrdreg s15;
	s16 =	sadd.s32 $0xB800, s8  }
0x21: {  	s17 =	sadd.s32 $0xC000, s8;
	[dreg:$0x1b] =	wrdreg s16  }
0x22: {  	s28 =	simm.s32 $0x3;
	s18 =	sadd.s32 $0xC800, s8;
	[dreg:$0x1c] =	wrdreg s17  }
0x23: {  	s29 =	simm.s32 $0xA;
	s19 =	sadd.s32 $0xD000, s8;
	[dreg:$0x1d] =	wrdreg s18  }
0x24: {  	s30 =	simm.s32 $0x4;
	s21 =	sadd.s32 $0xD800, s8;
	[dreg:$0x1e] =	wrdreg s19  }
0x25: {  	s31 =	simm.s32 $0xB;
	s22 =	sadd.s32 $0xE000, s8;
	[dreg:$0x1f] =	wrdreg s21  }
0x26: {  	s0 =	ssub.s32 $0x2, s0;
	s23 =	sadd.s32 $0xE800, s8;
	[smem:$0x7F8] =	sst s22  }
0x27: {  	s20 =	sshrl.u32 s0, $0x1;
	s24 =	sadd.s32 $0xF000, s8;
	[smem:$0x7F9] =	sst s23  }
0x28: {  	s5 =	sadd.s32 $0x100, s2;
	s25 =	sadd.s32 $0xF800, s8;
	[smem:$0x7FA] =	sst s24  }
0x29: {  	s6 =	sadd.s32 $0x200, s2;
	s26 =	simm.s32 $0x80;
	[smem:$0x7FC] =	sst s25  }
0x2a: {  	v2 =	vlaneseq.u32;
	s7 =	sadd.s32 $0x300, s2;
	s0 =	ssub.s32 s0, s20;
	[smem:$0x7FD] =	sst s26  }
0x2b: {  	vm0 =	vmmov $0xffff;
	v1 =	vshrl.u32 v2, $0x3;
	s22 =	simm.s32 $0x1;
	s23 =	simm.s32 $0x8;
	s24 =	simm.s32 $0x2  }
0x2c: {  	v0 =	vand.u32 $0x7, v2;
	v2 =	vor.u32 $0x8, v2;
	v1 =	vmul.u32 $0x8, v1;
	s25 =	simm.s32 $0x9;
	s17 =	simm.s32 $0x200;
	s19 =	smax.u32 s0, $0x1  }
.LBB2_1:
0x2d: {  	s15 =	sld [smem:$0x7FD];
	_ =	sdelay $0x1  }
0x2e: {  	s14 =	rddreg [dreg:$0x4];
	s8 =	simm.s32 $0xF  }
0x2f: {  	[tilespmem:s3], [sflag:$0xF] =	stream.strided.gather [hbm4b:s14+s15], $0x200, s17, s15, $0x38;
	[tilespmem:$0x1C200] =	vst v63  }
0x30: {  	_ =	swait.ge [sflag:s8], $0x200  }
0x31: {  	[sflag:s8] =	ssyncset.done $0x0  }
0x32: {  	[sflag:s8] =	ssyncadd.s32 $0xFFFFFE00  }
0x33: {  	v3 =	vld [tilespmem:$0x0];
	_ =	sdelay $0x4  }
0x34: {  	v4 =	vshll.u32 v3, $0x3  }
0x35: {  	v3 =	vand.u32 $0x7, v3;
	v4 =	vand.u32 $0xFFFFFFC0, v4  }
0x36: {  	v3 =	vor.u32 v3, v4  }
0x37: {  	v4 =	vperm.xlane v3, v0;
	_ =	sdelay $0x1  }
0x38: {  	v4 =	vadd.s32 v1, v4;
	_ =	sdelay $0x4  }
0x39: {  	[tilespmem:s17], [sflag:$0x1] =	stream.indirect_vreg.gather [hbm4b:s2+s3], $0x80, v4, vm0, $0xb8;
	[tilespmem:$0x1C200] =	vst v63  }
0x3a: {  	s4 =	simm.s32 $0xA00;
	v3 =	vperm.xlane v3, v2  }
0x3b: {  	[tilespmem:s4], [sflag:$0x1] =	stream.indirect_vreg.gather [hbm4b:s5+s3], $0x80, v4, vm0, $0xb8;
	[tilespmem:$0x1C200] =	vst v63  }
0x3c: {  	s9 =	simm.s32 $0x1200;
	v3 =	vadd.s32 v1, v3  }
0x3d: {  	[tilespmem:s9], [sflag:$0x1] =	stream.indirect_vreg.gather [hbm4b:s6+s3], $0x80, v4, vm0, $0xb8;
	[tilespmem:$0x1C200] =	vst v63  }
0x3e: {  	s10 =	simm.s32 $0x1A00  }
0x3f: {  	[tilespmem:s10], [sflag:$0x1] =	stream.indirect_vreg.gather [hbm4b:s7+s3], $0x80, v4, vm0, $0xb8;
	[tilespmem:$0x1C200] =	vst v63  }
0x40: {  	s11 =	simm.s32 $0x2200  }
0x41: {  	[tilespmem:s11], [sflag:$0x1] =	stream.indirect_vreg.gather [hbm4b:s2+s3], $0x80, v3, vm0, $0xb8;
	[tilespmem:$0x1C200] =	vst v63  }
0x42: {  	s12 =	simm.s32 $0x2A00  }
0x43: {  	[tilespmem:s12], [sflag:$0x1] =	stream.indirect_vreg.gather [hbm4b:s5+s3], $0x80, v3, vm0, $0xb8;
	[tilespmem:$0x1C200] =	vst v63  }
0x44: {  	s13 =	simm.s32 $0x3200  }
0x45: {  	[tilespmem:s13], [sflag:$0x1] =	stream.indirect_vreg.gather [hbm4b:s6+s3], $0x80, v3, vm0, $0xb8;
	[tilespmem:$0x1C200] =	vst v63  }
0x46: {  	s14 =	simm.s32 $0x3A00  }
0x47: {  	[tilespmem:s14], [sflag:$0x1] =	stream.indirect_vreg.gather [hbm4b:s7+s3], $0x80, v3, vm0, $0xb8;
	[tilespmem:$0x1C200] =	vst v63  }
0x48: {  	v3 =	vld [tilespmem:$0x10];
	_ =	sdelay $0x4  }
0x49: {  	v33 =	vshll.u32 v3, $0x3  }
0x4a: {  	v3 =	vand.u32 $0x7, v3;
	v4 =	vand.u32 $0xFFFFFFC0, v33  }
0x4b: {  	v3 =	vor.u32 v3, v4  }
0x4c: {  	v4 =	vperm.xlane v3, v0;
	_ =	sdelay $0x1  }
0x4d: {  	v4 =	vadd.s32 v1, v4;
	_ =	sdelay $0x3  }
0x4e: {  	s1 =	simm.s32 $0x4200  }
0x4f: {  	[tilespmem:s1], [sflag:$0x2] =	stream.indirect_vreg.gather [hbm4b:s2+s3], $0x80, v4, vm0, $0xb8;
	[tilespmem:$0x1C200] =	vst v63  }
0x50: {  	s15 =	simm.s32 $0x4A00;
	v3 =	vperm.xlane v3, v2  }
0x51: {  	[tilespmem:s15], [sflag:$0x2] =	stream.indirect_vreg.gather [hbm4b:s5+s3], $0x80, v4, vm0, $0xb8;
	[tilespmem:$0x1C200] =	vst v63  }
0x52: {  	s16 =	simm.s32 $0x5200;
	v3 =	vadd.s32 v1, v3  }
0x53: {  	[tilespmem:s16], [sflag:$0x2] =	stream.indirect_vreg.gather [hbm4b:s6+s3], $0x80, v4, vm0, $0xb8;
	[tilespmem:$0x1C200] =	vst v63  }
0x54: {  	s9 =	simm.s32 $0x5A00  }
0x55: {  	[tilespmem:s9], [sflag:$0x2] =	stream.indirect_vreg.gather [hbm4b:s7+s3], $0x80, v4, vm0, $0xb8;
	[tilespmem:$0x1C200] =	vst v63  }
0x56: {  	s10 =	simm.s32 $0x6200  }
0x57: {  	[tilespmem:s10], [sflag:$0x2] =	stream.indirect_vreg.gather [hbm4b:s2+s3], $0x80, v3, vm0, $0xb8;
	[tilespmem:$0x1C200] =	vst v63  }
0x58: {  	s11 =	simm.s32 $0x6A00  }
0x59: {  	[tilespmem:s11], [sflag:$0x2] =	stream.indirect_vreg.gather [hbm4b:s5+s3], $0x80, v3, vm0, $0xb8;
	[tilespmem:$0x1C200] =	vst v63  }
0x5a: {  	s12 =	simm.s32 $0x7200  }
0x5b: {  	[tilespmem:s12], [sflag:$0x2] =	stream.indirect_vreg.gather [hbm4b:s6+s3], $0x80, v3, vm0, $0xb8;
	[tilespmem:$0x1C200] =	vst v63  }
0x5c: {  	s13 =	simm.s32 $0x7A00  }
0x5d: {  	[tilespmem:s13], [sflag:$0x2] =	stream.indirect_vreg.gather [hbm4b:s7+s3], $0x80, v3, vm0, $0xb8;
	[tilespmem:$0x1C200] =	vst v63  }
0x5e: {  	v3 =	vld [tilespmem:$0x20];
	_ =	sdelay $0x4  }
0x5f: {  	v34 =	vshll.u32 v3, $0x3  }
0x60: {  	v3 =	vand.u32 $0x7, v3;
	v4 =	vand.u32 $0xFFFFFFC0, v34  }
0x61: {  	v3 =	vor.u32 v3, v4  }
0x62: {  	v4 =	vperm.xlane v3, v0;
	_ =	sdelay $0x1  }
0x63: {  	v4 =	vadd.s32 v1, v4;
	_ =	sdelay $0x3  }
0x64: {  	s14 =	simm.s32 $0x8200  }
0x65: {  	[tilespmem:s14], [sflag:$0x3] =	stream.indirect_vreg.gather [hbm4b:s2+s3], $0x80, v4, vm0, $0xb8;
	[tilespmem:$0x1C200] =	vst v63  }
0x66: {  	s9 =	simm.s32 $0x8A00;
	v3 =	vperm.xlane v3, v2  }
0x67: {  	[tilespmem:s9], [sflag:$0x3] =	stream.indirect_vreg.gather [hbm4b:s5+s3], $0x80, v4, vm0, $0xb8;
	[tilespmem:$0x1C200] =	vst v63  }
0x68: {  	s15 =	simm.s32 $0x9200;
	v3 =	vadd.s32 v1, v3  }
0x69: {  	[tilespmem:s15], [sflag:$0x3] =	stream.indirect_vreg.gather [hbm4b:s6+s3], $0x80, v4, vm0, $0xb8;
	[tilespmem:$0x1C200] =	vst v63  }
0x6a: {  	s16 =	simm.s32 $0x9A00  }
0x6b: {  	[tilespmem:s16], [sflag:$0x3] =	stream.indirect_vreg.gather [hbm4b:s7+s3], $0x80, v4, vm0, $0xb8;
	[tilespmem:$0x1C200] =	vst v63  }
0x6c: {  	s10 =	simm.s32 $0xA200  }
0x6d: {  	[tilespmem:s10], [sflag:$0x3] =	stream.indirect_vreg.gather [hbm4b:s2+s3], $0x80, v3, vm0, $0xb8;
	[tilespmem:$0x1C200] =	vst v63  }
0x6e: {  	s11 =	simm.s32 $0xAA00  }
0x6f: {  	[tilespmem:s11], [sflag:$0x3] =	stream.indirect_vreg.gather [hbm4b:s5+s3], $0x80, v3, vm0, $0xb8;
	[tilespmem:$0x1C200] =	vst v63  }
0x70: {  	s12 =	simm.s32 $0xB200  }
0x71: {  	[tilespmem:s12], [sflag:$0x3] =	stream.indirect_vreg.gather [hbm4b:s6+s3], $0x80, v3, vm0, $0xb8;
	[tilespmem:$0x1C200] =	vst v63  }
0x72: {  	s13 =	simm.s32 $0xBA00  }
0x73: {  	[tilespmem:s13], [sflag:$0x3] =	stream.indirect_vreg.gather [hbm4b:s7+s3], $0x80, v3, vm0, $0xb8;
	[tilespmem:$0x1C200] =	vst v63  }
0x74: {  	v3 =	vld [tilespmem:$0x30];
	_ =	sdelay $0x4  }
0x75: {  	v35 =	vshll.u32 v3, $0x3  }
0x76: {  	v3 =	vand.u32 $0x7, v3;
	v4 =	vand.u32 $0xFFFFFFC0, v35  }
0x77: {  	v3 =	vor.u32 v3, v4  }
0x78: {  	v4 =	vperm.xlane v3, v0;
	_ =	sdelay $0x1  }
0x79: {  	v4 =	vadd.s32 v1, v4;
	_ =	sdelay $0x3  }
0x7a: {  	s14 =	simm.s32 $0xC200  }
0x7b: {  	[tilespmem:s14], [sflag:$0x4] =	stream.indirect_vreg.gather [hbm4b:s2+s3], $0x80, v4, vm0, $0xb8;
	[tilespmem:$0x1C200] =	vst v63  }
0x7c: {  	s15 =	simm.s32 $0xCA00;
	v3 =	vperm.xlane v3, v2  }
0x7d: {  	[tilespmem:s15], [sflag:$0x4] =	stream.indirect_vreg.gather [hbm4b:s5+s3], $0x80, v4, vm0, $0xb8;
	[tilespmem:$0x1C200] =	vst v63  }
0x7e: {  	s16 =	simm.s32 $0xD200;
	v3 =	vadd.s32 v1, v3  }
0x7f: {  	[tilespmem:s16], [sflag:$0x4] =	stream.indirect_vreg.gather [hbm4b:s6+s3], $0x80, v4, vm0, $0xb8;
	[tilespmem:$0x1C200] =	vst v63  }
0x80: {  	s9 =	simm.s32 $0xDA00  }
0x81: {  	[tilespmem:s9], [sflag:$0x4] =	stream.indirect_vreg.gather [hbm4b:s7+s3], $0x80, v4, vm0, $0xb8;
	[tilespmem:$0x1C200] =	vst v63  }
0x82: {  	s11 =	simm.s32 $0xE200  }
0x83: {  	[tilespmem:s11], [sflag:$0x4] =	stream.indirect_vreg.gather [hbm4b:s2+s3], $0x80, v3, vm0, $0xb8;
	[tilespmem:$0x1C200] =	vst v63  }
0x84: {  	s12 =	simm.s32 $0xEA00  }
0x85: {  	[tilespmem:s12], [sflag:$0x4] =	stream.indirect_vreg.gather [hbm4b:s5+s3], $0x80, v3, vm0, $0xb8;
	[tilespmem:$0x1C200] =	vst v63  }
0x86: {  	s13 =	simm.s32 $0xF200  }
0x87: {  	[tilespmem:s13], [sflag:$0x4] =	stream.indirect_vreg.gather [hbm4b:s6+s3], $0x80, v3, vm0, $0xb8;
	[tilespmem:$0x1C200] =	vst v63  }
0x88: {  	s15 =	simm.s32 $0xFA00  }
0x89: {  	[tilespmem:s15], [sflag:$0x4] =	stream.indirect_vreg.gather [hbm4b:s7+s3], $0x80, v3, vm0, $0xb8;
	[tilespmem:$0x1C200] =	vst v63  }
0x8a: {  	v3 =	vld [tilespmem:$0x40];
	_ =	sdelay $0x4  }
0x8b: {  	v36 =	vshll.u32 v3, $0x3  }
0x8c: {  	v3 =	vand.u32 $0x7, v3;
	v4 =	vand.u32 $0xFFFFFFC0, v36  }
0x8d: {  	v3 =	vor.u32 v3, v4  }
0x8e: {  	v4 =	vperm.xlane v3, v0;
	_ =	sdelay $0x1  }
0x8f: {  	v4 =	vadd.s32 v1, v4;
	_ =	sdelay $0x3  }
0x90: {  	s16 =	simm.s32 $0x10200  }
0x91: {  	[tilespmem:s16], [sflag:$0x5] =	stream.indirect_vreg.gather [hbm4b:s2+s3], $0x80, v4, vm0, $0xb8;
	[tilespmem:$0x1C200] =	vst v63  }
0x92: {  	s9 =	simm.s32 $0x10A00;
	v3 =	vperm.xlane v3, v2  }
0x93: {  	[tilespmem:s9], [sflag:$0x5] =	stream.indirect_vreg.gather [hbm4b:s5+s3], $0x80, v4, vm0, $0xb8;
	[tilespmem:$0x1C200] =	vst v63  }
0x94: {  	s11 =	simm.s32 $0x11200;
	v3 =	vadd.s32 v1, v3  }
0x95: {  	[tilespmem:s11], [sflag:$0x5] =	stream.indirect_vreg.gather [hbm4b:s6+s3], $0x80, v4, vm0, $0xb8;
	[tilespmem:$0x1C200] =	vst v63  }
0x96: {  	s12 =	simm.s32 $0x11A00  }
0x97: {  	[tilespmem:s12], [sflag:$0x5] =	stream.indirect_vreg.gather [hbm4b:s7+s3], $0x80, v4, vm0, $0xb8;
	[tilespmem:$0x1C200] =	vst v63  }
0x98: {  	s13 =	simm.s32 $0x12200  }
0x99: {  	[tilespmem:s13], [sflag:$0x5] =	stream.indirect_vreg.gather [hbm4b:s2+s3], $0x80, v3, vm0, $0xb8;
	[tilespmem:$0x1C200] =	vst v63  }
0x9a: {  	s16 =	simm.s32 $0x12A00  }
0x9b: {  	[tilespmem:s16], [sflag:$0x5] =	stream.indirect_vreg.gather [hbm4b:s5+s3], $0x80, v3, vm0, $0xb8;
	[tilespmem:$0x1C200] =	vst v63  }
0x9c: {  	s9 =	simm.s32 $0x13200  }
0x9d: {  	[tilespmem:s9], [sflag:$0x5] =	stream.indirect_vreg.gather [hbm4b:s6+s3], $0x80, v3, vm0, $0xb8;
	[tilespmem:$0x1C200] =	vst v63  }
0x9e: {  	s13 =	simm.s32 $0x13A00  }
0x9f: {  	[tilespmem:s13], [sflag:$0x5] =	stream.indirect_vreg.gather [hbm4b:s7+s3], $0x80, v3, vm0, $0xb8;
	[tilespmem:$0x1C200] =	vst v63  }
0xa0: {  	v3 =	vld [tilespmem:$0x50];
	_ =	sdelay $0x4  }
0xa1: {  	v37 =	vshll.u32 v3, $0x3  }
0xa2: {  	v3 =	vand.u32 $0x7, v3;
	v4 =	vand.u32 $0xFFFFFFC0, v37  }
0xa3: {  	v3 =	vor.u32 v3, v4  }
0xa4: {  	v4 =	vperm.xlane v3, v0;
	_ =	sdelay $0x1  }
0xa5: {  	v4 =	vadd.s32 v1, v4;
	_ =	sdelay $0x3  }
0xa6: {  	s16 =	simm.s32 $0x14200  }
0xa7: {  	[tilespmem:s16], [sflag:$0x6] =	stream.indirect_vreg.gather [hbm4b:s2+s3], $0x80, v4, vm0, $0xb8;
	[tilespmem:$0x1C200] =	vst v63  }
0xa8: {  	s9 =	simm.s32 $0x14A00;
	v3 =	vperm.xlane v3, v2  }
0xa9: {  	[tilespmem:s9], [sflag:$0x6] =	stream.indirect_vreg.gather [hbm4b:s5+s3], $0x80, v4, vm0, $0xb8;
	[tilespmem:$0x1C200] =	vst v63  }
0xaa: {  	v3 =	vadd.s32 v1, v3;
	s16 =	simm.s32 $0x15200  }
0xab: {  	[tilespmem:s16], [sflag:$0x6] =	stream.indirect_vreg.gather [hbm4b:s6+s3], $0x80, v4, vm0, $0xb8;
	[tilespmem:$0x1C200] =	vst v63  }
0xac: {  	s9 =	simm.s32 $0x15A00  }
0xad: {  	[tilespmem:s9], [sflag:$0x6] =	stream.indirect_vreg.gather [hbm4b:s7+s3], $0x80, v4, vm0, $0xb8;
	[tilespmem:$0x1C200] =	vst v63  }
0xae: {  	s9 =	simm.s32 $0x16200  }
0xaf: {  	[tilespmem:s9], [sflag:$0x6] =	stream.indirect_vreg.gather [hbm4b:s2+s3], $0x80, v3, vm0, $0xb8;
	[tilespmem:$0x1C200] =	vst v63  }
0xb0: {  	s9 =	simm.s32 $0x16A00  }
0xb1: {  	[tilespmem:s9], [sflag:$0x6] =	stream.indirect_vreg.gather [hbm4b:s5+s3], $0x80, v3, vm0, $0xb8;
	[tilespmem:$0x1C200] =	vst v63  }
0xb2: {  	s9 =	simm.s32 $0x17200  }
0xb3: {  	[tilespmem:s9], [sflag:$0x6] =	stream.indirect_vreg.gather [hbm4b:s6+s3], $0x80, v3, vm0, $0xb8;
	[tilespmem:$0x1C200] =	vst v63  }
0xb4: {  	s9 =	simm.s32 $0x17A00  }
0xb5: {  	[tilespmem:s9], [sflag:$0x6] =	stream.indirect_vreg.gather [hbm4b:s7+s3], $0x80, v3, vm0, $0xb8;
	[tilespmem:$0x1C200] =	vst v63  }
0xb6: {  	v3 =	vld [tilespmem:$0x60];
	_ =	sdelay $0x4  }
0xb7: {  	v38 =	vshll.u32 v3, $0x3  }
0xb8: {  	v3 =	vand.u32 $0x7, v3;
	v4 =	vand.u32 $0xFFFFFFC0, v38  }
0xb9: {  	v3 =	vor.u32 v3, v4  }
0xba: {  	v4 =	vperm.xlane v3, v0;
	_ =	sdelay $0x1  }
0xbb: {  	v4 =	vadd.s32 v1, v4;
	_ =	sdelay $0x3  }
0xbc: {  	s9 =	simm.s32 $0x18200  }
0xbd: {  	[tilespmem:s9], [sflag:$0x7] =	stream.indirect_vreg.gather [hbm4b:s2+s3], $0x80, v4, vm0, $0xb8;
	[tilespmem:$0x1C200] =	vst v63  }
0xbe: {  	v3 =	vperm.xlane v3, v2;
	s9 =	simm.s32 $0x18A00  }
0xbf: {  	[tilespmem:s9], [sflag:$0x7] =	stream.indirect_vreg.gather [hbm4b:s5+s3], $0x80, v4, vm0, $0xb8;
	[tilespmem:$0x1C200] =	vst v63  }
0xc0: {  	v3 =	vadd.s32 v1, v3;
	s9 =	simm.s32 $0x19200  }
0xc1: {  	[tilespmem:s9], [sflag:$0x7] =	stream.indirect_vreg.gather [hbm4b:s6+s3], $0x80, v4, vm0, $0xb8;
	[tilespmem:$0x1C200] =	vst v63  }
0xc2: {  	s9 =	simm.s32 $0x19A00  }
0xc3: {  	[tilespmem:s9], [sflag:$0x7] =	stream.indirect_vreg.gather [hbm4b:s7+s3], $0x80, v4, vm0, $0xb8;
	[tilespmem:$0x1C200] =	vst v63  }
0xc4: {  	s9 =	simm.s32 $0x1A200  }
0xc5: {  	[tilespmem:s9], [sflag:$0x7] =	stream.indirect_vreg.gather [hbm4b:s2+s3], $0x80, v3, vm0, $0xb8;
	[tilespmem:$0x1C200] =	vst v63  }
0xc6: {  	s9 =	simm.s32 $0x1AA00  }
0xc7: {  	[tilespmem:s9], [sflag:$0x7] =	stream.indirect_vreg.gather [hbm4b:s5+s3], $0x80, v3, vm0, $0xb8;
	[tilespmem:$0x1C200] =	vst v63  }
0xc8: {  	s9 =	simm.s32 $0x1B200  }
0xc9: {  	[tilespmem:s9], [sflag:$0x7] =	stream.indirect_vreg.gather [hbm4b:s6+s3], $0x80, v3, vm0, $0xb8;
	[tilespmem:$0x1C200] =	vst v63  }
0xca: {  	s9 =	simm.s32 $0x1BA00  }
0xcb: {  	[tilespmem:s9], [sflag:$0x7] =	stream.indirect_vreg.gather [hbm4b:s7+s3], $0x80, v3, vm0, $0xb8;
	[tilespmem:$0x1C200] =	vst v63  }
0xcc: {  	_ =	swait.ge [sflag:s22], $0x4000  }
0xcd: {  	s9 =	sld [smem:$0x7FB]  }
0xce: {  	[sflag:s22] =	ssyncset.done $0x0  }
0xcf: {  	[sflag:s22] =	ssyncadd.s32 $0xFFFFC000  }
0xd0: {  	[hbm4b:s9+s3] =	stream.linear.scatter [tilespmem:s17], [sflag:$0x8], $0x4000, $0x38;
	[tilespmem:$0x1C200] =	vst v63  }
0xd1: {  	_ =	swait.ge [sflag:s23], $0x4000  }
0xd2: {  	[sflag:s23] =	ssyncset.done $0x0  }
0xd3: {  	[sflag:s23] =	ssyncadd.s32 $0xFFFFC000  }
0xd4: {  	v3 =	vld [tilespmem:$0x70];
	_ =	sdelay $0x4  }
0xd5: {  	v39 =	vshll.u32 v3, $0x3  }
0xd6: {  	v3 =	vand.u32 $0x7, v3;
	v4 =	vand.u32 $0xFFFFFFC0, v39  }
0xd7: {  	v3 =	vor.u32 v3, v4  }
0xd8: {  	v4 =	vperm.xlane v3, v0;
	_ =	sdelay $0x1  }
0xd9: {  	v4 =	vadd.s32 v1, v4;
	_ =	sdelay $0x4  }
0xda: {  	[tilespmem:s17], [sflag:$0x1] =	stream.indirect_vreg.gather [hbm4b:s2+s3], $0x80, v4, vm0, $0xb8;
	[tilespmem:$0x1C200] =	vst v63  }
0xdb: {  	s0 =	simm.s32 $0xA00;
	v3 =	vperm.xlane v3, v2  }
0xdc: {  	[tilespmem:s0], [sflag:$0x1] =	stream.indirect_vreg.gather [hbm4b:s5+s3], $0x80, v4, vm0, $0xb8;
	[tilespmem:$0x1C200] =	vst v63  }
0xdd: {  	s26 =	simm.s32 $0x1200;
	v3 =	vadd.s32 v1, v3  }
0xde: {  	[tilespmem:s26], [sflag:$0x1] =	stream.indirect_vreg.gather [hbm4b:s6+s3], $0x80, v4, vm0, $0xb8;
	[tilespmem:$0x1C200] =	vst v63  }
0xdf: {  	s14 =	simm.s32 $0x1A00  }
0xe0: {  	[tilespmem:s14], [sflag:$0x1] =	stream.indirect_vreg.gather [hbm4b:s7+s3], $0x80, v4, vm0, $0xb8;
	[tilespmem:$0x1C200] =	vst v63  }
0xe1: {  	s8 =	simm.s32 $0x2200  }
0xe2: {  	[tilespmem:s8], [sflag:$0x1] =	stream.indirect_vreg.gather [hbm4b:s2+s3], $0x80, v3, vm0, $0xb8;
	[tilespmem:$0x1C200] =	vst v63  }
0xe3: {  	s20 =	simm.s32 $0x2A00  }
0xe4: {  	[tilespmem:s20], [sflag:$0x1] =	stream.indirect_vreg.gather [hbm4b:s5+s3], $0x80, v3, vm0, $0xb8;
	[tilespmem:$0x1C200] =	vst v63  }
0xe5: {  	s21 =	simm.s32 $0x3200  }
0xe6: {  	[tilespmem:s21], [sflag:$0x1] =	stream.indirect_vreg.gather [hbm4b:s6+s3], $0x80, v3, vm0, $0xb8;
	[tilespmem:$0x1C200] =	vst v63  }
0xe7: {  	s18 =	simm.s32 $0x3A00  }
0xe8: {  	[tilespmem:s18], [sflag:$0x1] =	stream.indirect_vreg.gather [hbm4b:s7+s3], $0x80, v3, vm0, $0xb8;
	[tilespmem:$0x1C200] =	vst v63  }
0xe9: {  	_ =	swait.ge [sflag:s24], $0x4000  }
0xea: {  	[sflag:s24] =	ssyncset.done $0x0  }
0xeb: {  	s1 =	simm.s32 $0x4200;
	s0 =	rddreg [dreg:$0x5];
	[sflag:s24] =	ssyncadd.s32 $0xFFFFC000  }
0xec: {  	[hbm4b:s0+s3] =	stream.linear.scatter [tilespmem:s1], [sflag:$0x9], $0x4000, $0x38;
	[tilespmem:$0x1C200] =	vst v63  }
0xed: {  	_ =	swait.ge [sflag:s25], $0x4000  }
0xee: {  	[sflag:s25] =	ssyncset.done $0x0  }
0xef: {  	[sflag:s25] =	ssyncadd.s32 $0xFFFFC000  }
0xf0: {  	v3 =	vld [tilespmem:$0x80];
	_ =	sdelay $0x4  }
0xf1: {  	v40 =	vshll.u32 v3, $0x3  }
0xf2: {  	v3 =	vand.u32 $0x7, v3;
	v4 =	vand.u32 $0xFFFFFFC0, v40  }
0xf3: {  	v3 =	vor.u32 v3, v4  }
0xf4: {  	v4 =	vperm.xlane v3, v0;
	_ =	sdelay $0x1  }
0xf5: {  	v4 =	vadd.s32 v1, v4;
	_ =	sdelay $0x4  }
0xf6: {  	[tilespmem:s1], [sflag:$0x2] =	stream.indirect_vreg.gather [hbm4b:s2+s3], $0x80, v4, vm0, $0xb8;
	[tilespmem:$0x1C200] =	vst v63  }
0xf7: {  	v3 =	vperm.xlane v3, v2;
	s1 =	simm.s32 $0x4A00  }
0xf8: {  	[tilespmem:s1], [sflag:$0x2] =	stream.indirect_vreg.gather [hbm4b:s5+s3], $0x80, v4, vm0, $0xb8;
	[tilespmem:$0x1C200] =	vst v63  }
0xf9: {  	s8 =	simm.s32 $0x5200;
	v3 =	vadd.s32 v1, v3  }
0xfa: {  	[tilespmem:s8], [sflag:$0x2] =	stream.indirect_vreg.gather [hbm4b:s6+s3], $0x80, v4, vm0, $0xb8;
	[tilespmem:$0x1C200] =	vst v63  }
0xfb: {  	s9 =	simm.s32 $0x5A00  }
0xfc: {  	[tilespmem:s9], [sflag:$0x2] =	stream.indirect_vreg.gather [hbm4b:s7+s3], $0x80, v4, vm0, $0xb8;
	[tilespmem:$0x1C200] =	vst v63  }
0xfd: {  	s14 =	simm.s32 $0x6200  }
0xfe: {  	[tilespmem:s14], [sflag:$0x2] =	stream.indirect_vreg.gather [hbm4b:s2+s3], $0x80, v3, vm0, $0xb8;
	[tilespmem:$0x1C200] =	vst v63  }
0xff: {  	s18 =	simm.s32 $0x6A00  }
0x100: {  	[tilespmem:s18], [sflag:$0x2] =	stream.indirect_vreg.gather [hbm4b:s5+s3], $0x80, v3, vm0, $0xb8;
	[tilespmem:$0x1C200] =	vst v63  }
0x101: {  	s20 =	simm.s32 $0x7200  }
0x102: {  	[tilespmem:s20], [sflag:$0x2] =	stream.indirect_vreg.gather [hbm4b:s6+s3], $0x80, v3, vm0, $0xb8;
	[tilespmem:$0x1C200] =	vst v63  }
0x103: {  	s21 =	simm.s32 $0x7A00  }
0x104: {  	[tilespmem:s21], [sflag:$0x2] =	stream.indirect_vreg.gather [hbm4b:s7+s3], $0x80, v3, vm0, $0xb8;
	[tilespmem:$0x1C200] =	vst v63  }
0x105: {  	_ =	swait.ge [sflag:s28], $0x4000  }
0x106: {  	[sflag:s28] =	ssyncset.done $0x0  }
0x107: {  	s4 =	simm.s32 $0x8200;
	s1 =	rddreg [dreg:$0x6];
	[sflag:s28] =	ssyncadd.s32 $0xFFFFC000  }
0x108: {  	[hbm4b:s1+s3] =	stream.linear.scatter [tilespmem:s4], [sflag:$0xA], $0x4000, $0x38;
	[tilespmem:$0x1C200] =	vst v63  }
0x109: {  	_ =	swait.ge [sflag:s29], $0x4000  }
0x10a: {  	[sflag:s29] =	ssyncset.done $0x0  }
0x10b: {  	[sflag:s29] =	ssyncadd.s32 $0xFFFFC000  }
0x10c: {  	v3 =	vld [tilespmem:$0x90];
	_ =	sdelay $0x4  }
0x10d: {  	v41 =	vshll.u32 v3, $0x3  }
0x10e: {  	v3 =	vand.u32 $0x7, v3;
	v4 =	vand.u32 $0xFFFFFFC0, v41  }
0x10f: {  	v3 =	vor.u32 v3, v4  }
0x110: {  	v4 =	vperm.xlane v3, v0;
	_ =	sdelay $0x1  }
0x111: {  	v4 =	vadd.s32 v1, v4;
	_ =	sdelay $0x4  }
0x112: {  	[tilespmem:s4], [sflag:$0x3] =	stream.indirect_vreg.gather [hbm4b:s2+s3], $0x80, v4, vm0, $0xb8;
	[tilespmem:$0x1C200] =	vst v63  }
0x113: {  	s9 =	simm.s32 $0x8A00;
	v3 =	vperm.xlane v3, v2  }
0x114: {  	[tilespmem:s9], [sflag:$0x3] =	stream.indirect_vreg.gather [hbm4b:s5+s3], $0x80, v4, vm0, $0xb8;
	[tilespmem:$0x1C200] =	vst v63  }
0x115: {  	v3 =	vadd.s32 v1, v3;
	s4 =	simm.s32 $0x9200  }
0x116: {  	[tilespmem:s4], [sflag:$0x3] =	stream.indirect_vreg.gather [hbm4b:s6+s3], $0x80, v4, vm0, $0xb8;
	[tilespmem:$0x1C200] =	vst v63  }
0x117: {  	s21 =	simm.s32 $0x9A00  }
0x118: {  	[tilespmem:s21], [sflag:$0x3] =	stream.indirect_vreg.gather [hbm4b:s7+s3], $0x80, v4, vm0, $0xb8;
	[tilespmem:$0x1C200] =	vst v63  }
0x119: {  	s9 =	simm.s32 $0xA200  }
0x11a: {  	[tilespmem:s9], [sflag:$0x3] =	stream.indirect_vreg.gather [hbm4b:s2+s3], $0x80, v3, vm0, $0xb8;
	[tilespmem:$0x1C200] =	vst v63  }
0x11b: {  	s20 =	simm.s32 $0xAA00  }
0x11c: {  	[tilespmem:s20], [sflag:$0x3] =	stream.indirect_vreg.gather [hbm4b:s5+s3], $0x80, v3, vm0, $0xb8;
	[tilespmem:$0x1C200] =	vst v63  }
0x11d: {  	s18 =	simm.s32 $0xB200  }
0x11e: {  	[tilespmem:s18], [sflag:$0x3] =	stream.indirect_vreg.gather [hbm4b:s6+s3], $0x80, v3, vm0, $0xb8;
	[tilespmem:$0x1C200] =	vst v63  }
0x11f: {  	s14 =	simm.s32 $0xBA00  }
0x120: {  	[tilespmem:s14], [sflag:$0x3] =	stream.indirect_vreg.gather [hbm4b:s7+s3], $0x80, v3, vm0, $0xb8;
	[tilespmem:$0x1C200] =	vst v63  }
0x121: {  	_ =	swait.ge [sflag:s30], $0x4000  }
0x122: {  	[sflag:s30] =	ssyncset.done $0x0  }
0x123: {  	s10 =	simm.s32 $0xC200;
	s0 =	rddreg [dreg:$0x7];
	[sflag:s30] =	ssyncadd.s32 $0xFFFFC000  }
0x124: {  	[hbm4b:s0+s3] =	stream.linear.scatter [tilespmem:s10], [sflag:$0xB], $0x4000, $0x38;
	[tilespmem:$0x1C200] =	vst v63  }
0x125: {  	_ =	swait.ge [sflag:s31], $0x4000  }
0x126: {  	[sflag:s31] =	ssyncset.done $0x0  }
0x127: {  	[sflag:s31] =	ssyncadd.s32 $0xFFFFC000  }
0x128: {  	v3 =	vld [tilespmem:$0xA0];
	_ =	sdelay $0x4  }
0x129: {  	v42 =	vshll.u32 v3, $0x3  }
0x12a: {  	v3 =	vand.u32 $0x7, v3;
	v4 =	vand.u32 $0xFFFFFFC0, v42  }
0x12b: {  	v3 =	vor.u32 v3, v4  }
0x12c: {  	v4 =	vperm.xlane v3, v0;
	_ =	sdelay $0x1  }
0x12d: {  	v4 =	vadd.s32 v1, v4;
	_ =	sdelay $0x4  }
0x12e: {  	[tilespmem:s10], [sflag:$0x4] =	stream.indirect_vreg.gather [hbm4b:s2+s3], $0x80, v4, vm0, $0xb8;
	[tilespmem:$0x1C200] =	vst v63  }
0x12f: {  	s1 =	simm.s32 $0xCA00;
	v3 =	vperm.xlane v3, v2  }
0x130: {  	[tilespmem:s1], [sflag:$0x4] =	stream.indirect_vreg.gather [hbm4b:s5+s3], $0x80, v4, vm0, $0xb8;
	[tilespmem:$0x1C200] =	vst v63  }
0x131: {  	v3 =	vadd.s32 v1, v3;
	s10 =	simm.s32 $0xD200  }
0x132: {  	[tilespmem:s10], [sflag:$0x4] =	stream.indirect_vreg.gather [hbm4b:s6+s3], $0x80, v4, vm0, $0xb8;
	[tilespmem:$0x1C200] =	vst v63  }
0x133: {  	s14 =	simm.s32 $0xDA00  }
0x134: {  	[tilespmem:s14], [sflag:$0x4] =	stream.indirect_vreg.gather [hbm4b:s7+s3], $0x80, v4, vm0, $0xb8;
	[tilespmem:$0x1C200] =	vst v63  }
0x135: {  	s1 =	simm.s32 $0xE200  }
0x136: {  	[tilespmem:s1], [sflag:$0x4] =	stream.indirect_vreg.gather [hbm4b:s2+s3], $0x80, v3, vm0, $0xb8;
	[tilespmem:$0x1C200] =	vst v63  }
0x137: {  	s10 =	simm.s32 $0xEA00  }
0x138: {  	[tilespmem:s10], [sflag:$0x4] =	stream.indirect_vreg.gather [hbm4b:s5+s3], $0x80, v3, vm0, $0xb8;
	[tilespmem:$0x1C200] =	vst v63  }
0x139: {  	s14 =	simm.s32 $0xF200  }
0x13a: {  	[tilespmem:s14], [sflag:$0x4] =	stream.indirect_vreg.gather [hbm4b:s6+s3], $0x80, v3, vm0, $0xb8;
	[tilespmem:$0x1C200] =	vst v63  }
0x13b: {  	s1 =	simm.s32 $0xFA00  }
0x13c: {  	[tilespmem:s1], [sflag:$0x4] =	stream.indirect_vreg.gather [hbm4b:s7+s3], $0x80, v3, vm0, $0xb8;
	[tilespmem:$0x1C200] =	vst v63  }
0x13d: {  	s1 =	simm.s32 $0x5  }
0x13e: {  	_ =	swait.ge [sflag:s1], $0x4000  }
0x13f: {  	[sflag:s1] =	ssyncset.done $0x0  }
0x140: {  	s15 =	simm.s32 $0x10200;
	s10 =	rddreg [dreg:$0x8];
	[sflag:s1] =	ssyncadd.s32 $0xFFFFC000  }
0x141: {  	[hbm4b:s10+s3] =	stream.linear.scatter [tilespmem:s15], [sflag:$0xC], $0x4000, $0x38;
	[tilespmem:$0x1C200] =	vst v63  }
0x142: {  	s10 =	simm.s32 $0xC  }
0x143: {  	_ =	swait.ge [sflag:s10], $0x4000  }
0x144: {  	[sflag:s10] =	ssyncset.done $0x0  }
0x145: {  	[sflag:s10] =	ssyncadd.s32 $0xFFFFC000  }
0x146: {  	v3 =	vld [tilespmem:$0xB0];
	_ =	sdelay $0x4  }
0x147: {  	v43 =	vshll.u32 v3, $0x3  }
0x148: {  	v3 =	vand.u32 $0x7, v3;
	v4 =	vand.u32 $0xFFFFFFC0, v43  }
0x149: {  	v3 =	vor.u32 v3, v4  }
0x14a: {  	v4 =	vperm.xlane v3, v0;
	_ =	sdelay $0x1  }
0x14b: {  	v4 =	vadd.s32 v1, v4;
	_ =	sdelay $0x4  }
0x14c: {  	[tilespmem:s15], [sflag:$0x5] =	stream.indirect_vreg.gather [hbm4b:s2+s3], $0x80, v4, vm0, $0xb8;
	[tilespmem:$0x1C200] =	vst v63  }
0x14d: {  	s14 =	simm.s32 $0x10A00;
	v3 =	vperm.xlane v3, v2  }
0x14e: {  	[tilespmem:s14], [sflag:$0x5] =	stream.indirect_vreg.gather [hbm4b:s5+s3], $0x80, v4, vm0, $0xb8;
	[tilespmem:$0x1C200] =	vst v63  }
0x14f: {  	s11 =	simm.s32 $0x11200;
	v3 =	vadd.s32 v1, v3  }
0x150: {  	[tilespmem:s11], [sflag:$0x5] =	stream.indirect_vreg.gather [hbm4b:s6+s3], $0x80, v4, vm0, $0xb8;
	[tilespmem:$0x1C200] =	vst v63  }
0x151: {  	s12 =	simm.s32 $0x11A00  }
0x152: {  	[tilespmem:s12], [sflag:$0x5] =	stream.indirect_vreg.gather [hbm4b:s7+s3], $0x80, v4, vm0, $0xb8;
	[tilespmem:$0x1C200] =	vst v63  }
0x153: {  	s11 =	simm.s32 $0x12200  }
0x154: {  	[tilespmem:s11], [sflag:$0x5] =	stream.indirect_vreg.gather [hbm4b:s2+s3], $0x80, v3, vm0, $0xb8;
	[tilespmem:$0x1C200] =	vst v63  }
0x155: {  	s12 =	simm.s32 $0x12A00  }
0x156: {  	[tilespmem:s12], [sflag:$0x5] =	stream.indirect_vreg.gather [hbm4b:s5+s3], $0x80, v3, vm0, $0xb8;
	[tilespmem:$0x1C200] =	vst v63  }
0x157: {  	s14 =	simm.s32 $0x13200  }
0x158: {  	[tilespmem:s14], [sflag:$0x5] =	stream.indirect_vreg.gather [hbm4b:s6+s3], $0x80, v3, vm0, $0xb8;
	[tilespmem:$0x1C200] =	vst v63  }
0x159: {  	s11 =	simm.s32 $0x13A00  }
0x15a: {  	[tilespmem:s11], [sflag:$0x5] =	stream.indirect_vreg.gather [hbm4b:s7+s3], $0x80, v3, vm0, $0xb8;
	[tilespmem:$0x1C200] =	vst v63  }
0x15b: {  	s11 =	simm.s32 $0x6  }
0x15c: {  	_ =	swait.ge [sflag:s11], $0x4000  }
0x15d: {  	[sflag:s11] =	ssyncset.done $0x0  }
0x15e: {  	s13 =	simm.s32 $0x14200;
	s12 =	rddreg [dreg:$0x9];
	[sflag:s11] =	ssyncadd.s32 $0xFFFFC000  }
0x15f: {  	[hbm4b:s12+s3] =	stream.linear.scatter [tilespmem:s13], [sflag:$0xD], $0x4000, $0x38;
	[tilespmem:$0x1C200] =	vst v63  }
0x160: {  	s12 =	simm.s32 $0xD  }
0x161: {  	_ =	swait.ge [sflag:s12], $0x4000  }
0x162: {  	[sflag:s12] =	ssyncset.done $0x0  }
0x163: {  	[sflag:s12] =	ssyncadd.s32 $0xFFFFC000  }
0x164: {  	v3 =	vld [tilespmem:$0xC0];
	_ =	sdelay $0x4  }
0x165: {  	v44 =	vshll.u32 v3, $0x3  }
0x166: {  	v3 =	vand.u32 $0x7, v3;
	v4 =	vand.u32 $0xFFFFFFC0, v44  }
0x167: {  	v3 =	vor.u32 v3, v4  }
0x168: {  	v4 =	vperm.xlane v3, v0;
	_ =	sdelay $0x1  }
0x169: {  	v4 =	vadd.s32 v1, v4;
	_ =	sdelay $0x4  }
0x16a: {  	[tilespmem:s13], [sflag:$0x6] =	stream.indirect_vreg.gather [hbm4b:s2+s3], $0x80, v4, vm0, $0xb8;
	[tilespmem:$0x1C200] =	vst v63  }
0x16b: {  	v3 =	vperm.xlane v3, v2;
	s13 =	simm.s32 $0x14A00  }
0x16c: {  	[tilespmem:s13], [sflag:$0x6] =	stream.indirect_vreg.gather [hbm4b:s5+s3], $0x80, v4, vm0, $0xb8;
	[tilespmem:$0x1C200] =	vst v63  }
0x16d: {  	s16 =	simm.s32 $0x15200;
	v3 =	vadd.s32 v1, v3  }
0x16e: {  	[tilespmem:s16], [sflag:$0x6] =	stream.indirect_vreg.gather [hbm4b:s6+s3], $0x80, v4, vm0, $0xb8;
	[tilespmem:$0x1C200] =	vst v63  }
0x16f: {  	s14 =	simm.s32 $0x15A00  }
0x170: {  	[tilespmem:s14], [sflag:$0x6] =	stream.indirect_vreg.gather [hbm4b:s7+s3], $0x80, v4, vm0, $0xb8;
	[tilespmem:$0x1C200] =	vst v63  }
0x171: {  	s16 =	simm.s32 $0x16200  }
0x172: {  	[tilespmem:s16], [sflag:$0x6] =	stream.indirect_vreg.gather [hbm4b:s2+s3], $0x80, v3, vm0, $0xb8;
	[tilespmem:$0x1C200] =	vst v63  }
0x173: {  	s13 =	simm.s32 $0x16A00  }
0x174: {  	[tilespmem:s13], [sflag:$0x6] =	stream.indirect_vreg.gather [hbm4b:s5+s3], $0x80, v3, vm0, $0xb8;
	[tilespmem:$0x1C200] =	vst v63  }
0x175: {  	s14 =	simm.s32 $0x17200  }
0x176: {  	[tilespmem:s14], [sflag:$0x6] =	stream.indirect_vreg.gather [hbm4b:s6+s3], $0x80, v3, vm0, $0xb8;
	[tilespmem:$0x1C200] =	vst v63  }
0x177: {  	s16 =	simm.s32 $0x17A00;
	s13 =	simm.s32 $0x7  }
0x178: {  	[tilespmem:s16], [sflag:$0x6] =	stream.indirect_vreg.gather [hbm4b:s7+s3], $0x80, v3, vm0, $0xb8;
	[tilespmem:$0x1C200] =	vst v63  }
0x179: {  	_ =	swait.ge [sflag:s13], $0x4000  }
0x17a: {  	[sflag:s13] =	ssyncset.done $0x0  }
0x17b: {  	s16 =	simm.s32 $0x18200;
	s0 =	rddreg [dreg:$0xa];
	[sflag:s13] =	ssyncadd.s32 $0xFFFFC000  }
0x17c: {  	[hbm4b:s0+s3] =	stream.linear.scatter [tilespmem:s16], [sflag:$0xE], $0x4000, $0x38;
	[tilespmem:$0x1C200] =	vst v63  }
0x17d: {  	s0 =	simm.s32 $0xE  }
0x17e: {  	_ =	swait.ge [sflag:s0], $0x4000  }
0x17f: {  	[sflag:s0] =	ssyncset.done $0x0  }
0x180: {  	[sflag:s0] =	ssyncadd.s32 $0xFFFFC000  }
0x181: {  	v3 =	vld [tilespmem:$0xD0];
	_ =	sdelay $0x4  }
0x182: {  	v45 =	vshll.u32 v3, $0x3  }
0x183: {  	v3 =	vand.u32 $0x7, v3;
	v4 =	vand.u32 $0xFFFFFFC0, v45  }
0x184: {  	v3 =	vor.u32 v3, v4  }
0x185: {  	v4 =	vperm.xlane v3, v0;
	_ =	sdelay $0x1  }
0x186: {  	v4 =	vadd.s32 v1, v4;
	_ =	sdelay $0x4  }
0x187: {  	[tilespmem:s16], [sflag:$0x7] =	stream.indirect_vreg.gather [hbm4b:s2+s3], $0x80, v4, vm0, $0xb8;
	[tilespmem:$0x1C200] =	vst v63  }
0x188: {  	s14 =	simm.s32 $0x18A00;
	v3 =	vperm.xlane v3, v2  }
0x189: {  	[tilespmem:s14], [sflag:$0x7] =	stream.indirect_vreg.gather [hbm4b:s5+s3], $0x80, v4, vm0, $0xb8;
	[tilespmem:$0x1C200] =	vst v63  }
0x18a: {  	v3 =	vadd.s32 v1, v3;
	s14 =	simm.s32 $0x19200  }
0x18b: {  	[tilespmem:s14], [sflag:$0x7] =	stream.indirect_vreg.gather [hbm4b:s6+s3], $0x80, v4, vm0, $0xb8;
	[tilespmem:$0x1C200] =	vst v63  }
0x18c: {  	s14 =	simm.s32 $0x19A00  }
0x18d: {  	[tilespmem:s14], [sflag:$0x7] =	stream.indirect_vreg.gather [hbm4b:s7+s3], $0x80, v4, vm0, $0xb8;
	[tilespmem:$0x1C200] =	vst v63  }
0x18e: {  	s14 =	simm.s32 $0x1A200  }
0x18f: {  	[tilespmem:s14], [sflag:$0x7] =	stream.indirect_vreg.gather [hbm4b:s2+s3], $0x80, v3, vm0, $0xb8;
	[tilespmem:$0x1C200] =	vst v63  }
0x190: {  	s14 =	simm.s32 $0x1AA00  }
0x191: {  	[tilespmem:s14], [sflag:$0x7] =	stream.indirect_vreg.gather [hbm4b:s5+s3], $0x80, v3, vm0, $0xb8;
	[tilespmem:$0x1C200] =	vst v63  }
0x192: {  	s14 =	simm.s32 $0x1B200  }
0x193: {  	[tilespmem:s14], [sflag:$0x7] =	stream.indirect_vreg.gather [hbm4b:s6+s3], $0x80, v3, vm0, $0xb8;
	[tilespmem:$0x1C200] =	vst v63  }
0x194: {  	s14 =	simm.s32 $0x1BA00  }
0x195: {  	[tilespmem:s14], [sflag:$0x7] =	stream.indirect_vreg.gather [hbm4b:s7+s3], $0x80, v3, vm0, $0xb8;
	[tilespmem:$0x1C200] =	vst v63  }
0x196: {  	_ =	swait.ge [sflag:s22], $0x4000  }
0x197: {  	[sflag:s22] =	ssyncset.done $0x0  }
0x198: {  	s14 =	rddreg [dreg:$0xb];
	[sflag:s22] =	ssyncadd.s32 $0xFFFFC000  }
0x199: {  	[hbm4b:s14+s3] =	stream.linear.scatter [tilespmem:s17], [sflag:$0x8], $0x4000, $0x38;
	[tilespmem:$0x1C200] =	vst v63  }
0x19a: {  	_ =	swait.ge [sflag:s23], $0x4000  }
0x19b: {  	[sflag:s23] =	ssyncset.done $0x0  }
0x19c: {  	[sflag:s23] =	ssyncadd.s32 $0xFFFFC000  }
0x19d: {  	v3 =	vld [tilespmem:$0xE0];
	_ =	sdelay $0x4  }
0x19e: {  	v46 =	vshll.u32 v3, $0x3  }
0x19f: {  	v3 =	vand.u32 $0x7, v3;
	v4 =	vand.u32 $0xFFFFFFC0, v46  }
0x1a0: {  	v3 =	vor.u32 v3, v4  }
0x1a1: {  	v4 =	vperm.xlane v3, v0;
	_ =	sdelay $0x1  }
0x1a2: {  	v4 =	vadd.s32 v1, v4;
	_ =	sdelay $0x4  }
0x1a3: {  	[tilespmem:s17], [sflag:$0x1] =	stream.indirect_vreg.gather [hbm4b:s2+s3], $0x80, v4, vm0, $0xb8;
	[tilespmem:$0x1C200] =	vst v63  }
0x1a4: {  	s14 =	simm.s32 $0xA00;
	v3 =	vperm.xlane v3, v2  }
0x1a5: {  	[tilespmem:s14], [sflag:$0x1] =	stream.indirect_vreg.gather [hbm4b:s5+s3], $0x80, v4, vm0, $0xb8;
	[tilespmem:$0x1C200] =	vst v63  }
0x1a6: {  	s26 =	simm.s32 $0x1200;
	v3 =	vadd.s32 v1, v3  }
0x1a7: {  	[tilespmem:s26], [sflag:$0x1] =	stream.indirect_vreg.gather [hbm4b:s6+s3], $0x80, v4, vm0, $0xb8;
	[tilespmem:$0x1C200] =	vst v63  }
0x1a8: {  	s26 =	simm.s32 $0x1A00  }
0x1a9: {  	[tilespmem:s26], [sflag:$0x1] =	stream.indirect_vreg.gather [hbm4b:s7+s3], $0x80, v4, vm0, $0xb8;
	[tilespmem:$0x1C200] =	vst v63  }
0x1aa: {  	s26 =	simm.s32 $0x2200  }
0x1ab: {  	[tilespmem:s26], [sflag:$0x1] =	stream.indirect_vreg.gather [hbm4b:s2+s3], $0x80, v3, vm0, $0xb8;
	[tilespmem:$0x1C200] =	vst v63  }
0x1ac: {  	s26 =	simm.s32 $0x2A00  }
0x1ad: {  	[tilespmem:s26], [sflag:$0x1] =	stream.indirect_vreg.gather [hbm4b:s5+s3], $0x80, v3, vm0, $0xb8;
	[tilespmem:$0x1C200] =	vst v63  }
0x1ae: {  	s26 =	simm.s32 $0x3200  }
0x1af: {  	[tilespmem:s26], [sflag:$0x1] =	stream.indirect_vreg.gather [hbm4b:s6+s3], $0x80, v3, vm0, $0xb8;
	[tilespmem:$0x1C200] =	vst v63  }
0x1b0: {  	s26 =	simm.s32 $0x3A00  }
0x1b1: {  	[tilespmem:s26], [sflag:$0x1] =	stream.indirect_vreg.gather [hbm4b:s7+s3], $0x80, v3, vm0, $0xb8;
	[tilespmem:$0x1C200] =	vst v63  }
0x1b2: {  	_ =	swait.ge [sflag:s24], $0x4000  }
0x1b3: {  	[sflag:s24] =	ssyncset.done $0x0  }
0x1b4: {  	s26 =	simm.s32 $0x4200;
	s14 =	rddreg [dreg:$0xc];
	[sflag:s24] =	ssyncadd.s32 $0xFFFFC000  }
0x1b5: {  	[hbm4b:s14+s3] =	stream.linear.scatter [tilespmem:s26], [sflag:$0x9], $0x4000, $0x38;
	[tilespmem:$0x1C200] =	vst v63  }
0x1b6: {  	_ =	swait.ge [sflag:s25], $0x4000  }
0x1b7: {  	[sflag:s25] =	ssyncset.done $0x0  }
0x1b8: {  	[sflag:s25] =	ssyncadd.s32 $0xFFFFC000  }
0x1b9: {  	v3 =	vld [tilespmem:$0xF0];
	_ =	sdelay $0x4  }
0x1ba: {  	v47 =	vshll.u32 v3, $0x3  }
0x1bb: {  	v3 =	vand.u32 $0x7, v3;
	v4 =	vand.u32 $0xFFFFFFC0, v47  }
0x1bc: {  	v3 =	vor.u32 v3, v4  }
0x1bd: {  	v4 =	vperm.xlane v3, v0;
	_ =	sdelay $0x1  }
0x1be: {  	v4 =	vadd.s32 v1, v4;
	_ =	sdelay $0x4  }
0x1bf: {  	[tilespmem:s26], [sflag:$0x2] =	stream.indirect_vreg.gather [hbm4b:s2+s3], $0x80, v4, vm0, $0xb8;
	[tilespmem:$0x1C200] =	vst v63  }
0x1c0: {  	s14 =	simm.s32 $0x4A00;
	v3 =	vperm.xlane v3, v2  }
0x1c1: {  	[tilespmem:s14], [sflag:$0x2] =	stream.indirect_vreg.gather [hbm4b:s5+s3], $0x80, v4, vm0, $0xb8;
	[tilespmem:$0x1C200] =	vst v63  }
0x1c2: {  	s8 =	simm.s32 $0x5200;
	v3 =	vadd.s32 v1, v3  }
0x1c3: {  	[tilespmem:s8], [sflag:$0x2] =	stream.indirect_vreg.gather [hbm4b:s6+s3], $0x80, v4, vm0, $0xb8;
	[tilespmem:$0x1C200] =	vst v63  }
0x1c4: {  	s14 =	simm.s32 $0x5A00  }
0x1c5: {  	[tilespmem:s14], [sflag:$0x2] =	stream.indirect_vreg.gather [hbm4b:s7+s3], $0x80, v4, vm0, $0xb8;
	[tilespmem:$0x1C200] =	vst v63  }
0x1c6: {  	s14 =	simm.s32 $0x6200  }
0x1c7: {  	[tilespmem:s14], [sflag:$0x2] =	stream.indirect_vreg.gather [hbm4b:s2+s3], $0x80, v3, vm0, $0xb8;
	[tilespmem:$0x1C200] =	vst v63  }
0x1c8: {  	s14 =	simm.s32 $0x6A00  }
0x1c9: {  	[tilespmem:s14], [sflag:$0x2] =	stream.indirect_vreg.gather [hbm4b:s5+s3], $0x80, v3, vm0, $0xb8;
	[tilespmem:$0x1C200] =	vst v63  }
0x1ca: {  	s14 =	simm.s32 $0x7200  }
0x1cb: {  	[tilespmem:s14], [sflag:$0x2] =	stream.indirect_vreg.gather [hbm4b:s6+s3], $0x80, v3, vm0, $0xb8;
	[tilespmem:$0x1C200] =	vst v63  }
0x1cc: {  	s14 =	simm.s32 $0x7A00  }
0x1cd: {  	[tilespmem:s14], [sflag:$0x2] =	stream.indirect_vreg.gather [hbm4b:s7+s3], $0x80, v3, vm0, $0xb8;
	[tilespmem:$0x1C200] =	vst v63  }
0x1ce: {  	_ =	swait.ge [sflag:s28], $0x4000  }
0x1cf: {  	[sflag:s28] =	ssyncset.done $0x0  }
0x1d0: {  	s8 =	simm.s32 $0x8200;
	s14 =	rddreg [dreg:$0xd];
	[sflag:s28] =	ssyncadd.s32 $0xFFFFC000  }
0x1d1: {  	[hbm4b:s14+s3] =	stream.linear.scatter [tilespmem:s8], [sflag:$0xA], $0x4000, $0x38;
	[tilespmem:$0x1C200] =	vst v63  }
0x1d2: {  	_ =	swait.ge [sflag:s29], $0x4000  }
0x1d3: {  	[sflag:s29] =	ssyncset.done $0x0  }
0x1d4: {  	[sflag:s29] =	ssyncadd.s32 $0xFFFFC000  }
0x1d5: {  	v3 =	vld [tilespmem:$0x100];
	_ =	sdelay $0x4  }
0x1d6: {  	v48 =	vshll.u32 v3, $0x3  }
0x1d7: {  	v3 =	vand.u32 $0x7, v3;
	v4 =	vand.u32 $0xFFFFFFC0, v48  }
0x1d8: {  	v3 =	vor.u32 v3, v4  }
0x1d9: {  	v4 =	vperm.xlane v3, v0;
	_ =	sdelay $0x1  }
0x1da: {  	v4 =	vadd.s32 v1, v4;
	_ =	sdelay $0x4  }
0x1db: {  	[tilespmem:s8], [sflag:$0x3] =	stream.indirect_vreg.gather [hbm4b:s2+s3], $0x80, v4, vm0, $0xb8;
	[tilespmem:$0x1C200] =	vst v63  }
0x1dc: {  	s14 =	simm.s32 $0x8A00;
	v3 =	vperm.xlane v3, v2  }
0x1dd: {  	[tilespmem:s14], [sflag:$0x3] =	stream.indirect_vreg.gather [hbm4b:s5+s3], $0x80, v4, vm0, $0xb8;
	[tilespmem:$0x1C200] =	vst v63  }
0x1de: {  	v3 =	vadd.s32 v1, v3  }
0x1df: {  	[tilespmem:s4], [sflag:$0x3] =	stream.indirect_vreg.gather [hbm4b:s6+s3], $0x80, v4, vm0, $0xb8;
	[tilespmem:$0x1C200] =	vst v63  }
0x1e0: {  	_ = 	snop  }
0x1e1: {  	[tilespmem:s21], [sflag:$0x3] =	stream.indirect_vreg.gather [hbm4b:s7+s3], $0x80, v4, vm0, $0xb8;
	[tilespmem:$0x1C200] =	vst v63  }
0x1e2: {  	_ = 	snop  }
0x1e3: {  	[tilespmem:s9], [sflag:$0x3] =	stream.indirect_vreg.gather [hbm4b:s2+s3], $0x80, v3, vm0, $0xb8;
	[tilespmem:$0x1C200] =	vst v63  }
0x1e4: {  	_ = 	snop  }
0x1e5: {  	[tilespmem:s20], [sflag:$0x3] =	stream.indirect_vreg.gather [hbm4b:s5+s3], $0x80, v3, vm0, $0xb8;
	[tilespmem:$0x1C200] =	vst v63  }
0x1e6: {  	_ = 	snop  }
0x1e7: {  	[tilespmem:s18], [sflag:$0x3] =	stream.indirect_vreg.gather [hbm4b:s6+s3], $0x80, v3, vm0, $0xb8;
	[tilespmem:$0x1C200] =	vst v63  }
0x1e8: {  	s20 =	simm.s32 $0xBA00  }
0x1e9: {  	[tilespmem:s20], [sflag:$0x3] =	stream.indirect_vreg.gather [hbm4b:s7+s3], $0x80, v3, vm0, $0xb8;
	[tilespmem:$0x1C200] =	vst v63  }
0x1ea: {  	_ =	swait.ge [sflag:s30], $0x4000  }
0x1eb: {  	[sflag:s30] =	ssyncset.done $0x0  }
0x1ec: {  	s9 =	simm.s32 $0xC200;
	s8 =	rddreg [dreg:$0xe];
	[sflag:s30] =	ssyncadd.s32 $0xFFFFC000  }
0x1ed: {  	[hbm4b:s8+s3] =	stream.linear.scatter [tilespmem:s9], [sflag:$0xB], $0x4000, $0x38;
	[tilespmem:$0x1C200] =	vst v63  }
0x1ee: {  	_ =	swait.ge [sflag:s31], $0x4000  }
0x1ef: {  	[sflag:s31] =	ssyncset.done $0x0  }
0x1f0: {  	[sflag:s31] =	ssyncadd.s32 $0xFFFFC000  }
0x1f1: {  	v3 =	vld [tilespmem:$0x110];
	_ =	sdelay $0x4  }
0x1f2: {  	v49 =	vshll.u32 v3, $0x3  }
0x1f3: {  	v3 =	vand.u32 $0x7, v3;
	v4 =	vand.u32 $0xFFFFFFC0, v49  }
0x1f4: {  	v3 =	vor.u32 v3, v4  }
0x1f5: {  	v4 =	vperm.xlane v3, v0;
	_ =	sdelay $0x1  }
0x1f6: {  	v4 =	vadd.s32 v1, v4;
	_ =	sdelay $0x4  }
0x1f7: {  	[tilespmem:s9], [sflag:$0x4] =	stream.indirect_vreg.gather [hbm4b:s2+s3], $0x80, v4, vm0, $0xb8;
	[tilespmem:$0x1C200] =	vst v63  }
0x1f8: {  	s14 =	simm.s32 $0xCA00;
	v3 =	vperm.xlane v3, v2  }
0x1f9: {  	[tilespmem:s14], [sflag:$0x4] =	stream.indirect_vreg.gather [hbm4b:s5+s3], $0x80, v4, vm0, $0xb8;
	[tilespmem:$0x1C200] =	vst v63  }
0x1fa: {  	s20 =	simm.s32 $0xD200;
	v3 =	vadd.s32 v1, v3  }
0x1fb: {  	[tilespmem:s20], [sflag:$0x4] =	stream.indirect_vreg.gather [hbm4b:s6+s3], $0x80, v4, vm0, $0xb8;
	[tilespmem:$0x1C200] =	vst v63  }
0x1fc: {  	s14 =	simm.s32 $0xDA00  }
0x1fd: {  	[tilespmem:s14], [sflag:$0x4] =	stream.indirect_vreg.gather [hbm4b:s7+s3], $0x80, v4, vm0, $0xb8;
	[tilespmem:$0x1C200] =	vst v63  }
0x1fe: {  	s20 =	simm.s32 $0xE200  }
0x1ff: {  	[tilespmem:s20], [sflag:$0x4] =	stream.indirect_vreg.gather [hbm4b:s2+s3], $0x80, v3, vm0, $0xb8;
	[tilespmem:$0x1C200] =	vst v63  }
0x200: {  	s14 =	simm.s32 $0xEA00  }
0x201: {  	[tilespmem:s14], [sflag:$0x4] =	stream.indirect_vreg.gather [hbm4b:s5+s3], $0x80, v3, vm0, $0xb8;
	[tilespmem:$0x1C200] =	vst v63  }
0x202: {  	s20 =	simm.s32 $0xF200  }
0x203: {  	[tilespmem:s20], [sflag:$0x4] =	stream.indirect_vreg.gather [hbm4b:s6+s3], $0x80, v3, vm0, $0xb8;
	[tilespmem:$0x1C200] =	vst v63  }
0x204: {  	s14 =	simm.s32 $0xFA00  }
0x205: {  	[tilespmem:s14], [sflag:$0x4] =	stream.indirect_vreg.gather [hbm4b:s7+s3], $0x80, v3, vm0, $0xb8;
	[tilespmem:$0x1C200] =	vst v63  }
0x206: {  	_ =	swait.ge [sflag:s1], $0x4000  }
0x207: {  	[sflag:s1] =	ssyncset.done $0x0  }
0x208: {  	s20 =	rddreg [dreg:$0xf];
	[sflag:s1] =	ssyncadd.s32 $0xFFFFC000  }
0x209: {  	[hbm4b:s20+s3] =	stream.linear.scatter [tilespmem:s15], [sflag:$0xC], $0x4000, $0x38;
	[tilespmem:$0x1C200] =	vst v63  }
0x20a: {  	_ =	swait.ge [sflag:s10], $0x4000  }
0x20b: {  	[sflag:s10] =	ssyncset.done $0x0  }
0x20c: {  	[sflag:s10] =	ssyncadd.s32 $0xFFFFC000  }
0x20d: {  	v3 =	vld [tilespmem:$0x120];
	_ =	sdelay $0x4  }
0x20e: {  	v50 =	vshll.u32 v3, $0x3  }
0x20f: {  	v3 =	vand.u32 $0x7, v3;
	v4 =	vand.u32 $0xFFFFFFC0, v50  }
0x210: {  	v3 =	vor.u32 v3, v4  }
0x211: {  	v4 =	vperm.xlane v3, v0;
	_ =	sdelay $0x1  }
0x212: {  	v4 =	vadd.s32 v1, v4;
	_ =	sdelay $0x4  }
0x213: {  	[tilespmem:s15], [sflag:$0x5] =	stream.indirect_vreg.gather [hbm4b:s2+s3], $0x80, v4, vm0, $0xb8;
	[tilespmem:$0x1C200] =	vst v63  }
0x214: {  	s8 =	simm.s32 $0x10A00;
	v3 =	vperm.xlane v3, v2  }
0x215: {  	[tilespmem:s8], [sflag:$0x5] =	stream.indirect_vreg.gather [hbm4b:s5+s3], $0x80, v4, vm0, $0xb8;
	[tilespmem:$0x1C200] =	vst v63  }
0x216: {  	v3 =	vadd.s32 v1, v3;
	s15 =	simm.s32 $0x11200  }
0x217: {  	[tilespmem:s15], [sflag:$0x5] =	stream.indirect_vreg.gather [hbm4b:s6+s3], $0x80, v4, vm0, $0xb8;
	[tilespmem:$0x1C200] =	vst v63  }
0x218: {  	s20 =	simm.s32 $0x11A00  }
0x219: {  	[tilespmem:s20], [sflag:$0x5] =	stream.indirect_vreg.gather [hbm4b:s7+s3], $0x80, v4, vm0, $0xb8;
	[tilespmem:$0x1C200] =	vst v63  }
0x21a: {  	s8 =	simm.s32 $0x12200  }
0x21b: {  	[tilespmem:s8], [sflag:$0x5] =	stream.indirect_vreg.gather [hbm4b:s2+s3], $0x80, v3, vm0, $0xb8;
	[tilespmem:$0x1C200] =	vst v63  }
0x21c: {  	s15 =	simm.s32 $0x12A00  }
0x21d: {  	[tilespmem:s15], [sflag:$0x5] =	stream.indirect_vreg.gather [hbm4b:s5+s3], $0x80, v3, vm0, $0xb8;
	[tilespmem:$0x1C200] =	vst v63  }
0x21e: {  	s20 =	simm.s32 $0x13200  }
0x21f: {  	[tilespmem:s20], [sflag:$0x5] =	stream.indirect_vreg.gather [hbm4b:s6+s3], $0x80, v3, vm0, $0xb8;
	[tilespmem:$0x1C200] =	vst v63  }
0x220: {  	s8 =	simm.s32 $0x13A00  }
0x221: {  	[tilespmem:s8], [sflag:$0x5] =	stream.indirect_vreg.gather [hbm4b:s7+s3], $0x80, v3, vm0, $0xb8;
	[tilespmem:$0x1C200] =	vst v63  }
0x222: {  	_ =	swait.ge [sflag:s11], $0x4000  }
0x223: {  	[sflag:s11] =	ssyncset.done $0x0  }
0x224: {  	s20 =	simm.s32 $0x14200;
	s15 =	rddreg [dreg:$0x10];
	[sflag:s11] =	ssyncadd.s32 $0xFFFFC000  }
0x225: {  	[hbm4b:s15+s3] =	stream.linear.scatter [tilespmem:s20], [sflag:$0xD], $0x4000, $0x38;
	[tilespmem:$0x1C200] =	vst v63  }
0x226: {  	_ =	swait.ge [sflag:s12], $0x4000  }
0x227: {  	[sflag:s12] =	ssyncset.done $0x0  }
0x228: {  	[sflag:s12] =	ssyncadd.s32 $0xFFFFC000  }
0x229: {  	v3 =	vld [tilespmem:$0x130];
	_ =	sdelay $0x4  }
0x22a: {  	v51 =	vshll.u32 v3, $0x3  }
0x22b: {  	v3 =	vand.u32 $0x7, v3;
	v4 =	vand.u32 $0xFFFFFFC0, v51  }
0x22c: {  	v3 =	vor.u32 v3, v4  }
0x22d: {  	v4 =	vperm.xlane v3, v0;
	_ =	sdelay $0x1  }
0x22e: {  	v4 =	vadd.s32 v1, v4;
	_ =	sdelay $0x4  }
0x22f: {  	[tilespmem:s20], [sflag:$0x6] =	stream.indirect_vreg.gather [hbm4b:s2+s3], $0x80, v4, vm0, $0xb8;
	[tilespmem:$0x1C200] =	vst v63  }
0x230: {  	s8 =	simm.s32 $0x14A00;
	v3 =	vperm.xlane v3, v2  }
0x231: {  	[tilespmem:s8], [sflag:$0x6] =	stream.indirect_vreg.gather [hbm4b:s5+s3], $0x80, v4, vm0, $0xb8;
	[tilespmem:$0x1C200] =	vst v63  }
0x232: {  	s15 =	simm.s32 $0x15200;
	v3 =	vadd.s32 v1, v3  }
0x233: {  	[tilespmem:s15], [sflag:$0x6] =	stream.indirect_vreg.gather [hbm4b:s6+s3], $0x80, v4, vm0, $0xb8;
	[tilespmem:$0x1C200] =	vst v63  }
0x234: {  	s20 =	simm.s32 $0x15A00  }
0x235: {  	[tilespmem:s20], [sflag:$0x6] =	stream.indirect_vreg.gather [hbm4b:s7+s3], $0x80, v4, vm0, $0xb8;
	[tilespmem:$0x1C200] =	vst v63  }
0x236: {  	s8 =	simm.s32 $0x16200  }
0x237: {  	[tilespmem:s8], [sflag:$0x6] =	stream.indirect_vreg.gather [hbm4b:s2+s3], $0x80, v3, vm0, $0xb8;
	[tilespmem:$0x1C200] =	vst v63  }
0x238: {  	s15 =	simm.s32 $0x16A00  }
0x239: {  	[tilespmem:s15], [sflag:$0x6] =	stream.indirect_vreg.gather [hbm4b:s5+s3], $0x80, v3, vm0, $0xb8;
	[tilespmem:$0x1C200] =	vst v63  }
0x23a: {  	s20 =	simm.s32 $0x17200  }
0x23b: {  	[tilespmem:s20], [sflag:$0x6] =	stream.indirect_vreg.gather [hbm4b:s6+s3], $0x80, v3, vm0, $0xb8;
	[tilespmem:$0x1C200] =	vst v63  }
0x23c: {  	s8 =	simm.s32 $0x17A00  }
0x23d: {  	[tilespmem:s8], [sflag:$0x6] =	stream.indirect_vreg.gather [hbm4b:s7+s3], $0x80, v3, vm0, $0xb8;
	[tilespmem:$0x1C200] =	vst v63  }
0x23e: {  	_ =	swait.ge [sflag:s13], $0x4000  }
0x23f: {  	[sflag:s13] =	ssyncset.done $0x0  }
0x240: {  	s16 =	simm.s32 $0x18200;
	s15 =	rddreg [dreg:$0x11];
	[sflag:s13] =	ssyncadd.s32 $0xFFFFC000  }
0x241: {  	[hbm4b:s15+s3] =	stream.linear.scatter [tilespmem:s16], [sflag:$0xE], $0x4000, $0x38;
	[tilespmem:$0x1C200] =	vst v63  }
0x242: {  	_ =	swait.ge [sflag:s0], $0x4000  }
0x243: {  	[sflag:s0] =	ssyncset.done $0x0  }
0x244: {  	[sflag:s0] =	ssyncadd.s32 $0xFFFFC000  }
0x245: {  	v3 =	vld [tilespmem:$0x140];
	_ =	sdelay $0x4  }
0x246: {  	v52 =	vshll.u32 v3, $0x3  }
0x247: {  	v3 =	vand.u32 $0x7, v3;
	v4 =	vand.u32 $0xFFFFFFC0, v52  }
0x248: {  	v3 =	vor.u32 v3, v4  }
0x249: {  	v4 =	vperm.xlane v3, v0;
	_ =	sdelay $0x1  }
0x24a: {  	v4 =	vadd.s32 v1, v4;
	_ =	sdelay $0x4  }
0x24b: {  	[tilespmem:s16], [sflag:$0x7] =	stream.indirect_vreg.gather [hbm4b:s2+s3], $0x80, v4, vm0, $0xb8;
	[tilespmem:$0x1C200] =	vst v63  }
0x24c: {  	s20 =	simm.s32 $0x18A00;
	v3 =	vperm.xlane v3, v2  }
0x24d: {  	[tilespmem:s20], [sflag:$0x7] =	stream.indirect_vreg.gather [hbm4b:s5+s3], $0x80, v4, vm0, $0xb8;
	[tilespmem:$0x1C200] =	vst v63  }
0x24e: {  	s8 =	simm.s32 $0x19200;
	v3 =	vadd.s32 v1, v3  }
0x24f: {  	[tilespmem:s8], [sflag:$0x7] =	stream.indirect_vreg.gather [hbm4b:s6+s3], $0x80, v4, vm0, $0xb8;
	[tilespmem:$0x1C200] =	vst v63  }
0x250: {  	s15 =	simm.s32 $0x19A00  }
0x251: {  	[tilespmem:s15], [sflag:$0x7] =	stream.indirect_vreg.gather [hbm4b:s7+s3], $0x80, v4, vm0, $0xb8;
	[tilespmem:$0x1C200] =	vst v63  }
0x252: {  	s16 =	simm.s32 $0x1A200  }
0x253: {  	[tilespmem:s16], [sflag:$0x7] =	stream.indirect_vreg.gather [hbm4b:s2+s3], $0x80, v3, vm0, $0xb8;
	[tilespmem:$0x1C200] =	vst v63  }
0x254: {  	s20 =	simm.s32 $0x1AA00  }
0x255: {  	[tilespmem:s20], [sflag:$0x7] =	stream.indirect_vreg.gather [hbm4b:s5+s3], $0x80, v3, vm0, $0xb8;
	[tilespmem:$0x1C200] =	vst v63  }
0x256: {  	s8 =	simm.s32 $0x1B200  }
0x257: {  	[tilespmem:s8], [sflag:$0x7] =	stream.indirect_vreg.gather [hbm4b:s6+s3], $0x80, v3, vm0, $0xb8;
	[tilespmem:$0x1C200] =	vst v63  }
0x258: {  	s15 =	simm.s32 $0x1BA00  }
0x259: {  	[tilespmem:s15], [sflag:$0x7] =	stream.indirect_vreg.gather [hbm4b:s7+s3], $0x80, v3, vm0, $0xb8;
	[tilespmem:$0x1C200] =	vst v63  }
0x25a: {  	_ =	swait.ge [sflag:s22], $0x4000  }
0x25b: {  	[sflag:s22] =	ssyncset.done $0x0  }
0x25c: {  	s16 =	rddreg [dreg:$0x12];
	[sflag:s22] =	ssyncadd.s32 $0xFFFFC000  }
0x25d: {  	[hbm4b:s16+s3] =	stream.linear.scatter [tilespmem:s17], [sflag:$0x8], $0x4000, $0x38;
	[tilespmem:$0x1C200] =	vst v63  }
0x25e: {  	_ =	swait.ge [sflag:s23], $0x4000  }
0x25f: {  	[sflag:s23] =	ssyncset.done $0x0  }
0x260: {  	[sflag:s23] =	ssyncadd.s32 $0xFFFFC000  }
0x261: {  	v3 =	vld [tilespmem:$0x150];
	_ =	sdelay $0x4  }
0x262: {  	v53 =	vshll.u32 v3, $0x3  }
0x263: {  	v3 =	vand.u32 $0x7, v3;
	v4 =	vand.u32 $0xFFFFFFC0, v53  }
0x264: {  	v3 =	vor.u32 v3, v4  }
0x265: {  	v4 =	vperm.xlane v3, v0;
	_ =	sdelay $0x1  }
0x266: {  	v4 =	vadd.s32 v1, v4;
	_ =	sdelay $0x4  }
0x267: {  	[tilespmem:s17], [sflag:$0x1] =	stream.indirect_vreg.gather [hbm4b:s2+s3], $0x80, v4, vm0, $0xb8;
	[tilespmem:$0x1C200] =	vst v63  }
0x268: {  	s20 =	simm.s32 $0xA00;
	v3 =	vperm.xlane v3, v2  }
0x269: {  	[tilespmem:s20], [sflag:$0x1] =	stream.indirect_vreg.gather [hbm4b:s5+s3], $0x80, v4, vm0, $0xb8;
	[tilespmem:$0x1C200] =	vst v63  }
0x26a: {  	s8 =	simm.s32 $0x1200;
	v3 =	vadd.s32 v1, v3  }
0x26b: {  	[tilespmem:s8], [sflag:$0x1] =	stream.indirect_vreg.gather [hbm4b:s6+s3], $0x80, v4, vm0, $0xb8;
	[tilespmem:$0x1C200] =	vst v63  }
0x26c: {  	s15 =	simm.s32 $0x1A00  }
0x26d: {  	[tilespmem:s15], [sflag:$0x1] =	stream.indirect_vreg.gather [hbm4b:s7+s3], $0x80, v4, vm0, $0xb8;
	[tilespmem:$0x1C200] =	vst v63  }
0x26e: {  	s20 =	simm.s32 $0x2200  }
0x26f: {  	[tilespmem:s20], [sflag:$0x1] =	stream.indirect_vreg.gather [hbm4b:s2+s3], $0x80, v3, vm0, $0xb8;
	[tilespmem:$0x1C200] =	vst v63  }
0x270: {  	s8 =	simm.s32 $0x2A00  }
0x271: {  	[tilespmem:s8], [sflag:$0x1] =	stream.indirect_vreg.gather [hbm4b:s5+s3], $0x80, v3, vm0, $0xb8;
	[tilespmem:$0x1C200] =	vst v63  }
0x272: {  	s15 =	simm.s32 $0x3200  }
0x273: {  	[tilespmem:s15], [sflag:$0x1] =	stream.indirect_vreg.gather [hbm4b:s6+s3], $0x80, v3, vm0, $0xb8;
	[tilespmem:$0x1C200] =	vst v63  }
0x274: {  	s20 =	simm.s32 $0x3A00  }
0x275: {  	[tilespmem:s20], [sflag:$0x1] =	stream.indirect_vreg.gather [hbm4b:s7+s3], $0x80, v3, vm0, $0xb8;
	[tilespmem:$0x1C200] =	vst v63  }
0x276: {  	_ =	swait.ge [sflag:s24], $0x4000  }
0x277: {  	[sflag:s24] =	ssyncset.done $0x0  }
0x278: {  	s26 =	simm.s32 $0x4200;
	s8 =	rddreg [dreg:$0x13];
	[sflag:s24] =	ssyncadd.s32 $0xFFFFC000  }
0x279: {  	[hbm4b:s8+s3] =	stream.linear.scatter [tilespmem:s26], [sflag:$0x9], $0x4000, $0x38;
	[tilespmem:$0x1C200] =	vst v63  }
0x27a: {  	_ =	swait.ge [sflag:s25], $0x4000  }
0x27b: {  	[sflag:s25] =	ssyncset.done $0x0  }
0x27c: {  	[sflag:s25] =	ssyncadd.s32 $0xFFFFC000  }
0x27d: {  	v3 =	vld [tilespmem:$0x160];
	_ =	sdelay $0x4  }
0x27e: {  	v54 =	vshll.u32 v3, $0x3  }
0x27f: {  	v3 =	vand.u32 $0x7, v3;
	v4 =	vand.u32 $0xFFFFFFC0, v54  }
0x280: {  	v3 =	vor.u32 v3, v4  }
0x281: {  	v4 =	vperm.xlane v3, v0;
	_ =	sdelay $0x1  }
0x282: {  	v4 =	vadd.s32 v1, v4;
	_ =	sdelay $0x4  }
0x283: {  	[tilespmem:s26], [sflag:$0x2] =	stream.indirect_vreg.gather [hbm4b:s2+s3], $0x80, v4, vm0, $0xb8;
	[tilespmem:$0x1C200] =	vst v63  }
0x284: {  	s15 =	simm.s32 $0x4A00;
	v3 =	vperm.xlane v3, v2  }
0x285: {  	[tilespmem:s15], [sflag:$0x2] =	stream.indirect_vreg.gather [hbm4b:s5+s3], $0x80, v4, vm0, $0xb8;
	[tilespmem:$0x1C200] =	vst v63  }
0x286: {  	s20 =	simm.s32 $0x5200;
	v3 =	vadd.s32 v1, v3  }
0x287: {  	[tilespmem:s20], [sflag:$0x2] =	stream.indirect_vreg.gather [hbm4b:s6+s3], $0x80, v4, vm0, $0xb8;
	[tilespmem:$0x1C200] =	vst v63  }
0x288: {  	s26 =	simm.s32 $0x5A00  }
0x289: {  	[tilespmem:s26], [sflag:$0x2] =	stream.indirect_vreg.gather [hbm4b:s7+s3], $0x80, v4, vm0, $0xb8;
	[tilespmem:$0x1C200] =	vst v63  }
0x28a: {  	s8 =	simm.s32 $0x6200  }
0x28b: {  	[tilespmem:s8], [sflag:$0x2] =	stream.indirect_vreg.gather [hbm4b:s2+s3], $0x80, v3, vm0, $0xb8;
	[tilespmem:$0x1C200] =	vst v63  }
0x28c: {  	s15 =	simm.s32 $0x6A00  }
0x28d: {  	[tilespmem:s15], [sflag:$0x2] =	stream.indirect_vreg.gather [hbm4b:s5+s3], $0x80, v3, vm0, $0xb8;
	[tilespmem:$0x1C200] =	vst v63  }
0x28e: {  	s20 =	simm.s32 $0x7200  }
0x28f: {  	[tilespmem:s20], [sflag:$0x2] =	stream.indirect_vreg.gather [hbm4b:s6+s3], $0x80, v3, vm0, $0xb8;
	[tilespmem:$0x1C200] =	vst v63  }
0x290: {  	s26 =	simm.s32 $0x7A00  }
0x291: {  	[tilespmem:s26], [sflag:$0x2] =	stream.indirect_vreg.gather [hbm4b:s7+s3], $0x80, v3, vm0, $0xb8;
	[tilespmem:$0x1C200] =	vst v63  }
0x292: {  	_ =	swait.ge [sflag:s28], $0x4000  }
0x293: {  	[sflag:s28] =	ssyncset.done $0x0  }
0x294: {  	s15 =	simm.s32 $0x8200;
	s8 =	rddreg [dreg:$0x14];
	[sflag:s28] =	ssyncadd.s32 $0xFFFFC000  }
0x295: {  	[hbm4b:s8+s3] =	stream.linear.scatter [tilespmem:s15], [sflag:$0xA], $0x4000, $0x38;
	[tilespmem:$0x1C200] =	vst v63  }
0x296: {  	_ =	swait.ge [sflag:s29], $0x4000  }
0x297: {  	[sflag:s29] =	ssyncset.done $0x0  }
0x298: {  	[sflag:s29] =	ssyncadd.s32 $0xFFFFC000  }
0x299: {  	v3 =	vld [tilespmem:$0x170];
	_ =	sdelay $0x4  }
0x29a: {  	v55 =	vshll.u32 v3, $0x3  }
0x29b: {  	v3 =	vand.u32 $0x7, v3;
	v4 =	vand.u32 $0xFFFFFFC0, v55  }
0x29c: {  	v3 =	vor.u32 v3, v4  }
0x29d: {  	v4 =	vperm.xlane v3, v0;
	_ =	sdelay $0x1  }
0x29e: {  	v4 =	vadd.s32 v1, v4;
	_ =	sdelay $0x4  }
0x29f: {  	[tilespmem:s15], [sflag:$0x3] =	stream.indirect_vreg.gather [hbm4b:s2+s3], $0x80, v4, vm0, $0xb8;
	[tilespmem:$0x1C200] =	vst v63  }
0x2a0: {  	s20 =	simm.s32 $0x8A00;
	v3 =	vperm.xlane v3, v2  }
0x2a1: {  	[tilespmem:s20], [sflag:$0x3] =	stream.indirect_vreg.gather [hbm4b:s5+s3], $0x80, v4, vm0, $0xb8;
	[tilespmem:$0x1C200] =	vst v63  }
0x2a2: {  	s4 =	simm.s32 $0x9200;
	v3 =	vadd.s32 v1, v3  }
0x2a3: {  	[tilespmem:s4], [sflag:$0x3] =	stream.indirect_vreg.gather [hbm4b:s6+s3], $0x80, v4, vm0, $0xb8;
	[tilespmem:$0x1C200] =	vst v63  }
0x2a4: {  	s21 =	simm.s32 $0x9A00  }
0x2a5: {  	[tilespmem:s21], [sflag:$0x3] =	stream.indirect_vreg.gather [hbm4b:s7+s3], $0x80, v4, vm0, $0xb8;
	[tilespmem:$0x1C200] =	vst v63  }
0x2a6: {  	s4 =	simm.s32 $0xA200  }
0x2a7: {  	[tilespmem:s4], [sflag:$0x3] =	stream.indirect_vreg.gather [hbm4b:s2+s3], $0x80, v3, vm0, $0xb8;
	[tilespmem:$0x1C200] =	vst v63  }
0x2a8: {  	s15 =	simm.s32 $0xAA00  }
0x2a9: {  	[tilespmem:s15], [sflag:$0x3] =	stream.indirect_vreg.gather [hbm4b:s5+s3], $0x80, v3, vm0, $0xb8;
	[tilespmem:$0x1C200] =	vst v63  }
0x2aa: {  	s18 =	simm.s32 $0xB200  }
0x2ab: {  	[tilespmem:s18], [sflag:$0x3] =	stream.indirect_vreg.gather [hbm4b:s6+s3], $0x80, v3, vm0, $0xb8;
	[tilespmem:$0x1C200] =	vst v63  }
0x2ac: {  	s18 =	simm.s32 $0xBA00  }
0x2ad: {  	[tilespmem:s18], [sflag:$0x3] =	stream.indirect_vreg.gather [hbm4b:s7+s3], $0x80, v3, vm0, $0xb8;
	[tilespmem:$0x1C200] =	vst v63  }
0x2ae: {  	_ =	swait.ge [sflag:s30], $0x4000  }
0x2af: {  	[sflag:s30] =	ssyncset.done $0x0  }
0x2b0: {  	s9 =	simm.s32 $0xC200;
	s4 =	rddreg [dreg:$0x15];
	[sflag:s30] =	ssyncadd.s32 $0xFFFFC000  }
0x2b1: {  	[hbm4b:s4+s3] =	stream.linear.scatter [tilespmem:s9], [sflag:$0xB], $0x4000, $0x38;
	[tilespmem:$0x1C200] =	vst v63  }
0x2b2: {  	_ =	swait.ge [sflag:s31], $0x4000  }
0x2b3: {  	[sflag:s31] =	ssyncset.done $0x0  }
0x2b4: {  	[sflag:s31] =	ssyncadd.s32 $0xFFFFC000  }
0x2b5: {  	v3 =	vld [tilespmem:$0x180];
	_ =	sdelay $0x4  }
0x2b6: {  	v56 =	vshll.u32 v3, $0x3  }
0x2b7: {  	v3 =	vand.u32 $0x7, v3;
	v4 =	vand.u32 $0xFFFFFFC0, v56  }
0x2b8: {  	v3 =	vor.u32 v3, v4  }
0x2b9: {  	v4 =	vperm.xlane v3, v0;
	_ =	sdelay $0x1  }
0x2ba: {  	v4 =	vadd.s32 v1, v4;
	_ =	sdelay $0x4  }
0x2bb: {  	[tilespmem:s9], [sflag:$0x4] =	stream.indirect_vreg.gather [hbm4b:s2+s3], $0x80, v4, vm0, $0xb8;
	[tilespmem:$0x1C200] =	vst v63  }
0x2bc: {  	s15 =	simm.s32 $0xCA00;
	v3 =	vperm.xlane v3, v2  }
0x2bd: {  	[tilespmem:s15], [sflag:$0x4] =	stream.indirect_vreg.gather [hbm4b:s5+s3], $0x80, v4, vm0, $0xb8;
	[tilespmem:$0x1C200] =	vst v63  }
0x2be: {  	s18 =	simm.s32 $0xD200;
	v3 =	vadd.s32 v1, v3  }
0x2bf: {  	[tilespmem:s18], [sflag:$0x4] =	stream.indirect_vreg.gather [hbm4b:s6+s3], $0x80, v4, vm0, $0xb8;
	[tilespmem:$0x1C200] =	vst v63  }
0x2c0: {  	s4 =	simm.s32 $0xDA00  }
0x2c1: {  	[tilespmem:s4], [sflag:$0x4] =	stream.indirect_vreg.gather [hbm4b:s7+s3], $0x80, v4, vm0, $0xb8;
	[tilespmem:$0x1C200] =	vst v63  }
0x2c2: {  	s15 =	simm.s32 $0xE200  }
0x2c3: {  	[tilespmem:s15], [sflag:$0x4] =	stream.indirect_vreg.gather [hbm4b:s2+s3], $0x80, v3, vm0, $0xb8;
	[tilespmem:$0x1C200] =	vst v63  }
0x2c4: {  	s18 =	simm.s32 $0xEA00  }
0x2c5: {  	[tilespmem:s18], [sflag:$0x4] =	stream.indirect_vreg.gather [hbm4b:s5+s3], $0x80, v3, vm0, $0xb8;
	[tilespmem:$0x1C200] =	vst v63  }
0x2c6: {  	s4 =	simm.s32 $0xF200  }
0x2c7: {  	[tilespmem:s4], [sflag:$0x4] =	stream.indirect_vreg.gather [hbm4b:s6+s3], $0x80, v3, vm0, $0xb8;
	[tilespmem:$0x1C200] =	vst v63  }
0x2c8: {  	s15 =	simm.s32 $0xFA00  }
0x2c9: {  	[tilespmem:s15], [sflag:$0x4] =	stream.indirect_vreg.gather [hbm4b:s7+s3], $0x80, v3, vm0, $0xb8;
	[tilespmem:$0x1C200] =	vst v63  }
0x2ca: {  	_ =	swait.ge [sflag:s1], $0x4000  }
0x2cb: {  	[sflag:s1] =	ssyncset.done $0x0  }
0x2cc: {  	s4 =	simm.s32 $0x10200;
	s18 =	rddreg [dreg:$0x16];
	[sflag:s1] =	ssyncadd.s32 $0xFFFFC000  }
0x2cd: {  	[hbm4b:s18+s3] =	stream.linear.scatter [tilespmem:s4], [sflag:$0xC], $0x4000, $0x38;
	[tilespmem:$0x1C200] =	vst v63  }
0x2ce: {  	_ =	swait.ge [sflag:s10], $0x4000  }
0x2cf: {  	[sflag:s10] =	ssyncset.done $0x0  }
0x2d0: {  	[sflag:s10] =	ssyncadd.s32 $0xFFFFC000  }
0x2d1: {  	v3 =	vld [tilespmem:$0x190];
	_ =	sdelay $0x4  }
0x2d2: {  	v57 =	vshll.u32 v3, $0x3  }
0x2d3: {  	v3 =	vand.u32 $0x7, v3;
	v4 =	vand.u32 $0xFFFFFFC0, v57  }
0x2d4: {  	v3 =	vor.u32 v3, v4  }
0x2d5: {  	v4 =	vperm.xlane v3, v0;
	_ =	sdelay $0x1  }
0x2d6: {  	v4 =	vadd.s32 v1, v4;
	_ =	sdelay $0x4  }
0x2d7: {  	[tilespmem:s4], [sflag:$0x5] =	stream.indirect_vreg.gather [hbm4b:s2+s3], $0x80, v4, vm0, $0xb8;
	[tilespmem:$0x1C200] =	vst v63  }
0x2d8: {  	s15 =	simm.s32 $0x10A00;
	v3 =	vperm.xlane v3, v2  }
0x2d9: {  	[tilespmem:s15], [sflag:$0x5] =	stream.indirect_vreg.gather [hbm4b:s5+s3], $0x80, v4, vm0, $0xb8;
	[tilespmem:$0x1C200] =	vst v63  }
0x2da: {  	s18 =	simm.s32 $0x11200;
	v3 =	vadd.s32 v1, v3  }
0x2db: {  	[tilespmem:s18], [sflag:$0x5] =	stream.indirect_vreg.gather [hbm4b:s6+s3], $0x80, v4, vm0, $0xb8;
	[tilespmem:$0x1C200] =	vst v63  }
0x2dc: {  	s15 =	simm.s32 $0x11A00  }
0x2dd: {  	[tilespmem:s15], [sflag:$0x5] =	stream.indirect_vreg.gather [hbm4b:s7+s3], $0x80, v4, vm0, $0xb8;
	[tilespmem:$0x1C200] =	vst v63  }
0x2de: {  	s18 =	simm.s32 $0x12200  }
0x2df: {  	[tilespmem:s18], [sflag:$0x5] =	stream.indirect_vreg.gather [hbm4b:s2+s3], $0x80, v3, vm0, $0xb8;
	[tilespmem:$0x1C200] =	vst v63  }
0x2e0: {  	s15 =	simm.s32 $0x12A00  }
0x2e1: {  	[tilespmem:s15], [sflag:$0x5] =	stream.indirect_vreg.gather [hbm4b:s5+s3], $0x80, v3, vm0, $0xb8;
	[tilespmem:$0x1C200] =	vst v63  }
0x2e2: {  	s18 =	simm.s32 $0x13200  }
0x2e3: {  	[tilespmem:s18], [sflag:$0x5] =	stream.indirect_vreg.gather [hbm4b:s6+s3], $0x80, v3, vm0, $0xb8;
	[tilespmem:$0x1C200] =	vst v63  }
0x2e4: {  	s15 =	simm.s32 $0x13A00  }
0x2e5: {  	[tilespmem:s15], [sflag:$0x5] =	stream.indirect_vreg.gather [hbm4b:s7+s3], $0x80, v3, vm0, $0xb8;
	[tilespmem:$0x1C200] =	vst v63  }
0x2e6: {  	_ =	swait.ge [sflag:s11], $0x4000  }
0x2e7: {  	[sflag:s11] =	ssyncset.done $0x0  }
0x2e8: {  	s15 =	simm.s32 $0x14200;
	s18 =	rddreg [dreg:$0x17];
	[sflag:s11] =	ssyncadd.s32 $0xFFFFC000  }
0x2e9: {  	[hbm4b:s18+s3] =	stream.linear.scatter [tilespmem:s15], [sflag:$0xD], $0x4000, $0x38;
	[tilespmem:$0x1C200] =	vst v63  }
0x2ea: {  	_ =	swait.ge [sflag:s12], $0x4000  }
0x2eb: {  	[sflag:s12] =	ssyncset.done $0x0  }
0x2ec: {  	[sflag:s12] =	ssyncadd.s32 $0xFFFFC000  }
0x2ed: {  	v3 =	vld [tilespmem:$0x1A0];
	_ =	sdelay $0x4  }
0x2ee: {  	v58 =	vshll.u32 v3, $0x3  }
0x2ef: {  	v3 =	vand.u32 $0x7, v3;
	v4 =	vand.u32 $0xFFFFFFC0, v58  }
0x2f0: {  	v3 =	vor.u32 v3, v4  }
0x2f1: {  	v4 =	vperm.xlane v3, v0;
	_ =	sdelay $0x1  }
0x2f2: {  	v4 =	vadd.s32 v1, v4;
	_ =	sdelay $0x4  }
0x2f3: {  	[tilespmem:s15], [sflag:$0x6] =	stream.indirect_vreg.gather [hbm4b:s2+s3], $0x80, v4, vm0, $0xb8;
	[tilespmem:$0x1C200] =	vst v63  }
0x2f4: {  	v3 =	vperm.xlane v3, v2;
	s15 =	simm.s32 $0x14A00  }
0x2f5: {  	[tilespmem:s15], [sflag:$0x6] =	stream.indirect_vreg.gather [hbm4b:s5+s3], $0x80, v4, vm0, $0xb8;
	[tilespmem:$0x1C200] =	vst v63  }
0x2f6: {  	v3 =	vadd.s32 v1, v3;
	s15 =	simm.s32 $0x15200  }
0x2f7: {  	[tilespmem:s15], [sflag:$0x6] =	stream.indirect_vreg.gather [hbm4b:s6+s3], $0x80, v4, vm0, $0xb8;
	[tilespmem:$0x1C200] =	vst v63  }
0x2f8: {  	s15 =	simm.s32 $0x15A00  }
0x2f9: {  	[tilespmem:s15], [sflag:$0x6] =	stream.indirect_vreg.gather [hbm4b:s7+s3], $0x80, v4, vm0, $0xb8;
	[tilespmem:$0x1C200] =	vst v63  }
0x2fa: {  	s15 =	simm.s32 $0x16200  }
0x2fb: {  	[tilespmem:s15], [sflag:$0x6] =	stream.indirect_vreg.gather [hbm4b:s2+s3], $0x80, v3, vm0, $0xb8;
	[tilespmem:$0x1C200] =	vst v63  }
0x2fc: {  	s15 =	simm.s32 $0x16A00  }
0x2fd: {  	[tilespmem:s15], [sflag:$0x6] =	stream.indirect_vreg.gather [hbm4b:s5+s3], $0x80, v3, vm0, $0xb8;
	[tilespmem:$0x1C200] =	vst v63  }
0x2fe: {  	s15 =	simm.s32 $0x17200  }
0x2ff: {  	[tilespmem:s15], [sflag:$0x6] =	stream.indirect_vreg.gather [hbm4b:s6+s3], $0x80, v3, vm0, $0xb8;
	[tilespmem:$0x1C200] =	vst v63  }
0x300: {  	s15 =	simm.s32 $0x17A00  }
0x301: {  	[tilespmem:s15], [sflag:$0x6] =	stream.indirect_vreg.gather [hbm4b:s7+s3], $0x80, v3, vm0, $0xb8;
	[tilespmem:$0x1C200] =	vst v63  }
0x302: {  	_ =	swait.ge [sflag:s13], $0x4000  }
0x303: {  	[sflag:s13] =	ssyncset.done $0x0  }
0x304: {  	s15 =	simm.s32 $0x18200;
	s14 =	rddreg [dreg:$0x18];
	[sflag:s13] =	ssyncadd.s32 $0xFFFFC000  }
0x305: {  	[hbm4b:s14+s3] =	stream.linear.scatter [tilespmem:s15], [sflag:$0xE], $0x4000, $0x38;
	[tilespmem:$0x1C200] =	vst v63  }
0x306: {  	_ =	swait.ge [sflag:s0], $0x4000  }
0x307: {  	[sflag:s0] =	ssyncset.done $0x0  }
0x308: {  	[sflag:s0] =	ssyncadd.s32 $0xFFFFC000  }
0x309: {  	v3 =	vld [tilespmem:$0x1B0];
	_ =	sdelay $0x4  }
0x30a: {  	v59 =	vshll.u32 v3, $0x3  }
0x30b: {  	v3 =	vand.u32 $0x7, v3;
	v4 =	vand.u32 $0xFFFFFFC0, v59  }
0x30c: {  	v3 =	vor.u32 v3, v4  }
0x30d: {  	v4 =	vperm.xlane v3, v0;
	_ =	sdelay $0x1  }
0x30e: {  	v4 =	vadd.s32 v1, v4;
	_ =	sdelay $0x4  }
0x30f: {  	[tilespmem:s15], [sflag:$0x7] =	stream.indirect_vreg.gather [hbm4b:s2+s3], $0x80, v4, vm0, $0xb8;
	[tilespmem:$0x1C200] =	vst v63  }
0x310: {  	s14 =	simm.s32 $0x18A00;
	v3 =	vperm.xlane v3, v2  }
0x311: {  	[tilespmem:s14], [sflag:$0x7] =	stream.indirect_vreg.gather [hbm4b:s5+s3], $0x80, v4, vm0, $0xb8;
	[tilespmem:$0x1C200] =	vst v63  }
0x312: {  	v3 =	vadd.s32 v1, v3;
	s14 =	simm.s32 $0x19200  }
0x313: {  	[tilespmem:s14], [sflag:$0x7] =	stream.indirect_vreg.gather [hbm4b:s6+s3], $0x80, v4, vm0, $0xb8;
	[tilespmem:$0x1C200] =	vst v63  }
0x314: {  	s14 =	simm.s32 $0x19A00  }
0x315: {  	[tilespmem:s14], [sflag:$0x7] =	stream.indirect_vreg.gather [hbm4b:s7+s3], $0x80, v4, vm0, $0xb8;
	[tilespmem:$0x1C200] =	vst v63  }
0x316: {  	s14 =	simm.s32 $0x1A200  }
0x317: {  	[tilespmem:s14], [sflag:$0x7] =	stream.indirect_vreg.gather [hbm4b:s2+s3], $0x80, v3, vm0, $0xb8;
	[tilespmem:$0x1C200] =	vst v63  }
0x318: {  	s14 =	simm.s32 $0x1AA00  }
0x319: {  	[tilespmem:s14], [sflag:$0x7] =	stream.indirect_vreg.gather [hbm4b:s5+s3], $0x80, v3, vm0, $0xb8;
	[tilespmem:$0x1C200] =	vst v63  }
0x31a: {  	s14 =	simm.s32 $0x1B200  }
0x31b: {  	[tilespmem:s14], [sflag:$0x7] =	stream.indirect_vreg.gather [hbm4b:s6+s3], $0x80, v3, vm0, $0xb8;
	[tilespmem:$0x1C200] =	vst v63  }
0x31c: {  	s14 =	simm.s32 $0x1BA00  }
0x31d: {  	[tilespmem:s14], [sflag:$0x7] =	stream.indirect_vreg.gather [hbm4b:s7+s3], $0x80, v3, vm0, $0xb8;
	[tilespmem:$0x1C200] =	vst v63  }
0x31e: {  	_ =	swait.ge [sflag:s22], $0x4000  }
0x31f: {  	[sflag:s22] =	ssyncset.done $0x0  }
0x320: {  	s14 =	rddreg [dreg:$0x19];
	[sflag:s22] =	ssyncadd.s32 $0xFFFFC000  }
0x321: {  	[hbm4b:s14+s3] =	stream.linear.scatter [tilespmem:s17], [sflag:$0x8], $0x4000, $0x38;
	[tilespmem:$0x1C200] =	vst v63  }
0x322: {  	_ =	swait.ge [sflag:s23], $0x4000  }
0x323: {  	[sflag:s23] =	ssyncset.done $0x0  }
0x324: {  	[sflag:s23] =	ssyncadd.s32 $0xFFFFC000  }
0x325: {  	v3 =	vld [tilespmem:$0x1C0];
	_ =	sdelay $0x4  }
0x326: {  	v60 =	vshll.u32 v3, $0x3  }
0x327: {  	v3 =	vand.u32 $0x7, v3;
	v4 =	vand.u32 $0xFFFFFFC0, v60  }
0x328: {  	v3 =	vor.u32 v3, v4  }
0x329: {  	v4 =	vperm.xlane v3, v0;
	_ =	sdelay $0x1  }
0x32a: {  	v4 =	vadd.s32 v1, v4;
	_ =	sdelay $0x4  }
0x32b: {  	[tilespmem:s17], [sflag:$0x1] =	stream.indirect_vreg.gather [hbm4b:s2+s3], $0x80, v4, vm0, $0xb8;
	[tilespmem:$0x1C200] =	vst v63  }
0x32c: {  	s14 =	simm.s32 $0xA00;
	v3 =	vperm.xlane v3, v2  }
0x32d: {  	[tilespmem:s14], [sflag:$0x1] =	stream.indirect_vreg.gather [hbm4b:s5+s3], $0x80, v4, vm0, $0xb8;
	[tilespmem:$0x1C200] =	vst v63  }
0x32e: {  	s16 =	simm.s32 $0x1200;
	v3 =	vadd.s32 v1, v3  }
0x32f: {  	[tilespmem:s16], [sflag:$0x1] =	stream.indirect_vreg.gather [hbm4b:s6+s3], $0x80, v4, vm0, $0xb8;
	[tilespmem:$0x1C200] =	vst v63  }
0x330: {  	s16 =	simm.s32 $0x1A00  }
0x331: {  	[tilespmem:s16], [sflag:$0x1] =	stream.indirect_vreg.gather [hbm4b:s7+s3], $0x80, v4, vm0, $0xb8;
	[tilespmem:$0x1C200] =	vst v63  }
0x332: {  	s16 =	simm.s32 $0x2200  }
0x333: {  	[tilespmem:s16], [sflag:$0x1] =	stream.indirect_vreg.gather [hbm4b:s2+s3], $0x80, v3, vm0, $0xb8;
	[tilespmem:$0x1C200] =	vst v63  }
0x334: {  	s16 =	simm.s32 $0x2A00  }
0x335: {  	[tilespmem:s16], [sflag:$0x1] =	stream.indirect_vreg.gather [hbm4b:s5+s3], $0x80, v3, vm0, $0xb8;
	[tilespmem:$0x1C200] =	vst v63  }
0x336: {  	s16 =	simm.s32 $0x3200  }
0x337: {  	[tilespmem:s16], [sflag:$0x1] =	stream.indirect_vreg.gather [hbm4b:s6+s3], $0x80, v3, vm0, $0xb8;
	[tilespmem:$0x1C200] =	vst v63  }
0x338: {  	s16 =	simm.s32 $0x3A00  }
0x339: {  	[tilespmem:s16], [sflag:$0x1] =	stream.indirect_vreg.gather [hbm4b:s7+s3], $0x80, v3, vm0, $0xb8;
	[tilespmem:$0x1C200] =	vst v63  }
0x33a: {  	_ =	swait.ge [sflag:s24], $0x4000  }
0x33b: {  	[sflag:s24] =	ssyncset.done $0x0  }
0x33c: {  	s16 =	simm.s32 $0x4200;
	s14 =	rddreg [dreg:$0x1a];
	[sflag:s24] =	ssyncadd.s32 $0xFFFFC000  }
0x33d: {  	[hbm4b:s14+s3] =	stream.linear.scatter [tilespmem:s16], [sflag:$0x9], $0x4000, $0x38;
	[tilespmem:$0x1C200] =	vst v63  }
0x33e: {  	_ =	swait.ge [sflag:s25], $0x4000  }
0x33f: {  	[sflag:s25] =	ssyncset.done $0x0  }
0x340: {  	[sflag:s25] =	ssyncadd.s32 $0xFFFFC000  }
0x341: {  	v3 =	vld [tilespmem:$0x1D0];
	_ =	sdelay $0x4  }
0x342: {  	v61 =	vshll.u32 v3, $0x3  }
0x343: {  	v3 =	vand.u32 $0x7, v3;
	v4 =	vand.u32 $0xFFFFFFC0, v61  }
0x344: {  	v3 =	vor.u32 v3, v4  }
0x345: {  	v4 =	vperm.xlane v3, v0;
	_ =	sdelay $0x1  }
0x346: {  	v4 =	vadd.s32 v1, v4;
	_ =	sdelay $0x4  }
0x347: {  	[tilespmem:s16], [sflag:$0x2] =	stream.indirect_vreg.gather [hbm4b:s2+s3], $0x80, v4, vm0, $0xb8;
	[tilespmem:$0x1C200] =	vst v63  }
0x348: {  	s14 =	simm.s32 $0x4A00;
	v3 =	vperm.xlane v3, v2  }
0x349: {  	[tilespmem:s14], [sflag:$0x2] =	stream.indirect_vreg.gather [hbm4b:s5+s3], $0x80, v4, vm0, $0xb8;
	[tilespmem:$0x1C200] =	vst v63  }
0x34a: {  	v3 =	vadd.s32 v1, v3;
	s14 =	simm.s32 $0x5200  }
0x34b: {  	[tilespmem:s14], [sflag:$0x2] =	stream.indirect_vreg.gather [hbm4b:s6+s3], $0x80, v4, vm0, $0xb8;
	[tilespmem:$0x1C200] =	vst v63  }
0x34c: {  	s14 =	simm.s32 $0x5A00  }
0x34d: {  	[tilespmem:s14], [sflag:$0x2] =	stream.indirect_vreg.gather [hbm4b:s7+s3], $0x80, v4, vm0, $0xb8;
	[tilespmem:$0x1C200] =	vst v63  }
0x34e: {  	s14 =	simm.s32 $0x6200  }
0x34f: {  	[tilespmem:s14], [sflag:$0x2] =	stream.indirect_vreg.gather [hbm4b:s2+s3], $0x80, v3, vm0, $0xb8;
	[tilespmem:$0x1C200] =	vst v63  }
0x350: {  	s14 =	simm.s32 $0x6A00  }
0x351: {  	[tilespmem:s14], [sflag:$0x2] =	stream.indirect_vreg.gather [hbm4b:s5+s3], $0x80, v3, vm0, $0xb8;
	[tilespmem:$0x1C200] =	vst v63  }
0x352: {  	s14 =	simm.s32 $0x7200  }
0x353: {  	[tilespmem:s14], [sflag:$0x2] =	stream.indirect_vreg.gather [hbm4b:s6+s3], $0x80, v3, vm0, $0xb8;
	[tilespmem:$0x1C200] =	vst v63  }
0x354: {  	s14 =	simm.s32 $0x7A00  }
0x355: {  	[tilespmem:s14], [sflag:$0x2] =	stream.indirect_vreg.gather [hbm4b:s7+s3], $0x80, v3, vm0, $0xb8;
	[tilespmem:$0x1C200] =	vst v63  }
0x356: {  	_ =	swait.ge [sflag:s28], $0x4000  }
0x357: {  	[sflag:s28] =	ssyncset.done $0x0  }
0x358: {  	s26 =	simm.s32 $0x8200;
	s14 =	rddreg [dreg:$0x1b];
	[sflag:s28] =	ssyncadd.s32 $0xFFFFC000  }
0x359: {  	[hbm4b:s14+s3] =	stream.linear.scatter [tilespmem:s26], [sflag:$0xA], $0x4000, $0x38;
	[tilespmem:$0x1C200] =	vst v63  }
0x35a: {  	_ =	swait.ge [sflag:s29], $0x4000  }
0x35b: {  	[sflag:s29] =	ssyncset.done $0x0  }
0x35c: {  	[sflag:s29] =	ssyncadd.s32 $0xFFFFC000  }
0x35d: {  	v3 =	vld [tilespmem:$0x1E0];
	_ =	sdelay $0x4  }
0x35e: {  	v62 =	vshll.u32 v3, $0x3  }
0x35f: {  	v3 =	vand.u32 $0x7, v3;
	v4 =	vand.u32 $0xFFFFFFC0, v62  }
0x360: {  	v3 =	vor.u32 v3, v4  }
0x361: {  	v4 =	vperm.xlane v3, v0;
	_ =	sdelay $0x1  }
0x362: {  	v4 =	vadd.s32 v1, v4;
	_ =	sdelay $0x4  }
0x363: {  	[tilespmem:s26], [sflag:$0x3] =	stream.indirect_vreg.gather [hbm4b:s2+s3], $0x80, v4, vm0, $0xb8;
	[tilespmem:$0x1C200] =	vst v63  }
0x364: {  	s14 =	simm.s32 $0x8A00;
	v3 =	vperm.xlane v3, v2  }
0x365: {  	[tilespmem:s14], [sflag:$0x3] =	stream.indirect_vreg.gather [hbm4b:s5+s3], $0x80, v4, vm0, $0xb8;
	[tilespmem:$0x1C200] =	vst v63  }
0x366: {  	s8 =	simm.s32 $0x9200;
	v3 =	vadd.s32 v1, v3  }
0x367: {  	[tilespmem:s8], [sflag:$0x3] =	stream.indirect_vreg.gather [hbm4b:s6+s3], $0x80, v4, vm0, $0xb8;
	[tilespmem:$0x1C200] =	vst v63  }
0x368: {  	s20 =	simm.s32 $0x9A00  }
0x369: {  	[tilespmem:s20], [sflag:$0x3] =	stream.indirect_vreg.gather [hbm4b:s7+s3], $0x80, v4, vm0, $0xb8;
	[tilespmem:$0x1C200] =	vst v63  }
0x36a: {  	s21 =	simm.s32 $0xA200  }
0x36b: {  	[tilespmem:s21], [sflag:$0x3] =	stream.indirect_vreg.gather [hbm4b:s2+s3], $0x80, v3, vm0, $0xb8;
	[tilespmem:$0x1C200] =	vst v63  }
0x36c: {  	s14 =	simm.s32 $0xAA00  }
0x36d: {  	[tilespmem:s14], [sflag:$0x3] =	stream.indirect_vreg.gather [hbm4b:s5+s3], $0x80, v3, vm0, $0xb8;
	[tilespmem:$0x1C200] =	vst v63  }
0x36e: {  	s20 =	simm.s32 $0xB200  }
0x36f: {  	[tilespmem:s20], [sflag:$0x3] =	stream.indirect_vreg.gather [hbm4b:s6+s3], $0x80, v3, vm0, $0xb8;
	[tilespmem:$0x1C200] =	vst v63  }
0x370: {  	s21 =	simm.s32 $0xBA00  }
0x371: {  	[tilespmem:s21], [sflag:$0x3] =	stream.indirect_vreg.gather [hbm4b:s7+s3], $0x80, v3, vm0, $0xb8;
	[tilespmem:$0x1C200] =	vst v63  }
0x372: {  	_ =	swait.ge [sflag:s30], $0x4000  }
0x373: {  	[sflag:s30] =	ssyncset.done $0x0  }
0x374: {  	s8 =	rddreg [dreg:$0x1c];
	[sflag:s30] =	ssyncadd.s32 $0xFFFFC000  }
0x375: {  	[hbm4b:s8+s3] =	stream.linear.scatter [tilespmem:s9], [sflag:$0xB], $0x4000, $0x38;
	[tilespmem:$0x1C200] =	vst v63  }
0x376: {  	_ =	swait.ge [sflag:s31], $0x4000  }
0x377: {  	[sflag:s31] =	ssyncset.done $0x0  }
0x378: {  	[sflag:s31] =	ssyncadd.s32 $0xFFFFC000  }
0x379: {  	v3 =	vld [tilespmem:$0x1F0];
	_ =	sdelay $0x4  }
0x37a: {  	v63 =	vshll.u32 v3, $0x3  }
0x37b: {  	v3 =	vand.u32 $0x7, v3;
	v4 =	vand.u32 $0xFFFFFFC0, v63  }
0x37c: {  	v3 =	vor.u32 v3, v4  }
0x37d: {  	v4 =	vperm.xlane v3, v0;
	_ =	sdelay $0x1  }
0x37e: {  	v4 =	vadd.s32 v1, v4;
	_ =	sdelay $0x4  }
0x37f: {  	[tilespmem:s9], [sflag:$0x4] =	stream.indirect_vreg.gather [hbm4b:s2+s3], $0x80, v4, vm0, $0xb8;
	[tilespmem:$0x1C200] =	vst v63  }
0x380: {  	s20 =	simm.s32 $0xCA00;
	v3 =	vperm.xlane v3, v2  }
0x381: {  	[tilespmem:s20], [sflag:$0x4] =	stream.indirect_vreg.gather [hbm4b:s5+s3], $0x80, v4, vm0, $0xb8;
	[tilespmem:$0x1C200] =	vst v63  }
0x382: {  	s21 =	simm.s32 $0xD200;
	v3 =	vadd.s32 v1, v3  }
0x383: {  	[tilespmem:s21], [sflag:$0x4] =	stream.indirect_vreg.gather [hbm4b:s6+s3], $0x80, v4, vm0, $0xb8;
	[tilespmem:$0x1C200] =	vst v63  }
0x384: {  	s14 =	simm.s32 $0xDA00  }
0x385: {  	[tilespmem:s14], [sflag:$0x4] =	stream.indirect_vreg.gather [hbm4b:s7+s3], $0x80, v4, vm0, $0xb8;
	[tilespmem:$0x1C200] =	vst v63  }
0x386: {  	s20 =	simm.s32 $0xE200  }
0x387: {  	[tilespmem:s20], [sflag:$0x4] =	stream.indirect_vreg.gather [hbm4b:s2+s3], $0x80, v3, vm0, $0xb8;
	[tilespmem:$0x1C200] =	vst v63  }
0x388: {  	s21 =	simm.s32 $0xEA00  }
0x389: {  	[tilespmem:s21], [sflag:$0x4] =	stream.indirect_vreg.gather [hbm4b:s5+s3], $0x80, v3, vm0, $0xb8;
	[tilespmem:$0x1C200] =	vst v63  }
0x38a: {  	s14 =	simm.s32 $0xF200  }
0x38b: {  	[tilespmem:s14], [sflag:$0x4] =	stream.indirect_vreg.gather [hbm4b:s6+s3], $0x80, v3, vm0, $0xb8;
	[tilespmem:$0x1C200] =	vst v63  }
0x38c: {  	s20 =	simm.s32 $0xFA00  }
0x38d: {  	[tilespmem:s20], [sflag:$0x4] =	stream.indirect_vreg.gather [hbm4b:s7+s3], $0x80, v3, vm0, $0xb8;
	[tilespmem:$0x1C200] =	vst v63  }
0x38e: {  	_ =	swait.ge [sflag:s1], $0x4000  }
0x38f: {  	[sflag:s1] =	ssyncset.done $0x0  }
0x390: {  	s4 =	simm.s32 $0x10200;
	s21 =	rddreg [dreg:$0x1d];
	[sflag:s1] =	ssyncadd.s32 $0xFFFFC000  }
0x391: {  	[hbm4b:s21+s3] =	stream.linear.scatter [tilespmem:s4], [sflag:$0xC], $0x4000, $0x38;
	[tilespmem:$0x1C200] =	vst v63  }
0x392: {  	_ =	swait.ge [sflag:s11], $0x4000  }
0x393: {  	[sflag:s11] =	ssyncset.done $0x0  }
0x394: {  	s18 =	simm.s32 $0x14200;
	s8 =	rddreg [dreg:$0x1e];
	[sflag:s11] =	ssyncadd.s32 $0xFFFFC000  }
0x395: {  	[hbm4b:s8+s3] =	stream.linear.scatter [tilespmem:s18], [sflag:$0xD], $0x4000, $0x38;
	[tilespmem:$0x1C200] =	vst v63  }
0x396: {  	_ =	swait.ge [sflag:s13], $0x4000  }
0x397: {  	[sflag:s13] =	ssyncset.done $0x0  }
0x398: {  	s15 =	simm.s32 $0x18200;
	s11 =	rddreg [dreg:$0x1f];
	[sflag:s13] =	ssyncadd.s32 $0xFFFFC000  }
0x399: {  	[hbm4b:s11+s3] =	stream.linear.scatter [tilespmem:s15], [sflag:$0xE], $0x4000, $0x38;
	[tilespmem:$0x1C200] =	vst v63  }
0x39a: {  	_ =	swait.ge [sflag:s22], $0x4000  }
0x39b: {  	s18 =	sld [smem:$0x7F8]  }
0x39c: {  	[sflag:s22] =	ssyncset.done $0x0  }
0x39d: {  	[sflag:s22] =	ssyncadd.s32 $0xFFFFC000  }
0x39e: {  	[hbm4b:s18+s3] =	stream.linear.scatter [tilespmem:s17], [sflag:$0x8], $0x4000, $0x38;
	[tilespmem:$0x1C200] =	vst v63  }
0x39f: {  	_ =	swait.ge [sflag:s24], $0x4000  }
0x3a0: {  	s20 =	sld [smem:$0x7F9]  }
0x3a1: {  	[sflag:s24] =	ssyncset.done $0x0  }
0x3a2: {  	s16 =	simm.s32 $0x4200;
	[sflag:s24] =	ssyncadd.s32 $0xFFFFC000  }
0x3a3: {  	[hbm4b:s20+s3] =	stream.linear.scatter [tilespmem:s16], [sflag:$0x9], $0x4000, $0x38;
	[tilespmem:$0x1C200] =	vst v63  }
0x3a4: {  	_ =	swait.ge [sflag:s28], $0x4000  }
0x3a5: {  	s21 =	sld [smem:$0x7FA]  }
0x3a6: {  	[sflag:s28] =	ssyncset.done $0x0  }
0x3a7: {  	[sflag:s28] =	ssyncadd.s32 $0xFFFFC000  }
0x3a8: {  	[hbm4b:s21+s3] =	stream.linear.scatter [tilespmem:s26], [sflag:$0xA], $0x4000, $0x38;
	[tilespmem:$0x1C200] =	vst v63  }
0x3a9: {  	_ =	swait.ge [sflag:s30], $0x4000  }
0x3aa: {  	s26 =	sld [smem:$0x7FC]  }
0x3ab: {  	[sflag:s30] =	ssyncset.done $0x0  }
0x3ac: {  	[sflag:s30] =	ssyncadd.s32 $0xFFFFC000  }
0x3ad: {  	[hbm4b:s26+s3] =	stream.linear.scatter [tilespmem:s9], [sflag:$0xB], $0x4000, $0x38;
	[tilespmem:$0x1C200] =	vst v63  }
0x3ae: {  	_ =	swait.ge [sflag:s10], $0x4000  }
0x3af: {  	[sflag:s10] =	ssyncset.done $0x0  }
0x3b0: {  	[sflag:s10] =	ssyncadd.s32 $0xFFFFC000  }
0x3b1: {  	_ =	swait.ge [sflag:s12], $0x4000  }
0x3b2: {  	[sflag:s12] =	ssyncset.done $0x0  }
0x3b3: {  	[sflag:s12] =	ssyncadd.s32 $0xFFFFC000  }
0x3b4: {  	_ =	swait.ge [sflag:s0], $0x4000  }
0x3b5: {  	[sflag:s0] =	ssyncset.done $0x0  }
0x3b6: {  	[sflag:s0] =	ssyncadd.s32 $0xFFFFC000  }
0x3b7: {  	_ =	swait.ge [sflag:s23], $0x4000  }
0x3b8: {  	[sflag:s23] =	ssyncset.done $0x0  }
0x3b9: {  	[sflag:s23] =	ssyncadd.s32 $0xFFFFC000  }
0x3ba: {  	_ =	swait.ge [sflag:s25], $0x4000  }
0x3bb: {  	[sflag:s25] =	ssyncset.done $0x0  }
0x3bc: {  	[sflag:s25] =	ssyncadd.s32 $0xFFFFC000  }
0x3bd: {  	p0 =	sne.s32 s19, $0x1;
	_ =	swait.ge [sflag:s29], $0x4000  }
.Ltmp0:
0x3be: {  	[sflag:s29] =	ssyncset.done $0x0;
	(pc) =	sbr.rel @p0 .LBB2_1-.Ltmp0, $4  }
0x3bf: {  	[sflag:s29] =	ssyncadd.s32 $0xFFFFC000  }
0x3c0: {  	_ =	swait.ge [sflag:s31], $0x4000  }
0x3c1: {  	[sflag:s31] =	ssyncset.done $0x0  }
0x3c2: {  	s19 =	sadd.s32 $0xFFFFFFFF, s19;
	[sflag:s31] =	ssyncadd.s32 $0xFFFFC000  }
0x3c3: {  	_ =	sfence.sel $0x180000  }
0x3c4: {  	[bflag:$0x0] =	sbarrier.arrive $0xFFFF  }
0x3c5: {  	_ =	strace $0x90000047  }
0x3c6: {  	s0 =	stileid.u32;
	[bflag:$0x2] =	sbarrier.arrive $0xFFFF  }
0x3c7: {  	p0 =	sne.s32 s0, $0x0;
	s0 =	rddreg [dreg:$0x3]  }
0x3c8: {  	s0 =	sadd.s32 @!p0 $0x100000, s0  }
0x3c9: {  	[sflag:s0] =	ssyncadd.tile.s32 @!p0 $0x1;
	_ =	shalt  }
.Lfunc_end2:
_tile_overlayer_lowered:
.L_overlay_start_2:
0x3ca: {  	(tag) =	ssettag $0x2  }
0x3cb: {  	s0 =	rddreg [dreg:$0x0];
	s2 =	stileid.u32  }
0x3cc: {  	s1 =	rddreg [dreg:$0x1];
	p0 =	sne.s32 s2, $0x0  }
0x3cd: {  	s3 =	rddreg [dreg:$0x2];
	[bflag:$0x3] =	sbarrier.arrive $0xFFFF;
	s2 =	simm.s32 @!p0 $0x1C0F  }
0x3ce: {  	[timem:s3], [sflag:s2] =	dma.local @!p0 [hbm:s0], s1  }
0x3cf: {  	s0 =	simm.s32 @!p0 $0xF  }
0x3d0: {  	_ =	swait.ge @!p0 [sflag:s0], s1  }
0x3d1: {  	s1 =	ssub.s32 @!p0 $0x0, s1;
	[sflag:s0] =	ssyncset.done @!p0 $0x0  }
0x3d2: {  	[sflag:s0] =	ssyncadd.s32 @!p0 s1  }
0x3d3: {  	[bflag:$0x3] =	sbarrier.arrive $0xFFFF  }
0x3d4: {  	_ =	shalt  }

</sc_bundles>
